<compile_context>
chip_gen: v7x
topology: tpu7x:2x2x1
jax: 0.10.2.dev20260603
libtpu: 0.0.44.dev20260713+nightly
codegen_flags: <defaults>
</compile_context>

<pallas_src>
import functools

import jax
import jax.numpy as jnp
from jax import lax
from jax.experimental import pallas as pl
from jax.experimental.pallas import tpu as pltpu
from jax.experimental.pallas import tpu_sc as plsc

N = 10000
E = 160000
B = 256
FXD = 78
HEADS = 10
D_GAT = FXD * HEADS
EMBED = 320
OUT_DIM = 128

NP = 10112
EP = 172032
NWORK = 32
EW = EP // NWORK
CH = 128
NCH = EW // CH
ROWS = NP // 16
NCH4 = EP // 16 // CH
EW4 = EP // 16
HPASS = HEADS // 2
FP = 80
D_PAD = HEADS * FP
DGP = 800
PF4 = 32
NPL = 25
PPASS = 13
D_GC = 832
PW6 = 64
NPL6 = 13
RB = 632
GRID = NP // RB
GPW = B // NWORK


def _sc_mesh():
    return plsc.VectorSubcoreMesh(core_axis_name="c", subcore_axis_name="s")


def _sc_params():
    import dataclasses
    cp = pltpu.CompilerParams(use_tc_tiling_on_sc=False)
    if "needs_layout_passes" in pltpu.CompilerParams.__dataclass_fields__:
        cp = dataclasses.replace(cp, needs_layout_passes=False)
    return dict(mesh=_sc_mesh(), compiler_params=cp)


def _k1_body(x_ref, w3_ref, asx_ref, adx_ref, h_ref, a_ref, b_ref):
    x = x_ref[...]
    for p in range(NPL):
        h_ref[p] = jnp.dot(x, w3_ref[p], preferred_element_type=jnp.float32)
    a_ref[...] = jnp.dot(x, asx_ref[...], preferred_element_type=jnp.float32)
    b_ref[...] = jnp.dot(x, adx_ref[...], preferred_element_type=jnp.float32)


def _k1(xp, w3, asx, adx):
    return pl.pallas_call(
        _k1_body,
        grid=(GRID,),
        in_specs=[
            pl.BlockSpec((RB, FXD), lambda i: (i, 0)),
            pl.BlockSpec((NPL, FXD, PF4), lambda i: (0, 0, 0)),
            pl.BlockSpec((FXD, 16), lambda i: (0, 0)),
            pl.BlockSpec((FXD, 16), lambda i: (0, 0)),
        ],
        out_specs=[
            pl.BlockSpec((NPL, RB, PF4), lambda i: (0, i, 0)),
            pl.BlockSpec((RB, 16), lambda i: (i, 0)),
            pl.BlockSpec((RB, 16), lambda i: (i, 0)),
        ],
        out_shape=[
            jax.ShapeDtypeStruct((NPL, NP, PF4), jnp.float32),
            jax.ShapeDtypeStruct((NP, 16), jnp.float32),
            jax.ShapeDtypeStruct((NP, 16), jnp.float32),
        ],
    )(xp, w3, asx, adx)


def _k2(*args):
    return pl.kernel(
        _k2_body,
        out_type=jax.ShapeDtypeStruct((EP, 16), jnp.float32),
        scratch_types=[
            pltpu.VMEM((NCH, CH), jnp.int32),
            pltpu.VMEM((NCH, CH), jnp.int32),
            pltpu.VMEM((CH, 16), jnp.float32),
            pltpu.VMEM((CH, 16), jnp.float32),
            pltpu.VMEM((CH, 16), jnp.float32),
        ],
        **_sc_params(),
    )(*args)


def _k2_body(src_hbm, dst_hbm, a_hbm, b_hbm, ex_hbm,
        sidx, didx, arow, brow, exrow):
    cid = lax.axis_index("c")
    sid = lax.axis_index("s")
    wid = sid * 2 + cid

    pltpu.sync_copy(src_hbm.at[wid], sidx)
    pltpu.sync_copy(dst_hbm.at[wid], didx)
    lanes = lax.iota(jnp.int32, 16)

    @pl.loop(0, NCH)
    def _(j):
        pltpu.sync_copy(a_hbm.at[sidx.at[j]], arow)
        pltpu.sync_copy(b_hbm.at[didx.at[j]], brow)

        @pl.loop(0, CH)
        def _(i):
            v = arow[i] + brow[i]
            al = jnp.where(v >= 0.0, v, 0.2 * v)
            ex = jnp.exp(al)
            exrow[i] = jnp.where(
                lanes < HEADS, ex, jnp.where(lanes == HEADS, 1.0, 0.0))

        pltpu.sync_copy(exrow, ex_hbm.at[pl.ds(wid * EW + j * CH, CH)])


def _bcast_lane(v16, idx):
    return lax.gather(
        v16, idx[:, None],
        lax.GatherDimensionNumbers(offset_dims=(), collapsed_slice_dims=(0,),
                                   start_index_map=(0,)),
        (1,), mode=lax.GatherScatterMode.PROMISE_IN_BOUNDS)


def _k4(*args):
    return pl.kernel(
        _k4_body,
        out_type=(jax.ShapeDtypeStruct((NPL, NP, PF4), jnp.float32),
                  jax.ShapeDtypeStruct((NP, 16), jnp.float32)),
        scratch_types=[
            pltpu.VMEM((NCH4, CH), jnp.int32),
            pltpu.VMEM((NCH4, CH), jnp.int32),
            pltpu.VMEM((2, CH, PF4), jnp.float32),
            pltpu.VMEM((2, CH, PF4), jnp.float32),
            pltpu.VMEM((2 * CH, 16), jnp.float32),
            pltpu.VMEM((ROWS, PF4), jnp.float32),
            pltpu.VMEM((ROWS, 16), jnp.float32),
            pltpu.VMEM_SHARED((NP, PF4), jnp.float32),
            pltpu.VMEM_SHARED((NP, 16), jnp.float32),
            pltpu.SemaphoreType.DMA,
        ],
        **_sc_params(),
    )(*args)


def _k4_body(h_hbm, src_hbm, dst_hbm, ex_hbm, agg_hbm, den_hbm,
        sidx, didx, hrow, srow, exbuf, zbuf, zbuf16, acc_sh, den_sh, gsem):
    cid = lax.axis_index("c")
    sid = lax.axis_index("s")

    @pl.loop(0, ROWS)
    def _(r):
        for q in range(PF4 // 16):
            zbuf[r, pl.ds(q * 16, 16)] = jnp.zeros((16,), jnp.float32)
        zbuf16[r] = jnp.zeros((16,), jnp.float32)

    pltpu.sync_copy(src_hbm.at[sid], sidx)
    pltpu.sync_copy(dst_hbm.at[sid], didx)
    pltpu.sync_copy(zbuf16, den_sh.at[pl.ds(sid * ROWS, ROWS)])

    lanes = lax.iota(jnp.int32, 16)

    @pl.loop(0, PPASS)
    def _(p):
        plane = cid * PPASS + p
        valid = plane < NPL
        hidx = [lax.div(plane * PF4 + q * 16 + lanes, FXD)
                for q in range(PF4 // 16)]

        @pl.when(valid)
        def _():
            pltpu.sync_copy(zbuf, acc_sh.at[pl.ds(sid * ROWS, ROWS)])

        plsc.subcore_barrier()

        @pl.when(valid)
        def _():
            @pl.loop(0, NCH4, step=2)
            def _(j0):
                gh = [pltpu.async_copy(
                    h_hbm.at[plane].at[sidx.at[j0 + b]], hrow.at[b], gsem)
                    for b in range(2)]
                pltpu.sync_copy(
                    ex_hbm.at[pl.ds(sid * EW4 + j0 * CH, 2 * CH)], exbuf)
                for b in range(2):
                    gh[b].wait()
                sh = []
                for b in range(2):
                    @pl.loop(0, CH)
                    def _(i, b=b):
                        exr = exbuf[b * CH + i]
                        for q in range(PF4 // 16):
                            sl = pl.ds(q * 16, 16)
                            wb = _bcast_lane(exr, hidx[q])
                            srow[b, i, sl] = hrow[b, i, sl] * wb

                    sh.append(pltpu.async_copy(
                        srow.at[b], acc_sh.at[didx.at[j0 + b]], gsem,
                        add=True))
                for b in range(2):
                    sh[b].wait()

                @pl.when(p == 0)
                def _():
                    for b in range(2):
                        pltpu.sync_copy(exbuf.at[pl.ds(b * CH, CH)],
                                        den_sh.at[didx.at[j0 + b]],
                                        add=True)

        plsc.subcore_barrier()

        @pl.when(valid)
        def _():
            pltpu.sync_copy(acc_sh.at[pl.ds(sid * ROWS, ROWS)],
                            agg_hbm.at[plane].at[pl.ds(sid * ROWS, ROWS)])

        @pl.when(jnp.logical_and(p == 0, cid == 0))
        def _():
            pltpu.sync_copy(den_sh.at[pl.ds(sid * ROWS, ROWS)],
                            den_hbm.at[pl.ds(sid * ROWS, ROWS)])

        plsc.subcore_barrier()


def _k5_body(agg_ref, den_ref, sel_ref, w3_ref, gb_ref, hgp_ref, dinv_ref):
    den = den_ref[...]
    rden = 1.0 / (den + 1e-16)
    deg = den[:, HEADS]
    dinv = jnp.where(deg > 0, lax.rsqrt(deg), 0.0)
    rdenx = jnp.dot(rden, sel_ref[...], preferred_element_type=jnp.float32)
    hg = jnp.zeros((RB, D_GC), jnp.float32)
    for p in range(NPL):
        sl = slice(p * PF4, (p + 1) * PF4)
        h1p = jax.nn.relu(agg_ref[p] * rdenx[:, sl] + gb_ref[...][:, sl])
        hg = hg + jnp.dot(h1p, w3_ref[p],
                          preferred_element_type=jnp.float32)
    hgp = hg * dinv[:, None]
    for q in range(NPL6):
        hgp_ref[q] = hgp[:, q * PW6:(q + 1) * PW6]
    dinv_ref[...] = jnp.broadcast_to(dinv[:, None], (RB, 16))


def _k5(agg3, den_t, sel, wg3, gatb_row):
    return pl.pallas_call(
        _k5_body,
        grid=(GRID,),
        in_specs=[
            pl.BlockSpec((NPL, RB, PF4), lambda i: (0, i, 0)),
            pl.BlockSpec((RB, 16), lambda i: (i, 0)),
            pl.BlockSpec((16, DGP), lambda i: (0, 0)),
            pl.BlockSpec((NPL, PF4, D_GC), lambda i: (0, 0, 0)),
            pl.BlockSpec((1, DGP), lambda i: (0, 0)),
        ],
        out_specs=[
            pl.BlockSpec((NPL6, RB, PW6), lambda i: (0, i, 0)),
            pl.BlockSpec((RB, 16), lambda i: (i, 0)),
        ],
        out_shape=[
            jax.ShapeDtypeStruct((NPL6, NP, PW6), jnp.float32),
            jax.ShapeDtypeStruct((NP, 16), jnp.float32),
        ],
    )(agg3, den_t, sel, wg3, gatb_row)


def _k6(*args):
    return pl.kernel(
        _k6_body,
        out_type=jax.ShapeDtypeStruct((NPL6, NP, PW6), jnp.float32),
        scratch_types=[
            pltpu.VMEM((NCH4, CH), jnp.int32),
            pltpu.VMEM((NCH4, CH), jnp.int32),
            pltpu.VMEM((2, CH, PW6), jnp.float32),
            pltpu.VMEM((ROWS, PW6), jnp.float32),
            pltpu.VMEM_SHARED((NP, PW6), jnp.float32),
            pltpu.SemaphoreType.DMA,
        ],
        **_sc_params(),
    )(*args)


def _k6_body(h_hbm, src_hbm, dst_hbm, agg_hbm, sidx, didx, hrow, zbuf,
        acc_sh, gsem):
    cid = lax.axis_index("c")
    sid = lax.axis_index("s")

    @pl.loop(0, ROWS)
    def _(r):
        for q in range(PW6 // 16):
            zbuf[r, pl.ds(q * 16, 16)] = jnp.zeros((16,), jnp.float32)

    pltpu.sync_copy(src_hbm.at[sid], sidx)
    pltpu.sync_copy(dst_hbm.at[sid], didx)

    @pl.loop(0, 7)
    def _(p):
        plane = cid * 7 + p
        valid = plane < NPL6

        @pl.when(valid)
        def _():
            pltpu.sync_copy(zbuf, acc_sh.at[pl.ds(sid * ROWS, ROWS)])

        plsc.subcore_barrier()

        @pl.when(valid)
        def _():
            @pl.loop(0, NCH4, step=2)
            def _(j0):
                gh = [pltpu.async_copy(
                    h_hbm.at[plane].at[sidx.at[j0 + b]], hrow.at[b], gsem)
                    for b in range(2)]
                for b in range(2):
                    gh[b].wait()
                sh = [pltpu.async_copy(
                    hrow.at[b], acc_sh.at[didx.at[j0 + b]], gsem, add=True)
                    for b in range(2)]
                for b in range(2):
                    sh[b].wait()

        plsc.subcore_barrier()

        @pl.when(valid)
        def _():
            pltpu.sync_copy(acc_sh.at[pl.ds(sid * ROWS, ROWS)],
                            agg_hbm.at[plane].at[pl.ds(sid * ROWS, ROWS)])

        plsc.subcore_barrier()


def _k6b_body(agg_ref, dinv_ref, gb_ref, h2_ref):
    dinv = dinv_ref[...][:, :1]
    cat = jnp.concatenate([agg_ref[q] for q in range(NPL6)], axis=1)
    h2_ref[...] = jax.nn.relu(cat * dinv + gb_ref[...])


def _k6b(agg2, dinv16, gcnb_row):
    return pl.pallas_call(
        _k6b_body,
        grid=(GRID,),
        in_specs=[
            pl.BlockSpec((NPL6, RB, PW6), lambda i: (0, i, 0)),
            pl.BlockSpec((RB, 16), lambda i: (i, 0)),
            pl.BlockSpec((1, D_GC), lambda i: (0, 0)),
        ],
        out_specs=pl.BlockSpec((RB, D_GC), lambda i: (i, 0)),
        out_shape=jax.ShapeDtypeStruct((NP, D_GC), jnp.float32),
    )(agg2, dinv16, gcnb_row)


def _k7(*args):
    return pl.kernel(
        _k7_body,
        out_type=(jax.ShapeDtypeStruct((B, D_GC), jnp.float32),
                  jax.ShapeDtypeStruct((B, D_GC), jnp.float32)),
        scratch_types=[
            pltpu.VMEM((264, 16), jnp.int32),
            pltpu.VMEM((16, D_GC), jnp.float32),
            pltpu.VMEM((D_GC,), jnp.float32),
            pltpu.VMEM((D_GC,), jnp.float32),
        ],
        **_sc_params(),
    )(*args)


def _k7_body(h2_hbm, offs_hbm, gmp_hbm, gsm_hbm, offs_v, hblk, mx, sm):
    cid = lax.axis_index("c")
    sid = lax.axis_index("s")
    wid = sid * 2 + cid
    pltpu.sync_copy(offs_hbm, offs_v)

    @pl.loop(0, GPW)
    def _(gl):
        g = wid * GPW + gl
        s = jnp.max(offs_v[g])
        e = jnp.max(offs_v[g + 1])
        a = s - lax.rem(s, 8)
        nb = (e - a + 15) // 16

        for q in range(D_GC // 16):
            sl = pl.ds(q * 16, 16)
            mx[sl] = jnp.full((16,), -jnp.inf, jnp.float32)
            sm[sl] = jnp.zeros((16,), jnp.float32)

        @pl.loop(0, nb)
        def _(bk):
            row0 = a + bk * 16
            pltpu.sync_copy(h2_hbm.at[pl.ds(row0, 16)], hblk)

            @pl.loop(0, 16)
            def _(i):
                r = row0 + i
                valid = jnp.logical_and(r >= s, r < e)

                @pl.when(valid)
                def _():
                    for q in range(D_GC // 16):
                        sl = pl.ds(q * 16, 16)
                        v = hblk[i, sl]
                        mx[sl] = jnp.maximum(mx[sl], v)
                        sm[sl] = sm[sl] + v

        pltpu.sync_copy(mx, gmp_hbm.at[g])
        pltpu.sync_copy(sm, gsm_hbm.at[g])


def _tower_body(gmp_ref, gsm_ref, cnt_ref, te_ref, fcg1_W, fcg1_b, fcg2_W,
                fcg2_b, plm_W, plm_b, bn_g, bn_b, fc1_W, fc1_b, fc2_W, fc2_b,
                out_W, out_b, o_ref):
    gmp = gmp_ref[...][:, :D_GAT]
    gsm = gsm_ref[...][:, :D_GAT]
    rcnt = 1.0 / jnp.maximum(cnt_ref[...], 1.0)
    g = jnp.concatenate([gmp, gsm * rcnt[:, None]], axis=1)
    gg = jax.nn.relu(
        jnp.dot(g, fcg1_W[...], preferred_element_type=jnp.float32)
        + fcg1_b[...])
    gg = (jnp.dot(gg, fcg2_W[...], preferred_element_type=jnp.float32)
          + fcg2_b[...])
    xt = (jnp.dot(te_ref[...], plm_W[...], preferred_element_type=jnp.float32)
          + plm_b[...])
    mean = jnp.mean(xt, axis=0)
    var = jnp.var(xt, axis=0)
    xt = (xt - mean) / jnp.sqrt(var + 1e-5) * bn_g[...] + bn_b[...]
    xt = jax.nn.relu(xt)
    xc = jnp.concatenate([gg, xt], axis=1)
    xc = jax.nn.relu(
        jnp.dot(xc, fc1_W[...], preferred_element_type=jnp.float32)
        + fc1_b[...])
    xc = jax.nn.relu(
        jnp.dot(xc, fc2_W[...], preferred_element_type=jnp.float32)
        + fc2_b[...])
    o_ref[...] = (jnp.dot(xc, out_W[...], preferred_element_type=jnp.float32)
                  + out_b[...])


def _tower(gmp, gsm, cnt, te, fcg1_W, fcg1_b, fcg2_W, fcg2_b, plm_W, plm_b,
           bn_g, bn_b, fc1_W, fc1_b, fc2_W, fc2_b, out_W, out_b):
    return pl.pallas_call(
        _tower_body,
        out_shape=jax.ShapeDtypeStruct((B, 1), jnp.float32),
    )(gmp, gsm, cnt, te, fcg1_W, fcg1_b, fcg2_W, fcg2_b, plm_W, plm_b,
      bn_g, bn_b, fc1_W, fc1_b, fc2_W, fc2_b, out_W, out_b)


def kernel(x, edge_index, batch, target_embedding, gat_W, gat_a_src,
           gat_a_dst, gat_b, gcn_W, gcn_b, fcg1_W, fcg1_b, fcg2_W, fcg2_b,
           plm_W, plm_b, bn_g, bn_b, fc1_W, fc1_b, fc2_W, fc2_b, out_W,
           out_b):
    loops = jnp.arange(N, dtype=edge_index.dtype)
    sink = jnp.full((EP - E - N,), N, jnp.int32)
    src = jnp.concatenate([edge_index[0], loops, sink])
    dst = jnp.concatenate([edge_index[1], loops, sink])
    src2 = src.reshape(NWORK, NCH, CH)
    dst2 = dst.reshape(NWORK, NCH, CH)
    src3 = src.reshape(16, NCH4, CH)
    dst3 = dst.reshape(16, NCH4, CH)

    xp = jnp.zeros((NP, FXD), jnp.float32).at[:N].set(x)
    w_pad = jnp.pad(gat_W, ((0, 0), (0, DGP - D_GAT)))
    w3 = w_pad.reshape(FXD, NPL, PF4).transpose(1, 0, 2)
    head_of = jnp.arange(DGP) // FXD
    sel = (head_of[None, :] == jnp.arange(16)[:, None]).astype(jnp.float32)
    sel = sel * (jnp.arange(DGP) < D_GAT)[None, :].astype(jnp.float32)
    as_flat = jnp.pad(gat_a_src.reshape(D_GAT), (0, DGP - D_GAT))
    ad_flat = jnp.pad(gat_a_dst.reshape(D_GAT), (0, DGP - D_GAT))
    asx = w_pad @ (as_flat[:, None] * sel.T)
    adx = w_pad @ (ad_flat[:, None] * sel.T)
    gatb_row = jnp.pad(gat_b, (0, DGP - D_GAT)).reshape(1, DGP)
    gcnb_row = jnp.pad(gcn_b, (0, D_GC - D_GAT)).reshape(1, D_GC)
    wg_pad = jnp.pad(gcn_W, ((0, DGP - D_GAT), (0, D_GC - D_GAT)))
    wg3 = wg_pad.reshape(NPL, PF4, D_GC)

    counts = jnp.sum(
        (batch[None, :] == jnp.arange(B, dtype=batch.dtype)[:, None])
        .astype(jnp.int32), axis=1)
    tri = (jnp.arange(B)[:, None] <= jnp.arange(B)[None, :]).astype(
        jnp.float32)
    csum = jnp.dot(counts.astype(jnp.float32), tri)
    offsets = jnp.concatenate(
        [jnp.zeros((1,), jnp.int32), csum.astype(jnp.int32)])
    offs_b = jnp.zeros((264, 16), jnp.int32).at[:B + 1].set(
        jnp.broadcast_to(offsets[:, None], (B + 1, 16)))
    cnt = (offsets[1:] - offsets[:-1]).astype(jnp.float32)

    h3, a_t, b_t = _k1(xp, w3, asx, adx)
    ex_all = _k2(src2, dst2, a_t, b_t)
    agg3, den_t = _k4(h3, src3, dst3, ex_all)
    hgp3, dinv16 = _k5(agg3, den_t, sel, wg3, gatb_row)
    agg2 = _k6(hgp3, src3, dst3)
    h2 = _k6b(agg2, dinv16, gcnb_row)
    gmp, gsm = _k7(h2, offs_b)
    return _tower(gmp, gsm, cnt, target_embedding, fcg1_W, fcg1_b, fcg2_W,
                  fcg2_b, plm_W, plm_b, bn_g, bn_b, fc1_W, fc1_b, fc2_W,
                  fc2_b, out_W, out_b)

# --- scband reference (transcript-rebuilt; emitter-appended) ---
"""Pipeline reference for scband-plm-gat-gcn-24507083391731 (READ-ONLY COPY).

The authoritative reference and input builder live on the scoring server;
editing this copy changes nothing except your own understanding.
"""

import jax, jax.numpy as jnp
import numpy as np

N = 10000
E = 160000
B = 256
FXD = 78
HEADS = 10
D_GAT = FXD * HEADS
EMBED = 320
OUT_DIM = 128

def setup_inputs(seed: int = 0):
    key = jax.random.key(seed)
    ks = jax.random.split(key, 16)
    s = 0.05
    inp = {}
    inp['x'] = jax.random.normal(ks[0], (N, FXD), jnp.float32)
    inp['edge_index'] = jax.random.randint(ks[1], (2, E), 0, N, jnp.int32)
    inp['batch'] = jnp.sort(jax.random.randint(ks[2], (N,), 0, B, jnp.int32))
    inp['target_embedding'] = jax.random.normal(ks[3], (B, EMBED), jnp.float32)
    inp['gat_W'] = jax.random.normal(ks[4], (FXD, D_GAT), jnp.float32) * s
    inp['gat_a_src'] = jax.random.normal(ks[5], (HEADS, FXD), jnp.float32) * s
    inp['gat_a_dst'] = jax.random.normal(ks[6], (HEADS, FXD), jnp.float32) * s
    inp['gat_b'] = jnp.zeros((D_GAT,), jnp.float32)
    inp['gcn_W'] = jax.random.normal(ks[7], (D_GAT, D_GAT), jnp.float32) * s
    inp['gcn_b'] = jnp.zeros((D_GAT,), jnp.float32)
    inp['fcg1_W'] = jax.random.normal(ks[8], (2 * D_GAT, 1500), jnp.float32) * s
    inp['fcg1_b'] = jnp.zeros((1500,), jnp.float32)
    inp['fcg2_W'] = jax.random.normal(ks[9], (1500, OUT_DIM), jnp.float32) * s
    inp['fcg2_b'] = jnp.zeros((OUT_DIM,), jnp.float32)
    inp['plm_W'] = jax.random.normal(ks[10], (EMBED, 128), jnp.float32) * s
    inp['plm_b'] = jnp.zeros((128,), jnp.float32)
    inp['bn_g'] = jnp.ones((128,), jnp.float32)
    inp['bn_b'] = jnp.zeros((128,), jnp.float32)
    inp['fc1_W'] = jax.random.normal(ks[11], (OUT_DIM + 128, 1024), jnp.float32) * s
    inp['fc1_b'] = jnp.zeros((1024,), jnp.float32)
    inp['fc2_W'] = jax.random.normal(ks[12], (1024, 256), jnp.float32) * s
    inp['fc2_b'] = jnp.zeros((256,), jnp.float32)
    inp['out_W'] = jax.random.normal(ks[13], (256, 1), jnp.float32) * s
    inp['out_b'] = jnp.zeros((1,), jnp.float32)
    return inp

def _gat(x, src, dst, W, a_src, a_dst, b):
    h = (x @ W).reshape(N, HEADS, FXD)
    asrc = jnp.sum(h * a_src[None], axis=-1)
    adst = jnp.sum(h * a_dst[None], axis=-1)
    alpha = jax.nn.leaky_relu(asrc[src] + adst[dst], 0.2)
    amax = jax.ops.segment_max(alpha, dst, num_segments=N)
    ex = jnp.exp(alpha - amax[dst])
    den = jax.ops.segment_sum(ex, dst, num_segments=N)
    w = ex / (den[dst] + 1e-16)
    out = jax.ops.segment_sum(h[src] * w[:, :, None], dst, num_segments=N)
    return out.reshape(N, D_GAT) + b

def _gcn(x, src, dst, W, b):
    deg = jax.ops.segment_sum(jnp.ones(src.shape, jnp.float32), dst, num_segments=N)
    dinv = jnp.where(deg > 0, deg ** -0.5, 0.0)
    norm = dinv[src] * dinv[dst]
    h = x @ W
    return jax.ops.segment_sum(h[src] * norm[:, None], dst, num_segments=N) + b

def reference(x, edge_index, batch, target_embedding, gat_W, gat_a_src, gat_a_dst, gat_b, gcn_W, gcn_b, fcg1_W, fcg1_b, fcg2_W, fcg2_b, plm_W, plm_b, bn_g, bn_b, fc1_W, fc1_b, fc2_W, fc2_b, out_W, out_b):
    loops = jnp.arange(N, dtype=edge_index.dtype)
    src = jnp.concatenate([edge_index[0], loops])
    dst = jnp.concatenate([edge_index[1], loops])
    h = jax.nn.relu(_gat(x, src, dst, gat_W, gat_a_src, gat_a_dst, gat_b))
    h = jax.nn.relu(_gcn(h, src, dst, gcn_W, gcn_b))
    gmp = jax.ops.segment_max(h, batch, num_segments=B)
    cnt = jax.ops.segment_sum(jnp.ones((N,), jnp.float32), batch, num_segments=B)
    gap = jax.ops.segment_sum(h, batch, num_segments=B) / jnp.maximum(cnt, 1.0)[:, None]
    g = jnp.concatenate([gmp, gap], axis=1)
    g = jax.nn.relu(g @ fcg1_W + fcg1_b)
    g = g @ fcg2_W + fcg2_b
    xt = target_embedding @ plm_W + plm_b
    mean = jnp.mean(xt, axis=0)
    var = jnp.var(xt, axis=0)
    xt = (xt - mean) / jnp.sqrt(var + 1e-5) * bn_g + bn_b
    xt = jax.nn.relu(xt)
    xc = jnp.concatenate([g, xt], axis=1)
    xc = jax.nn.relu(xc @ fc1_W + fc1_b)
    xc = jax.nn.relu(xc @ fc2_W + fc2_b)
    return xc @ out_W + out_b

if __name__ == "__main__":
    import jax
    _d = setup_inputs()
    print(jax.jit(kernel)(*tuple(_d.values())))

</pallas_src>

<mosaic_0001>
#map = affine_map<(d0, d1) -> (0, 0)>
module attributes {stable_mosaic.version = 14 : i64} {
  func.func @_k7_body(%arg0: i32, %arg1: i32, %arg2: memref<10112x832xf32, #tpu.memory_space<hbm>>, %arg3: memref<264x16xi32, #tpu.memory_space<hbm>>, %arg4: memref<256x832xf32, #tpu.memory_space<hbm>>, %arg5: memref<256x832xf32, #tpu.memory_space<hbm>>, %arg6: memref<264x16xi32, #tpu.memory_space<vmem>>, %arg7: memref<16x832xf32, #tpu.memory_space<vmem>>, %arg8: memref<832xf32, #tpu.memory_space<vmem>>, %arg9: memref<832xf32, #tpu.memory_space<vmem>>) attributes {dimension_semantics = [#tpu.dimension_semantics<core_parallel>, #tpu.dimension_semantics<subcore_parallel>], iteration_bounds = array<i64: 2, 16>, scalar_prefetch = 0 : i64, scratch_operands = 4 : i64, tpu.core_type = #tpu.core_type<sc_vector_subcore>, window_params = [{transform_indices = #map}, {transform_indices = #map}, {transform_indices = #map}, {transform_indices = #map}]} {
    %mul3A = arith.constant 2 : i32
    %mul3A_0 = arith.muli %arg1, %mul3A : i32
    %add3A = arith.addi %mul3A_0, %arg0 : i32
    "tpu.region"() ({
      %run_scoped3A = tpu.sem_alloc : memref<!tpu.dma_semaphore, #tpu.memory_space<semaphore_mem>>
      tpu.enqueue_dma source(%arg3 : memref<264x16xi32, #tpu.memory_space<hbm>>) target(%arg6 : memref<264x16xi32, #tpu.memory_space<vmem>>) target_semaphore(%run_scoped3A : memref<!tpu.dma_semaphore, #tpu.memory_space<semaphore_mem>>)
      tpu.wait_dma2 semaphore(%run_scoped3A : memref<!tpu.dma_semaphore, #tpu.memory_space<semaphore_mem>>) src(%arg3 : memref<264x16xi32, #tpu.memory_space<hbm>>) dst(%arg6 : memref<264x16xi32, #tpu.memory_space<vmem>>)
      tpu.yield
    }) : () -> ()
    %scan3A = arith.constant 0 : i32
    %scan3A_1 = arith.constant 8 : i32
    %scan3A_2 = arith.addi %scan3A, %scan3A_1 : i32
    %scan3A_3 = arith.constant 1 : i32
    scf.for %scan3A_5 = %scan3A to %scan3A_2 step %scan3A_3  : i32 {
      %mul3A_6 = arith.constant 1 : i32
      %mul3A_7 = arith.muli %scan3A_5, %mul3A_6 : i32
      %add3A_8 = arith.constant 0 : i32
      %add3A_9 = arith.addi %add3A_8, %mul3A_7 : i32
      %mul3A_10 = arith.constant 8 : i32
      %mul3A_11 = arith.muli %add3A, %mul3A_10 : i32
      %add3A_12 = arith.addi %mul3A_11, %add3A_9 : i32
      %get3A = arith.index_cast %add3A_12 : i32 to index
      %get3A_13 = arith.constant 0 : index
      %get3A_14 = tpu.vector_load %arg6[%get3A, %get3A_13] {strides = array<i32>} : memref<264x16xi32, #tpu.memory_space<vmem>>, vector<16xi32>,
      %reduce_max3A = arith.constant true
      %reduce_max3A_15 = vector.broadcast %reduce_max3A : i1 to vector<16xi1>
      %reduce_max3A_16 = arith.constant -2147483648 : i32
      %reduce_max3A_17 = vector.broadcast %reduce_max3A_16 : i32 to vector<16xi32>
      %reduce_max3A_18 = arith.xori %get3A_14, %reduce_max3A_17 : vector<16xi32>
      %reduce_max3A_19 = tpu.scan <max>, %reduce_max3A_18 masked %reduce_max3A_15 : vector<16xi32>, vector<16xi1> -> vector<16xi32>
      %reduce_max3A_20 = arith.xori %reduce_max3A_19, %reduce_max3A_17 : vector<16xi32>
      %reduce_max3A_21 = vector.extract %reduce_max3A_20[15] : i32 from vector<16xi32>
      %add3A_22 = arith.constant 1 : i32
      %add3A_23 = arith.addi %add3A_12, %add3A_22 : i32
      %get3A_24 = arith.index_cast %add3A_23 : i32 to index
      %get3A_25 = arith.constant 0 : index
      %get3A_26 = tpu.vector_load %arg6[%get3A_24, %get3A_25] {strides = array<i32>} : memref<264x16xi32, #tpu.memory_space<vmem>>, vector<16xi32>,
      %reduce_max3A_27 = arith.constant true
      %reduce_max3A_28 = vector.broadcast %reduce_max3A_27 : i1 to vector<16xi1>
      %reduce_max3A_29 = arith.constant -2147483648 : i32
      %reduce_max3A_30 = vector.broadcast %reduce_max3A_29 : i32 to vector<16xi32>
      %reduce_max3A_31 = arith.xori %get3A_26, %reduce_max3A_30 : vector<16xi32>
      %reduce_max3A_32 = tpu.scan <max>, %reduce_max3A_31 masked %reduce_max3A_28 : vector<16xi32>, vector<16xi1> -> vector<16xi32>
      %reduce_max3A_33 = arith.xori %reduce_max3A_32, %reduce_max3A_30 : vector<16xi32>
      %reduce_max3A_34 = vector.extract %reduce_max3A_33[15] : i32 from vector<16xi32>
      %rem3A = arith.constant 8 : i32
      %rem3A_35 = arith.remsi %reduce_max3A_21, %rem3A : i32
      %sub3A = arith.subi %reduce_max3A_21, %rem3A_35 : i32
      %sub3A_36 = arith.subi %reduce_max3A_34, %sub3A : i32
      %add3A_37 = arith.constant 15 : i32
      %add3A_38 = arith.addi %sub3A_36, %add3A_37 : i32
      %jit3A = arith.constant 16 : i32
      %div3A = arith.divsi %add3A_38, %jit3A : i32
      %sign3A = arith.constant 0 : i32
      %sign3A_39 = arith.cmpi sgt, %add3A_38, %sign3A : i32
      %sign3A_40 = arith.extui %sign3A_39 : i1 to i32
      %sign3A_41 = arith.constant 0 : i32
      %sign3A_42 = arith.cmpi slt, %add3A_38, %sign3A_41 : i32
      %sign3A_43 = arith.extui %sign3A_42 : i1 to i32
      %sign3A_44 = arith.subi %sign3A_40, %sign3A_43 : i32
      %sign3A_45 = arith.constant 0 : i32
      %sign3A_46 = arith.cmpi sgt, %jit3A, %sign3A_45 : i32
      %sign3A_47 = arith.extui %sign3A_46 : i1 to i32
      %sign3A_48 = arith.constant 0 : i32
      %sign3A_49 = arith.cmpi slt, %jit3A, %sign3A_48 : i32
      %sign3A_50 = arith.extui %sign3A_49 : i1 to i32
      %sign3A_51 = arith.subi %sign3A_47, %sign3A_50 : i32
      %ne3A = arith.cmpi ne, %sign3A_44, %sign3A_51 : i32
      %rem3A_52 = arith.remsi %add3A_38, %jit3A : i32
      %ne3A_53 = arith.constant 0 : i32
      %ne3A_54 = arith.cmpi ne, %rem3A_52, %ne3A_53 : i32
      %and3A = arith.andi %ne3A, %ne3A_54 : i1
      %sub3A_55 = arith.constant 1 : i32
      %sub3A_56 = arith.subi %div3A, %sub3A_55 : i32
      %select_n3A = arith.select %and3A, %sub3A_56, %div3A : i32
      %broadcast_in_dim3A = arith.constant 0xFF800000 : f32
      %broadcast_in_dim3A_57 = vector.broadcast %broadcast_in_dim3A : f32 to vector<16xf32>
      %swap3A = arith.constant 0 : index
      %swap3A_58 = tpu.vector_load %arg8[%swap3A] {strides = array<i32>} : memref<832xf32, #tpu.memory_space<vmem>>, vector<16xf32>,
      tpu.vector_store %arg8[%swap3A], %broadcast_in_dim3A_57 {strides = array<i32>} : memref<832xf32, #tpu.memory_space<vmem>>, vector<16xf32>,
      %broadcast_in_dim3A_59 = arith.constant 0.000000e+00 : f32
      %broadcast_in_dim3A_60 = vector.broadcast %broadcast_in_dim3A_59 : f32 to vector<16xf32>
      %swap3A_61 = arith.constant 0 : index
      %swap3A_62 = tpu.vector_load %arg9[%swap3A_61] {strides = array<i32>} : memref<832xf32, #tpu.memory_space<vmem>>, vector<16xf32>,
      tpu.vector_store %arg9[%swap3A_61], %broadcast_in_dim3A_60 {strides = array<i32>} : memref<832xf32, #tpu.memory_space<vmem>>, vector<16xf32>,
      %broadcast_in_dim3A_63 = arith.constant 0xFF800000 : f32
      %broadcast_in_dim3A_64 = vector.broadcast %broadcast_in_dim3A_63 : f32 to vector<16xf32>
      %swap3A_65 = arith.constant 16 : index
      %swap3A_66 = tpu.vector_load %arg8[%swap3A_65] {strides = array<i32>} : memref<832xf32, #tpu.memory_space<vmem>>, vector<16xf32>,
      tpu.vector_store %arg8[%swap3A_65], %broadcast_in_dim3A_64 {strides = array<i32>} : memref<832xf32, #tpu.memory_space<vmem>>, vector<16xf32>,
      %broadcast_in_dim3A_67 = arith.constant 0.000000e+00 : f32
      %broadcast_in_dim3A_68 = vector.broadcast %broadcast_in_dim3A_67 : f32 to vector<16xf32>
      %swap3A_69 = arith.constant 16 : index
      %swap3A_70 = tpu.vector_load %arg9[%swap3A_69] {strides = array<i32>} : memref<832xf32, #tpu.memory_space<vmem>>, vector<16xf32>,
      tpu.vector_store %arg9[%swap3A_69], %broadcast_in_dim3A_68 {strides = array<i32>} : memref<832xf32, #tpu.memory_space<vmem>>, vector<16xf32>,
      %broadcast_in_dim3A_71 = arith.constant 0xFF800000 : f32
      %broadcast_in_dim3A_72 = vector.broadcast %broadcast_in_dim3A_71 : f32 to vector<16xf32>
      %swap3A_73 = arith.constant 32 : index
      %swap3A_74 = tpu.vector_load %arg8[%swap3A_73] {strides = array<i32>} : memref<832xf32, #tpu.memory_space<vmem>>, vector<16xf32>,
      tpu.vector_store %arg8[%swap3A_73], %broadcast_in_dim3A_72 {strides = array<i32>} : memref<832xf32, #tpu.memory_space<vmem>>, vector<16xf32>,
      %broadcast_in_dim3A_75 = arith.constant 0.000000e+00 : f32
      %broadcast_in_dim3A_76 = vector.broadcast %broadcast_in_dim3A_75 : f32 to vector<16xf32>
      %swap3A_77 = arith.constant 32 : index
      %swap3A_78 = tpu.vector_load %arg9[%swap3A_77] {strides = array<i32>} : memref<832xf32, #tpu.memory_space<vmem>>, vector<16xf32>,
      tpu.vector_store %arg9[%swap3A_77], %broadcast_in_dim3A_76 {strides = array<i32>} : memref<832xf32, #tpu.memory_space<vmem>>, vector<16xf32>,
      %broadcast_in_dim3A_79 = arith.constant 0xFF800000 : f32
      %broadcast_in_dim3A_80 = vector.broadcast %broadcast_in_dim3A_79 : f32 to vector<16xf32>
      %swap3A_81 = arith.constant 48 : index
      %swap3A_82 = tpu.vector_load %arg8[%swap3A_81] {strides = array<i32>} : memref<832xf32, #tpu.memory_space<vmem>>, vector<16xf32>,
      tpu.vector_store %arg8[%swap3A_81], %broadcast_in_dim3A_80 {strides = array<i32>} : memref<832xf32, #tpu.memory_space<vmem>>, vector<16xf32>,
      %broadcast_in_dim3A_83 = arith.constant 0.000000e+00 : f32
      %broadcast_in_dim3A_84 = vector.broadcast %broadcast_in_dim3A_83 : f32 to vector<16xf32>
      %swap3A_85 = arith.constant 48 : index
      %swap3A_86 = tpu.vector_load %arg9[%swap3A_85] {strides = array<i32>} : memref<832xf32, #tpu.memory_space<vmem>>, vector<16xf32>,
      tpu.vector_store %arg9[%swap3A_85], %broadcast_in_dim3A_84 {strides = array<i32>} : memref<832xf32, #tpu.memory_space<vmem>>, vector<16xf32>,
      %broadcast_in_dim3A_87 = arith.constant 0xFF800000 : f32
      %broadcast_in_dim3A_88 = vector.broadcast %broadcast_in_dim3A_87 : f32 to vector<16xf32>
      %swap3A_89 = arith.constant 64 : index
      %swap3A_90 = tpu.vector_load %arg8[%swap3A_89] {strides = array<i32>} : memref<832xf32, #tpu.memory_space<vmem>>, vector<16xf32>,
      tpu.vector_store %arg8[%swap3A_89], %broadcast_in_dim3A_88 {strides = array<i32>} : memref<832xf32, #tpu.memory_space<vmem>>, vector<16xf32>,
      %broadcast_in_dim3A_91 = arith.constant 0.000000e+00 : f32
      %broadcast_in_dim3A_92 = vector.broadcast %broadcast_in_dim3A_91 : f32 to vector<16xf32>
      %swap3A_93 = arith.constant 64 : index
      %swap3A_94 = tpu.vector_load %arg9[%swap3A_93] {strides = array<i32>} : memref<832xf32, #tpu.memory_space<vmem>>, vector<16xf32>,
      tpu.vector_store %arg9[%swap3A_93], %broadcast_in_dim3A_92 {strides = array<i32>} : memref<832xf32, #tpu.memory_space<vmem>>, vector<16xf32>,
      %broadcast_in_dim3A_95 = arith.constant 0xFF800000 : f32
      %broadcast_in_dim3A_96 = vector.broadcast %broadcast_in_dim3A_95 : f32 to vector<16xf32>
      %swap3A_97 = arith.constant 80 : index
      %swap3A_98 = tpu.vector_load %arg8[%swap3A_97] {strides = array<i32>} : memref<832xf32, #tpu.memory_space<vmem>>, vector<16xf32>,
      tpu.vector_store %arg8[%swap3A_97], %broadcast_in_dim3A_96 {strides = array<i32>} : memref<832xf32, #tpu.memory_space<vmem>>, vector<16xf32>,
      %broadcast_in_dim3A_99 = arith.constant 0.000000e+00 : f32
      %broadcast_in_dim3A_100 = vector.broadcast %broadcast_in_dim3A_99 : f32 to vector<16xf32>
      %swap3A_101 = arith.constant 80 : index
      %swap3A_102 = tpu.vector_load %arg9[%swap3A_101] {strides = array<i32>} : memref<832xf32, #tpu.memory_space<vmem>>, vector<16xf32>,
      tpu.vector_store %arg9[%swap3A_101], %broadcast_in_dim3A_100 {strides = array<i32>} : memref<832xf32, #tpu.memory_space<vmem>>, vector<16xf32>,
      %broadcast_in_dim3A_103 = arith.constant 0xFF800000 : f32
      %broadcast_in_dim3A_104 = vector.broadcast %broadcast_in_dim3A_103 : f32 to vector<16xf32>
      %swap3A_105 = arith.constant 96 : index
      %swap3A_106 = tpu.vector_load %arg8[%swap3A_105] {strides = array<i32>} : memref<832xf32, #tpu.memory_space<vmem>>, vector<16xf32>,
      tpu.vector_store %arg8[%swap3A_105], %broadcast_in_dim3A_104 {strides = array<i32>} : memref<832xf32, #tpu.memory_space<vmem>>, vector<16xf32>,
      %broadcast_in_dim3A_107 = arith.constant 0.000000e+00 : f32
      %broadcast_in_dim3A_108 = vector.broadcast %broadcast_in_dim3A_107 : f32 to vector<16xf32>
      %swap3A_109 = arith.constant 96 : index
      %swap3A_110 = tpu.vector_load %arg9[%swap3A_109] {strides = array<i32>} : memref<832xf32, #tpu.memory_space<vmem>>, vector<16xf32>,
      tpu.vector_store %arg9[%swap3A_109], %broadcast_in_dim3A_108 {strides = array<i32>} : memref<832xf32, #tpu.memory_space<vmem>>, vector<16xf32>,
      %broadcast_in_dim3A_111 = arith.constant 0xFF800000 : f32
      %broadcast_in_dim3A_112 = vector.broadcast %broadcast_in_dim3A_111 : f32 to vector<16xf32>
      %swap3A_113 = arith.constant 112 : index
      %swap3A_114 = tpu.vector_load %arg8[%swap3A_113] {strides = array<i32>} : memref<832xf32, #tpu.memory_space<vmem>>, vector<16xf32>,
      tpu.vector_store %arg8[%swap3A_113], %broadcast_in_dim3A_112 {strides = array<i32>} : memref<832xf32, #tpu.memory_space<vmem>>, vector<16xf32>,
      %broadcast_in_dim3A_115 = arith.constant 0.000000e+00 : f32
      %broadcast_in_dim3A_116 = vector.broadcast %broadcast_in_dim3A_115 : f32 to vector<16xf32>
      %swap3A_117 = arith.constant 112 : index
      %swap3A_118 = tpu.vector_load %arg9[%swap3A_117] {strides = array<i32>} : memref<832xf32, #tpu.memory_space<vmem>>, vector<16xf32>,
      tpu.vector_store %arg9[%swap3A_117], %broadcast_in_dim3A_116 {strides = array<i32>} : memref<832xf32, #tpu.memory_space<vmem>>, vector<16xf32>,
      %broadcast_in_dim3A_119 = arith.constant 0xFF800000 : f32
      %broadcast_in_dim3A_120 = vector.broadcast %broadcast_in_dim3A_119 : f32 to vector<16xf32>
      %swap3A_121 = arith.constant 128 : index
      %swap3A_122 = tpu.vector_load %arg8[%swap3A_121] {strides = array<i32>} : memref<832xf32, #tpu.memory_space<vmem>>, vector<16xf32>,
      tpu.vector_store %arg8[%swap3A_121], %broadcast_in_dim3A_120 {strides = array<i32>} : memref<832xf32, #tpu.memory_space<vmem>>, vector<16xf32>,
      %broadcast_in_dim3A_123 = arith.constant 0.000000e+00 : f32
      %broadcast_in_dim3A_124 = vector.broadcast %broadcast_in_dim3A_123 : f32 to vector<16xf32>
      %swap3A_125 = arith.constant 128 : index
      %swap3A_126 = tpu.vector_load %arg9[%swap3A_125] {strides = array<i32>} : memref<832xf32, #tpu.memory_space<vmem>>, vector<16xf32>,
      tpu.vector_store %arg9[%swap3A_125], %broadcast_in_dim3A_124 {strides = array<i32>} : memref<832xf32, #tpu.memory_space<vmem>>, vector<16xf32>,
      %broadcast_in_dim3A_127 = arith.constant 0xFF800000 : f32
      %broadcast_in_dim3A_128 = vector.broadcast %broadcast_in_dim3A_127 : f32 to vector<16xf32>
      %swap3A_129 = arith.constant 144 : index
      %swap3A_130 = tpu.vector_load %arg8[%swap3A_129] {strides = array<i32>} : memref<832xf32, #tpu.memory_space<vmem>>, vector<16xf32>,
      tpu.vector_store %arg8[%swap3A_129], %broadcast_in_dim3A_128 {strides = array<i32>} : memref<832xf32, #tpu.memory_space<vmem>>, vector<16xf32>,
      %broadcast_in_dim3A_131 = arith.constant 0.000000e+00 : f32
      %broadcast_in_dim3A_132 = vector.broadcast %broadcast_in_dim3A_131 : f32 to vector<16xf32>
      %swap3A_133 = arith.constant 144 : index
      %swap3A_134 = tpu.vector_load %arg9[%swap3A_133] {strides = array<i32>} : memref<832xf32, #tpu.memory_space<vmem>>, vector<16xf32>,
      tpu.vector_store %arg9[%swap3A_133], %broadcast_in_dim3A_132 {strides = array<i32>} : memref<832xf32, #tpu.memory_space<vmem>>, vector<16xf32>,
      %broadcast_in_dim3A_135 = arith.constant 0xFF800000 : f32
      %broadcast_in_dim3A_136 = vector.broadcast %broadcast_in_dim3A_135 : f32 to vector<16xf32>
      %swap3A_137 = arith.constant 160 : index
      %swap3A_138 = tpu.vector_load %arg8[%swap3A_137] {strides = array<i32>} : memref<832xf32, #tpu.memory_space<vmem>>, vector<16xf32>,
      tpu.vector_store %arg8[%swap3A_137], %broadcast_in_dim3A_136 {strides = array<i32>} : memref<832xf32, #tpu.memory_space<vmem>>, vector<16xf32>,
      %broadcast_in_dim3A_139 = arith.constant 0.000000e+00 : f32
      %broadcast_in_dim3A_140 = vector.broadcast %broadcast_in_dim3A_139 : f32 to vector<16xf32>
      %swap3A_141 = arith.constant 160 : index
      %swap3A_142 = tpu.vector_load %arg9[%swap3A_141] {strides = array<i32>} : memref<832xf32, #tpu.memory_space<vmem>>, vector<16xf32>,
      tpu.vector_store %arg9[%swap3A_141], %broadcast_in_dim3A_140 {strides = array<i32>} : memref<832xf32, #tpu.memory_space<vmem>>, vector<16xf32>,
      %broadcast_in_dim3A_143 = arith.constant 0xFF800000 : f32
      %broadcast_in_dim3A_144 = vector.broadcast %broadcast_in_dim3A_143 : f32 to vector<16xf32>
      %swap3A_145 = arith.constant 176 : index
      %swap3A_146 = tpu.vector_load %arg8[%swap3A_145] {strides = array<i32>} : memref<832xf32, #tpu.memory_space<vmem>>, vector<16xf32>,
      tpu.vector_store %arg8[%swap3A_145], %broadcast_in_dim3A_144 {strides = array<i32>} : memref<832xf32, #tpu.memory_space<vmem>>, vector<16xf32>,
      %broadcast_in_dim3A_147 = arith.constant 0.000000e+00 : f32
      %broadcast_in_dim3A_148 = vector.broadcast %broadcast_in_dim3A_147 : f32 to vector<16xf32>
      %swap3A_149 = arith.constant 176 : index
      %swap3A_150 = tpu.vector_load %arg9[%swap3A_149] {strides = array<i32>} : memref<832xf32, #tpu.memory_space<vmem>>, vector<16xf32>,
      tpu.vector_store %arg9[%swap3A_149], %broadcast_in_dim3A_148 {strides = array<i32>} : memref<832xf32, #tpu.memory_space<vmem>>, vector<16xf32>,
      %broadcast_in_dim3A_151 = arith.constant 0xFF800000 : f32
      %broadcast_in_dim3A_152 = vector.broadcast %broadcast_in_dim3A_151 : f32 to vector<16xf32>
      %swap3A_153 = arith.constant 192 : index
      %swap3A_154 = tpu.vector_load %arg8[%swap3A_153] {strides = array<i32>} : memref<832xf32, #tpu.memory_space<vmem>>, vector<16xf32>,
      tpu.vector_store %arg8[%swap3A_153], %broadcast_in_dim3A_152 {strides = array<i32>} : memref<832xf32, #tpu.memory_space<vmem>>, vector<16xf32>,
      %broadcast_in_dim3A_155 = arith.constant 0.000000e+00 : f32
      %broadcast_in_dim3A_156 = vector.broadcast %broadcast_in_dim3A_155 : f32 to vector<16xf32>
      %swap3A_157 = arith.constant 192 : index
      %swap3A_158 = tpu.vector_load %arg9[%swap3A_157] {strides = array<i32>} : memref<832xf32, #tpu.memory_space<vmem>>, vector<16xf32>,
      tpu.vector_store %arg9[%swap3A_157], %broadcast_in_dim3A_156 {strides = array<i32>} : memref<832xf32, #tpu.memory_space<vmem>>, vector<16xf32>,
      %broadcast_in_dim3A_159 = arith.constant 0xFF800000 : f32
      %broadcast_in_dim3A_160 = vector.broadcast %broadcast_in_dim3A_159 : f32 to vector<16xf32>
      %swap3A_161 = arith.constant 208 : index
      %swap3A_162 = tpu.vector_load %arg8[%swap3A_161] {strides = array<i32>} : memref<832xf32, #tpu.memory_space<vmem>>, vector<16xf32>,
      tpu.vector_store %arg8[%swap3A_161], %broadcast_in_dim3A_160 {strides = array<i32>} : memref<832xf32, #tpu.memory_space<vmem>>, vector<16xf32>,
      %broadcast_in_dim3A_163 = arith.constant 0.000000e+00 : f32
      %broadcast_in_dim3A_164 = vector.broadcast %broadcast_in_dim3A_163 : f32 to vector<16xf32>
      %swap3A_165 = arith.constant 208 : index
      %swap3A_166 = tpu.vector_load %arg9[%swap3A_165] {strides = array<i32>} : memref<832xf32, #tpu.memory_space<vmem>>, vector<16xf32>,
      tpu.vector_store %arg9[%swap3A_165], %broadcast_in_dim3A_164 {strides = array<i32>} : memref<832xf32, #tpu.memory_space<vmem>>, vector<16xf32>,
      %broadcast_in_dim3A_167 = arith.constant 0xFF800000 : f32
      %broadcast_in_dim3A_168 = vector.broadcast %broadcast_in_dim3A_167 : f32 to vector<16xf32>
      %swap3A_169 = arith.constant 224 : index
      %swap3A_170 = tpu.vector_load %arg8[%swap3A_169] {strides = array<i32>} : memref<832xf32, #tpu.memory_space<vmem>>, vector<16xf32>,
      tpu.vector_store %arg8[%swap3A_169], %broadcast_in_dim3A_168 {strides = array<i32>} : memref<832xf32, #tpu.memory_space<vmem>>, vector<16xf32>,
      %broadcast_in_dim3A_171 = arith.constant 0.000000e+00 : f32
      %broadcast_in_dim3A_172 = vector.broadcast %broadcast_in_dim3A_171 : f32 to vector<16xf32>
      %swap3A_173 = arith.constant 224 : index
      %swap3A_174 = tpu.vector_load %arg9[%swap3A_173] {strides = array<i32>} : memref<832xf32, #tpu.memory_space<vmem>>, vector<16xf32>,
      tpu.vector_store %arg9[%swap3A_173], %broadcast_in_dim3A_172 {strides = array<i32>} : memref<832xf32, #tpu.memory_space<vmem>>, vector<16xf32>,
      %broadcast_in_dim3A_175 = arith.constant 0xFF800000 : f32
      %broadcast_in_dim3A_176 = vector.broadcast %broadcast_in_dim3A_175 : f32 to vector<16xf32>
      %swap3A_177 = arith.constant 240 : index
      %swap3A_178 = tpu.vector_load %arg8[%swap3A_177] {strides = array<i32>} : memref<832xf32, #tpu.memory_space<vmem>>, vector<16xf32>,
      tpu.vector_store %arg8[%swap3A_177], %broadcast_in_dim3A_176 {strides = array<i32>} : memref<832xf32, #tpu.memory_space<vmem>>, vector<16xf32>,
      %broadcast_in_dim3A_179 = arith.constant 0.000000e+00 : f32
      %broadcast_in_dim3A_180 = vector.broadcast %broadcast_in_dim3A_179 : f32 to vector<16xf32>
      %swap3A_181 = arith.constant 240 : index
      %swap3A_182 = tpu.vector_load %arg9[%swap3A_181] {strides = array<i32>} : memref<832xf32, #tpu.memory_space<vmem>>, vector<16xf32>,
      tpu.vector_store %arg9[%swap3A_181], %broadcast_in_dim3A_180 {strides = array<i32>} : memref<832xf32, #tpu.memory_space<vmem>>, vector<16xf32>,
      %broadcast_in_dim3A_183 = arith.constant 0xFF800000 : f32
      %broadcast_in_dim3A_184 = vector.broadcast %broadcast_in_dim3A_183 : f32 to vector<16xf32>
      %swap3A_185 = arith.constant 256 : index
      %swap3A_186 = tpu.vector_load %arg8[%swap3A_185] {strides = array<i32>} : memref<832xf32, #tpu.memory_space<vmem>>, vector<16xf32>,
      tpu.vector_store %arg8[%swap3A_185], %broadcast_in_dim3A_184 {strides = array<i32>} : memref<832xf32, #tpu.memory_space<vmem>>, vector<16xf32>,
      %broadcast_in_dim3A_187 = arith.constant 0.000000e+00 : f32
      %broadcast_in_dim3A_188 = vector.broadcast %broadcast_in_dim3A_187 : f32 to vector<16xf32>
      %swap3A_189 = arith.constant 256 : index
      %swap3A_190 = tpu.vector_load %arg9[%swap3A_189] {strides = array<i32>} : memref<832xf32, #tpu.memory_space<vmem>>, vector<16xf32>,
      tpu.vector_store %arg9[%swap3A_189], %broadcast_in_dim3A_188 {strides = array<i32>} : memref<832xf32, #tpu.memory_space<vmem>>, vector<16xf32>,
      %broadcast_in_dim3A_191 = arith.constant 0xFF800000 : f32
      %broadcast_in_dim3A_192 = vector.broadcast %broadcast_in_dim3A_191 : f32 to vector<16xf32>
      %swap3A_193 = arith.constant 272 : index
      %swap3A_194 = tpu.vector_load %arg8[%swap3A_193] {strides = array<i32>} : memref<832xf32, #tpu.memory_space<vmem>>, vector<16xf32>,
      tpu.vector_store %arg8[%swap3A_193], %broadcast_in_dim3A_192 {strides = array<i32>} : memref<832xf32, #tpu.memory_space<vmem>>, vector<16xf32>,
      %broadcast_in_dim3A_195 = arith.constant 0.000000e+00 : f32
      %broadcast_in_dim3A_196 = vector.broadcast %broadcast_in_dim3A_195 : f32 to vector<16xf32>
      %swap3A_197 = arith.constant 272 : index
      %swap3A_198 = tpu.vector_load %arg9[%swap3A_197] {strides = array<i32>} : memref<832xf32, #tpu.memory_space<vmem>>, vector<16xf32>,
      tpu.vector_store %arg9[%swap3A_197], %broadcast_in_dim3A_196 {strides = array<i32>} : memref<832xf32, #tpu.memory_space<vmem>>, vector<16xf32>,
      %broadcast_in_dim3A_199 = arith.constant 0xFF800000 : f32
      %broadcast_in_dim3A_200 = vector.broadcast %broadcast_in_dim3A_199 : f32 to vector<16xf32>
      %swap3A_201 = arith.constant 288 : index
      %swap3A_202 = tpu.vector_load %arg8[%swap3A_201] {strides = array<i32>} : memref<832xf32, #tpu.memory_space<vmem>>, vector<16xf32>,
      tpu.vector_store %arg8[%swap3A_201], %broadcast_in_dim3A_200 {strides = array<i32>} : memref<832xf32, #tpu.memory_space<vmem>>, vector<16xf32>,
      %broadcast_in_dim3A_203 = arith.constant 0.000000e+00 : f32
      %broadcast_in_dim3A_204 = vector.broadcast %broadcast_in_dim3A_203 : f32 to vector<16xf32>
      %swap3A_205 = arith.constant 288 : index
      %swap3A_206 = tpu.vector_load %arg9[%swap3A_205] {strides = array<i32>} : memref<832xf32, #tpu.memory_space<vmem>>, vector<16xf32>,
      tpu.vector_store %arg9[%swap3A_205], %broadcast_in_dim3A_204 {strides = array<i32>} : memref<832xf32, #tpu.memory_space<vmem>>, vector<16xf32>,
      %broadcast_in_dim3A_207 = arith.constant 0xFF800000 : f32
      %broadcast_in_dim3A_208 = vector.broadcast %broadcast_in_dim3A_207 : f32 to vector<16xf32>
      %swap3A_209 = arith.constant 304 : index
      %swap3A_210 = tpu.vector_load %arg8[%swap3A_209] {strides = array<i32>} : memref<832xf32, #tpu.memory_space<vmem>>, vector<16xf32>,
      tpu.vector_store %arg8[%swap3A_209], %broadcast_in_dim3A_208 {strides = array<i32>} : memref<832xf32, #tpu.memory_space<vmem>>, vector<16xf32>,
      %broadcast_in_dim3A_211 = arith.constant 0.000000e+00 : f32
      %broadcast_in_dim3A_212 = vector.broadcast %broadcast_in_dim3A_211 : f32 to vector<16xf32>
      %swap3A_213 = arith.constant 304 : index
      %swap3A_214 = tpu.vector_load %arg9[%swap3A_213] {strides = array<i32>} : memref<832xf32, #tpu.memory_space<vmem>>, vector<16xf32>,
      tpu.vector_store %arg9[%swap3A_213], %broadcast_in_dim3A_212 {strides = array<i32>} : memref<832xf32, #tpu.memory_space<vmem>>, vector<16xf32>,
      %broadcast_in_dim3A_215 = arith.constant 0xFF800000 : f32
      %broadcast_in_dim3A_216 = vector.broadcast %broadcast_in_dim3A_215 : f32 to vector<16xf32>
      %swap3A_217 = arith.constant 320 : index
      %swap3A_218 = tpu.vector_load %arg8[%swap3A_217] {strides = array<i32>} : memref<832xf32, #tpu.memory_space<vmem>>, vector<16xf32>,
      tpu.vector_store %arg8[%swap3A_217], %broadcast_in_dim3A_216 {strides = array<i32>} : memref<832xf32, #tpu.memory_space<vmem>>, vector<16xf32>,
      %broadcast_in_dim3A_219 = arith.constant 0.000000e+00 : f32
      %broadcast_in_dim3A_220 = vector.broadcast %broadcast_in_dim3A_219 : f32 to vector<16xf32>
      %swap3A_221 = arith.constant 320 : index
      %swap3A_222 = tpu.vector_load %arg9[%swap3A_221] {strides = array<i32>} : memref<832xf32, #tpu.memory_space<vmem>>, vector<16xf32>,
      tpu.vector_store %arg9[%swap3A_221], %broadcast_in_dim3A_220 {strides = array<i32>} : memref<832xf32, #tpu.memory_space<vmem>>, vector<16xf32>,
      %broadcast_in_dim3A_223 = arith.constant 0xFF800000 : f32
      %broadcast_in_dim3A_224 = vector.broadcast %broadcast_in_dim3A_223 : f32 to vector<16xf32>
      %swap3A_225 = arith.constant 336 : index
      %swap3A_226 = tpu.vector_load %arg8[%swap3A_225] {strides = array<i32>} : memref<832xf32, #tpu.memory_space<vmem>>, vector<16xf32>,
      tpu.vector_store %arg8[%swap3A_225], %broadcast_in_dim3A_224 {strides = array<i32>} : memref<832xf32, #tpu.memory_space<vmem>>, vector<16xf32>,
      %broadcast_in_dim3A_227 = arith.constant 0.000000e+00 : f32
      %broadcast_in_dim3A_228 = vector.broadcast %broadcast_in_dim3A_227 : f32 to vector<16xf32>
      %swap3A_229 = arith.constant 336 : index
      %swap3A_230 = tpu.vector_load %arg9[%swap3A_229] {strides = array<i32>} : memref<832xf32, #tpu.memory_space<vmem>>, vector<16xf32>,
      tpu.vector_store %arg9[%swap3A_229], %broadcast_in_dim3A_228 {strides = array<i32>} : memref<832xf32, #tpu.memory_space<vmem>>, vector<16xf32>,
      %broadcast_in_dim3A_231 = arith.constant 0xFF800000 : f32
      %broadcast_in_dim3A_232 = vector.broadcast %broadcast_in_dim3A_231 : f32 to vector<16xf32>
      %swap3A_233 = arith.constant 352 : index
      %swap3A_234 = tpu.vector_load %arg8[%swap3A_233] {strides = array<i32>} : memref<832xf32, #tpu.memory_space<vmem>>, vector<16xf32>,
      tpu.vector_store %arg8[%swap3A_233], %broadcast_in_dim3A_232 {strides = array<i32>} : memref<832xf32, #tpu.memory_space<vmem>>, vector<16xf32>,
      %broadcast_in_dim3A_235 = arith.constant 0.000000e+00 : f32
      %broadcast_in_dim3A_236 = vector.broadcast %broadcast_in_dim3A_235 : f32 to vector<16xf32>
      %swap3A_237 = arith.constant 352 : index
      %swap3A_238 = tpu.vector_load %arg9[%swap3A_237] {strides = array<i32>} : memref<832xf32, #tpu.memory_space<vmem>>, vector<16xf32>,
      tpu.vector_store %arg9[%swap3A_237], %broadcast_in_dim3A_236 {strides = array<i32>} : memref<832xf32, #tpu.memory_space<vmem>>, vector<16xf32>,
      %broadcast_in_dim3A_239 = arith.constant 0xFF800000 : f32
      %broadcast_in_dim3A_240 = vector.broadcast %broadcast_in_dim3A_239 : f32 to vector<16xf32>
      %swap3A_241 = arith.constant 368 : index
      %swap3A_242 = tpu.vector_load %arg8[%swap3A_241] {strides = array<i32>} : memref<832xf32, #tpu.memory_space<vmem>>, vector<16xf32>,
      tpu.vector_store %arg8[%swap3A_241], %broadcast_in_dim3A_240 {strides = array<i32>} : memref<832xf32, #tpu.memory_space<vmem>>, vector<16xf32>,
      %broadcast_in_dim3A_243 = arith.constant 0.000000e+00 : f32
      %broadcast_in_dim3A_244 = vector.broadcast %broadcast_in_dim3A_243 : f32 to vector<16xf32>
      %swap3A_245 = arith.constant 368 : index
      %swap3A_246 = tpu.vector_load %arg9[%swap3A_245] {strides = array<i32>} : memref<832xf32, #tpu.memory_space<vmem>>, vector<16xf32>,
      tpu.vector_store %arg9[%swap3A_245], %broadcast_in_dim3A_244 {strides = array<i32>} : memref<832xf32, #tpu.memory_space<vmem>>, vector<16xf32>,
      %broadcast_in_dim3A_247 = arith.constant 0xFF800000 : f32
      %broadcast_in_dim3A_248 = vector.broadcast %broadcast_in_dim3A_247 : f32 to vector<16xf32>
      %swap3A_249 = arith.constant 384 : index
      %swap3A_250 = tpu.vector_load %arg8[%swap3A_249] {strides = array<i32>} : memref<832xf32, #tpu.memory_space<vmem>>, vector<16xf32>,
      tpu.vector_store %arg8[%swap3A_249], %broadcast_in_dim3A_248 {strides = array<i32>} : memref<832xf32, #tpu.memory_space<vmem>>, vector<16xf32>,
      %broadcast_in_dim3A_251 = arith.constant 0.000000e+00 : f32
      %broadcast_in_dim3A_252 = vector.broadcast %broadcast_in_dim3A_251 : f32 to vector<16xf32>
      %swap3A_253 = arith.constant 384 : index
      %swap3A_254 = tpu.vector_load %arg9[%swap3A_253] {strides = array<i32>} : memref<832xf32, #tpu.memory_space<vmem>>, vector<16xf32>,
      tpu.vector_store %arg9[%swap3A_253], %broadcast_in_dim3A_252 {strides = array<i32>} : memref<832xf32, #tpu.memory_space<vmem>>, vector<16xf32>,
      %broadcast_in_dim3A_255 = arith.constant 0xFF800000 : f32
      %broadcast_in_dim3A_256 = vector.broadcast %broadcast_in_dim3A_255 : f32 to vector<16xf32>
      %swap3A_257 = arith.constant 400 : index
      %swap3A_258 = tpu.vector_load %arg8[%swap3A_257] {strides = array<i32>} : memref<832xf32, #tpu.memory_space<vmem>>, vector<16xf32>,
      tpu.vector_store %arg8[%swap3A_257], %broadcast_in_dim3A_256 {strides = array<i32>} : memref<832xf32, #tpu.memory_space<vmem>>, vector<16xf32>,
      %broadcast_in_dim3A_259 = arith.constant 0.000000e+00 : f32
      %broadcast_in_dim3A_260 = vector.broadcast %broadcast_in_dim3A_259 : f32 to vector<16xf32>
      %swap3A_261 = arith.constant 400 : index
      %swap3A_262 = tpu.vector_load %arg9[%swap3A_261] {strides = array<i32>} : memref<832xf32, #tpu.memory_space<vmem>>, vector<16xf32>,
      tpu.vector_store %arg9[%swap3A_261], %broadcast_in_dim3A_260 {strides = array<i32>} : memref<832xf32, #tpu.memory_space<vmem>>, vector<16xf32>,
      %broadcast_in_dim3A_263 = arith.constant 0xFF800000 : f32
      %broadcast_in_dim3A_264 = vector.broadcast %broadcast_in_dim3A_263 : f32 to vector<16xf32>
      %swap3A_265 = arith.constant 416 : index
      %swap3A_266 = tpu.vector_load %arg8[%swap3A_265] {strides = array<i32>} : memref<832xf32, #tpu.memory_space<vmem>>, vector<16xf32>,
      tpu.vector_store %arg8[%swap3A_265], %broadcast_in_dim3A_264 {strides = array<i32>} : memref<832xf32, #tpu.memory_space<vmem>>, vector<16xf32>,
      %broadcast_in_dim3A_267 = arith.constant 0.000000e+00 : f32
      %broadcast_in_dim3A_268 = vector.broadcast %broadcast_in_dim3A_267 : f32 to vector<16xf32>
      %swap3A_269 = arith.constant 416 : index
      %swap3A_270 = tpu.vector_load %arg9[%swap3A_269] {strides = array<i32>} : memref<832xf32, #tpu.memory_space<vmem>>, vector<16xf32>,
      tpu.vector_store %arg9[%swap3A_269], %broadcast_in_dim3A_268 {strides = array<i32>} : memref<832xf32, #tpu.memory_space<vmem>>, vector<16xf32>,
      %broadcast_in_dim3A_271 = arith.constant 0xFF800000 : f32
      %broadcast_in_dim3A_272 = vector.broadcast %broadcast_in_dim3A_271 : f32 to vector<16xf32>
      %swap3A_273 = arith.constant 432 : index
      %swap3A_274 = tpu.vector_load %arg8[%swap3A_273] {strides = array<i32>} : memref<832xf32, #tpu.memory_space<vmem>>, vector<16xf32>,
      tpu.vector_store %arg8[%swap3A_273], %broadcast_in_dim3A_272 {strides = array<i32>} : memref<832xf32, #tpu.memory_space<vmem>>, vector<16xf32>,
      %broadcast_in_dim3A_275 = arith.constant 0.000000e+00 : f32
      %broadcast_in_dim3A_276 = vector.broadcast %broadcast_in_dim3A_275 : f32 to vector<16xf32>
      %swap3A_277 = arith.constant 432 : index
      %swap3A_278 = tpu.vector_load %arg9[%swap3A_277] {strides = array<i32>} : memref<832xf32, #tpu.memory_space<vmem>>, vector<16xf32>,
      tpu.vector_store %arg9[%swap3A_277], %broadcast_in_dim3A_276 {strides = array<i32>} : memref<832xf32, #tpu.memory_space<vmem>>, vector<16xf32>,
      %broadcast_in_dim3A_279 = arith.constant 0xFF800000 : f32
      %broadcast_in_dim3A_280 = vector.broadcast %broadcast_in_dim3A_279 : f32 to vector<16xf32>
      %swap3A_281 = arith.constant 448 : index
      %swap3A_282 = tpu.vector_load %arg8[%swap3A_281] {strides = array<i32>} : memref<832xf32, #tpu.memory_space<vmem>>, vector<16xf32>,
      tpu.vector_store %arg8[%swap3A_281], %broadcast_in_dim3A_280 {strides = array<i32>} : memref<832xf32, #tpu.memory_space<vmem>>, vector<16xf32>,
      %broadcast_in_dim3A_283 = arith.constant 0.000000e+00 : f32
      %broadcast_in_dim3A_284 = vector.broadcast %broadcast_in_dim3A_283 : f32 to vector<16xf32>
      %swap3A_285 = arith.constant 448 : index
      %swap3A_286 = tpu.vector_load %arg9[%swap3A_285] {strides = array<i32>} : memref<832xf32, #tpu.memory_space<vmem>>, vector<16xf32>,
      tpu.vector_store %arg9[%swap3A_285], %broadcast_in_dim3A_284 {strides = array<i32>} : memref<832xf32, #tpu.memory_space<vmem>>, vector<16xf32>,
      %broadcast_in_dim3A_287 = arith.constant 0xFF800000 : f32
      %broadcast_in_dim3A_288 = vector.broadcast %broadcast_in_dim3A_287 : f32 to vector<16xf32>
      %swap3A_289 = arith.constant 464 : index
      %swap3A_290 = tpu.vector_load %arg8[%swap3A_289] {strides = array<i32>} : memref<832xf32, #tpu.memory_space<vmem>>, vector<16xf32>,
      tpu.vector_store %arg8[%swap3A_289], %broadcast_in_dim3A_288 {strides = array<i32>} : memref<832xf32, #tpu.memory_space<vmem>>, vector<16xf32>,
      %broadcast_in_dim3A_291 = arith.constant 0.000000e+00 : f32
      %broadcast_in_dim3A_292 = vector.broadcast %broadcast_in_dim3A_291 : f32 to vector<16xf32>
      %swap3A_293 = arith.constant 464 : index
      %swap3A_294 = tpu.vector_load %arg9[%swap3A_293] {strides = array<i32>} : memref<832xf32, #tpu.memory_space<vmem>>, vector<16xf32>,
      tpu.vector_store %arg9[%swap3A_293], %broadcast_in_dim3A_292 {strides = array<i32>} : memref<832xf32, #tpu.memory_space<vmem>>, vector<16xf32>,
      %broadcast_in_dim3A_295 = arith.constant 0xFF800000 : f32
      %broadcast_in_dim3A_296 = vector.broadcast %broadcast_in_dim3A_295 : f32 to vector<16xf32>
      %swap3A_297 = arith.constant 480 : index
      %swap3A_298 = tpu.vector_load %arg8[%swap3A_297] {strides = array<i32>} : memref<832xf32, #tpu.memory_space<vmem>>, vector<16xf32>,
      tpu.vector_store %arg8[%swap3A_297], %broadcast_in_dim3A_296 {strides = array<i32>} : memref<832xf32, #tpu.memory_space<vmem>>, vector<16xf32>,
      %broadcast_in_dim3A_299 = arith.constant 0.000000e+00 : f32
      %broadcast_in_dim3A_300 = vector.broadcast %broadcast_in_dim3A_299 : f32 to vector<16xf32>
      %swap3A_301 = arith.constant 480 : index
      %swap3A_302 = tpu.vector_load %arg9[%swap3A_301] {strides = array<i32>} : memref<832xf32, #tpu.memory_space<vmem>>, vector<16xf32>,
      tpu.vector_store %arg9[%swap3A_301], %broadcast_in_dim3A_300 {strides = array<i32>} : memref<832xf32, #tpu.memory_space<vmem>>, vector<16xf32>,
      %broadcast_in_dim3A_303 = arith.constant 0xFF800000 : f32
      %broadcast_in_dim3A_304 = vector.broadcast %broadcast_in_dim3A_303 : f32 to vector<16xf32>
      %swap3A_305 = arith.constant 496 : index
      %swap3A_306 = tpu.vector_load %arg8[%swap3A_305] {strides = array<i32>} : memref<832xf32, #tpu.memory_space<vmem>>, vector<16xf32>,
      tpu.vector_store %arg8[%swap3A_305], %broadcast_in_dim3A_304 {strides = array<i32>} : memref<832xf32, #tpu.memory_space<vmem>>, vector<16xf32>,
      %broadcast_in_dim3A_307 = arith.constant 0.000000e+00 : f32
      %broadcast_in_dim3A_308 = vector.broadcast %broadcast_in_dim3A_307 : f32 to vector<16xf32>
      %swap3A_309 = arith.constant 496 : index
      %swap3A_310 = tpu.vector_load %arg9[%swap3A_309] {strides = array<i32>} : memref<832xf32, #tpu.memory_space<vmem>>, vector<16xf32>,
      tpu.vector_store %arg9[%swap3A_309], %broadcast_in_dim3A_308 {strides = array<i32>} : memref<832xf32, #tpu.memory_space<vmem>>, vector<16xf32>,
      %broadcast_in_dim3A_311 = arith.constant 0xFF800000 : f32
      %broadcast_in_dim3A_312 = vector.broadcast %broadcast_in_dim3A_311 : f32 to vector<16xf32>
      %swap3A_313 = arith.constant 512 : index
      %swap3A_314 = tpu.vector_load %arg8[%swap3A_313] {strides = array<i32>} : memref<832xf32, #tpu.memory_space<vmem>>, vector<16xf32>,
      tpu.vector_store %arg8[%swap3A_313], %broadcast_in_dim3A_312 {strides = array<i32>} : memref<832xf32, #tpu.memory_space<vmem>>, vector<16xf32>,
      %broadcast_in_dim3A_315 = arith.constant 0.000000e+00 : f32
      %broadcast_in_dim3A_316 = vector.broadcast %broadcast_in_dim3A_315 : f32 to vector<16xf32>
      %swap3A_317 = arith.constant 512 : index
      %swap3A_318 = tpu.vector_load %arg9[%swap3A_317] {strides = array<i32>} : memref<832xf32, #tpu.memory_space<vmem>>, vector<16xf32>,
      tpu.vector_store %arg9[%swap3A_317], %broadcast_in_dim3A_316 {strides = array<i32>} : memref<832xf32, #tpu.memory_space<vmem>>, vector<16xf32>,
      %broadcast_in_dim3A_319 = arith.constant 0xFF800000 : f32
      %broadcast_in_dim3A_320 = vector.broadcast %broadcast_in_dim3A_319 : f32 to vector<16xf32>
      %swap3A_321 = arith.constant 528 : index
      %swap3A_322 = tpu.vector_load %arg8[%swap3A_321] {strides = array<i32>} : memref<832xf32, #tpu.memory_space<vmem>>, vector<16xf32>,
      tpu.vector_store %arg8[%swap3A_321], %broadcast_in_dim3A_320 {strides = array<i32>} : memref<832xf32, #tpu.memory_space<vmem>>, vector<16xf32>,
      %broadcast_in_dim3A_323 = arith.constant 0.000000e+00 : f32
      %broadcast_in_dim3A_324 = vector.broadcast %broadcast_in_dim3A_323 : f32 to vector<16xf32>
      %swap3A_325 = arith.constant 528 : index
      %swap3A_326 = tpu.vector_load %arg9[%swap3A_325] {strides = array<i32>} : memref<832xf32, #tpu.memory_space<vmem>>, vector<16xf32>,
      tpu.vector_store %arg9[%swap3A_325], %broadcast_in_dim3A_324 {strides = array<i32>} : memref<832xf32, #tpu.memory_space<vmem>>, vector<16xf32>,
      %broadcast_in_dim3A_327 = arith.constant 0xFF800000 : f32
      %broadcast_in_dim3A_328 = vector.broadcast %broadcast_in_dim3A_327 : f32 to vector<16xf32>
      %swap3A_329 = arith.constant 544 : index
      %swap3A_330 = tpu.vector_load %arg8[%swap3A_329] {strides = array<i32>} : memref<832xf32, #tpu.memory_space<vmem>>, vector<16xf32>,
      tpu.vector_store %arg8[%swap3A_329], %broadcast_in_dim3A_328 {strides = array<i32>} : memref<832xf32, #tpu.memory_space<vmem>>, vector<16xf32>,
      %broadcast_in_dim3A_331 = arith.constant 0.000000e+00 : f32
      %broadcast_in_dim3A_332 = vector.broadcast %broadcast_in_dim3A_331 : f32 to vector<16xf32>
      %swap3A_333 = arith.constant 544 : index
      %swap3A_334 = tpu.vector_load %arg9[%swap3A_333] {strides = array<i32>} : memref<832xf32, #tpu.memory_space<vmem>>, vector<16xf32>,
      tpu.vector_store %arg9[%swap3A_333], %broadcast_in_dim3A_332 {strides = array<i32>} : memref<832xf32, #tpu.memory_space<vmem>>, vector<16xf32>,
      %broadcast_in_dim3A_335 = arith.constant 0xFF800000 : f32
      %broadcast_in_dim3A_336 = vector.broadcast %broadcast_in_dim3A_335 : f32 to vector<16xf32>
      %swap3A_337 = arith.constant 560 : index
      %swap3A_338 = tpu.vector_load %arg8[%swap3A_337] {strides = array<i32>} : memref<832xf32, #tpu.memory_space<vmem>>, vector<16xf32>,
      tpu.vector_store %arg8[%swap3A_337], %broadcast_in_dim3A_336 {strides = array<i32>} : memref<832xf32, #tpu.memory_space<vmem>>, vector<16xf32>,
      %broadcast_in_dim3A_339 = arith.constant 0.000000e+00 : f32
      %broadcast_in_dim3A_340 = vector.broadcast %broadcast_in_dim3A_339 : f32 to vector<16xf32>
      %swap3A_341 = arith.constant 560 : index
      %swap3A_342 = tpu.vector_load %arg9[%swap3A_341] {strides = array<i32>} : memref<832xf32, #tpu.memory_space<vmem>>, vector<16xf32>,
      tpu.vector_store %arg9[%swap3A_341], %broadcast_in_dim3A_340 {strides = array<i32>} : memref<832xf32, #tpu.memory_space<vmem>>, vector<16xf32>,
      %broadcast_in_dim3A_343 = arith.constant 0xFF800000 : f32
      %broadcast_in_dim3A_344 = vector.broadcast %broadcast_in_dim3A_343 : f32 to vector<16xf32>
      %swap3A_345 = arith.constant 576 : index
      %swap3A_346 = tpu.vector_load %arg8[%swap3A_345] {strides = array<i32>} : memref<832xf32, #tpu.memory_space<vmem>>, vector<16xf32>,
      tpu.vector_store %arg8[%swap3A_345], %broadcast_in_dim3A_344 {strides = array<i32>} : memref<832xf32, #tpu.memory_space<vmem>>, vector<16xf32>,
      %broadcast_in_dim3A_347 = arith.constant 0.000000e+00 : f32
      %broadcast_in_dim3A_348 = vector.broadcast %broadcast_in_dim3A_347 : f32 to vector<16xf32>
      %swap3A_349 = arith.constant 576 : index
      %swap3A_350 = tpu.vector_load %arg9[%swap3A_349] {strides = array<i32>} : memref<832xf32, #tpu.memory_space<vmem>>, vector<16xf32>,
      tpu.vector_store %arg9[%swap3A_349], %broadcast_in_dim3A_348 {strides = array<i32>} : memref<832xf32, #tpu.memory_space<vmem>>, vector<16xf32>,
      %broadcast_in_dim3A_351 = arith.constant 0xFF800000 : f32
      %broadcast_in_dim3A_352 = vector.broadcast %broadcast_in_dim3A_351 : f32 to vector<16xf32>
      %swap3A_353 = arith.constant 592 : index
      %swap3A_354 = tpu.vector_load %arg8[%swap3A_353] {strides = array<i32>} : memref<832xf32, #tpu.memory_space<vmem>>, vector<16xf32>,
      tpu.vector_store %arg8[%swap3A_353], %broadcast_in_dim3A_352 {strides = array<i32>} : memref<832xf32, #tpu.memory_space<vmem>>, vector<16xf32>,
      %broadcast_in_dim3A_355 = arith.constant 0.000000e+00 : f32
      %broadcast_in_dim3A_356 = vector.broadcast %broadcast_in_dim3A_355 : f32 to vector<16xf32>
      %swap3A_357 = arith.constant 592 : index
      %swap3A_358 = tpu.vector_load %arg9[%swap3A_357] {strides = array<i32>} : memref<832xf32, #tpu.memory_space<vmem>>, vector<16xf32>,
      tpu.vector_store %arg9[%swap3A_357], %broadcast_in_dim3A_356 {strides = array<i32>} : memref<832xf32, #tpu.memory_space<vmem>>, vector<16xf32>,
      %broadcast_in_dim3A_359 = arith.constant 0xFF800000 : f32
      %broadcast_in_dim3A_360 = vector.broadcast %broadcast_in_dim3A_359 : f32 to vector<16xf32>
      %swap3A_361 = arith.constant 608 : index
      %swap3A_362 = tpu.vector_load %arg8[%swap3A_361] {strides = array<i32>} : memref<832xf32, #tpu.memory_space<vmem>>, vector<16xf32>,
      tpu.vector_store %arg8[%swap3A_361], %broadcast_in_dim3A_360 {strides = array<i32>} : memref<832xf32, #tpu.memory_space<vmem>>, vector<16xf32>,
      %broadcast_in_dim3A_363 = arith.constant 0.000000e+00 : f32
      %broadcast_in_dim3A_364 = vector.broadcast %broadcast_in_dim3A_363 : f32 to vector<16xf32>
      %swap3A_365 = arith.constant 608 : index
      %swap3A_366 = tpu.vector_load %arg9[%swap3A_365] {strides = array<i32>} : memref<832xf32, #tpu.memory_space<vmem>>, vector<16xf32>,
      tpu.vector_store %arg9[%swap3A_365], %broadcast_in_dim3A_364 {strides = array<i32>} : memref<832xf32, #tpu.memory_space<vmem>>, vector<16xf32>,
      %broadcast_in_dim3A_367 = arith.constant 0xFF800000 : f32
      %broadcast_in_dim3A_368 = vector.broadcast %broadcast_in_dim3A_367 : f32 to vector<16xf32>
      %swap3A_369 = arith.constant 624 : index
      %swap3A_370 = tpu.vector_load %arg8[%swap3A_369] {strides = array<i32>} : memref<832xf32, #tpu.memory_space<vmem>>, vector<16xf32>,
      tpu.vector_store %arg8[%swap3A_369], %broadcast_in_dim3A_368 {strides = array<i32>} : memref<832xf32, #tpu.memory_space<vmem>>, vector<16xf32>,
      %broadcast_in_dim3A_371 = arith.constant 0.000000e+00 : f32
      %broadcast_in_dim3A_372 = vector.broadcast %broadcast_in_dim3A_371 : f32 to vector<16xf32>
      %swap3A_373 = arith.constant 624 : index
      %swap3A_374 = tpu.vector_load %arg9[%swap3A_373] {strides = array<i32>} : memref<832xf32, #tpu.memory_space<vmem>>, vector<16xf32>,
      tpu.vector_store %arg9[%swap3A_373], %broadcast_in_dim3A_372 {strides = array<i32>} : memref<832xf32, #tpu.memory_space<vmem>>, vector<16xf32>,
      %broadcast_in_dim3A_375 = arith.constant 0xFF800000 : f32
      %broadcast_in_dim3A_376 = vector.broadcast %broadcast_in_dim3A_375 : f32 to vector<16xf32>
      %swap3A_377 = arith.constant 640 : index
      %swap3A_378 = tpu.vector_load %arg8[%swap3A_377] {strides = array<i32>} : memref<832xf32, #tpu.memory_space<vmem>>, vector<16xf32>,
      tpu.vector_store %arg8[%swap3A_377], %broadcast_in_dim3A_376 {strides = array<i32>} : memref<832xf32, #tpu.memory_space<vmem>>, vector<16xf32>,
      %broadcast_in_dim3A_379 = arith.constant 0.000000e+00 : f32
      %broadcast_in_dim3A_380 = vector.broadcast %broadcast_in_dim3A_379 : f32 to vector<16xf32>
      %swap3A_381 = arith.constant 640 : index
      %swap3A_382 = tpu.vector_load %arg9[%swap3A_381] {strides = array<i32>} : memref<832xf32, #tpu.memory_space<vmem>>, vector<16xf32>,
      tpu.vector_store %arg9[%swap3A_381], %broadcast_in_dim3A_380 {strides = array<i32>} : memref<832xf32, #tpu.memory_space<vmem>>, vector<16xf32>,
      %broadcast_in_dim3A_383 = arith.constant 0xFF800000 : f32
      %broadcast_in_dim3A_384 = vector.broadcast %broadcast_in_dim3A_383 : f32 to vector<16xf32>
      %swap3A_385 = arith.constant 656 : index
      %swap3A_386 = tpu.vector_load %arg8[%swap3A_385] {strides = array<i32>} : memref<832xf32, #tpu.memory_space<vmem>>, vector<16xf32>,
      tpu.vector_store %arg8[%swap3A_385], %broadcast_in_dim3A_384 {strides = array<i32>} : memref<832xf32, #tpu.memory_space<vmem>>, vector<16xf32>,
      %broadcast_in_dim3A_387 = arith.constant 0.000000e+00 : f32
      %broadcast_in_dim3A_388 = vector.broadcast %broadcast_in_dim3A_387 : f32 to vector<16xf32>
      %swap3A_389 = arith.constant 656 : index
      %swap3A_390 = tpu.vector_load %arg9[%swap3A_389] {strides = array<i32>} : memref<832xf32, #tpu.memory_space<vmem>>, vector<16xf32>,
      tpu.vector_store %arg9[%swap3A_389], %broadcast_in_dim3A_388 {strides = array<i32>} : memref<832xf32, #tpu.memory_space<vmem>>, vector<16xf32>,
      %broadcast_in_dim3A_391 = arith.constant 0xFF800000 : f32
      %broadcast_in_dim3A_392 = vector.broadcast %broadcast_in_dim3A_391 : f32 to vector<16xf32>
      %swap3A_393 = arith.constant 672 : index
      %swap3A_394 = tpu.vector_load %arg8[%swap3A_393] {strides = array<i32>} : memref<832xf32, #tpu.memory_space<vmem>>, vector<16xf32>,
      tpu.vector_store %arg8[%swap3A_393], %broadcast_in_dim3A_392 {strides = array<i32>} : memref<832xf32, #tpu.memory_space<vmem>>, vector<16xf32>,
      %broadcast_in_dim3A_395 = arith.constant 0.000000e+00 : f32
      %broadcast_in_dim3A_396 = vector.broadcast %broadcast_in_dim3A_395 : f32 to vector<16xf32>
      %swap3A_397 = arith.constant 672 : index
      %swap3A_398 = tpu.vector_load %arg9[%swap3A_397] {strides = array<i32>} : memref<832xf32, #tpu.memory_space<vmem>>, vector<16xf32>,
      tpu.vector_store %arg9[%swap3A_397], %broadcast_in_dim3A_396 {strides = array<i32>} : memref<832xf32, #tpu.memory_space<vmem>>, vector<16xf32>,
      %broadcast_in_dim3A_399 = arith.constant 0xFF800000 : f32
      %broadcast_in_dim3A_400 = vector.broadcast %broadcast_in_dim3A_399 : f32 to vector<16xf32>
      %swap3A_401 = arith.constant 688 : index
      %swap3A_402 = tpu.vector_load %arg8[%swap3A_401] {strides = array<i32>} : memref<832xf32, #tpu.memory_space<vmem>>, vector<16xf32>,
      tpu.vector_store %arg8[%swap3A_401], %broadcast_in_dim3A_400 {strides = array<i32>} : memref<832xf32, #tpu.memory_space<vmem>>, vector<16xf32>,
      %broadcast_in_dim3A_403 = arith.constant 0.000000e+00 : f32
      %broadcast_in_dim3A_404 = vector.broadcast %broadcast_in_dim3A_403 : f32 to vector<16xf32>
      %swap3A_405 = arith.constant 688 : index
      %swap3A_406 = tpu.vector_load %arg9[%swap3A_405] {strides = array<i32>} : memref<832xf32, #tpu.memory_space<vmem>>, vector<16xf32>,
      tpu.vector_store %arg9[%swap3A_405], %broadcast_in_dim3A_404 {strides = array<i32>} : memref<832xf32, #tpu.memory_space<vmem>>, vector<16xf32>,
      %broadcast_in_dim3A_407 = arith.constant 0xFF800000 : f32
      %broadcast_in_dim3A_408 = vector.broadcast %broadcast_in_dim3A_407 : f32 to vector<16xf32>
      %swap3A_409 = arith.constant 704 : index
      %swap3A_410 = tpu.vector_load %arg8[%swap3A_409] {strides = array<i32>} : memref<832xf32, #tpu.memory_space<vmem>>, vector<16xf32>,
      tpu.vector_store %arg8[%swap3A_409], %broadcast_in_dim3A_408 {strides = array<i32>} : memref<832xf32, #tpu.memory_space<vmem>>, vector<16xf32>,
      %broadcast_in_dim3A_411 = arith.constant 0.000000e+00 : f32
      %broadcast_in_dim3A_412 = vector.broadcast %broadcast_in_dim3A_411 : f32 to vector<16xf32>
      %swap3A_413 = arith.constant 704 : index
      %swap3A_414 = tpu.vector_load %arg9[%swap3A_413] {strides = array<i32>} : memref<832xf32, #tpu.memory_space<vmem>>, vector<16xf32>,
      tpu.vector_store %arg9[%swap3A_413], %broadcast_in_dim3A_412 {strides = array<i32>} : memref<832xf32, #tpu.memory_space<vmem>>, vector<16xf32>,
      %broadcast_in_dim3A_415 = arith.constant 0xFF800000 : f32
      %broadcast_in_dim3A_416 = vector.broadcast %broadcast_in_dim3A_415 : f32 to vector<16xf32>
      %swap3A_417 = arith.constant 720 : index
      %swap3A_418 = tpu.vector_load %arg8[%swap3A_417] {strides = array<i32>} : memref<832xf32, #tpu.memory_space<vmem>>, vector<16xf32>,
      tpu.vector_store %arg8[%swap3A_417], %broadcast_in_dim3A_416 {strides = array<i32>} : memref<832xf32, #tpu.memory_space<vmem>>, vector<16xf32>,
      %broadcast_in_dim3A_419 = arith.constant 0.000000e+00 : f32
      %broadcast_in_dim3A_420 = vector.broadcast %broadcast_in_dim3A_419 : f32 to vector<16xf32>
      %swap3A_421 = arith.constant 720 : index
      %swap3A_422 = tpu.vector_load %arg9[%swap3A_421] {strides = array<i32>} : memref<832xf32, #tpu.memory_space<vmem>>, vector<16xf32>,
      tpu.vector_store %arg9[%swap3A_421], %broadcast_in_dim3A_420 {strides = array<i32>} : memref<832xf32, #tpu.memory_space<vmem>>, vector<16xf32>,
      %broadcast_in_dim3A_423 = arith.constant 0xFF800000 : f32
      %broadcast_in_dim3A_424 = vector.broadcast %broadcast_in_dim3A_423 : f32 to vector<16xf32>
      %swap3A_425 = arith.constant 736 : index
      %swap3A_426 = tpu.vector_load %arg8[%swap3A_425] {strides = array<i32>} : memref<832xf32, #tpu.memory_space<vmem>>, vector<16xf32>,
      tpu.vector_store %arg8[%swap3A_425], %broadcast_in_dim3A_424 {strides = array<i32>} : memref<832xf32, #tpu.memory_space<vmem>>, vector<16xf32>,
      %broadcast_in_dim3A_427 = arith.constant 0.000000e+00 : f32
      %broadcast_in_dim3A_428 = vector.broadcast %broadcast_in_dim3A_427 : f32 to vector<16xf32>
      %swap3A_429 = arith.constant 736 : index
      %swap3A_430 = tpu.vector_load %arg9[%swap3A_429] {strides = array<i32>} : memref<832xf32, #tpu.memory_space<vmem>>, vector<16xf32>,
      tpu.vector_store %arg9[%swap3A_429], %broadcast_in_dim3A_428 {strides = array<i32>} : memref<832xf32, #tpu.memory_space<vmem>>, vector<16xf32>,
      %broadcast_in_dim3A_431 = arith.constant 0xFF800000 : f32
      %broadcast_in_dim3A_432 = vector.broadcast %broadcast_in_dim3A_431 : f32 to vector<16xf32>
      %swap3A_433 = arith.constant 752 : index
      %swap3A_434 = tpu.vector_load %arg8[%swap3A_433] {strides = array<i32>} : memref<832xf32, #tpu.memory_space<vmem>>, vector<16xf32>,
      tpu.vector_store %arg8[%swap3A_433], %broadcast_in_dim3A_432 {strides = array<i32>} : memref<832xf32, #tpu.memory_space<vmem>>, vector<16xf32>,
      %broadcast_in_dim3A_435 = arith.constant 0.000000e+00 : f32
      %broadcast_in_dim3A_436 = vector.broadcast %broadcast_in_dim3A_435 : f32 to vector<16xf32>
      %swap3A_437 = arith.constant 752 : index
      %swap3A_438 = tpu.vector_load %arg9[%swap3A_437] {strides = array<i32>} : memref<832xf32, #tpu.memory_space<vmem>>, vector<16xf32>,
      tpu.vector_store %arg9[%swap3A_437], %broadcast_in_dim3A_436 {strides = array<i32>} : memref<832xf32, #tpu.memory_space<vmem>>, vector<16xf32>,
      %broadcast_in_dim3A_439 = arith.constant 0xFF800000 : f32
      %broadcast_in_dim3A_440 = vector.broadcast %broadcast_in_dim3A_439 : f32 to vector<16xf32>
      %swap3A_441 = arith.constant 768 : index
      %swap3A_442 = tpu.vector_load %arg8[%swap3A_441] {strides = array<i32>} : memref<832xf32, #tpu.memory_space<vmem>>, vector<16xf32>,
      tpu.vector_store %arg8[%swap3A_441], %broadcast_in_dim3A_440 {strides = array<i32>} : memref<832xf32, #tpu.memory_space<vmem>>, vector<16xf32>,
      %broadcast_in_dim3A_443 = arith.constant 0.000000e+00 : f32
      %broadcast_in_dim3A_444 = vector.broadcast %broadcast_in_dim3A_443 : f32 to vector<16xf32>
      %swap3A_445 = arith.constant 768 : index
      %swap3A_446 = tpu.vector_load %arg9[%swap3A_445] {strides = array<i32>} : memref<832xf32, #tpu.memory_space<vmem>>, vector<16xf32>,
      tpu.vector_store %arg9[%swap3A_445], %broadcast_in_dim3A_444 {strides = array<i32>} : memref<832xf32, #tpu.memory_space<vmem>>, vector<16xf32>,
      %broadcast_in_dim3A_447 = arith.constant 0xFF800000 : f32
      %broadcast_in_dim3A_448 = vector.broadcast %broadcast_in_dim3A_447 : f32 to vector<16xf32>
      %swap3A_449 = arith.constant 784 : index
      %swap3A_450 = tpu.vector_load %arg8[%swap3A_449] {strides = array<i32>} : memref<832xf32, #tpu.memory_space<vmem>>, vector<16xf32>,
      tpu.vector_store %arg8[%swap3A_449], %broadcast_in_dim3A_448 {strides = array<i32>} : memref<832xf32, #tpu.memory_space<vmem>>, vector<16xf32>,
      %broadcast_in_dim3A_451 = arith.constant 0.000000e+00 : f32
      %broadcast_in_dim3A_452 = vector.broadcast %broadcast_in_dim3A_451 : f32 to vector<16xf32>
      %swap3A_453 = arith.constant 784 : index
      %swap3A_454 = tpu.vector_load %arg9[%swap3A_453] {strides = array<i32>} : memref<832xf32, #tpu.memory_space<vmem>>, vector<16xf32>,
      tpu.vector_store %arg9[%swap3A_453], %broadcast_in_dim3A_452 {strides = array<i32>} : memref<832xf32, #tpu.memory_space<vmem>>, vector<16xf32>,
      %broadcast_in_dim3A_455 = arith.constant 0xFF800000 : f32
      %broadcast_in_dim3A_456 = vector.broadcast %broadcast_in_dim3A_455 : f32 to vector<16xf32>
      %swap3A_457 = arith.constant 800 : index
      %swap3A_458 = tpu.vector_load %arg8[%swap3A_457] {strides = array<i32>} : memref<832xf32, #tpu.memory_space<vmem>>, vector<16xf32>,
      tpu.vector_store %arg8[%swap3A_457], %broadcast_in_dim3A_456 {strides = array<i32>} : memref<832xf32, #tpu.memory_space<vmem>>, vector<16xf32>,
      %broadcast_in_dim3A_459 = arith.constant 0.000000e+00 : f32
      %broadcast_in_dim3A_460 = vector.broadcast %broadcast_in_dim3A_459 : f32 to vector<16xf32>
      %swap3A_461 = arith.constant 800 : index
      %swap3A_462 = tpu.vector_load %arg9[%swap3A_461] {strides = array<i32>} : memref<832xf32, #tpu.memory_space<vmem>>, vector<16xf32>,
      tpu.vector_store %arg9[%swap3A_461], %broadcast_in_dim3A_460 {strides = array<i32>} : memref<832xf32, #tpu.memory_space<vmem>>, vector<16xf32>,
      %broadcast_in_dim3A_463 = arith.constant 0xFF800000 : f32
      %broadcast_in_dim3A_464 = vector.broadcast %broadcast_in_dim3A_463 : f32 to vector<16xf32>
      %swap3A_465 = arith.constant 816 : index
      %swap3A_466 = tpu.vector_load %arg8[%swap3A_465] {strides = array<i32>} : memref<832xf32, #tpu.memory_space<vmem>>, vector<16xf32>,
      tpu.vector_store %arg8[%swap3A_465], %broadcast_in_dim3A_464 {strides = array<i32>} : memref<832xf32, #tpu.memory_space<vmem>>, vector<16xf32>,
      %broadcast_in_dim3A_467 = arith.constant 0.000000e+00 : f32
      %broadcast_in_dim3A_468 = vector.broadcast %broadcast_in_dim3A_467 : f32 to vector<16xf32>
      %swap3A_469 = arith.constant 816 : index
      %swap3A_470 = tpu.vector_load %arg9[%swap3A_469] {strides = array<i32>} : memref<832xf32, #tpu.memory_space<vmem>>, vector<16xf32>,
      tpu.vector_store %arg9[%swap3A_469], %broadcast_in_dim3A_468 {strides = array<i32>} : memref<832xf32, #tpu.memory_space<vmem>>, vector<16xf32>,
      %sub3A_471 = arith.constant 0 : i32
      %sub3A_472 = arith.subi %select_n3A, %sub3A_471 : i32
      %sub3A_473 = arith.constant 1 : i32
      %sub3A_474 = arith.constant 1 : i32
      %sub3A_475 = arith.subi %sub3A_473, %sub3A_474 : i32
      %add3A_476 = arith.addi %sub3A_472, %sub3A_475 : i32
      %div3A_477 = arith.constant 1 : i32
      %div3A_478 = arith.divsi %add3A_476, %div3A_477 : i32
      %while3A = arith.constant 1 : i32
      %while3A_479 = arith.constant 0 : i32
      %while3A_480 = arith.constant 0 : i32
      %while3A_481 = arith.subi %div3A_478, %while3A_480 : i32
      %while3A_482 = arith.addi %while3A_480, %while3A_481 : i32
      %while3A_483 = arith.constant 1 : i32
      %while3A_484 = arith.divsi %while3A_481, %while3A_483 : i32
      %while3A_485 = arith.muli %while3A_484, %while3A_483 : i32
      %while3A_486 = arith.addi %while3A_480, %while3A_485 : i32
      %while3A_487 = arith.constant 1 : i32
      scf.for %while3A_489 = %while3A_480 to %while3A_486 step %while3A_487  : i32 {
        %mul3A_490 = arith.muli %while3A_489, %while3A : i32
        %add3A_491 = arith.addi %while3A_479, %mul3A_490 : i32
        %mul3A_492 = arith.constant 16 : i32
        %mul3A_493 = arith.muli %add3A_491, %mul3A_492 : i32
        %add3A_494 = arith.addi %sub3A, %mul3A_493 : i32
        "tpu.region"() ({
          %run_scoped3A = tpu.sem_alloc : memref<!tpu.dma_semaphore, #tpu.memory_space<semaphore_mem>>
          %dma_start3A = arith.constant 0 : i32
          %dma_start3A_500 = tpu.memref_slice %arg2[%add3A_494, %dma_start3A] : memref<10112x832xf32, #tpu.memory_space<hbm>> -> memref<16x832xf32, #tpu.memory_space<hbm>>
          %dma_start3A_501 = arith.constant 0 : i32
          %dma_start3A_502 = tpu.memref_slice %arg2[%add3A_494, %dma_start3A_501] : memref<10112x832xf32, #tpu.memory_space<hbm>> -> memref<16x832xf32, #tpu.memory_space<hbm>>
          tpu.enqueue_dma source(%dma_start3A_502 : memref<16x832xf32, #tpu.memory_space<hbm>>) target(%arg7 : memref<16x832xf32, #tpu.memory_space<vmem>>) target_semaphore(%run_scoped3A : memref<!tpu.dma_semaphore, #tpu.memory_space<semaphore_mem>>)
          %dma_wait3A = arith.constant 0 : i32
          %dma_wait3A_503 = tpu.memref_slice %arg2[%add3A_494, %dma_wait3A] : memref<10112x832xf32, #tpu.memory_space<hbm>> -> memref<16x832xf32, #tpu.memory_space<hbm>>
          %dma_wait3A_504 = arith.constant 0 : i32
          %dma_wait3A_505 = tpu.memref_slice %arg2[%add3A_494, %dma_wait3A_504] : memref<10112x832xf32, #tpu.memory_space<hbm>> -> memref<16x832xf32, #tpu.memory_space<hbm>>
          tpu.wait_dma2 semaphore(%run_scoped3A : memref<!tpu.dma_semaphore, #tpu.memory_space<semaphore_mem>>) src(%dma_wait3A_505 : memref<16x832xf32, #tpu.memory_space<hbm>>) dst(%arg7 : memref<16x832xf32, #tpu.memory_space<vmem>>)
          tpu.yield
        }) : () -> ()
        %scan3A_495 = arith.constant 0 : i32
        %scan3A_496 = arith.constant 16 : i32
        %scan3A_497 = arith.addi %scan3A_495, %scan3A_496 : i32
        %scan3A_498 = arith.constant 1 : i32
        scf.for %scan3A_500 = %scan3A_495 to %scan3A_497 step %scan3A_498  : i32 {
          %mul3A_501 = arith.constant 1 : i32
          %mul3A_502 = arith.muli %scan3A_500, %mul3A_501 : i32
          %add3A_503 = arith.constant 0 : i32
          %add3A_504 = arith.addi %add3A_503, %mul3A_502 : i32
          %add3A_505 = arith.addi %add3A_494, %add3A_504 : i32
          %ge3A = arith.cmpi sge, %add3A_505, %reduce_max3A_21 : i32
          %lt3A = arith.cmpi slt, %add3A_505, %reduce_max3A_34 : i32
          %and3A_506 = arith.andi %ge3A, %lt3A : i1
          %convert_element_type3A = arith.extui %and3A_506 : i1 to i32
          %cond3A = arith.constant 0 : i32
          %cond3A_507 = arith.cmpi ne, %convert_element_type3A, %cond3A : i32
          scf.if %cond3A_507 {
            %get3A_508 = arith.index_cast %add3A_504 : i32 to index
            %get3A_509 = arith.constant 0 : index
            %get3A_510 = tpu.vector_load %arg7[%get3A_508, %get3A_509] {strides = array<i32>} : memref<16x832xf32, #tpu.memory_space<vmem>>, vector<16xf32>,
            %get3A_511 = arith.constant 0 : index
            %get3A_512 = tpu.vector_load %arg8[%get3A_511] {strides = array<i32>} : memref<832xf32, #tpu.memory_space<vmem>>, vector<16xf32>,
            %max3A = arith.maximumf %get3A_512, %get3A_510 : vector<16xf32>
            %swap3A_513 = arith.constant 0 : index
            %swap3A_514 = tpu.vector_load %arg8[%swap3A_513] {strides = array<i32>} : memref<832xf32, #tpu.memory_space<vmem>>, vector<16xf32>,
            tpu.vector_store %arg8[%swap3A_513], %max3A {strides = array<i32>} : memref<832xf32, #tpu.memory_space<vmem>>, vector<16xf32>,
            %get3A_515 = arith.constant 0 : index
            %get3A_516 = tpu.vector_load %arg9[%get3A_515] {strides = array<i32>} : memref<832xf32, #tpu.memory_space<vmem>>, vector<16xf32>,
            %add3A_517 = arith.addf %get3A_516, %get3A_510 : vector<16xf32>
            %swap3A_518 = arith.constant 0 : index
            %swap3A_519 = tpu.vector_load %arg9[%swap3A_518] {strides = array<i32>} : memref<832xf32, #tpu.memory_space<vmem>>, vector<16xf32>,
            tpu.vector_store %arg9[%swap3A_518], %add3A_517 {strides = array<i32>} : memref<832xf32, #tpu.memory_space<vmem>>, vector<16xf32>,
            %get3A_520 = arith.index_cast %add3A_504 : i32 to index
            %get3A_521 = arith.constant 16 : index
            %get3A_522 = tpu.vector_load %arg7[%get3A_520, %get3A_521] {strides = array<i32>} : memref<16x832xf32, #tpu.memory_space<vmem>>, vector<16xf32>,
            %get3A_523 = arith.constant 16 : index
            %get3A_524 = tpu.vector_load %arg8[%get3A_523] {strides = array<i32>} : memref<832xf32, #tpu.memory_space<vmem>>, vector<16xf32>,
            %max3A_525 = arith.maximumf %get3A_524, %get3A_522 : vector<16xf32>
            %swap3A_526 = arith.constant 16 : index
            %swap3A_527 = tpu.vector_load %arg8[%swap3A_526] {strides = array<i32>} : memref<832xf32, #tpu.memory_space<vmem>>, vector<16xf32>,
            tpu.vector_store %arg8[%swap3A_526], %max3A_525 {strides = array<i32>} : memref<832xf32, #tpu.memory_space<vmem>>, vector<16xf32>,
            %get3A_528 = arith.constant 16 : index
            %get3A_529 = tpu.vector_load %arg9[%get3A_528] {strides = array<i32>} : memref<832xf32, #tpu.memory_space<vmem>>, vector<16xf32>,
            %add3A_530 = arith.addf %get3A_529, %get3A_522 : vector<16xf32>
            %swap3A_531 = arith.constant 16 : index
            %swap3A_532 = tpu.vector_load %arg9[%swap3A_531] {strides = array<i32>} : memref<832xf32, #tpu.memory_space<vmem>>, vector<16xf32>,
            tpu.vector_store %arg9[%swap3A_531], %add3A_530 {strides = array<i32>} : memref<832xf32, #tpu.memory_space<vmem>>, vector<16xf32>,
            %get3A_533 = arith.index_cast %add3A_504 : i32 to index
            %get3A_534 = arith.constant 32 : index
            %get3A_535 = tpu.vector_load %arg7[%get3A_533, %get3A_534] {strides = array<i32>} : memref<16x832xf32, #tpu.memory_space<vmem>>, vector<16xf32>,
            %get3A_536 = arith.constant 32 : index
            %get3A_537 = tpu.vector_load %arg8[%get3A_536] {strides = array<i32>} : memref<832xf32, #tpu.memory_space<vmem>>, vector<16xf32>,
            %max3A_538 = arith.maximumf %get3A_537, %get3A_535 : vector<16xf32>
            %swap3A_539 = arith.constant 32 : index
            %swap3A_540 = tpu.vector_load %arg8[%swap3A_539] {strides = array<i32>} : memref<832xf32, #tpu.memory_space<vmem>>, vector<16xf32>,
            tpu.vector_store %arg8[%swap3A_539], %max3A_538 {strides = array<i32>} : memref<832xf32, #tpu.memory_space<vmem>>, vector<16xf32>,
            %get3A_541 = arith.constant 32 : index
            %get3A_542 = tpu.vector_load %arg9[%get3A_541] {strides = array<i32>} : memref<832xf32, #tpu.memory_space<vmem>>, vector<16xf32>,
            %add3A_543 = arith.addf %get3A_542, %get3A_535 : vector<16xf32>
            %swap3A_544 = arith.constant 32 : index
            %swap3A_545 = tpu.vector_load %arg9[%swap3A_544] {strides = array<i32>} : memref<832xf32, #tpu.memory_space<vmem>>, vector<16xf32>,
            tpu.vector_store %arg9[%swap3A_544], %add3A_543 {strides = array<i32>} : memref<832xf32, #tpu.memory_space<vmem>>, vector<16xf32>,
            %get3A_546 = arith.index_cast %add3A_504 : i32 to index
            %get3A_547 = arith.constant 48 : index
            %get3A_548 = tpu.vector_load %arg7[%get3A_546, %get3A_547] {strides = array<i32>} : memref<16x832xf32, #tpu.memory_space<vmem>>, vector<16xf32>,
            %get3A_549 = arith.constant 48 : index
            %get3A_550 = tpu.vector_load %arg8[%get3A_549] {strides = array<i32>} : memref<832xf32, #tpu.memory_space<vmem>>, vector<16xf32>,
            %max3A_551 = arith.maximumf %get3A_550, %get3A_548 : vector<16xf32>
            %swap3A_552 = arith.constant 48 : index
            %swap3A_553 = tpu.vector_load %arg8[%swap3A_552] {strides = array<i32>} : memref<832xf32, #tpu.memory_space<vmem>>, vector<16xf32>,
            tpu.vector_store %arg8[%swap3A_552], %max3A_551 {strides = array<i32>} : memref<832xf32, #tpu.memory_space<vmem>>, vector<16xf32>,
            %get3A_554 = arith.constant 48 : index
            %get3A_555 = tpu.vector_load %arg9[%get3A_554] {strides = array<i32>} : memref<832xf32, #tpu.memory_space<vmem>>, vector<16xf32>,
            %add3A_556 = arith.addf %get3A_555, %get3A_548 : vector<16xf32>
            %swap3A_557 = arith.constant 48 : index
            %swap3A_558 = tpu.vector_load %arg9[%swap3A_557] {strides = array<i32>} : memref<832xf32, #tpu.memory_space<vmem>>, vector<16xf32>,
            tpu.vector_store %arg9[%swap3A_557], %add3A_556 {strides = array<i32>} : memref<832xf32, #tpu.memory_space<vmem>>, vector<16xf32>,
            %get3A_559 = arith.index_cast %add3A_504 : i32 to index
            %get3A_560 = arith.constant 64 : index
            %get3A_561 = tpu.vector_load %arg7[%get3A_559, %get3A_560] {strides = array<i32>} : memref<16x832xf32, #tpu.memory_space<vmem>>, vector<16xf32>,
            %get3A_562 = arith.constant 64 : index
            %get3A_563 = tpu.vector_load %arg8[%get3A_562] {strides = array<i32>} : memref<832xf32, #tpu.memory_space<vmem>>, vector<16xf32>,
            %max3A_564 = arith.maximumf %get3A_563, %get3A_561 : vector<16xf32>
            %swap3A_565 = arith.constant 64 : index
            %swap3A_566 = tpu.vector_load %arg8[%swap3A_565] {strides = array<i32>} : memref<832xf32, #tpu.memory_space<vmem>>, vector<16xf32>,
            tpu.vector_store %arg8[%swap3A_565], %max3A_564 {strides = array<i32>} : memref<832xf32, #tpu.memory_space<vmem>>, vector<16xf32>,
            %get3A_567 = arith.constant 64 : index
            %get3A_568 = tpu.vector_load %arg9[%get3A_567] {strides = array<i32>} : memref<832xf32, #tpu.memory_space<vmem>>, vector<16xf32>,
            %add3A_569 = arith.addf %get3A_568, %get3A_561 : vector<16xf32>
            %swap3A_570 = arith.constant 64 : index
            %swap3A_571 = tpu.vector_load %arg9[%swap3A_570] {strides = array<i32>} : memref<832xf32, #tpu.memory_space<vmem>>, vector<16xf32>,
            tpu.vector_store %arg9[%swap3A_570], %add3A_569 {strides = array<i32>} : memref<832xf32, #tpu.memory_space<vmem>>, vector<16xf32>,
            %get3A_572 = arith.index_cast %add3A_504 : i32 to index
            %get3A_573 = arith.constant 80 : index
            %get3A_574 = tpu.vector_load %arg7[%get3A_572, %get3A_573] {strides = array<i32>} : memref<16x832xf32, #tpu.memory_space<vmem>>, vector<16xf32>,
            %get3A_575 = arith.constant 80 : index
            %get3A_576 = tpu.vector_load %arg8[%get3A_575] {strides = array<i32>} : memref<832xf32, #tpu.memory_space<vmem>>, vector<16xf32>,
            %max3A_577 = arith.maximumf %get3A_576, %get3A_574 : vector<16xf32>
            %swap3A_578 = arith.constant 80 : index
            %swap3A_579 = tpu.vector_load %arg8[%swap3A_578] {strides = array<i32>} : memref<832xf32, #tpu.memory_space<vmem>>, vector<16xf32>,
            tpu.vector_store %arg8[%swap3A_578], %max3A_577 {strides = array<i32>} : memref<832xf32, #tpu.memory_space<vmem>>, vector<16xf32>,
            %get3A_580 = arith.constant 80 : index
            %get3A_581 = tpu.vector_load %arg9[%get3A_580] {strides = array<i32>} : memref<832xf32, #tpu.memory_space<vmem>>, vector<16xf32>,
            %add3A_582 = arith.addf %get3A_581, %get3A_574 : vector<16xf32>
            %swap3A_583 = arith.constant 80 : index
            %swap3A_584 = tpu.vector_load %arg9[%swap3A_583] {strides = array<i32>} : memref<832xf32, #tpu.memory_space<vmem>>, vector<16xf32>,
            tpu.vector_store %arg9[%swap3A_583], %add3A_582 {strides = array<i32>} : memref<832xf32, #tpu.memory_space<vmem>>, vector<16xf32>,
            %get3A_585 = arith.index_cast %add3A_504 : i32 to index
            %get3A_586 = arith.constant 96 : index
            %get3A_587 = tpu.vector_load %arg7[%get3A_585, %get3A_586] {strides = array<i32>} : memref<16x832xf32, #tpu.memory_space<vmem>>, vector<16xf32>,
            %get3A_588 = arith.constant 96 : index
            %get3A_589 = tpu.vector_load %arg8[%get3A_588] {strides = array<i32>} : memref<832xf32, #tpu.memory_space<vmem>>, vector<16xf32>,
            %max3A_590 = arith.maximumf %get3A_589, %get3A_587 : vector<16xf32>
            %swap3A_591 = arith.constant 96 : index
            %swap3A_592 = tpu.vector_load %arg8[%swap3A_591] {strides = array<i32>} : memref<832xf32, #tpu.memory_space<vmem>>, vector<16xf32>,
            tpu.vector_store %arg8[%swap3A_591], %max3A_590 {strides = array<i32>} : memref<832xf32, #tpu.memory_space<vmem>>, vector<16xf32>,
            %get3A_593 = arith.constant 96 : index
            %get3A_594 = tpu.vector_load %arg9[%get3A_593] {strides = array<i32>} : memref<832xf32, #tpu.memory_space<vmem>>, vector<16xf32>,
            %add3A_595 = arith.addf %get3A_594, %get3A_587 : vector<16xf32>
            %swap3A_596 = arith.constant 96 : index
            %swap3A_597 = tpu.vector_load %arg9[%swap3A_596] {strides = array<i32>} : memref<832xf32, #tpu.memory_space<vmem>>, vector<16xf32>,
            tpu.vector_store %arg9[%swap3A_596], %add3A_595 {strides = array<i32>} : memref<832xf32, #tpu.memory_space<vmem>>, vector<16xf32>,
            %get3A_598 = arith.index_cast %add3A_504 : i32 to index
            %get3A_599 = arith.constant 112 : index
            %get3A_600 = tpu.vector_load %arg7[%get3A_598, %get3A_599] {strides = array<i32>} : memref<16x832xf32, #tpu.memory_space<vmem>>, vector<16xf32>,
            %get3A_601 = arith.constant 112 : index
            %get3A_602 = tpu.vector_load %arg8[%get3A_601] {strides = array<i32>} : memref<832xf32, #tpu.memory_space<vmem>>, vector<16xf32>,
            %max3A_603 = arith.maximumf %get3A_602, %get3A_600 : vector<16xf32>
            %swap3A_604 = arith.constant 112 : index
            %swap3A_605 = tpu.vector_load %arg8[%swap3A_604] {strides = array<i32>} : memref<832xf32, #tpu.memory_space<vmem>>, vector<16xf32>,
            tpu.vector_store %arg8[%swap3A_604], %max3A_603 {strides = array<i32>} : memref<832xf32, #tpu.memory_space<vmem>>, vector<16xf32>,
            %get3A_606 = arith.constant 112 : index
            %get3A_607 = tpu.vector_load %arg9[%get3A_606] {strides = array<i32>} : memref<832xf32, #tpu.memory_space<vmem>>, vector<16xf32>,
            %add3A_608 = arith.addf %get3A_607, %get3A_600 : vector<16xf32>
            %swap3A_609 = arith.constant 112 : index
            %swap3A_610 = tpu.vector_load %arg9[%swap3A_609] {strides = array<i32>} : memref<832xf32, #tpu.memory_space<vmem>>, vector<16xf32>,
            tpu.vector_store %arg9[%swap3A_609], %add3A_608 {strides = array<i32>} : memref<832xf32, #tpu.memory_space<vmem>>, vector<16xf32>,
            %get3A_611 = arith.index_cast %add3A_504 : i32 to index
            %get3A_612 = arith.constant 128 : index
            %get3A_613 = tpu.vector_load %arg7[%get3A_611, %get3A_612] {strides = array<i32>} : memref<16x832xf32, #tpu.memory_space<vmem>>, vector<16xf32>,
            %get3A_614 = arith.constant 128 : index
            %get3A_615 = tpu.vector_load %arg8[%get3A_614] {strides = array<i32>} : memref<832xf32, #tpu.memory_space<vmem>>, vector<16xf32>,
            %max3A_616 = arith.maximumf %get3A_615, %get3A_613 : vector<16xf32>
            %swap3A_617 = arith.constant 128 : index
            %swap3A_618 = tpu.vector_load %arg8[%swap3A_617] {strides = array<i32>} : memref<832xf32, #tpu.memory_space<vmem>>, vector<16xf32>,
            tpu.vector_store %arg8[%swap3A_617], %max3A_616 {strides = array<i32>} : memref<832xf32, #tpu.memory_space<vmem>>, vector<16xf32>,
            %get3A_619 = arith.constant 128 : index
            %get3A_620 = tpu.vector_load %arg9[%get3A_619] {strides = array<i32>} : memref<832xf32, #tpu.memory_space<vmem>>, vector<16xf32>,
            %add3A_621 = arith.addf %get3A_620, %get3A_613 : vector<16xf32>
            %swap3A_622 = arith.constant 128 : index
            %swap3A_623 = tpu.vector_load %arg9[%swap3A_622] {strides = array<i32>} : memref<832xf32, #tpu.memory_space<vmem>>, vector<16xf32>,
            tpu.vector_store %arg9[%swap3A_622], %add3A_621 {strides = array<i32>} : memref<832xf32, #tpu.memory_space<vmem>>, vector<16xf32>,
            %get3A_624 = arith.index_cast %add3A_504 : i32 to index
            %get3A_625 = arith.constant 144 : index
            %get3A_626 = tpu.vector_load %arg7[%get3A_624, %get3A_625] {strides = array<i32>} : memref<16x832xf32, #tpu.memory_space<vmem>>, vector<16xf32>,
            %get3A_627 = arith.constant 144 : index
            %get3A_628 = tpu.vector_load %arg8[%get3A_627] {strides = array<i32>} : memref<832xf32, #tpu.memory_space<vmem>>, vector<16xf32>,
            %max3A_629 = arith.maximumf %get3A_628, %get3A_626 : vector<16xf32>
            %swap3A_630 = arith.constant 144 : index
            %swap3A_631 = tpu.vector_load %arg8[%swap3A_630] {strides = array<i32>} : memref<832xf32, #tpu.memory_space<vmem>>, vector<16xf32>,
            tpu.vector_store %arg8[%swap3A_630], %max3A_629 {strides = array<i32>} : memref<832xf32, #tpu.memory_space<vmem>>, vector<16xf32>,
            %get3A_632 = arith.constant 144 : index
            %get3A_633 = tpu.vector_load %arg9[%get3A_632] {strides = array<i32>} : memref<832xf32, #tpu.memory_space<vmem>>, vector<16xf32>,
            %add3A_634 = arith.addf %get3A_633, %get3A_626 : vector<16xf32>
            %swap3A_635 = arith.constant 144 : index
            %swap3A_636 = tpu.vector_load %arg9[%swap3A_635] {strides = array<i32>} : memref<832xf32, #tpu.memory_space<vmem>>, vector<16xf32>,
            tpu.vector_store %arg9[%swap3A_635], %add3A_634 {strides = array<i32>} : memref<832xf32, #tpu.memory_space<vmem>>, vector<16xf32>,
            %get3A_637 = arith.index_cast %add3A_504 : i32 to index
            %get3A_638 = arith.constant 160 : index
            %get3A_639 = tpu.vector_load %arg7[%get3A_637, %get3A_638] {strides = array<i32>} : memref<16x832xf32, #tpu.memory_space<vmem>>, vector<16xf32>,
            %get3A_640 = arith.constant 160 : index
            %get3A_641 = tpu.vector_load %arg8[%get3A_640] {strides = array<i32>} : memref<832xf32, #tpu.memory_space<vmem>>, vector<16xf32>,
            %max3A_642 = arith.maximumf %get3A_641, %get3A_639 : vector<16xf32>
            %swap3A_643 = arith.constant 160 : index
            %swap3A_644 = tpu.vector_load %arg8[%swap3A_643] {strides = array<i32>} : memref<832xf32, #tpu.memory_space<vmem>>, vector<16xf32>,
            tpu.vector_store %arg8[%swap3A_643], %max3A_642 {strides = array<i32>} : memref<832xf32, #tpu.memory_space<vmem>>, vector<16xf32>,
            %get3A_645 = arith.constant 160 : index
            %get3A_646 = tpu.vector_load %arg9[%get3A_645] {strides = array<i32>} : memref<832xf32, #tpu.memory_space<vmem>>, vector<16xf32>,
            %add3A_647 = arith.addf %get3A_646, %get3A_639 : vector<16xf32>
            %swap3A_648 = arith.constant 160 : index
            %swap3A_649 = tpu.vector_load %arg9[%swap3A_648] {strides = array<i32>} : memref<832xf32, #tpu.memory_space<vmem>>, vector<16xf32>,
            tpu.vector_store %arg9[%swap3A_648], %add3A_647 {strides = array<i32>} : memref<832xf32, #tpu.memory_space<vmem>>, vector<16xf32>,
            %get3A_650 = arith.index_cast %add3A_504 : i32 to index
            %get3A_651 = arith.constant 176 : index
            %get3A_652 = tpu.vector_load %arg7[%get3A_650, %get3A_651] {strides = array<i32>} : memref<16x832xf32, #tpu.memory_space<vmem>>, vector<16xf32>,
            %get3A_653 = arith.constant 176 : index
            %get3A_654 = tpu.vector_load %arg8[%get3A_653] {strides = array<i32>} : memref<832xf32, #tpu.memory_space<vmem>>, vector<16xf32>,
            %max3A_655 = arith.maximumf %get3A_654, %get3A_652 : vector<16xf32>
            %swap3A_656 = arith.constant 176 : index
            %swap3A_657 = tpu.vector_load %arg8[%swap3A_656] {strides = array<i32>} : memref<832xf32, #tpu.memory_space<vmem>>, vector<16xf32>,
            tpu.vector_store %arg8[%swap3A_656], %max3A_655 {strides = array<i32>} : memref<832xf32, #tpu.memory_space<vmem>>, vector<16xf32>,
            %get3A_658 = arith.constant 176 : index
            %get3A_659 = tpu.vector_load %arg9[%get3A_658] {strides = array<i32>} : memref<832xf32, #tpu.memory_space<vmem>>, vector<16xf32>,
            %add3A_660 = arith.addf %get3A_659, %get3A_652 : vector<16xf32>
            %swap3A_661 = arith.constant 176 : index
            %swap3A_662 = tpu.vector_load %arg9[%swap3A_661] {strides = array<i32>} : memref<832xf32, #tpu.memory_space<vmem>>, vector<16xf32>,
            tpu.vector_store %arg9[%swap3A_661], %add3A_660 {strides = array<i32>} : memref<832xf32, #tpu.memory_space<vmem>>, vector<16xf32>,
            %get3A_663 = arith.index_cast %add3A_504 : i32 to index
            %get3A_664 = arith.constant 192 : index
            %get3A_665 = tpu.vector_load %arg7[%get3A_663, %get3A_664] {strides = array<i32>} : memref<16x832xf32, #tpu.memory_space<vmem>>, vector<16xf32>,
            %get3A_666 = arith.constant 192 : index
            %get3A_667 = tpu.vector_load %arg8[%get3A_666] {strides = array<i32>} : memref<832xf32, #tpu.memory_space<vmem>>, vector<16xf32>,
            %max3A_668 = arith.maximumf %get3A_667, %get3A_665 : vector<16xf32>
            %swap3A_669 = arith.constant 192 : index
            %swap3A_670 = tpu.vector_load %arg8[%swap3A_669] {strides = array<i32>} : memref<832xf32, #tpu.memory_space<vmem>>, vector<16xf32>,
            tpu.vector_store %arg8[%swap3A_669], %max3A_668 {strides = array<i32>} : memref<832xf32, #tpu.memory_space<vmem>>, vector<16xf32>,
            %get3A_671 = arith.constant 192 : index
            %get3A_672 = tpu.vector_load %arg9[%get3A_671] {strides = array<i32>} : memref<832xf32, #tpu.memory_space<vmem>>, vector<16xf32>,
            %add3A_673 = arith.addf %get3A_672, %get3A_665 : vector<16xf32>
            %swap3A_674 = arith.constant 192 : index
            %swap3A_675 = tpu.vector_load %arg9[%swap3A_674] {strides = array<i32>} : memref<832xf32, #tpu.memory_space<vmem>>, vector<16xf32>,
            tpu.vector_store %arg9[%swap3A_674], %add3A_673 {strides = array<i32>} : memref<832xf32, #tpu.memory_space<vmem>>, vector<16xf32>,
            %get3A_676 = arith.index_cast %add3A_504 : i32 to index
            %get3A_677 = arith.constant 208 : index
            %get3A_678 = tpu.vector_load %arg7[%get3A_676, %get3A_677] {strides = array<i32>} : memref<16x832xf32, #tpu.memory_space<vmem>>, vector<16xf32>,
            %get3A_679 = arith.constant 208 : index
            %get3A_680 = tpu.vector_load %arg8[%get3A_679] {strides = array<i32>} : memref<832xf32, #tpu.memory_space<vmem>>, vector<16xf32>,
            %max3A_681 = arith.maximumf %get3A_680, %get3A_678 : vector<16xf32>
            %swap3A_682 = arith.constant 208 : index
            %swap3A_683 = tpu.vector_load %arg8[%swap3A_682] {strides = array<i32>} : memref<832xf32, #tpu.memory_space<vmem>>, vector<16xf32>,
            tpu.vector_store %arg8[%swap3A_682], %max3A_681 {strides = array<i32>} : memref<832xf32, #tpu.memory_space<vmem>>, vector<16xf32>,
            %get3A_684 = arith.constant 208 : index
            %get3A_685 = tpu.vector_load %arg9[%get3A_684] {strides = array<i32>} : memref<832xf32, #tpu.memory_space<vmem>>, vector<16xf32>,
            %add3A_686 = arith.addf %get3A_685, %get3A_678 : vector<16xf32>
            %swap3A_687 = arith.constant 208 : index
            %swap3A_688 = tpu.vector_load %arg9[%swap3A_687] {strides = array<i32>} : memref<832xf32, #tpu.memory_space<vmem>>, vector<16xf32>,
            tpu.vector_store %arg9[%swap3A_687], %add3A_686 {strides = array<i32>} : memref<832xf32, #tpu.memory_space<vmem>>, vector<16xf32>,
            %get3A_689 = arith.index_cast %add3A_504 : i32 to index
            %get3A_690 = arith.constant 224 : index
            %get3A_691 = tpu.vector_load %arg7[%get3A_689, %get3A_690] {strides = array<i32>} : memref<16x832xf32, #tpu.memory_space<vmem>>, vector<16xf32>,
            %get3A_692 = arith.constant 224 : index
            %get3A_693 = tpu.vector_load %arg8[%get3A_692] {strides = array<i32>} : memref<832xf32, #tpu.memory_space<vmem>>, vector<16xf32>,
            %max3A_694 = arith.maximumf %get3A_693, %get3A_691 : vector<16xf32>
            %swap3A_695 = arith.constant 224 : index
            %swap3A_696 = tpu.vector_load %arg8[%swap3A_695] {strides = array<i32>} : memref<832xf32, #tpu.memory_space<vmem>>, vector<16xf32>,
            tpu.vector_store %arg8[%swap3A_695], %max3A_694 {strides = array<i32>} : memref<832xf32, #tpu.memory_space<vmem>>, vector<16xf32>,
            %get3A_697 = arith.constant 224 : index
            %get3A_698 = tpu.vector_load %arg9[%get3A_697] {strides = array<i32>} : memref<832xf32, #tpu.memory_space<vmem>>, vector<16xf32>,
            %add3A_699 = arith.addf %get3A_698, %get3A_691 : vector<16xf32>
            %swap3A_700 = arith.constant 224 : index
            %swap3A_701 = tpu.vector_load %arg9[%swap3A_700] {strides = array<i32>} : memref<832xf32, #tpu.memory_space<vmem>>, vector<16xf32>,
            tpu.vector_store %arg9[%swap3A_700], %add3A_699 {strides = array<i32>} : memref<832xf32, #tpu.memory_space<vmem>>, vector<16xf32>,
            %get3A_702 = arith.index_cast %add3A_504 : i32 to index
            %get3A_703 = arith.constant 240 : index
            %get3A_704 = tpu.vector_load %arg7[%get3A_702, %get3A_703] {strides = array<i32>} : memref<16x832xf32, #tpu.memory_space<vmem>>, vector<16xf32>,
            %get3A_705 = arith.constant 240 : index
            %get3A_706 = tpu.vector_load %arg8[%get3A_705] {strides = array<i32>} : memref<832xf32, #tpu.memory_space<vmem>>, vector<16xf32>,
            %max3A_707 = arith.maximumf %get3A_706, %get3A_704 : vector<16xf32>
            %swap3A_708 = arith.constant 240 : index
            %swap3A_709 = tpu.vector_load %arg8[%swap3A_708] {strides = array<i32>} : memref<832xf32, #tpu.memory_space<vmem>>, vector<16xf32>,
            tpu.vector_store %arg8[%swap3A_708], %max3A_707 {strides = array<i32>} : memref<832xf32, #tpu.memory_space<vmem>>, vector<16xf32>,
            %get3A_710 = arith.constant 240 : index
            %get3A_711 = tpu.vector_load %arg9[%get3A_710] {strides = array<i32>} : memref<832xf32, #tpu.memory_space<vmem>>, vector<16xf32>,
            %add3A_712 = arith.addf %get3A_711, %get3A_704 : vector<16xf32>
            %swap3A_713 = arith.constant 240 : index
            %swap3A_714 = tpu.vector_load %arg9[%swap3A_713] {strides = array<i32>} : memref<832xf32, #tpu.memory_space<vmem>>, vector<16xf32>,
            tpu.vector_store %arg9[%swap3A_713], %add3A_712 {strides = array<i32>} : memref<832xf32, #tpu.memory_space<vmem>>, vector<16xf32>,
            %get3A_715 = arith.index_cast %add3A_504 : i32 to index
            %get3A_716 = arith.constant 256 : index
            %get3A_717 = tpu.vector_load %arg7[%get3A_715, %get3A_716] {strides = array<i32>} : memref<16x832xf32, #tpu.memory_space<vmem>>, vector<16xf32>,
            %get3A_718 = arith.constant 256 : index
            %get3A_719 = tpu.vector_load %arg8[%get3A_718] {strides = array<i32>} : memref<832xf32, #tpu.memory_space<vmem>>, vector<16xf32>,
            %max3A_720 = arith.maximumf %get3A_719, %get3A_717 : vector<16xf32>
            %swap3A_721 = arith.constant 256 : index
            %swap3A_722 = tpu.vector_load %arg8[%swap3A_721] {strides = array<i32>} : memref<832xf32, #tpu.memory_space<vmem>>, vector<16xf32>,
            tpu.vector_store %arg8[%swap3A_721], %max3A_720 {strides = array<i32>} : memref<832xf32, #tpu.memory_space<vmem>>, vector<16xf32>,
            %get3A_723 = arith.constant 256 : index
            %get3A_724 = tpu.vector_load %arg9[%get3A_723] {strides = array<i32>} : memref<832xf32, #tpu.memory_space<vmem>>, vector<16xf32>,
            %add3A_725 = arith.addf %get3A_724, %get3A_717 : vector<16xf32>
            %swap3A_726 = arith.constant 256 : index
            %swap3A_727 = tpu.vector_load %arg9[%swap3A_726] {strides = array<i32>} : memref<832xf32, #tpu.memory_space<vmem>>, vector<16xf32>,
            tpu.vector_store %arg9[%swap3A_726], %add3A_725 {strides = array<i32>} : memref<832xf32, #tpu.memory_space<vmem>>, vector<16xf32>,
            %get3A_728 = arith.index_cast %add3A_504 : i32 to index
            %get3A_729 = arith.constant 272 : index
            %get3A_730 = tpu.vector_load %arg7[%get3A_728, %get3A_729] {strides = array<i32>} : memref<16x832xf32, #tpu.memory_space<vmem>>, vector<16xf32>,
            %get3A_731 = arith.constant 272 : index
            %get3A_732 = tpu.vector_load %arg8[%get3A_731] {strides = array<i32>} : memref<832xf32, #tpu.memory_space<vmem>>, vector<16xf32>,
            %max3A_733 = arith.maximumf %get3A_732, %get3A_730 : vector<16xf32>
            %swap3A_734 = arith.constant 272 : index
            %swap3A_735 = tpu.vector_load %arg8[%swap3A_734] {strides = array<i32>} : memref<832xf32, #tpu.memory_space<vmem>>, vector<16xf32>,
            tpu.vector_store %arg8[%swap3A_734], %max3A_733 {strides = array<i32>} : memref<832xf32, #tpu.memory_space<vmem>>, vector<16xf32>,
            %get3A_736 = arith.constant 272 : index
            %get3A_737 = tpu.vector_load %arg9[%get3A_736] {strides = array<i32>} : memref<832xf32, #tpu.memory_space<vmem>>, vector<16xf32>,
            %add3A_738 = arith.addf %get3A_737, %get3A_730 : vector<16xf32>
            %swap3A_739 = arith.constant 272 : index
            %swap3A_740 = tpu.vector_load %arg9[%swap3A_739] {strides = array<i32>} : memref<832xf32, #tpu.memory_space<vmem>>, vector<16xf32>,
            tpu.vector_store %arg9[%swap3A_739], %add3A_738 {strides = array<i32>} : memref<832xf32, #tpu.memory_space<vmem>>, vector<16xf32>,
            %get3A_741 = arith.index_cast %add3A_504 : i32 to index
            %get3A_742 = arith.constant 288 : index
            %get3A_743 = tpu.vector_load %arg7[%get3A_741, %get3A_742] {strides = array<i32>} : memref<16x832xf32, #tpu.memory_space<vmem>>, vector<16xf32>,
            %get3A_744 = arith.constant 288 : index
            %get3A_745 = tpu.vector_load %arg8[%get3A_744] {strides = array<i32>} : memref<832xf32, #tpu.memory_space<vmem>>, vector<16xf32>,
            %max3A_746 = arith.maximumf %get3A_745, %get3A_743 : vector<16xf32>
            %swap3A_747 = arith.constant 288 : index
            %swap3A_748 = tpu.vector_load %arg8[%swap3A_747] {strides = array<i32>} : memref<832xf32, #tpu.memory_space<vmem>>, vector<16xf32>,
            tpu.vector_store %arg8[%swap3A_747], %max3A_746 {strides = array<i32>} : memref<832xf32, #tpu.memory_space<vmem>>, vector<16xf32>,
            %get3A_749 = arith.constant 288 : index
            %get3A_750 = tpu.vector_load %arg9[%get3A_749] {strides = array<i32>} : memref<832xf32, #tpu.memory_space<vmem>>, vector<16xf32>,
            %add3A_751 = arith.addf %get3A_750, %get3A_743 : vector<16xf32>
            %swap3A_752 = arith.constant 288 : index
            %swap3A_753 = tpu.vector_load %arg9[%swap3A_752] {strides = array<i32>} : memref<832xf32, #tpu.memory_space<vmem>>, vector<16xf32>,
            tpu.vector_store %arg9[%swap3A_752], %add3A_751 {strides = array<i32>} : memref<832xf32, #tpu.memory_space<vmem>>, vector<16xf32>,
            %get3A_754 = arith.index_cast %add3A_504 : i32 to index
            %get3A_755 = arith.constant 304 : index
            %get3A_756 = tpu.vector_load %arg7[%get3A_754, %get3A_755] {strides = array<i32>} : memref<16x832xf32, #tpu.memory_space<vmem>>, vector<16xf32>,
            %get3A_757 = arith.constant 304 : index
            %get3A_758 = tpu.vector_load %arg8[%get3A_757] {strides = array<i32>} : memref<832xf32, #tpu.memory_space<vmem>>, vector<16xf32>,
            %max3A_759 = arith.maximumf %get3A_758, %get3A_756 : vector<16xf32>
            %swap3A_760 = arith.constant 304 : index
            %swap3A_761 = tpu.vector_load %arg8[%swap3A_760] {strides = array<i32>} : memref<832xf32, #tpu.memory_space<vmem>>, vector<16xf32>,
            tpu.vector_store %arg8[%swap3A_760], %max3A_759 {strides = array<i32>} : memref<832xf32, #tpu.memory_space<vmem>>, vector<16xf32>,
            %get3A_762 = arith.constant 304 : index
            %get3A_763 = tpu.vector_load %arg9[%get3A_762] {strides = array<i32>} : memref<832xf32, #tpu.memory_space<vmem>>, vector<16xf32>,
            %add3A_764 = arith.addf %get3A_763, %get3A_756 : vector<16xf32>
            %swap3A_765 = arith.constant 304 : index
            %swap3A_766 = tpu.vector_load %arg9[%swap3A_765] {strides = array<i32>} : memref<832xf32, #tpu.memory_space<vmem>>, vector<16xf32>,
            tpu.vector_store %arg9[%swap3A_765], %add3A_764 {strides = array<i32>} : memref<832xf32, #tpu.memory_space<vmem>>, vector<16xf32>,
            %get3A_767 = arith.index_cast %add3A_504 : i32 to index
            %get3A_768 = arith.constant 320 : index
            %get3A_769 = tpu.vector_load %arg7[%get3A_767, %get3A_768] {strides = array<i32>} : memref<16x832xf32, #tpu.memory_space<vmem>>, vector<16xf32>,
            %get3A_770 = arith.constant 320 : index
            %get3A_771 = tpu.vector_load %arg8[%get3A_770] {strides = array<i32>} : memref<832xf32, #tpu.memory_space<vmem>>, vector<16xf32>,
            %max3A_772 = arith.maximumf %get3A_771, %get3A_769 : vector<16xf32>
            %swap3A_773 = arith.constant 320 : index
            %swap3A_774 = tpu.vector_load %arg8[%swap3A_773] {strides = array<i32>} : memref<832xf32, #tpu.memory_space<vmem>>, vector<16xf32>,
            tpu.vector_store %arg8[%swap3A_773], %max3A_772 {strides = array<i32>} : memref<832xf32, #tpu.memory_space<vmem>>, vector<16xf32>,
            %get3A_775 = arith.constant 320 : index
            %get3A_776 = tpu.vector_load %arg9[%get3A_775] {strides = array<i32>} : memref<832xf32, #tpu.memory_space<vmem>>, vector<16xf32>,
            %add3A_777 = arith.addf %get3A_776, %get3A_769 : vector<16xf32>
            %swap3A_778 = arith.constant 320 : index
            %swap3A_779 = tpu.vector_load %arg9[%swap3A_778] {strides = array<i32>} : memref<832xf32, #tpu.memory_space<vmem>>, vector<16xf32>,
            tpu.vector_store %arg9[%swap3A_778], %add3A_777 {strides = array<i32>} : memref<832xf32, #tpu.memory_space<vmem>>, vector<16xf32>,
            %get3A_780 = arith.index_cast %add3A_504 : i32 to index
            %get3A_781 = arith.constant 336 : index
            %get3A_782 = tpu.vector_load %arg7[%get3A_780, %get3A_781] {strides = array<i32>} : memref<16x832xf32, #tpu.memory_space<vmem>>, vector<16xf32>,
            %get3A_783 = arith.constant 336 : index
            %get3A_784 = tpu.vector_load %arg8[%get3A_783] {strides = array<i32>} : memref<832xf32, #tpu.memory_space<vmem>>, vector<16xf32>,
            %max3A_785 = arith.maximumf %get3A_784, %get3A_782 : vector<16xf32>
            %swap3A_786 = arith.constant 336 : index
            %swap3A_787 = tpu.vector_load %arg8[%swap3A_786] {strides = array<i32>} : memref<832xf32, #tpu.memory_space<vmem>>, vector<16xf32>,
            tpu.vector_store %arg8[%swap3A_786], %max3A_785 {strides = array<i32>} : memref<832xf32, #tpu.memory_space<vmem>>, vector<16xf32>,
            %get3A_788 = arith.constant 336 : index
            %get3A_789 = tpu.vector_load %arg9[%get3A_788] {strides = array<i32>} : memref<832xf32, #tpu.memory_space<vmem>>, vector<16xf32>,
            %add3A_790 = arith.addf %get3A_789, %get3A_782 : vector<16xf32>
            %swap3A_791 = arith.constant 336 : index
            %swap3A_792 = tpu.vector_load %arg9[%swap3A_791] {strides = array<i32>} : memref<832xf32, #tpu.memory_space<vmem>>, vector<16xf32>,
            tpu.vector_store %arg9[%swap3A_791], %add3A_790 {strides = array<i32>} : memref<832xf32, #tpu.memory_space<vmem>>, vector<16xf32>,
            %get3A_793 = arith.index_cast %add3A_504 : i32 to index
            %get3A_794 = arith.constant 352 : index
            %get3A_795 = tpu.vector_load %arg7[%get3A_793, %get3A_794] {strides = array<i32>} : memref<16x832xf32, #tpu.memory_space<vmem>>, vector<16xf32>,
            %get3A_796 = arith.constant 352 : index
            %get3A_797 = tpu.vector_load %arg8[%get3A_796] {strides = array<i32>} : memref<832xf32, #tpu.memory_space<vmem>>, vector<16xf32>,
            %max3A_798 = arith.maximumf %get3A_797, %get3A_795 : vector<16xf32>
            %swap3A_799 = arith.constant 352 : index
            %swap3A_800 = tpu.vector_load %arg8[%swap3A_799] {strides = array<i32>} : memref<832xf32, #tpu.memory_space<vmem>>, vector<16xf32>,
            tpu.vector_store %arg8[%swap3A_799], %max3A_798 {strides = array<i32>} : memref<832xf32, #tpu.memory_space<vmem>>, vector<16xf32>,
            %get3A_801 = arith.constant 352 : index
            %get3A_802 = tpu.vector_load %arg9[%get3A_801] {strides = array<i32>} : memref<832xf32, #tpu.memory_space<vmem>>, vector<16xf32>,
            %add3A_803 = arith.addf %get3A_802, %get3A_795 : vector<16xf32>
            %swap3A_804 = arith.constant 352 : index
            %swap3A_805 = tpu.vector_load %arg9[%swap3A_804] {strides = array<i32>} : memref<832xf32, #tpu.memory_space<vmem>>, vector<16xf32>,
            tpu.vector_store %arg9[%swap3A_804], %add3A_803 {strides = array<i32>} : memref<832xf32, #tpu.memory_space<vmem>>, vector<16xf32>,
            %get3A_806 = arith.index_cast %add3A_504 : i32 to index
            %get3A_807 = arith.constant 368 : index
            %get3A_808 = tpu.vector_load %arg7[%get3A_806, %get3A_807] {strides = array<i32>} : memref<16x832xf32, #tpu.memory_space<vmem>>, vector<16xf32>,
            %get3A_809 = arith.constant 368 : index
            %get3A_810 = tpu.vector_load %arg8[%get3A_809] {strides = array<i32>} : memref<832xf32, #tpu.memory_space<vmem>>, vector<16xf32>,
            %max3A_811 = arith.maximumf %get3A_810, %get3A_808 : vector<16xf32>
            %swap3A_812 = arith.constant 368 : index
            %swap3A_813 = tpu.vector_load %arg8[%swap3A_812] {strides = array<i32>} : memref<832xf32, #tpu.memory_space<vmem>>, vector<16xf32>,
            tpu.vector_store %arg8[%swap3A_812], %max3A_811 {strides = array<i32>} : memref<832xf32, #tpu.memory_space<vmem>>, vector<16xf32>,
            %get3A_814 = arith.constant 368 : index
            %get3A_815 = tpu.vector_load %arg9[%get3A_814] {strides = array<i32>} : memref<832xf32, #tpu.memory_space<vmem>>, vector<16xf32>,
            %add3A_816 = arith.addf %get3A_815, %get3A_808 : vector<16xf32>
            %swap3A_817 = arith.constant 368 : index
            %swap3A_818 = tpu.vector_load %arg9[%swap3A_817] {strides = array<i32>} : memref<832xf32, #tpu.memory_space<vmem>>, vector<16xf32>,
            tpu.vector_store %arg9[%swap3A_817], %add3A_816 {strides = array<i32>} : memref<832xf32, #tpu.memory_space<vmem>>, vector<16xf32>,
            %get3A_819 = arith.index_cast %add3A_504 : i32 to index
            %get3A_820 = arith.constant 384 : index
            %get3A_821 = tpu.vector_load %arg7[%get3A_819, %get3A_820] {strides = array<i32>} : memref<16x832xf32, #tpu.memory_space<vmem>>, vector<16xf32>,
            %get3A_822 = arith.constant 384 : index
            %get3A_823 = tpu.vector_load %arg8[%get3A_822] {strides = array<i32>} : memref<832xf32, #tpu.memory_space<vmem>>, vector<16xf32>,
            %max3A_824 = arith.maximumf %get3A_823, %get3A_821 : vector<16xf32>
            %swap3A_825 = arith.constant 384 : index
            %swap3A_826 = tpu.vector_load %arg8[%swap3A_825] {strides = array<i32>} : memref<832xf32, #tpu.memory_space<vmem>>, vector<16xf32>,
            tpu.vector_store %arg8[%swap3A_825], %max3A_824 {strides = array<i32>} : memref<832xf32, #tpu.memory_space<vmem>>, vector<16xf32>,
            %get3A_827 = arith.constant 384 : index
            %get3A_828 = tpu.vector_load %arg9[%get3A_827] {strides = array<i32>} : memref<832xf32, #tpu.memory_space<vmem>>, vector<16xf32>,
            %add3A_829 = arith.addf %get3A_828, %get3A_821 : vector<16xf32>
            %swap3A_830 = arith.constant 384 : index
            %swap3A_831 = tpu.vector_load %arg9[%swap3A_830] {strides = array<i32>} : memref<832xf32, #tpu.memory_space<vmem>>, vector<16xf32>,
            tpu.vector_store %arg9[%swap3A_830], %add3A_829 {strides = array<i32>} : memref<832xf32, #tpu.memory_space<vmem>>, vector<16xf32>,
            %get3A_832 = arith.index_cast %add3A_504 : i32 to index
            %get3A_833 = arith.constant 400 : index
            %get3A_834 = tpu.vector_load %arg7[%get3A_832, %get3A_833] {strides = array<i32>} : memref<16x832xf32, #tpu.memory_space<vmem>>, vector<16xf32>,
            %get3A_835 = arith.constant 400 : index
            %get3A_836 = tpu.vector_load %arg8[%get3A_835] {strides = array<i32>} : memref<832xf32, #tpu.memory_space<vmem>>, vector<16xf32>,
            %max3A_837 = arith.maximumf %get3A_836, %get3A_834 : vector<16xf32>
            %swap3A_838 = arith.constant 400 : index
            %swap3A_839 = tpu.vector_load %arg8[%swap3A_838] {strides = array<i32>} : memref<832xf32, #tpu.memory_space<vmem>>, vector<16xf32>,
            tpu.vector_store %arg8[%swap3A_838], %max3A_837 {strides = array<i32>} : memref<832xf32, #tpu.memory_space<vmem>>, vector<16xf32>,
            %get3A_840 = arith.constant 400 : index
            %get3A_841 = tpu.vector_load %arg9[%get3A_840] {strides = array<i32>} : memref<832xf32, #tpu.memory_space<vmem>>, vector<16xf32>,
            %add3A_842 = arith.addf %get3A_841, %get3A_834 : vector<16xf32>
            %swap3A_843 = arith.constant 400 : index
            %swap3A_844 = tpu.vector_load %arg9[%swap3A_843] {strides = array<i32>} : memref<832xf32, #tpu.memory_space<vmem>>, vector<16xf32>,
            tpu.vector_store %arg9[%swap3A_843], %add3A_842 {strides = array<i32>} : memref<832xf32, #tpu.memory_space<vmem>>, vector<16xf32>,
            %get3A_845 = arith.index_cast %add3A_504 : i32 to index
            %get3A_846 = arith.constant 416 : index
            %get3A_847 = tpu.vector_load %arg7[%get3A_845, %get3A_846] {strides = array<i32>} : memref<16x832xf32, #tpu.memory_space<vmem>>, vector<16xf32>,
            %get3A_848 = arith.constant 416 : index
            %get3A_849 = tpu.vector_load %arg8[%get3A_848] {strides = array<i32>} : memref<832xf32, #tpu.memory_space<vmem>>, vector<16xf32>,
            %max3A_850 = arith.maximumf %get3A_849, %get3A_847 : vector<16xf32>
            %swap3A_851 = arith.constant 416 : index
            %swap3A_852 = tpu.vector_load %arg8[%swap3A_851] {strides = array<i32>} : memref<832xf32, #tpu.memory_space<vmem>>, vector<16xf32>,
            tpu.vector_store %arg8[%swap3A_851], %max3A_850 {strides = array<i32>} : memref<832xf32, #tpu.memory_space<vmem>>, vector<16xf32>,
            %get3A_853 = arith.constant 416 : index
            %get3A_854 = tpu.vector_load %arg9[%get3A_853] {strides = array<i32>} : memref<832xf32, #tpu.memory_space<vmem>>, vector<16xf32>,
            %add3A_855 = arith.addf %get3A_854, %get3A_847 : vector<16xf32>
            %swap3A_856 = arith.constant 416 : index
            %swap3A_857 = tpu.vector_load %arg9[%swap3A_856] {strides = array<i32>} : memref<832xf32, #tpu.memory_space<vmem>>, vector<16xf32>,
            tpu.vector_store %arg9[%swap3A_856], %add3A_855 {strides = array<i32>} : memref<832xf32, #tpu.memory_space<vmem>>, vector<16xf32>,
            %get3A_858 = arith.index_cast %add3A_504 : i32 to index
            %get3A_859 = arith.constant 432 : index
            %get3A_860 = tpu.vector_load %arg7[%get3A_858, %get3A_859] {strides = array<i32>} : memref<16x832xf32, #tpu.memory_space<vmem>>, vector<16xf32>,
            %get3A_861 = arith.constant 432 : index
            %get3A_862 = tpu.vector_load %arg8[%get3A_861] {strides = array<i32>} : memref<832xf32, #tpu.memory_space<vmem>>, vector<16xf32>,
            %max3A_863 = arith.maximumf %get3A_862, %get3A_860 : vector<16xf32>
            %swap3A_864 = arith.constant 432 : index
            %swap3A_865 = tpu.vector_load %arg8[%swap3A_864] {strides = array<i32>} : memref<832xf32, #tpu.memory_space<vmem>>, vector<16xf32>,
            tpu.vector_store %arg8[%swap3A_864], %max3A_863 {strides = array<i32>} : memref<832xf32, #tpu.memory_space<vmem>>, vector<16xf32>,
            %get3A_866 = arith.constant 432 : index
            %get3A_867 = tpu.vector_load %arg9[%get3A_866] {strides = array<i32>} : memref<832xf32, #tpu.memory_space<vmem>>, vector<16xf32>,
            %add3A_868 = arith.addf %get3A_867, %get3A_860 : vector<16xf32>
            %swap3A_869 = arith.constant 432 : index
            %swap3A_870 = tpu.vector_load %arg9[%swap3A_869] {strides = array<i32>} : memref<832xf32, #tpu.memory_space<vmem>>, vector<16xf32>,
            tpu.vector_store %arg9[%swap3A_869], %add3A_868 {strides = array<i32>} : memref<832xf32, #tpu.memory_space<vmem>>, vector<16xf32>,
            %get3A_871 = arith.index_cast %add3A_504 : i32 to index
            %get3A_872 = arith.constant 448 : index
            %get3A_873 = tpu.vector_load %arg7[%get3A_871, %get3A_872] {strides = array<i32>} : memref<16x832xf32, #tpu.memory_space<vmem>>, vector<16xf32>,
            %get3A_874 = arith.constant 448 : index
            %get3A_875 = tpu.vector_load %arg8[%get3A_874] {strides = array<i32>} : memref<832xf32, #tpu.memory_space<vmem>>, vector<16xf32>,
            %max3A_876 = arith.maximumf %get3A_875, %get3A_873 : vector<16xf32>
            %swap3A_877 = arith.constant 448 : index
            %swap3A_878 = tpu.vector_load %arg8[%swap3A_877] {strides = array<i32>} : memref<832xf32, #tpu.memory_space<vmem>>, vector<16xf32>,
            tpu.vector_store %arg8[%swap3A_877], %max3A_876 {strides = array<i32>} : memref<832xf32, #tpu.memory_space<vmem>>, vector<16xf32>,
            %get3A_879 = arith.constant 448 : index
            %get3A_880 = tpu.vector_load %arg9[%get3A_879] {strides = array<i32>} : memref<832xf32, #tpu.memory_space<vmem>>, vector<16xf32>,
            %add3A_881 = arith.addf %get3A_880, %get3A_873 : vector<16xf32>
            %swap3A_882 = arith.constant 448 : index
            %swap3A_883 = tpu.vector_load %arg9[%swap3A_882] {strides = array<i32>} : memref<832xf32, #tpu.memory_space<vmem>>, vector<16xf32>,
            tpu.vector_store %arg9[%swap3A_882], %add3A_881 {strides = array<i32>} : memref<832xf32, #tpu.memory_space<vmem>>, vector<16xf32>,
            %get3A_884 = arith.index_cast %add3A_504 : i32 to index
            %get3A_885 = arith.constant 464 : index
            %get3A_886 = tpu.vector_load %arg7[%get3A_884, %get3A_885] {strides = array<i32>} : memref<16x832xf32, #tpu.memory_space<vmem>>, vector<16xf32>,
            %get3A_887 = arith.constant 464 : index
            %get3A_888 = tpu.vector_load %arg8[%get3A_887] {strides = array<i32>} : memref<832xf32, #tpu.memory_space<vmem>>, vector<16xf32>,
            %max3A_889 = arith.maximumf %get3A_888, %get3A_886 : vector<16xf32>
            %swap3A_890 = arith.constant 464 : index
            %swap3A_891 = tpu.vector_load %arg8[%swap3A_890] {strides = array<i32>} : memref<832xf32, #tpu.memory_space<vmem>>, vector<16xf32>,
            tpu.vector_store %arg8[%swap3A_890], %max3A_889 {strides = array<i32>} : memref<832xf32, #tpu.memory_space<vmem>>, vector<16xf32>,
            %get3A_892 = arith.constant 464 : index
            %get3A_893 = tpu.vector_load %arg9[%get3A_892] {strides = array<i32>} : memref<832xf32, #tpu.memory_space<vmem>>, vector<16xf32>,
            %add3A_894 = arith.addf %get3A_893, %get3A_886 : vector<16xf32>
            %swap3A_895 = arith.constant 464 : index
            %swap3A_896 = tpu.vector_load %arg9[%swap3A_895] {strides = array<i32>} : memref<832xf32, #tpu.memory_space<vmem>>, vector<16xf32>,
            tpu.vector_store %arg9[%swap3A_895], %add3A_894 {strides = array<i32>} : memref<832xf32, #tpu.memory_space<vmem>>, vector<16xf32>,
            %get3A_897 = arith.index_cast %add3A_504 : i32 to index
            %get3A_898 = arith.constant 480 : index
            %get3A_899 = tpu.vector_load %arg7[%get3A_897, %get3A_898] {strides = array<i32>} : memref<16x832xf32, #tpu.memory_space<vmem>>, vector<16xf32>,
            %get3A_900 = arith.constant 480 : index
            %get3A_901 = tpu.vector_load %arg8[%get3A_900] {strides = array<i32>} : memref<832xf32, #tpu.memory_space<vmem>>, vector<16xf32>,
            %max3A_902 = arith.maximumf %get3A_901, %get3A_899 : vector<16xf32>
            %swap3A_903 = arith.constant 480 : index
            %swap3A_904 = tpu.vector_load %arg8[%swap3A_903] {strides = array<i32>} : memref<832xf32, #tpu.memory_space<vmem>>, vector<16xf32>,
            tpu.vector_store %arg8[%swap3A_903], %max3A_902 {strides = array<i32>} : memref<832xf32, #tpu.memory_space<vmem>>, vector<16xf32>,
            %get3A_905 = arith.constant 480 : index
            %get3A_906 = tpu.vector_load %arg9[%get3A_905] {strides = array<i32>} : memref<832xf32, #tpu.memory_space<vmem>>, vector<16xf32>,
            %add3A_907 = arith.addf %get3A_906, %get3A_899 : vector<16xf32>
            %swap3A_908 = arith.constant 480 : index
            %swap3A_909 = tpu.vector_load %arg9[%swap3A_908] {strides = array<i32>} : memref<832xf32, #tpu.memory_space<vmem>>, vector<16xf32>,
            tpu.vector_store %arg9[%swap3A_908], %add3A_907 {strides = array<i32>} : memref<832xf32, #tpu.memory_space<vmem>>, vector<16xf32>,
            %get3A_910 = arith.index_cast %add3A_504 : i32 to index
            %get3A_911 = arith.constant 496 : index
            %get3A_912 = tpu.vector_load %arg7[%get3A_910, %get3A_911] {strides = array<i32>} : memref<16x832xf32, #tpu.memory_space<vmem>>, vector<16xf32>,
            %get3A_913 = arith.constant 496 : index
            %get3A_914 = tpu.vector_load %arg8[%get3A_913] {strides = array<i32>} : memref<832xf32, #tpu.memory_space<vmem>>, vector<16xf32>,
            %max3A_915 = arith.maximumf %get3A_914, %get3A_912 : vector<16xf32>
            %swap3A_916 = arith.constant 496 : index
            %swap3A_917 = tpu.vector_load %arg8[%swap3A_916] {strides = array<i32>} : memref<832xf32, #tpu.memory_space<vmem>>, vector<16xf32>,
            tpu.vector_store %arg8[%swap3A_916], %max3A_915 {strides = array<i32>} : memref<832xf32, #tpu.memory_space<vmem>>, vector<16xf32>,
            %get3A_918 = arith.constant 496 : index
            %get3A_919 = tpu.vector_load %arg9[%get3A_918] {strides = array<i32>} : memref<832xf32, #tpu.memory_space<vmem>>, vector<16xf32>,
            %add3A_920 = arith.addf %get3A_919, %get3A_912 : vector<16xf32>
            %swap3A_921 = arith.constant 496 : index
            %swap3A_922 = tpu.vector_load %arg9[%swap3A_921] {strides = array<i32>} : memref<832xf32, #tpu.memory_space<vmem>>, vector<16xf32>,
            tpu.vector_store %arg9[%swap3A_921], %add3A_920 {strides = array<i32>} : memref<832xf32, #tpu.memory_space<vmem>>, vector<16xf32>,
            %get3A_923 = arith.index_cast %add3A_504 : i32 to index
            %get3A_924 = arith.constant 512 : index
            %get3A_925 = tpu.vector_load %arg7[%get3A_923, %get3A_924] {strides = array<i32>} : memref<16x832xf32, #tpu.memory_space<vmem>>, vector<16xf32>,
            %get3A_926 = arith.constant 512 : index
            %get3A_927 = tpu.vector_load %arg8[%get3A_926] {strides = array<i32>} : memref<832xf32, #tpu.memory_space<vmem>>, vector<16xf32>,
            %max3A_928 = arith.maximumf %get3A_927, %get3A_925 : vector<16xf32>
            %swap3A_929 = arith.constant 512 : index
            %swap3A_930 = tpu.vector_load %arg8[%swap3A_929] {strides = array<i32>} : memref<832xf32, #tpu.memory_space<vmem>>, vector<16xf32>,
            tpu.vector_store %arg8[%swap3A_929], %max3A_928 {strides = array<i32>} : memref<832xf32, #tpu.memory_space<vmem>>, vector<16xf32>,
            %get3A_931 = arith.constant 512 : index
            %get3A_932 = tpu.vector_load %arg9[%get3A_931] {strides = array<i32>} : memref<832xf32, #tpu.memory_space<vmem>>, vector<16xf32>,
            %add3A_933 = arith.addf %get3A_932, %get3A_925 : vector<16xf32>
            %swap3A_934 = arith.constant 512 : index
            %swap3A_935 = tpu.vector_load %arg9[%swap3A_934] {strides = array<i32>} : memref<832xf32, #tpu.memory_space<vmem>>, vector<16xf32>,
            tpu.vector_store %arg9[%swap3A_934], %add3A_933 {strides = array<i32>} : memref<832xf32, #tpu.memory_space<vmem>>, vector<16xf32>,
            %get3A_936 = arith.index_cast %add3A_504 : i32 to index
            %get3A_937 = arith.constant 528 : index
            %get3A_938 = tpu.vector_load %arg7[%get3A_936, %get3A_937] {strides = array<i32>} : memref<16x832xf32, #tpu.memory_space<vmem>>, vector<16xf32>,
            %get3A_939 = arith.constant 528 : index
            %get3A_940 = tpu.vector_load %arg8[%get3A_939] {strides = array<i32>} : memref<832xf32, #tpu.memory_space<vmem>>, vector<16xf32>,
            %max3A_941 = arith.maximumf %get3A_940, %get3A_938 : vector<16xf32>
            %swap3A_942 = arith.constant 528 : index
            %swap3A_943 = tpu.vector_load %arg8[%swap3A_942] {strides = array<i32>} : memref<832xf32, #tpu.memory_space<vmem>>, vector<16xf32>,
            tpu.vector_store %arg8[%swap3A_942], %max3A_941 {strides = array<i32>} : memref<832xf32, #tpu.memory_space<vmem>>, vector<16xf32>,
            %get3A_944 = arith.constant 528 : index
            %get3A_945 = tpu.vector_load %arg9[%get3A_944] {strides = array<i32>} : memref<832xf32, #tpu.memory_space<vmem>>, vector<16xf32>,
            %add3A_946 = arith.addf %get3A_945, %get3A_938 : vector<16xf32>
            %swap3A_947 = arith.constant 528 : index
            %swap3A_948 = tpu.vector_load %arg9[%swap3A_947] {strides = array<i32>} : memref<832xf32, #tpu.memory_space<vmem>>, vector<16xf32>,
            tpu.vector_store %arg9[%swap3A_947], %add3A_946 {strides = array<i32>} : memref<832xf32, #tpu.memory_space<vmem>>, vector<16xf32>,
            %get3A_949 = arith.index_cast %add3A_504 : i32 to index
            %get3A_950 = arith.constant 544 : index
            %get3A_951 = tpu.vector_load %arg7[%get3A_949, %get3A_950] {strides = array<i32>} : memref<16x832xf32, #tpu.memory_space<vmem>>, vector<16xf32>,
            %get3A_952 = arith.constant 544 : index
            %get3A_953 = tpu.vector_load %arg8[%get3A_952] {strides = array<i32>} : memref<832xf32, #tpu.memory_space<vmem>>, vector<16xf32>,
            %max3A_954 = arith.maximumf %get3A_953, %get3A_951 : vector<16xf32>
            %swap3A_955 = arith.constant 544 : index
            %swap3A_956 = tpu.vector_load %arg8[%swap3A_955] {strides = array<i32>} : memref<832xf32, #tpu.memory_space<vmem>>, vector<16xf32>,
            tpu.vector_store %arg8[%swap3A_955], %max3A_954 {strides = array<i32>} : memref<832xf32, #tpu.memory_space<vmem>>, vector<16xf32>,
            %get3A_957 = arith.constant 544 : index
            %get3A_958 = tpu.vector_load %arg9[%get3A_957] {strides = array<i32>} : memref<832xf32, #tpu.memory_space<vmem>>, vector<16xf32>,
            %add3A_959 = arith.addf %get3A_958, %get3A_951 : vector<16xf32>
            %swap3A_960 = arith.constant 544 : index
            %swap3A_961 = tpu.vector_load %arg9[%swap3A_960] {strides = array<i32>} : memref<832xf32, #tpu.memory_space<vmem>>, vector<16xf32>,
            tpu.vector_store %arg9[%swap3A_960], %add3A_959 {strides = array<i32>} : memref<832xf32, #tpu.memory_space<vmem>>, vector<16xf32>,
            %get3A_962 = arith.index_cast %add3A_504 : i32 to index
            %get3A_963 = arith.constant 560 : index
            %get3A_964 = tpu.vector_load %arg7[%get3A_962, %get3A_963] {strides = array<i32>} : memref<16x832xf32, #tpu.memory_space<vmem>>, vector<16xf32>,
            %get3A_965 = arith.constant 560 : index
            %get3A_966 = tpu.vector_load %arg8[%get3A_965] {strides = array<i32>} : memref<832xf32, #tpu.memory_space<vmem>>, vector<16xf32>,
            %max3A_967 = arith.maximumf %get3A_966, %get3A_964 : vector<16xf32>
            %swap3A_968 = arith.constant 560 : index
            %swap3A_969 = tpu.vector_load %arg8[%swap3A_968] {strides = array<i32>} : memref<832xf32, #tpu.memory_space<vmem>>, vector<16xf32>,
            tpu.vector_store %arg8[%swap3A_968], %max3A_967 {strides = array<i32>} : memref<832xf32, #tpu.memory_space<vmem>>, vector<16xf32>,
            %get3A_970 = arith.constant 560 : index
            %get3A_971 = tpu.vector_load %arg9[%get3A_970] {strides = array<i32>} : memref<832xf32, #tpu.memory_space<vmem>>, vector<16xf32>,
            %add3A_972 = arith.addf %get3A_971, %get3A_964 : vector<16xf32>
            %swap3A_973 = arith.constant 560 : index
            %swap3A_974 = tpu.vector_load %arg9[%swap3A_973] {strides = array<i32>} : memref<832xf32, #tpu.memory_space<vmem>>, vector<16xf32>,
            tpu.vector_store %arg9[%swap3A_973], %add3A_972 {strides = array<i32>} : memref<832xf32, #tpu.memory_space<vmem>>, vector<16xf32>,
            %get3A_975 = arith.index_cast %add3A_504 : i32 to index
            %get3A_976 = arith.constant 576 : index
            %get3A_977 = tpu.vector_load %arg7[%get3A_975, %get3A_976] {strides = array<i32>} : memref<16x832xf32, #tpu.memory_space<vmem>>, vector<16xf32>,
            %get3A_978 = arith.constant 576 : index
            %get3A_979 = tpu.vector_load %arg8[%get3A_978] {strides = array<i32>} : memref<832xf32, #tpu.memory_space<vmem>>, vector<16xf32>,
            %max3A_980 = arith.maximumf %get3A_979, %get3A_977 : vector<16xf32>
            %swap3A_981 = arith.constant 576 : index
            %swap3A_982 = tpu.vector_load %arg8[%swap3A_981] {strides = array<i32>} : memref<832xf32, #tpu.memory_space<vmem>>, vector<16xf32>,
            tpu.vector_store %arg8[%swap3A_981], %max3A_980 {strides = array<i32>} : memref<832xf32, #tpu.memory_space<vmem>>, vector<16xf32>,
            %get3A_983 = arith.constant 576 : index
            %get3A_984 = tpu.vector_load %arg9[%get3A_983] {strides = array<i32>} : memref<832xf32, #tpu.memory_space<vmem>>, vector<16xf32>,
            %add3A_985 = arith.addf %get3A_984, %get3A_977 : vector<16xf32>
            %swap3A_986 = arith.constant 576 : index
            %swap3A_987 = tpu.vector_load %arg9[%swap3A_986] {strides = array<i32>} : memref<832xf32, #tpu.memory_space<vmem>>, vector<16xf32>,
            tpu.vector_store %arg9[%swap3A_986], %add3A_985 {strides = array<i32>} : memref<832xf32, #tpu.memory_space<vmem>>, vector<16xf32>,
            %get3A_988 = arith.index_cast %add3A_504 : i32 to index
            %get3A_989 = arith.constant 592 : index
            %get3A_990 = tpu.vector_load %arg7[%get3A_988, %get3A_989] {strides = array<i32>} : memref<16x832xf32, #tpu.memory_space<vmem>>, vector<16xf32>,
            %get3A_991 = arith.constant 592 : index
            %get3A_992 = tpu.vector_load %arg8[%get3A_991] {strides = array<i32>} : memref<832xf32, #tpu.memory_space<vmem>>, vector<16xf32>,
            %max3A_993 = arith.maximumf %get3A_992, %get3A_990 : vector<16xf32>
            %swap3A_994 = arith.constant 592 : index
            %swap3A_995 = tpu.vector_load %arg8[%swap3A_994] {strides = array<i32>} : memref<832xf32, #tpu.memory_space<vmem>>, vector<16xf32>,
            tpu.vector_store %arg8[%swap3A_994], %max3A_993 {strides = array<i32>} : memref<832xf32, #tpu.memory_space<vmem>>, vector<16xf32>,
            %get3A_996 = arith.constant 592 : index
            %get3A_997 = tpu.vector_load %arg9[%get3A_996] {strides = array<i32>} : memref<832xf32, #tpu.memory_space<vmem>>, vector<16xf32>,
            %add3A_998 = arith.addf %get3A_997, %get3A_990 : vector<16xf32>
            %swap3A_999 = arith.constant 592 : index
            %swap3A_1000 = tpu.vector_load %arg9[%swap3A_999] {strides = array<i32>} : memref<832xf32, #tpu.memory_space<vmem>>, vector<16xf32>,
            tpu.vector_store %arg9[%swap3A_999], %add3A_998 {strides = array<i32>} : memref<832xf32, #tpu.memory_space<vmem>>, vector<16xf32>,
            %get3A_1001 = arith.index_cast %add3A_504 : i32 to index
            %get3A_1002 = arith.constant 608 : index
            %get3A_1003 = tpu.vector_load %arg7[%get3A_1001, %get3A_1002] {strides = array<i32>} : memref<16x832xf32, #tpu.memory_space<vmem>>, vector<16xf32>,
            %get3A_1004 = arith.constant 608 : index
            %get3A_1005 = tpu.vector_load %arg8[%get3A_1004] {strides = array<i32>} : memref<832xf32, #tpu.memory_space<vmem>>, vector<16xf32>,
            %max3A_1006 = arith.maximumf %get3A_1005, %get3A_1003 : vector<16xf32>
            %swap3A_1007 = arith.constant 608 : index
            %swap3A_1008 = tpu.vector_load %arg8[%swap3A_1007] {strides = array<i32>} : memref<832xf32, #tpu.memory_space<vmem>>, vector<16xf32>,
            tpu.vector_store %arg8[%swap3A_1007], %max3A_1006 {strides = array<i32>} : memref<832xf32, #tpu.memory_space<vmem>>, vector<16xf32>,
            %get3A_1009 = arith.constant 608 : index
            %get3A_1010 = tpu.vector_load %arg9[%get3A_1009] {strides = array<i32>} : memref<832xf32, #tpu.memory_space<vmem>>, vector<16xf32>,
            %add3A_1011 = arith.addf %get3A_1010, %get3A_1003 : vector<16xf32>
            %swap3A_1012 = arith.constant 608 : index
            %swap3A_1013 = tpu.vector_load %arg9[%swap3A_1012] {strides = array<i32>} : memref<832xf32, #tpu.memory_space<vmem>>, vector<16xf32>,
            tpu.vector_store %arg9[%swap3A_1012], %add3A_1011 {strides = array<i32>} : memref<832xf32, #tpu.memory_space<vmem>>, vector<16xf32>,
            %get3A_1014 = arith.index_cast %add3A_504 : i32 to index
            %get3A_1015 = arith.constant 624 : index
            %get3A_1016 = tpu.vector_load %arg7[%get3A_1014, %get3A_1015] {strides = array<i32>} : memref<16x832xf32, #tpu.memory_space<vmem>>, vector<16xf32>,
            %get3A_1017 = arith.constant 624 : index
            %get3A_1018 = tpu.vector_load %arg8[%get3A_1017] {strides = array<i32>} : memref<832xf32, #tpu.memory_space<vmem>>, vector<16xf32>,
            %max3A_1019 = arith.maximumf %get3A_1018, %get3A_1016 : vector<16xf32>
            %swap3A_1020 = arith.constant 624 : index
            %swap3A_1021 = tpu.vector_load %arg8[%swap3A_1020] {strides = array<i32>} : memref<832xf32, #tpu.memory_space<vmem>>, vector<16xf32>,
            tpu.vector_store %arg8[%swap3A_1020], %max3A_1019 {strides = array<i32>} : memref<832xf32, #tpu.memory_space<vmem>>, vector<16xf32>,
            %get3A_1022 = arith.constant 624 : index
            %get3A_1023 = tpu.vector_load %arg9[%get3A_1022] {strides = array<i32>} : memref<832xf32, #tpu.memory_space<vmem>>, vector<16xf32>,
            %add3A_1024 = arith.addf %get3A_1023, %get3A_1016 : vector<16xf32>
            %swap3A_1025 = arith.constant 624 : index
            %swap3A_1026 = tpu.vector_load %arg9[%swap3A_1025] {strides = array<i32>} : memref<832xf32, #tpu.memory_space<vmem>>, vector<16xf32>,
            tpu.vector_store %arg9[%swap3A_1025], %add3A_1024 {strides = array<i32>} : memref<832xf32, #tpu.memory_space<vmem>>, vector<16xf32>,
            %get3A_1027 = arith.index_cast %add3A_504 : i32 to index
            %get3A_1028 = arith.constant 640 : index
            %get3A_1029 = tpu.vector_load %arg7[%get3A_1027, %get3A_1028] {strides = array<i32>} : memref<16x832xf32, #tpu.memory_space<vmem>>, vector<16xf32>,
            %get3A_1030 = arith.constant 640 : index
            %get3A_1031 = tpu.vector_load %arg8[%get3A_1030] {strides = array<i32>} : memref<832xf32, #tpu.memory_space<vmem>>, vector<16xf32>,
            %max3A_1032 = arith.maximumf %get3A_1031, %get3A_1029 : vector<16xf32>
            %swap3A_1033 = arith.constant 640 : index
            %swap3A_1034 = tpu.vector_load %arg8[%swap3A_1033] {strides = array<i32>} : memref<832xf32, #tpu.memory_space<vmem>>, vector<16xf32>,
            tpu.vector_store %arg8[%swap3A_1033], %max3A_1032 {strides = array<i32>} : memref<832xf32, #tpu.memory_space<vmem>>, vector<16xf32>,
            %get3A_1035 = arith.constant 640 : index
            %get3A_1036 = tpu.vector_load %arg9[%get3A_1035] {strides = array<i32>} : memref<832xf32, #tpu.memory_space<vmem>>, vector<16xf32>,
            %add3A_1037 = arith.addf %get3A_1036, %get3A_1029 : vector<16xf32>
            %swap3A_1038 = arith.constant 640 : index
            %swap3A_1039 = tpu.vector_load %arg9[%swap3A_1038] {strides = array<i32>} : memref<832xf32, #tpu.memory_space<vmem>>, vector<16xf32>,
            tpu.vector_store %arg9[%swap3A_1038], %add3A_1037 {strides = array<i32>} : memref<832xf32, #tpu.memory_space<vmem>>, vector<16xf32>,
            %get3A_1040 = arith.index_cast %add3A_504 : i32 to index
            %get3A_1041 = arith.constant 656 : index
            %get3A_1042 = tpu.vector_load %arg7[%get3A_1040, %get3A_1041] {strides = array<i32>} : memref<16x832xf32, #tpu.memory_space<vmem>>, vector<16xf32>,
            %get3A_1043 = arith.constant 656 : index
            %get3A_1044 = tpu.vector_load %arg8[%get3A_1043] {strides = array<i32>} : memref<832xf32, #tpu.memory_space<vmem>>, vector<16xf32>,
            %max3A_1045 = arith.maximumf %get3A_1044, %get3A_1042 : vector<16xf32>
            %swap3A_1046 = arith.constant 656 : index
            %swap3A_1047 = tpu.vector_load %arg8[%swap3A_1046] {strides = array<i32>} : memref<832xf32, #tpu.memory_space<vmem>>, vector<16xf32>,
            tpu.vector_store %arg8[%swap3A_1046], %max3A_1045 {strides = array<i32>} : memref<832xf32, #tpu.memory_space<vmem>>, vector<16xf32>,
            %get3A_1048 = arith.constant 656 : index
            %get3A_1049 = tpu.vector_load %arg9[%get3A_1048] {strides = array<i32>} : memref<832xf32, #tpu.memory_space<vmem>>, vector<16xf32>,
            %add3A_1050 = arith.addf %get3A_1049, %get3A_1042 : vector<16xf32>
            %swap3A_1051 = arith.constant 656 : index
            %swap3A_1052 = tpu.vector_load %arg9[%swap3A_1051] {strides = array<i32>} : memref<832xf32, #tpu.memory_space<vmem>>, vector<16xf32>,
            tpu.vector_store %arg9[%swap3A_1051], %add3A_1050 {strides = array<i32>} : memref<832xf32, #tpu.memory_space<vmem>>, vector<16xf32>,
            %get3A_1053 = arith.index_cast %add3A_504 : i32 to index
            %get3A_1054 = arith.constant 672 : index
            %get3A_1055 = tpu.vector_load %arg7[%get3A_1053, %get3A_1054] {strides = array<i32>} : memref<16x832xf32, #tpu.memory_space<vmem>>, vector<16xf32>,
            %get3A_1056 = arith.constant 672 : index
            %get3A_1057 = tpu.vector_load %arg8[%get3A_1056] {strides = array<i32>} : memref<832xf32, #tpu.memory_space<vmem>>, vector<16xf32>,
            %max3A_1058 = arith.maximumf %get3A_1057, %get3A_1055 : vector<16xf32>
            %swap3A_1059 = arith.constant 672 : index
            %swap3A_1060 = tpu.vector_load %arg8[%swap3A_1059] {strides = array<i32>} : memref<832xf32, #tpu.memory_space<vmem>>, vector<16xf32>,
            tpu.vector_store %arg8[%swap3A_1059], %max3A_1058 {strides = array<i32>} : memref<832xf32, #tpu.memory_space<vmem>>, vector<16xf32>,
            %get3A_1061 = arith.constant 672 : index
            %get3A_1062 = tpu.vector_load %arg9[%get3A_1061] {strides = array<i32>} : memref<832xf32, #tpu.memory_space<vmem>>, vector<16xf32>,
            %add3A_1063 = arith.addf %get3A_1062, %get3A_1055 : vector<16xf32>
            %swap3A_1064 = arith.constant 672 : index
            %swap3A_1065 = tpu.vector_load %arg9[%swap3A_1064] {strides = array<i32>} : memref<832xf32, #tpu.memory_space<vmem>>, vector<16xf32>,
            tpu.vector_store %arg9[%swap3A_1064], %add3A_1063 {strides = array<i32>} : memref<832xf32, #tpu.memory_space<vmem>>, vector<16xf32>,
            %get3A_1066 = arith.index_cast %add3A_504 : i32 to index
            %get3A_1067 = arith.constant 688 : index
            %get3A_1068 = tpu.vector_load %arg7[%get3A_1066, %get3A_1067] {strides = array<i32>} : memref<16x832xf32, #tpu.memory_space<vmem>>, vector<16xf32>,
            %get3A_1069 = arith.constant 688 : index
            %get3A_1070 = tpu.vector_load %arg8[%get3A_1069] {strides = array<i32>} : memref<832xf32, #tpu.memory_space<vmem>>, vector<16xf32>,
            %max3A_1071 = arith.maximumf %get3A_1070, %get3A_1068 : vector<16xf32>
            %swap3A_1072 = arith.constant 688 : index
            %swap3A_1073 = tpu.vector_load %arg8[%swap3A_1072] {strides = array<i32>} : memref<832xf32, #tpu.memory_space<vmem>>, vector<16xf32>,
            tpu.vector_store %arg8[%swap3A_1072], %max3A_1071 {strides = array<i32>} : memref<832xf32, #tpu.memory_space<vmem>>, vector<16xf32>,
            %get3A_1074 = arith.constant 688 : index
            %get3A_1075 = tpu.vector_load %arg9[%get3A_1074] {strides = array<i32>} : memref<832xf32, #tpu.memory_space<vmem>>, vector<16xf32>,
            %add3A_1076 = arith.addf %get3A_1075, %get3A_1068 : vector<16xf32>
            %swap3A_1077 = arith.constant 688 : index
            %swap3A_1078 = tpu.vector_load %arg9[%swap3A_1077] {strides = array<i32>} : memref<832xf32, #tpu.memory_space<vmem>>, vector<16xf32>,
            tpu.vector_store %arg9[%swap3A_1077], %add3A_1076 {strides = array<i32>} : memref<832xf32, #tpu.memory_space<vmem>>, vector<16xf32>,
            %get3A_1079 = arith.index_cast %add3A_504 : i32 to index
            %get3A_1080 = arith.constant 704 : index
            %get3A_1081 = tpu.vector_load %arg7[%get3A_1079, %get3A_1080] {strides = array<i32>} : memref<16x832xf32, #tpu.memory_space<vmem>>, vector<16xf32>,
            %get3A_1082 = arith.constant 704 : index
            %get3A_1083 = tpu.vector_load %arg8[%get3A_1082] {strides = array<i32>} : memref<832xf32, #tpu.memory_space<vmem>>, vector<16xf32>,
            %max3A_1084 = arith.maximumf %get3A_1083, %get3A_1081 : vector<16xf32>
            %swap3A_1085 = arith.constant 704 : index
            %swap3A_1086 = tpu.vector_load %arg8[%swap3A_1085] {strides = array<i32>} : memref<832xf32, #tpu.memory_space<vmem>>, vector<16xf32>,
            tpu.vector_store %arg8[%swap3A_1085], %max3A_1084 {strides = array<i32>} : memref<832xf32, #tpu.memory_space<vmem>>, vector<16xf32>,
            %get3A_1087 = arith.constant 704 : index
            %get3A_1088 = tpu.vector_load %arg9[%get3A_1087] {strides = array<i32>} : memref<832xf32, #tpu.memory_space<vmem>>, vector<16xf32>,
            %add3A_1089 = arith.addf %get3A_1088, %get3A_1081 : vector<16xf32>
            %swap3A_1090 = arith.constant 704 : index
            %swap3A_1091 = tpu.vector_load %arg9[%swap3A_1090] {strides = array<i32>} : memref<832xf32, #tpu.memory_space<vmem>>, vector<16xf32>,
            tpu.vector_store %arg9[%swap3A_1090], %add3A_1089 {strides = array<i32>} : memref<832xf32, #tpu.memory_space<vmem>>, vector<16xf32>,
            %get3A_1092 = arith.index_cast %add3A_504 : i32 to index
            %get3A_1093 = arith.constant 720 : index
            %get3A_1094 = tpu.vector_load %arg7[%get3A_1092, %get3A_1093] {strides = array<i32>} : memref<16x832xf32, #tpu.memory_space<vmem>>, vector<16xf32>,
            %get3A_1095 = arith.constant 720 : index
            %get3A_1096 = tpu.vector_load %arg8[%get3A_1095] {strides = array<i32>} : memref<832xf32, #tpu.memory_space<vmem>>, vector<16xf32>,
            %max3A_1097 = arith.maximumf %get3A_1096, %get3A_1094 : vector<16xf32>
            %swap3A_1098 = arith.constant 720 : index
            %swap3A_1099 = tpu.vector_load %arg8[%swap3A_1098] {strides = array<i32>} : memref<832xf32, #tpu.memory_space<vmem>>, vector<16xf32>,
            tpu.vector_store %arg8[%swap3A_1098], %max3A_1097 {strides = array<i32>} : memref<832xf32, #tpu.memory_space<vmem>>, vector<16xf32>,
            %get3A_1100 = arith.constant 720 : index
            %get3A_1101 = tpu.vector_load %arg9[%get3A_1100] {strides = array<i32>} : memref<832xf32, #tpu.memory_space<vmem>>, vector<16xf32>,
            %add3A_1102 = arith.addf %get3A_1101, %get3A_1094 : vector<16xf32>
            %swap3A_1103 = arith.constant 720 : index
            %swap3A_1104 = tpu.vector_load %arg9[%swap3A_1103] {strides = array<i32>} : memref<832xf32, #tpu.memory_space<vmem>>, vector<16xf32>,
            tpu.vector_store %arg9[%swap3A_1103], %add3A_1102 {strides = array<i32>} : memref<832xf32, #tpu.memory_space<vmem>>, vector<16xf32>,
            %get3A_1105 = arith.index_cast %add3A_504 : i32 to index
            %get3A_1106 = arith.constant 736 : index
            %get3A_1107 = tpu.vector_load %arg7[%get3A_1105, %get3A_1106] {strides = array<i32>} : memref<16x832xf32, #tpu.memory_space<vmem>>, vector<16xf32>,
            %get3A_1108 = arith.constant 736 : index
            %get3A_1109 = tpu.vector_load %arg8[%get3A_1108] {strides = array<i32>} : memref<832xf32, #tpu.memory_space<vmem>>, vector<16xf32>,
            %max3A_1110 = arith.maximumf %get3A_1109, %get3A_1107 : vector<16xf32>
            %swap3A_1111 = arith.constant 736 : index
            %swap3A_1112 = tpu.vector_load %arg8[%swap3A_1111] {strides = array<i32>} : memref<832xf32, #tpu.memory_space<vmem>>, vector<16xf32>,
            tpu.vector_store %arg8[%swap3A_1111], %max3A_1110 {strides = array<i32>} : memref<832xf32, #tpu.memory_space<vmem>>, vector<16xf32>,
            %get3A_1113 = arith.constant 736 : index
            %get3A_1114 = tpu.vector_load %arg9[%get3A_1113] {strides = array<i32>} : memref<832xf32, #tpu.memory_space<vmem>>, vector<16xf32>,
            %add3A_1115 = arith.addf %get3A_1114, %get3A_1107 : vector<16xf32>
            %swap3A_1116 = arith.constant 736 : index
            %swap3A_1117 = tpu.vector_load %arg9[%swap3A_1116] {strides = array<i32>} : memref<832xf32, #tpu.memory_space<vmem>>, vector<16xf32>,
            tpu.vector_store %arg9[%swap3A_1116], %add3A_1115 {strides = array<i32>} : memref<832xf32, #tpu.memory_space<vmem>>, vector<16xf32>,
            %get3A_1118 = arith.index_cast %add3A_504 : i32 to index
            %get3A_1119 = arith.constant 752 : index
            %get3A_1120 = tpu.vector_load %arg7[%get3A_1118, %get3A_1119] {strides = array<i32>} : memref<16x832xf32, #tpu.memory_space<vmem>>, vector<16xf32>,
            %get3A_1121 = arith.constant 752 : index
            %get3A_1122 = tpu.vector_load %arg8[%get3A_1121] {strides = array<i32>} : memref<832xf32, #tpu.memory_space<vmem>>, vector<16xf32>,
            %max3A_1123 = arith.maximumf %get3A_1122, %get3A_1120 : vector<16xf32>
            %swap3A_1124 = arith.constant 752 : index
            %swap3A_1125 = tpu.vector_load %arg8[%swap3A_1124] {strides = array<i32>} : memref<832xf32, #tpu.memory_space<vmem>>, vector<16xf32>,
            tpu.vector_store %arg8[%swap3A_1124], %max3A_1123 {strides = array<i32>} : memref<832xf32, #tpu.memory_space<vmem>>, vector<16xf32>,
            %get3A_1126 = arith.constant 752 : index
            %get3A_1127 = tpu.vector_load %arg9[%get3A_1126] {strides = array<i32>} : memref<832xf32, #tpu.memory_space<vmem>>, vector<16xf32>,
            %add3A_1128 = arith.addf %get3A_1127, %get3A_1120 : vector<16xf32>
            %swap3A_1129 = arith.constant 752 : index
            %swap3A_1130 = tpu.vector_load %arg9[%swap3A_1129] {strides = array<i32>} : memref<832xf32, #tpu.memory_space<vmem>>, vector<16xf32>,
            tpu.vector_store %arg9[%swap3A_1129], %add3A_1128 {strides = array<i32>} : memref<832xf32, #tpu.memory_space<vmem>>, vector<16xf32>,
            %get3A_1131 = arith.index_cast %add3A_504 : i32 to index
            %get3A_1132 = arith.constant 768 : index
            %get3A_1133 = tpu.vector_load %arg7[%get3A_1131, %get3A_1132] {strides = array<i32>} : memref<16x832xf32, #tpu.memory_space<vmem>>, vector<16xf32>,
            %get3A_1134 = arith.constant 768 : index
            %get3A_1135 = tpu.vector_load %arg8[%get3A_1134] {strides = array<i32>} : memref<832xf32, #tpu.memory_space<vmem>>, vector<16xf32>,
            %max3A_1136 = arith.maximumf %get3A_1135, %get3A_1133 : vector<16xf32>
            %swap3A_1137 = arith.constant 768 : index
            %swap3A_1138 = tpu.vector_load %arg8[%swap3A_1137] {strides = array<i32>} : memref<832xf32, #tpu.memory_space<vmem>>, vector<16xf32>,
            tpu.vector_store %arg8[%swap3A_1137], %max3A_1136 {strides = array<i32>} : memref<832xf32, #tpu.memory_space<vmem>>, vector<16xf32>,
            %get3A_1139 = arith.constant 768 : index
            %get3A_1140 = tpu.vector_load %arg9[%get3A_1139] {strides = array<i32>} : memref<832xf32, #tpu.memory_space<vmem>>, vector<16xf32>,
            %add3A_1141 = arith.addf %get3A_1140, %get3A_1133 : vector<16xf32>
            %swap3A_1142 = arith.constant 768 : index
            %swap3A_1143 = tpu.vector_load %arg9[%swap3A_1142] {strides = array<i32>} : memref<832xf32, #tpu.memory_space<vmem>>, vector<16xf32>,
            tpu.vector_store %arg9[%swap3A_1142], %add3A_1141 {strides = array<i32>} : memref<832xf32, #tpu.memory_space<vmem>>, vector<16xf32>,
            %get3A_1144 = arith.index_cast %add3A_504 : i32 to index
            %get3A_1145 = arith.constant 784 : index
            %get3A_1146 = tpu.vector_load %arg7[%get3A_1144, %get3A_1145] {strides = array<i32>} : memref<16x832xf32, #tpu.memory_space<vmem>>, vector<16xf32>,
            %get3A_1147 = arith.constant 784 : index
            %get3A_1148 = tpu.vector_load %arg8[%get3A_1147] {strides = array<i32>} : memref<832xf32, #tpu.memory_space<vmem>>, vector<16xf32>,
            %max3A_1149 = arith.maximumf %get3A_1148, %get3A_1146 : vector<16xf32>
            %swap3A_1150 = arith.constant 784 : index
            %swap3A_1151 = tpu.vector_load %arg8[%swap3A_1150] {strides = array<i32>} : memref<832xf32, #tpu.memory_space<vmem>>, vector<16xf32>,
            tpu.vector_store %arg8[%swap3A_1150], %max3A_1149 {strides = array<i32>} : memref<832xf32, #tpu.memory_space<vmem>>, vector<16xf32>,
            %get3A_1152 = arith.constant 784 : index
            %get3A_1153 = tpu.vector_load %arg9[%get3A_1152] {strides = array<i32>} : memref<832xf32, #tpu.memory_space<vmem>>, vector<16xf32>,
            %add3A_1154 = arith.addf %get3A_1153, %get3A_1146 : vector<16xf32>
            %swap3A_1155 = arith.constant 784 : index
            %swap3A_1156 = tpu.vector_load %arg9[%swap3A_1155] {strides = array<i32>} : memref<832xf32, #tpu.memory_space<vmem>>, vector<16xf32>,
            tpu.vector_store %arg9[%swap3A_1155], %add3A_1154 {strides = array<i32>} : memref<832xf32, #tpu.memory_space<vmem>>, vector<16xf32>,
            %get3A_1157 = arith.index_cast %add3A_504 : i32 to index
            %get3A_1158 = arith.constant 800 : index
            %get3A_1159 = tpu.vector_load %arg7[%get3A_1157, %get3A_1158] {strides = array<i32>} : memref<16x832xf32, #tpu.memory_space<vmem>>, vector<16xf32>,
            %get3A_1160 = arith.constant 800 : index
            %get3A_1161 = tpu.vector_load %arg8[%get3A_1160] {strides = array<i32>} : memref<832xf32, #tpu.memory_space<vmem>>, vector<16xf32>,
            %max3A_1162 = arith.maximumf %get3A_1161, %get3A_1159 : vector<16xf32>
            %swap3A_1163 = arith.constant 800 : index
            %swap3A_1164 = tpu.vector_load %arg8[%swap3A_1163] {strides = array<i32>} : memref<832xf32, #tpu.memory_space<vmem>>, vector<16xf32>,
            tpu.vector_store %arg8[%swap3A_1163], %max3A_1162 {strides = array<i32>} : memref<832xf32, #tpu.memory_space<vmem>>, vector<16xf32>,
            %get3A_1165 = arith.constant 800 : index
            %get3A_1166 = tpu.vector_load %arg9[%get3A_1165] {strides = array<i32>} : memref<832xf32, #tpu.memory_space<vmem>>, vector<16xf32>,
            %add3A_1167 = arith.addf %get3A_1166, %get3A_1159 : vector<16xf32>
            %swap3A_1168 = arith.constant 800 : index
            %swap3A_1169 = tpu.vector_load %arg9[%swap3A_1168] {strides = array<i32>} : memref<832xf32, #tpu.memory_space<vmem>>, vector<16xf32>,
            tpu.vector_store %arg9[%swap3A_1168], %add3A_1167 {strides = array<i32>} : memref<832xf32, #tpu.memory_space<vmem>>, vector<16xf32>,
            %get3A_1170 = arith.index_cast %add3A_504 : i32 to index
            %get3A_1171 = arith.constant 816 : index
            %get3A_1172 = tpu.vector_load %arg7[%get3A_1170, %get3A_1171] {strides = array<i32>} : memref<16x832xf32, #tpu.memory_space<vmem>>, vector<16xf32>,
            %get3A_1173 = arith.constant 816 : index
            %get3A_1174 = tpu.vector_load %arg8[%get3A_1173] {strides = array<i32>} : memref<832xf32, #tpu.memory_space<vmem>>, vector<16xf32>,
            %max3A_1175 = arith.maximumf %get3A_1174, %get3A_1172 : vector<16xf32>
            %swap3A_1176 = arith.constant 816 : index
            %swap3A_1177 = tpu.vector_load %arg8[%swap3A_1176] {strides = array<i32>} : memref<832xf32, #tpu.memory_space<vmem>>, vector<16xf32>,
            tpu.vector_store %arg8[%swap3A_1176], %max3A_1175 {strides = array<i32>} : memref<832xf32, #tpu.memory_space<vmem>>, vector<16xf32>,
            %get3A_1178 = arith.constant 816 : index
            %get3A_1179 = tpu.vector_load %arg9[%get3A_1178] {strides = array<i32>} : memref<832xf32, #tpu.memory_space<vmem>>, vector<16xf32>,
            %add3A_1180 = arith.addf %get3A_1179, %get3A_1172 : vector<16xf32>
            %swap3A_1181 = arith.constant 816 : index
            %swap3A_1182 = tpu.vector_load %arg9[%swap3A_1181] {strides = array<i32>} : memref<832xf32, #tpu.memory_space<vmem>>, vector<16xf32>,
            tpu.vector_store %arg9[%swap3A_1181], %add3A_1180 {strides = array<i32>} : memref<832xf32, #tpu.memory_space<vmem>>, vector<16xf32>,
          } else {
          }
        }
        %scan3A_499 = arith.constant 16 : i32
      }
      %while3A_488 = arith.constant 1 : i32
      scf.for %while3A_489 = %while3A_486 to %while3A_482 step %while3A_488  : i32 {
        %mul3A_490 = arith.muli %while3A_489, %while3A : i32
        %add3A_491 = arith.addi %while3A_479, %mul3A_490 : i32
        %mul3A_492 = arith.constant 16 : i32
        %mul3A_493 = arith.muli %add3A_491, %mul3A_492 : i32
        %add3A_494 = arith.addi %sub3A, %mul3A_493 : i32
        "tpu.region"() ({
          %run_scoped3A = tpu.sem_alloc : memref<!tpu.dma_semaphore, #tpu.memory_space<semaphore_mem>>
          %dma_start3A = arith.constant 0 : i32
          %dma_start3A_500 = tpu.memref_slice %arg2[%add3A_494, %dma_start3A] : memref<10112x832xf32, #tpu.memory_space<hbm>> -> memref<16x832xf32, #tpu.memory_space<hbm>>
          %dma_start3A_501 = arith.constant 0 : i32
          %dma_start3A_502 = tpu.memref_slice %arg2[%add3A_494, %dma_start3A_501] : memref<10112x832xf32, #tpu.memory_space<hbm>> -> memref<16x832xf32, #tpu.memory_space<hbm>>
          tpu.enqueue_dma source(%dma_start3A_502 : memref<16x832xf32, #tpu.memory_space<hbm>>) target(%arg7 : memref<16x832xf32, #tpu.memory_space<vmem>>) target_semaphore(%run_scoped3A : memref<!tpu.dma_semaphore, #tpu.memory_space<semaphore_mem>>)
          %dma_wait3A = arith.constant 0 : i32
          %dma_wait3A_503 = tpu.memref_slice %arg2[%add3A_494, %dma_wait3A] : memref<10112x832xf32, #tpu.memory_space<hbm>> -> memref<16x832xf32, #tpu.memory_space<hbm>>
          %dma_wait3A_504 = arith.constant 0 : i32
          %dma_wait3A_505 = tpu.memref_slice %arg2[%add3A_494, %dma_wait3A_504] : memref<10112x832xf32, #tpu.memory_space<hbm>> -> memref<16x832xf32, #tpu.memory_space<hbm>>
          tpu.wait_dma2 semaphore(%run_scoped3A : memref<!tpu.dma_semaphore, #tpu.memory_space<semaphore_mem>>) src(%dma_wait3A_505 : memref<16x832xf32, #tpu.memory_space<hbm>>) dst(%arg7 : memref<16x832xf32, #tpu.memory_space<vmem>>)
          tpu.yield
        }) : () -> ()
        %scan3A_495 = arith.constant 0 : i32
        %scan3A_496 = arith.constant 16 : i32
        %scan3A_497 = arith.addi %scan3A_495, %scan3A_496 : i32
        %scan3A_498 = arith.constant 1 : i32
        scf.for %scan3A_500 = %scan3A_495 to %scan3A_497 step %scan3A_498  : i32 {
          %mul3A_501 = arith.constant 1 : i32
          %mul3A_502 = arith.muli %scan3A_500, %mul3A_501 : i32
          %add3A_503 = arith.constant 0 : i32
          %add3A_504 = arith.addi %add3A_503, %mul3A_502 : i32
          %add3A_505 = arith.addi %add3A_494, %add3A_504 : i32
          %ge3A = arith.cmpi sge, %add3A_505, %reduce_max3A_21 : i32
          %lt3A = arith.cmpi slt, %add3A_505, %reduce_max3A_34 : i32
          %and3A_506 = arith.andi %ge3A, %lt3A : i1
          %convert_element_type3A = arith.extui %and3A_506 : i1 to i32
          %cond3A = arith.constant 0 : i32
          %cond3A_507 = arith.cmpi ne, %convert_element_type3A, %cond3A : i32
          scf.if %cond3A_507 {
            %get3A_508 = arith.index_cast %add3A_504 : i32 to index
            %get3A_509 = arith.constant 0 : index
            %get3A_510 = tpu.vector_load %arg7[%get3A_508, %get3A_509] {strides = array<i32>} : memref<16x832xf32, #tpu.memory_space<vmem>>, vector<16xf32>,
            %get3A_511 = arith.constant 0 : index
            %get3A_512 = tpu.vector_load %arg8[%get3A_511] {strides = array<i32>} : memref<832xf32, #tpu.memory_space<vmem>>, vector<16xf32>,
            %max3A = arith.maximumf %get3A_512, %get3A_510 : vector<16xf32>
            %swap3A_513 = arith.constant 0 : index
            %swap3A_514 = tpu.vector_load %arg8[%swap3A_513] {strides = array<i32>} : memref<832xf32, #tpu.memory_space<vmem>>, vector<16xf32>,
            tpu.vector_store %arg8[%swap3A_513], %max3A {strides = array<i32>} : memref<832xf32, #tpu.memory_space<vmem>>, vector<16xf32>,
            %get3A_515 = arith.constant 0 : index
            %get3A_516 = tpu.vector_load %arg9[%get3A_515] {strides = array<i32>} : memref<832xf32, #tpu.memory_space<vmem>>, vector<16xf32>,
            %add3A_517 = arith.addf %get3A_516, %get3A_510 : vector<16xf32>
            %swap3A_518 = arith.constant 0 : index
            %swap3A_519 = tpu.vector_load %arg9[%swap3A_518] {strides = array<i32>} : memref<832xf32, #tpu.memory_space<vmem>>, vector<16xf32>,
            tpu.vector_store %arg9[%swap3A_518], %add3A_517 {strides = array<i32>} : memref<832xf32, #tpu.memory_space<vmem>>, vector<16xf32>,
            %get3A_520 = arith.index_cast %add3A_504 : i32 to index
            %get3A_521 = arith.constant 16 : index
            %get3A_522 = tpu.vector_load %arg7[%get3A_520, %get3A_521] {strides = array<i32>} : memref<16x832xf32, #tpu.memory_space<vmem>>, vector<16xf32>,
            %get3A_523 = arith.constant 16 : index
            %get3A_524 = tpu.vector_load %arg8[%get3A_523] {strides = array<i32>} : memref<832xf32, #tpu.memory_space<vmem>>, vector<16xf32>,
            %max3A_525 = arith.maximumf %get3A_524, %get3A_522 : vector<16xf32>
            %swap3A_526 = arith.constant 16 : index
            %swap3A_527 = tpu.vector_load %arg8[%swap3A_526] {strides = array<i32>} : memref<832xf32, #tpu.memory_space<vmem>>, vector<16xf32>,
            tpu.vector_store %arg8[%swap3A_526], %max3A_525 {strides = array<i32>} : memref<832xf32, #tpu.memory_space<vmem>>, vector<16xf32>,
            %get3A_528 = arith.constant 16 : index
            %get3A_529 = tpu.vector_load %arg9[%get3A_528] {strides = array<i32>} : memref<832xf32, #tpu.memory_space<vmem>>, vector<16xf32>,
            %add3A_530 = arith.addf %get3A_529, %get3A_522 : vector<16xf32>
            %swap3A_531 = arith.constant 16 : index
            %swap3A_532 = tpu.vector_load %arg9[%swap3A_531] {strides = array<i32>} : memref<832xf32, #tpu.memory_space<vmem>>, vector<16xf32>,
            tpu.vector_store %arg9[%swap3A_531], %add3A_530 {strides = array<i32>} : memref<832xf32, #tpu.memory_space<vmem>>, vector<16xf32>,
            %get3A_533 = arith.index_cast %add3A_504 : i32 to index
            %get3A_534 = arith.constant 32 : index
            %get3A_535 = tpu.vector_load %arg7[%get3A_533, %get3A_534] {strides = array<i32>} : memref<16x832xf32, #tpu.memory_space<vmem>>, vector<16xf32>,
            %get3A_536 = arith.constant 32 : index
            %get3A_537 = tpu.vector_load %arg8[%get3A_536] {strides = array<i32>} : memref<832xf32, #tpu.memory_space<vmem>>, vector<16xf32>,
            %max3A_538 = arith.maximumf %get3A_537, %get3A_535 : vector<16xf32>
            %swap3A_539 = arith.constant 32 : index
            %swap3A_540 = tpu.vector_load %arg8[%swap3A_539] {strides = array<i32>} : memref<832xf32, #tpu.memory_space<vmem>>, vector<16xf32>,
            tpu.vector_store %arg8[%swap3A_539], %max3A_538 {strides = array<i32>} : memref<832xf32, #tpu.memory_space<vmem>>, vector<16xf32>,
            %get3A_541 = arith.constant 32 : index
            %get3A_542 = tpu.vector_load %arg9[%get3A_541] {strides = array<i32>} : memref<832xf32, #tpu.memory_space<vmem>>, vector<16xf32>,
            %add3A_543 = arith.addf %get3A_542, %get3A_535 : vector<16xf32>
            %swap3A_544 = arith.constant 32 : index
            %swap3A_545 = tpu.vector_load %arg9[%swap3A_544] {strides = array<i32>} : memref<832xf32, #tpu.memory_space<vmem>>, vector<16xf32>,
            tpu.vector_store %arg9[%swap3A_544], %add3A_543 {strides = array<i32>} : memref<832xf32, #tpu.memory_space<vmem>>, vector<16xf32>,
            %get3A_546 = arith.index_cast %add3A_504 : i32 to index
            %get3A_547 = arith.constant 48 : index
            %get3A_548 = tpu.vector_load %arg7[%get3A_546, %get3A_547] {strides = array<i32>} : memref<16x832xf32, #tpu.memory_space<vmem>>, vector<16xf32>,
            %get3A_549 = arith.constant 48 : index
            %get3A_550 = tpu.vector_load %arg8[%get3A_549] {strides = array<i32>} : memref<832xf32, #tpu.memory_space<vmem>>, vector<16xf32>,
            %max3A_551 = arith.maximumf %get3A_550, %get3A_548 : vector<16xf32>
            %swap3A_552 = arith.constant 48 : index
            %swap3A_553 = tpu.vector_load %arg8[%swap3A_552] {strides = array<i32>} : memref<832xf32, #tpu.memory_space<vmem>>, vector<16xf32>,
            tpu.vector_store %arg8[%swap3A_552], %max3A_551 {strides = array<i32>} : memref<832xf32, #tpu.memory_space<vmem>>, vector<16xf32>,
            %get3A_554 = arith.constant 48 : index
            %get3A_555 = tpu.vector_load %arg9[%get3A_554] {strides = array<i32>} : memref<832xf32, #tpu.memory_space<vmem>>, vector<16xf32>,
            %add3A_556 = arith.addf %get3A_555, %get3A_548 : vector<16xf32>
            %swap3A_557 = arith.constant 48 : index
            %swap3A_558 = tpu.vector_load %arg9[%swap3A_557] {strides = array<i32>} : memref<832xf32, #tpu.memory_space<vmem>>, vector<16xf32>,
            tpu.vector_store %arg9[%swap3A_557], %add3A_556 {strides = array<i32>} : memref<832xf32, #tpu.memory_space<vmem>>, vector<16xf32>,
            %get3A_559 = arith.index_cast %add3A_504 : i32 to index
            %get3A_560 = arith.constant 64 : index
            %get3A_561 = tpu.vector_load %arg7[%get3A_559, %get3A_560] {strides = array<i32>} : memref<16x832xf32, #tpu.memory_space<vmem>>, vector<16xf32>,
            %get3A_562 = arith.constant 64 : index
            %get3A_563 = tpu.vector_load %arg8[%get3A_562] {strides = array<i32>} : memref<832xf32, #tpu.memory_space<vmem>>, vector<16xf32>,
            %max3A_564 = arith.maximumf %get3A_563, %get3A_561 : vector<16xf32>
            %swap3A_565 = arith.constant 64 : index
            %swap3A_566 = tpu.vector_load %arg8[%swap3A_565] {strides = array<i32>} : memref<832xf32, #tpu.memory_space<vmem>>, vector<16xf32>,
            tpu.vector_store %arg8[%swap3A_565], %max3A_564 {strides = array<i32>} : memref<832xf32, #tpu.memory_space<vmem>>, vector<16xf32>,
            %get3A_567 = arith.constant 64 : index
            %get3A_568 = tpu.vector_load %arg9[%get3A_567] {strides = array<i32>} : memref<832xf32, #tpu.memory_space<vmem>>, vector<16xf32>,
            %add3A_569 = arith.addf %get3A_568, %get3A_561 : vector<16xf32>
            %swap3A_570 = arith.constant 64 : index
            %swap3A_571 = tpu.vector_load %arg9[%swap3A_570] {strides = array<i32>} : memref<832xf32, #tpu.memory_space<vmem>>, vector<16xf32>,
            tpu.vector_store %arg9[%swap3A_570], %add3A_569 {strides = array<i32>} : memref<832xf32, #tpu.memory_space<vmem>>, vector<16xf32>,
            %get3A_572 = arith.index_cast %add3A_504 : i32 to index
            %get3A_573 = arith.constant 80 : index
            %get3A_574 = tpu.vector_load %arg7[%get3A_572, %get3A_573] {strides = array<i32>} : memref<16x832xf32, #tpu.memory_space<vmem>>, vector<16xf32>,
            %get3A_575 = arith.constant 80 : index
            %get3A_576 = tpu.vector_load %arg8[%get3A_575] {strides = array<i32>} : memref<832xf32, #tpu.memory_space<vmem>>, vector<16xf32>,
            %max3A_577 = arith.maximumf %get3A_576, %get3A_574 : vector<16xf32>
            %swap3A_578 = arith.constant 80 : index
            %swap3A_579 = tpu.vector_load %arg8[%swap3A_578] {strides = array<i32>} : memref<832xf32, #tpu.memory_space<vmem>>, vector<16xf32>,
            tpu.vector_store %arg8[%swap3A_578], %max3A_577 {strides = array<i32>} : memref<832xf32, #tpu.memory_space<vmem>>, vector<16xf32>,
            %get3A_580 = arith.constant 80 : index
            %get3A_581 = tpu.vector_load %arg9[%get3A_580] {strides = array<i32>} : memref<832xf32, #tpu.memory_space<vmem>>, vector<16xf32>,
            %add3A_582 = arith.addf %get3A_581, %get3A_574 : vector<16xf32>
            %swap3A_583 = arith.constant 80 : index
            %swap3A_584 = tpu.vector_load %arg9[%swap3A_583] {strides = array<i32>} : memref<832xf32, #tpu.memory_space<vmem>>, vector<16xf32>,
            tpu.vector_store %arg9[%swap3A_583], %add3A_582 {strides = array<i32>} : memref<832xf32, #tpu.memory_space<vmem>>, vector<16xf32>,
            %get3A_585 = arith.index_cast %add3A_504 : i32 to index
            %get3A_586 = arith.constant 96 : index
            %get3A_587 = tpu.vector_load %arg7[%get3A_585, %get3A_586] {strides = array<i32>} : memref<16x832xf32, #tpu.memory_space<vmem>>, vector<16xf32>,
            %get3A_588 = arith.constant 96 : index
            %get3A_589 = tpu.vector_load %arg8[%get3A_588] {strides = array<i32>} : memref<832xf32, #tpu.memory_space<vmem>>, vector<16xf32>,
            %max3A_590 = arith.maximumf %get3A_589, %get3A_587 : vector<16xf32>
            %swap3A_591 = arith.constant 96 : index
            %swap3A_592 = tpu.vector_load %arg8[%swap3A_591] {strides = array<i32>} : memref<832xf32, #tpu.memory_space<vmem>>, vector<16xf32>,
            tpu.vector_store %arg8[%swap3A_591], %max3A_590 {strides = array<i32>} : memref<832xf32, #tpu.memory_space<vmem>>, vector<16xf32>,
            %get3A_593 = arith.constant 96 : index
            %get3A_594 = tpu.vector_load %arg9[%get3A_593] {strides = array<i32>} : memref<832xf32, #tpu.memory_space<vmem>>, vector<16xf32>,
            %add3A_595 = arith.addf %get3A_594, %get3A_587 : vector<16xf32>
            %swap3A_596 = arith.constant 96 : index
            %swap3A_597 = tpu.vector_load %arg9[%swap3A_596] {strides = array<i32>} : memref<832xf32, #tpu.memory_space<vmem>>, vector<16xf32>,
            tpu.vector_store %arg9[%swap3A_596], %add3A_595 {strides = array<i32>} : memref<832xf32, #tpu.memory_space<vmem>>, vector<16xf32>,
            %get3A_598 = arith.index_cast %add3A_504 : i32 to index
            %get3A_599 = arith.constant 112 : index
            %get3A_600 = tpu.vector_load %arg7[%get3A_598, %get3A_599] {strides = array<i32>} : memref<16x832xf32, #tpu.memory_space<vmem>>, vector<16xf32>,
            %get3A_601 = arith.constant 112 : index
            %get3A_602 = tpu.vector_load %arg8[%get3A_601] {strides = array<i32>} : memref<832xf32, #tpu.memory_space<vmem>>, vector<16xf32>,
            %max3A_603 = arith.maximumf %get3A_602, %get3A_600 : vector<16xf32>
            %swap3A_604 = arith.constant 112 : index
            %swap3A_605 = tpu.vector_load %arg8[%swap3A_604] {strides = array<i32>} : memref<832xf32, #tpu.memory_space<vmem>>, vector<16xf32>,
            tpu.vector_store %arg8[%swap3A_604], %max3A_603 {strides = array<i32>} : memref<832xf32, #tpu.memory_space<vmem>>, vector<16xf32>,
            %get3A_606 = arith.constant 112 : index
            %get3A_607 = tpu.vector_load %arg9[%get3A_606] {strides = array<i32>} : memref<832xf32, #tpu.memory_space<vmem>>, vector<16xf32>,
            %add3A_608 = arith.addf %get3A_607, %get3A_600 : vector<16xf32>
            %swap3A_609 = arith.constant 112 : index
            %swap3A_610 = tpu.vector_load %arg9[%swap3A_609] {strides = array<i32>} : memref<832xf32, #tpu.memory_space<vmem>>, vector<16xf32>,
            tpu.vector_store %arg9[%swap3A_609], %add3A_608 {strides = array<i32>} : memref<832xf32, #tpu.memory_space<vmem>>, vector<16xf32>,
            %get3A_611 = arith.index_cast %add3A_504 : i32 to index
            %get3A_612 = arith.constant 128 : index
            %get3A_613 = tpu.vector_load %arg7[%get3A_611, %get3A_612] {strides = array<i32>} : memref<16x832xf32, #tpu.memory_space<vmem>>, vector<16xf32>,
            %get3A_614 = arith.constant 128 : index
            %get3A_615 = tpu.vector_load %arg8[%get3A_614] {strides = array<i32>} : memref<832xf32, #tpu.memory_space<vmem>>, vector<16xf32>,
            %max3A_616 = arith.maximumf %get3A_615, %get3A_613 : vector<16xf32>
            %swap3A_617 = arith.constant 128 : index
            %swap3A_618 = tpu.vector_load %arg8[%swap3A_617] {strides = array<i32>} : memref<832xf32, #tpu.memory_space<vmem>>, vector<16xf32>,
            tpu.vector_store %arg8[%swap3A_617], %max3A_616 {strides = array<i32>} : memref<832xf32, #tpu.memory_space<vmem>>, vector<16xf32>,
            %get3A_619 = arith.constant 128 : index
            %get3A_620 = tpu.vector_load %arg9[%get3A_619] {strides = array<i32>} : memref<832xf32, #tpu.memory_space<vmem>>, vector<16xf32>,
            %add3A_621 = arith.addf %get3A_620, %get3A_613 : vector<16xf32>
            %swap3A_622 = arith.constant 128 : index
            %swap3A_623 = tpu.vector_load %arg9[%swap3A_622] {strides = array<i32>} : memref<832xf32, #tpu.memory_space<vmem>>, vector<16xf32>,
            tpu.vector_store %arg9[%swap3A_622], %add3A_621 {strides = array<i32>} : memref<832xf32, #tpu.memory_space<vmem>>, vector<16xf32>,
            %get3A_624 = arith.index_cast %add3A_504 : i32 to index
            %get3A_625 = arith.constant 144 : index
            %get3A_626 = tpu.vector_load %arg7[%get3A_624, %get3A_625] {strides = array<i32>} : memref<16x832xf32, #tpu.memory_space<vmem>>, vector<16xf32>,
            %get3A_627 = arith.constant 144 : index
            %get3A_628 = tpu.vector_load %arg8[%get3A_627] {strides = array<i32>} : memref<832xf32, #tpu.memory_space<vmem>>, vector<16xf32>,
            %max3A_629 = arith.maximumf %get3A_628, %get3A_626 : vector<16xf32>
            %swap3A_630 = arith.constant 144 : index
            %swap3A_631 = tpu.vector_load %arg8[%swap3A_630] {strides = array<i32>} : memref<832xf32, #tpu.memory_space<vmem>>, vector<16xf32>,
            tpu.vector_store %arg8[%swap3A_630], %max3A_629 {strides = array<i32>} : memref<832xf32, #tpu.memory_space<vmem>>, vector<16xf32>,
            %get3A_632 = arith.constant 144 : index
            %get3A_633 = tpu.vector_load %arg9[%get3A_632] {strides = array<i32>} : memref<832xf32, #tpu.memory_space<vmem>>, vector<16xf32>,
            %add3A_634 = arith.addf %get3A_633, %get3A_626 : vector<16xf32>
            %swap3A_635 = arith.constant 144 : index
            %swap3A_636 = tpu.vector_load %arg9[%swap3A_635] {strides = array<i32>} : memref<832xf32, #tpu.memory_space<vmem>>, vector<16xf32>,
            tpu.vector_store %arg9[%swap3A_635], %add3A_634 {strides = array<i32>} : memref<832xf32, #tpu.memory_space<vmem>>, vector<16xf32>,
            %get3A_637 = arith.index_cast %add3A_504 : i32 to index
            %get3A_638 = arith.constant 160 : index
            %get3A_639 = tpu.vector_load %arg7[%get3A_637, %get3A_638] {strides = array<i32>} : memref<16x832xf32, #tpu.memory_space<vmem>>, vector<16xf32>,
            %get3A_640 = arith.constant 160 : index
            %get3A_641 = tpu.vector_load %arg8[%get3A_640] {strides = array<i32>} : memref<832xf32, #tpu.memory_space<vmem>>, vector<16xf32>,
            %max3A_642 = arith.maximumf %get3A_641, %get3A_639 : vector<16xf32>
            %swap3A_643 = arith.constant 160 : index
            %swap3A_644 = tpu.vector_load %arg8[%swap3A_643] {strides = array<i32>} : memref<832xf32, #tpu.memory_space<vmem>>, vector<16xf32>,
            tpu.vector_store %arg8[%swap3A_643], %max3A_642 {strides = array<i32>} : memref<832xf32, #tpu.memory_space<vmem>>, vector<16xf32>,
            %get3A_645 = arith.constant 160 : index
            %get3A_646 = tpu.vector_load %arg9[%get3A_645] {strides = array<i32>} : memref<832xf32, #tpu.memory_space<vmem>>, vector<16xf32>,
            %add3A_647 = arith.addf %get3A_646, %get3A_639 : vector<16xf32>
            %swap3A_648 = arith.constant 160 : index
            %swap3A_649 = tpu.vector_load %arg9[%swap3A_648] {strides = array<i32>} : memref<832xf32, #tpu.memory_space<vmem>>, vector<16xf32>,
            tpu.vector_store %arg9[%swap3A_648], %add3A_647 {strides = array<i32>} : memref<832xf32, #tpu.memory_space<vmem>>, vector<16xf32>,
            %get3A_650 = arith.index_cast %add3A_504 : i32 to index
            %get3A_651 = arith.constant 176 : index
            %get3A_652 = tpu.vector_load %arg7[%get3A_650, %get3A_651] {strides = array<i32>} : memref<16x832xf32, #tpu.memory_space<vmem>>, vector<16xf32>,
            %get3A_653 = arith.constant 176 : index
            %get3A_654 = tpu.vector_load %arg8[%get3A_653] {strides = array<i32>} : memref<832xf32, #tpu.memory_space<vmem>>, vector<16xf32>,
            %max3A_655 = arith.maximumf %get3A_654, %get3A_652 : vector<16xf32>
            %swap3A_656 = arith.constant 176 : index
            %swap3A_657 = tpu.vector_load %arg8[%swap3A_656] {strides = array<i32>} : memref<832xf32, #tpu.memory_space<vmem>>, vector<16xf32>,
            tpu.vector_store %arg8[%swap3A_656], %max3A_655 {strides = array<i32>} : memref<832xf32, #tpu.memory_space<vmem>>, vector<16xf32>,
            %get3A_658 = arith.constant 176 : index
            %get3A_659 = tpu.vector_load %arg9[%get3A_658] {strides = array<i32>} : memref<832xf32, #tpu.memory_space<vmem>>, vector<16xf32>,
            %add3A_660 = arith.addf %get3A_659, %get3A_652 : vector<16xf32>
            %swap3A_661 = arith.constant 176 : index
            %swap3A_662 = tpu.vector_load %arg9[%swap3A_661] {strides = array<i32>} : memref<832xf32, #tpu.memory_space<vmem>>, vector<16xf32>,
            tpu.vector_store %arg9[%swap3A_661], %add3A_660 {strides = array<i32>} : memref<832xf32, #tpu.memory_space<vmem>>, vector<16xf32>,
            %get3A_663 = arith.index_cast %add3A_504 : i32 to index
            %get3A_664 = arith.constant 192 : index
            %get3A_665 = tpu.vector_load %arg7[%get3A_663, %get3A_664] {strides = array<i32>} : memref<16x832xf32, #tpu.memory_space<vmem>>, vector<16xf32>,
            %get3A_666 = arith.constant 192 : index
            %get3A_667 = tpu.vector_load %arg8[%get3A_666] {strides = array<i32>} : memref<832xf32, #tpu.memory_space<vmem>>, vector<16xf32>,
            %max3A_668 = arith.maximumf %get3A_667, %get3A_665 : vector<16xf32>
            %swap3A_669 = arith.constant 192 : index
            %swap3A_670 = tpu.vector_load %arg8[%swap3A_669] {strides = array<i32>} : memref<832xf32, #tpu.memory_space<vmem>>, vector<16xf32>,
            tpu.vector_store %arg8[%swap3A_669], %max3A_668 {strides = array<i32>} : memref<832xf32, #tpu.memory_space<vmem>>, vector<16xf32>,
            %get3A_671 = arith.constant 192 : index
            %get3A_672 = tpu.vector_load %arg9[%get3A_671] {strides = array<i32>} : memref<832xf32, #tpu.memory_space<vmem>>, vector<16xf32>,
            %add3A_673 = arith.addf %get3A_672, %get3A_665 : vector<16xf32>
            %swap3A_674 = arith.constant 192 : index
            %swap3A_675 = tpu.vector_load %arg9[%swap3A_674] {strides = array<i32>} : memref<832xf32, #tpu.memory_space<vmem>>, vector<16xf32>,
            tpu.vector_store %arg9[%swap3A_674], %add3A_673 {strides = array<i32>} : memref<832xf32, #tpu.memory_space<vmem>>, vector<16xf32>,
            %get3A_676 = arith.index_cast %add3A_504 : i32 to index
            %get3A_677 = arith.constant 208 : index
            %get3A_678 = tpu.vector_load %arg7[%get3A_676, %get3A_677] {strides = array<i32>} : memref<16x832xf32, #tpu.memory_space<vmem>>, vector<16xf32>,
            %get3A_679 = arith.constant 208 : index
            %get3A_680 = tpu.vector_load %arg8[%get3A_679] {strides = array<i32>} : memref<832xf32, #tpu.memory_space<vmem>>, vector<16xf32>,
            %max3A_681 = arith.maximumf %get3A_680, %get3A_678 : vector<16xf32>
            %swap3A_682 = arith.constant 208 : index
            %swap3A_683 = tpu.vector_load %arg8[%swap3A_682] {strides = array<i32>} : memref<832xf32, #tpu.memory_space<vmem>>, vector<16xf32>,
            tpu.vector_store %arg8[%swap3A_682], %max3A_681 {strides = array<i32>} : memref<832xf32, #tpu.memory_space<vmem>>, vector<16xf32>,
            %get3A_684 = arith.constant 208 : index
            %get3A_685 = tpu.vector_load %arg9[%get3A_684] {strides = array<i32>} : memref<832xf32, #tpu.memory_space<vmem>>, vector<16xf32>,
            %add3A_686 = arith.addf %get3A_685, %get3A_678 : vector<16xf32>
            %swap3A_687 = arith.constant 208 : index
            %swap3A_688 = tpu.vector_load %arg9[%swap3A_687] {strides = array<i32>} : memref<832xf32, #tpu.memory_space<vmem>>, vector<16xf32>,
            tpu.vector_store %arg9[%swap3A_687], %add3A_686 {strides = array<i32>} : memref<832xf32, #tpu.memory_space<vmem>>, vector<16xf32>,
            %get3A_689 = arith.index_cast %add3A_504 : i32 to index
            %get3A_690 = arith.constant 224 : index
            %get3A_691 = tpu.vector_load %arg7[%get3A_689, %get3A_690] {strides = array<i32>} : memref<16x832xf32, #tpu.memory_space<vmem>>, vector<16xf32>,
            %get3A_692 = arith.constant 224 : index
            %get3A_693 = tpu.vector_load %arg8[%get3A_692] {strides = array<i32>} : memref<832xf32, #tpu.memory_space<vmem>>, vector<16xf32>,
            %max3A_694 = arith.maximumf %get3A_693, %get3A_691 : vector<16xf32>
            %swap3A_695 = arith.constant 224 : index
            %swap3A_696 = tpu.vector_load %arg8[%swap3A_695] {strides = array<i32>} : memref<832xf32, #tpu.memory_space<vmem>>, vector<16xf32>,
            tpu.vector_store %arg8[%swap3A_695], %max3A_694 {strides = array<i32>} : memref<832xf32, #tpu.memory_space<vmem>>, vector<16xf32>,
            %get3A_697 = arith.constant 224 : index
            %get3A_698 = tpu.vector_load %arg9[%get3A_697] {strides = array<i32>} : memref<832xf32, #tpu.memory_space<vmem>>, vector<16xf32>,
            %add3A_699 = arith.addf %get3A_698, %get3A_691 : vector<16xf32>
            %swap3A_700 = arith.constant 224 : index
            %swap3A_701 = tpu.vector_load %arg9[%swap3A_700] {strides = array<i32>} : memref<832xf32, #tpu.memory_space<vmem>>, vector<16xf32>,
            tpu.vector_store %arg9[%swap3A_700], %add3A_699 {strides = array<i32>} : memref<832xf32, #tpu.memory_space<vmem>>, vector<16xf32>,
            %get3A_702 = arith.index_cast %add3A_504 : i32 to index
            %get3A_703 = arith.constant 240 : index
            %get3A_704 = tpu.vector_load %arg7[%get3A_702, %get3A_703] {strides = array<i32>} : memref<16x832xf32, #tpu.memory_space<vmem>>, vector<16xf32>,
            %get3A_705 = arith.constant 240 : index
            %get3A_706 = tpu.vector_load %arg8[%get3A_705] {strides = array<i32>} : memref<832xf32, #tpu.memory_space<vmem>>, vector<16xf32>,
            %max3A_707 = arith.maximumf %get3A_706, %get3A_704 : vector<16xf32>
            %swap3A_708 = arith.constant 240 : index
            %swap3A_709 = tpu.vector_load %arg8[%swap3A_708] {strides = array<i32>} : memref<832xf32, #tpu.memory_space<vmem>>, vector<16xf32>,
            tpu.vector_store %arg8[%swap3A_708], %max3A_707 {strides = array<i32>} : memref<832xf32, #tpu.memory_space<vmem>>, vector<16xf32>,
            %get3A_710 = arith.constant 240 : index
            %get3A_711 = tpu.vector_load %arg9[%get3A_710] {strides = array<i32>} : memref<832xf32, #tpu.memory_space<vmem>>, vector<16xf32>,
            %add3A_712 = arith.addf %get3A_711, %get3A_704 : vector<16xf32>
            %swap3A_713 = arith.constant 240 : index
            %swap3A_714 = tpu.vector_load %arg9[%swap3A_713] {strides = array<i32>} : memref<832xf32, #tpu.memory_space<vmem>>, vector<16xf32>,
            tpu.vector_store %arg9[%swap3A_713], %add3A_712 {strides = array<i32>} : memref<832xf32, #tpu.memory_space<vmem>>, vector<16xf32>,
            %get3A_715 = arith.index_cast %add3A_504 : i32 to index
            %get3A_716 = arith.constant 256 : index
            %get3A_717 = tpu.vector_load %arg7[%get3A_715, %get3A_716] {strides = array<i32>} : memref<16x832xf32, #tpu.memory_space<vmem>>, vector<16xf32>,
            %get3A_718 = arith.constant 256 : index
            %get3A_719 = tpu.vector_load %arg8[%get3A_718] {strides = array<i32>} : memref<832xf32, #tpu.memory_space<vmem>>, vector<16xf32>,
            %max3A_720 = arith.maximumf %get3A_719, %get3A_717 : vector<16xf32>
            %swap3A_721 = arith.constant 256 : index
            %swap3A_722 = tpu.vector_load %arg8[%swap3A_721] {strides = array<i32>} : memref<832xf32, #tpu.memory_space<vmem>>, vector<16xf32>,
            tpu.vector_store %arg8[%swap3A_721], %max3A_720 {strides = array<i32>} : memref<832xf32, #tpu.memory_space<vmem>>, vector<16xf32>,
            %get3A_723 = arith.constant 256 : index
            %get3A_724 = tpu.vector_load %arg9[%get3A_723] {strides = array<i32>} : memref<832xf32, #tpu.memory_space<vmem>>, vector<16xf32>,
            %add3A_725 = arith.addf %get3A_724, %get3A_717 : vector<16xf32>
            %swap3A_726 = arith.constant 256 : index
            %swap3A_727 = tpu.vector_load %arg9[%swap3A_726] {strides = array<i32>} : memref<832xf32, #tpu.memory_space<vmem>>, vector<16xf32>,
            tpu.vector_store %arg9[%swap3A_726], %add3A_725 {strides = array<i32>} : memref<832xf32, #tpu.memory_space<vmem>>, vector<16xf32>,
            %get3A_728 = arith.index_cast %add3A_504 : i32 to index
            %get3A_729 = arith.constant 272 : index
            %get3A_730 = tpu.vector_load %arg7[%get3A_728, %get3A_729] {strides = array<i32>} : memref<16x832xf32, #tpu.memory_space<vmem>>, vector<16xf32>,
            %get3A_731 = arith.constant 272 : index
            %get3A_732 = tpu.vector_load %arg8[%get3A_731] {strides = array<i32>} : memref<832xf32, #tpu.memory_space<vmem>>, vector<16xf32>,
            %max3A_733 = arith.maximumf %get3A_732, %get3A_730 : vector<16xf32>
            %swap3A_734 = arith.constant 272 : index
            %swap3A_735 = tpu.vector_load %arg8[%swap3A_734] {strides = array<i32>} : memref<832xf32, #tpu.memory_space<vmem>>, vector<16xf32>,
            tpu.vector_store %arg8[%swap3A_734], %max3A_733 {strides = array<i32>} : memref<832xf32, #tpu.memory_space<vmem>>, vector<16xf32>,
            %get3A_736 = arith.constant 272 : index
            %get3A_737 = tpu.vector_load %arg9[%get3A_736] {strides = array<i32>} : memref<832xf32, #tpu.memory_space<vmem>>, vector<16xf32>,
            %add3A_738 = arith.addf %get3A_737, %get3A_730 : vector<16xf32>
            %swap3A_739 = arith.constant 272 : index
            %swap3A_740 = tpu.vector_load %arg9[%swap3A_739] {strides = array<i32>} : memref<832xf32, #tpu.memory_space<vmem>>, vector<16xf32>,
            tpu.vector_store %arg9[%swap3A_739], %add3A_738 {strides = array<i32>} : memref<832xf32, #tpu.memory_space<vmem>>, vector<16xf32>,
            %get3A_741 = arith.index_cast %add3A_504 : i32 to index
            %get3A_742 = arith.constant 288 : index
            %get3A_743 = tpu.vector_load %arg7[%get3A_741, %get3A_742] {strides = array<i32>} : memref<16x832xf32, #tpu.memory_space<vmem>>, vector<16xf32>,
            %get3A_744 = arith.constant 288 : index
            %get3A_745 = tpu.vector_load %arg8[%get3A_744] {strides = array<i32>} : memref<832xf32, #tpu.memory_space<vmem>>, vector<16xf32>,
            %max3A_746 = arith.maximumf %get3A_745, %get3A_743 : vector<16xf32>
            %swap3A_747 = arith.constant 288 : index
            %swap3A_748 = tpu.vector_load %arg8[%swap3A_747] {strides = array<i32>} : memref<832xf32, #tpu.memory_space<vmem>>, vector<16xf32>,
            tpu.vector_store %arg8[%swap3A_747], %max3A_746 {strides = array<i32>} : memref<832xf32, #tpu.memory_space<vmem>>, vector<16xf32>,
            %get3A_749 = arith.constant 288 : index
            %get3A_750 = tpu.vector_load %arg9[%get3A_749] {strides = array<i32>} : memref<832xf32, #tpu.memory_space<vmem>>, vector<16xf32>,
            %add3A_751 = arith.addf %get3A_750, %get3A_743 : vector<16xf32>
            %swap3A_752 = arith.constant 288 : index
            %swap3A_753 = tpu.vector_load %arg9[%swap3A_752] {strides = array<i32>} : memref<832xf32, #tpu.memory_space<vmem>>, vector<16xf32>,
            tpu.vector_store %arg9[%swap3A_752], %add3A_751 {strides = array<i32>} : memref<832xf32, #tpu.memory_space<vmem>>, vector<16xf32>,
            %get3A_754 = arith.index_cast %add3A_504 : i32 to index
            %get3A_755 = arith.constant 304 : index
            %get3A_756 = tpu.vector_load %arg7[%get3A_754, %get3A_755] {strides = array<i32>} : memref<16x832xf32, #tpu.memory_space<vmem>>, vector<16xf32>,
            %get3A_757 = arith.constant 304 : index
            %get3A_758 = tpu.vector_load %arg8[%get3A_757] {strides = array<i32>} : memref<832xf32, #tpu.memory_space<vmem>>, vector<16xf32>,
            %max3A_759 = arith.maximumf %get3A_758, %get3A_756 : vector<16xf32>
            %swap3A_760 = arith.constant 304 : index
            %swap3A_761 = tpu.vector_load %arg8[%swap3A_760] {strides = array<i32>} : memref<832xf32, #tpu.memory_space<vmem>>, vector<16xf32>,
            tpu.vector_store %arg8[%swap3A_760], %max3A_759 {strides = array<i32>} : memref<832xf32, #tpu.memory_space<vmem>>, vector<16xf32>,
            %get3A_762 = arith.constant 304 : index
            %get3A_763 = tpu.vector_load %arg9[%get3A_762] {strides = array<i32>} : memref<832xf32, #tpu.memory_space<vmem>>, vector<16xf32>,
            %add3A_764 = arith.addf %get3A_763, %get3A_756 : vector<16xf32>
            %swap3A_765 = arith.constant 304 : index
            %swap3A_766 = tpu.vector_load %arg9[%swap3A_765] {strides = array<i32>} : memref<832xf32, #tpu.memory_space<vmem>>, vector<16xf32>,
            tpu.vector_store %arg9[%swap3A_765], %add3A_764 {strides = array<i32>} : memref<832xf32, #tpu.memory_space<vmem>>, vector<16xf32>,
            %get3A_767 = arith.index_cast %add3A_504 : i32 to index
            %get3A_768 = arith.constant 320 : index
            %get3A_769 = tpu.vector_load %arg7[%get3A_767, %get3A_768] {strides = array<i32>} : memref<16x832xf32, #tpu.memory_space<vmem>>, vector<16xf32>,
            %get3A_770 = arith.constant 320 : index
            %get3A_771 = tpu.vector_load %arg8[%get3A_770] {strides = array<i32>} : memref<832xf32, #tpu.memory_space<vmem>>, vector<16xf32>,
            %max3A_772 = arith.maximumf %get3A_771, %get3A_769 : vector<16xf32>
            %swap3A_773 = arith.constant 320 : index
            %swap3A_774 = tpu.vector_load %arg8[%swap3A_773] {strides = array<i32>} : memref<832xf32, #tpu.memory_space<vmem>>, vector<16xf32>,
            tpu.vector_store %arg8[%swap3A_773], %max3A_772 {strides = array<i32>} : memref<832xf32, #tpu.memory_space<vmem>>, vector<16xf32>,
            %get3A_775 = arith.constant 320 : index
            %get3A_776 = tpu.vector_load %arg9[%get3A_775] {strides = array<i32>} : memref<832xf32, #tpu.memory_space<vmem>>, vector<16xf32>,
            %add3A_777 = arith.addf %get3A_776, %get3A_769 : vector<16xf32>
            %swap3A_778 = arith.constant 320 : index
            %swap3A_779 = tpu.vector_load %arg9[%swap3A_778] {strides = array<i32>} : memref<832xf32, #tpu.memory_space<vmem>>, vector<16xf32>,
            tpu.vector_store %arg9[%swap3A_778], %add3A_777 {strides = array<i32>} : memref<832xf32, #tpu.memory_space<vmem>>, vector<16xf32>,
            %get3A_780 = arith.index_cast %add3A_504 : i32 to index
            %get3A_781 = arith.constant 336 : index
            %get3A_782 = tpu.vector_load %arg7[%get3A_780, %get3A_781] {strides = array<i32>} : memref<16x832xf32, #tpu.memory_space<vmem>>, vector<16xf32>,
            %get3A_783 = arith.constant 336 : index
            %get3A_784 = tpu.vector_load %arg8[%get3A_783] {strides = array<i32>} : memref<832xf32, #tpu.memory_space<vmem>>, vector<16xf32>,
            %max3A_785 = arith.maximumf %get3A_784, %get3A_782 : vector<16xf32>
            %swap3A_786 = arith.constant 336 : index
            %swap3A_787 = tpu.vector_load %arg8[%swap3A_786] {strides = array<i32>} : memref<832xf32, #tpu.memory_space<vmem>>, vector<16xf32>,
            tpu.vector_store %arg8[%swap3A_786], %max3A_785 {strides = array<i32>} : memref<832xf32, #tpu.memory_space<vmem>>, vector<16xf32>,
            %get3A_788 = arith.constant 336 : index
            %get3A_789 = tpu.vector_load %arg9[%get3A_788] {strides = array<i32>} : memref<832xf32, #tpu.memory_space<vmem>>, vector<16xf32>,
            %add3A_790 = arith.addf %get3A_789, %get3A_782 : vector<16xf32>
            %swap3A_791 = arith.constant 336 : index
            %swap3A_792 = tpu.vector_load %arg9[%swap3A_791] {strides = array<i32>} : memref<832xf32, #tpu.memory_space<vmem>>, vector<16xf32>,
            tpu.vector_store %arg9[%swap3A_791], %add3A_790 {strides = array<i32>} : memref<832xf32, #tpu.memory_space<vmem>>, vector<16xf32>,
            %get3A_793 = arith.index_cast %add3A_504 : i32 to index
            %get3A_794 = arith.constant 352 : index
            %get3A_795 = tpu.vector_load %arg7[%get3A_793, %get3A_794] {strides = array<i32>} : memref<16x832xf32, #tpu.memory_space<vmem>>, vector<16xf32>,
            %get3A_796 = arith.constant 352 : index
            %get3A_797 = tpu.vector_load %arg8[%get3A_796] {strides = array<i32>} : memref<832xf32, #tpu.memory_space<vmem>>, vector<16xf32>,
            %max3A_798 = arith.maximumf %get3A_797, %get3A_795 : vector<16xf32>
            %swap3A_799 = arith.constant 352 : index
            %swap3A_800 = tpu.vector_load %arg8[%swap3A_799] {strides = array<i32>} : memref<832xf32, #tpu.memory_space<vmem>>, vector<16xf32>,
            tpu.vector_store %arg8[%swap3A_799], %max3A_798 {strides = array<i32>} : memref<832xf32, #tpu.memory_space<vmem>>, vector<16xf32>,
            %get3A_801 = arith.constant 352 : index
            %get3A_802 = tpu.vector_load %arg9[%get3A_801] {strides = array<i32>} : memref<832xf32, #tpu.memory_space<vmem>>, vector<16xf32>,
            %add3A_803 = arith.addf %get3A_802, %get3A_795 : vector<16xf32>
            %swap3A_804 = arith.constant 352 : index
            %swap3A_805 = tpu.vector_load %arg9[%swap3A_804] {strides = array<i32>} : memref<832xf32, #tpu.memory_space<vmem>>, vector<16xf32>,
            tpu.vector_store %arg9[%swap3A_804], %add3A_803 {strides = array<i32>} : memref<832xf32, #tpu.memory_space<vmem>>, vector<16xf32>,
            %get3A_806 = arith.index_cast %add3A_504 : i32 to index
            %get3A_807 = arith.constant 368 : index
            %get3A_808 = tpu.vector_load %arg7[%get3A_806, %get3A_807] {strides = array<i32>} : memref<16x832xf32, #tpu.memory_space<vmem>>, vector<16xf32>,
            %get3A_809 = arith.constant 368 : index
            %get3A_810 = tpu.vector_load %arg8[%get3A_809] {strides = array<i32>} : memref<832xf32, #tpu.memory_space<vmem>>, vector<16xf32>,
            %max3A_811 = arith.maximumf %get3A_810, %get3A_808 : vector<16xf32>
            %swap3A_812 = arith.constant 368 : index
            %swap3A_813 = tpu.vector_load %arg8[%swap3A_812] {strides = array<i32>} : memref<832xf32, #tpu.memory_space<vmem>>, vector<16xf32>,
            tpu.vector_store %arg8[%swap3A_812], %max3A_811 {strides = array<i32>} : memref<832xf32, #tpu.memory_space<vmem>>, vector<16xf32>,
            %get3A_814 = arith.constant 368 : index
            %get3A_815 = tpu.vector_load %arg9[%get3A_814] {strides = array<i32>} : memref<832xf32, #tpu.memory_space<vmem>>, vector<16xf32>,
            %add3A_816 = arith.addf %get3A_815, %get3A_808 : vector<16xf32>
            %swap3A_817 = arith.constant 368 : index
            %swap3A_818 = tpu.vector_load %arg9[%swap3A_817] {strides = array<i32>} : memref<832xf32, #tpu.memory_space<vmem>>, vector<16xf32>,
            tpu.vector_store %arg9[%swap3A_817], %add3A_816 {strides = array<i32>} : memref<832xf32, #tpu.memory_space<vmem>>, vector<16xf32>,
            %get3A_819 = arith.index_cast %add3A_504 : i32 to index
            %get3A_820 = arith.constant 384 : index
            %get3A_821 = tpu.vector_load %arg7[%get3A_819, %get3A_820] {strides = array<i32>} : memref<16x832xf32, #tpu.memory_space<vmem>>, vector<16xf32>,
            %get3A_822 = arith.constant 384 : index
            %get3A_823 = tpu.vector_load %arg8[%get3A_822] {strides = array<i32>} : memref<832xf32, #tpu.memory_space<vmem>>, vector<16xf32>,
            %max3A_824 = arith.maximumf %get3A_823, %get3A_821 : vector<16xf32>
            %swap3A_825 = arith.constant 384 : index
            %swap3A_826 = tpu.vector_load %arg8[%swap3A_825] {strides = array<i32>} : memref<832xf32, #tpu.memory_space<vmem>>, vector<16xf32>,
            tpu.vector_store %arg8[%swap3A_825], %max3A_824 {strides = array<i32>} : memref<832xf32, #tpu.memory_space<vmem>>, vector<16xf32>,
            %get3A_827 = arith.constant 384 : index
            %get3A_828 = tpu.vector_load %arg9[%get3A_827] {strides = array<i32>} : memref<832xf32, #tpu.memory_space<vmem>>, vector<16xf32>,
            %add3A_829 = arith.addf %get3A_828, %get3A_821 : vector<16xf32>
            %swap3A_830 = arith.constant 384 : index
            %swap3A_831 = tpu.vector_load %arg9[%swap3A_830] {strides = array<i32>} : memref<832xf32, #tpu.memory_space<vmem>>, vector<16xf32>,
            tpu.vector_store %arg9[%swap3A_830], %add3A_829 {strides = array<i32>} : memref<832xf32, #tpu.memory_space<vmem>>, vector<16xf32>,
            %get3A_832 = arith.index_cast %add3A_504 : i32 to index
            %get3A_833 = arith.constant 400 : index
            %get3A_834 = tpu.vector_load %arg7[%get3A_832, %get3A_833] {strides = array<i32>} : memref<16x832xf32, #tpu.memory_space<vmem>>, vector<16xf32>,
            %get3A_835 = arith.constant 400 : index
            %get3A_836 = tpu.vector_load %arg8[%get3A_835] {strides = array<i32>} : memref<832xf32, #tpu.memory_space<vmem>>, vector<16xf32>,
            %max3A_837 = arith.maximumf %get3A_836, %get3A_834 : vector<16xf32>
            %swap3A_838 = arith.constant 400 : index
            %swap3A_839 = tpu.vector_load %arg8[%swap3A_838] {strides = array<i32>} : memref<832xf32, #tpu.memory_space<vmem>>, vector<16xf32>,
            tpu.vector_store %arg8[%swap3A_838], %max3A_837 {strides = array<i32>} : memref<832xf32, #tpu.memory_space<vmem>>, vector<16xf32>,
            %get3A_840 = arith.constant 400 : index
            %get3A_841 = tpu.vector_load %arg9[%get3A_840] {strides = array<i32>} : memref<832xf32, #tpu.memory_space<vmem>>, vector<16xf32>,
            %add3A_842 = arith.addf %get3A_841, %get3A_834 : vector<16xf32>
            %swap3A_843 = arith.constant 400 : index
            %swap3A_844 = tpu.vector_load %arg9[%swap3A_843] {strides = array<i32>} : memref<832xf32, #tpu.memory_space<vmem>>, vector<16xf32>,
            tpu.vector_store %arg9[%swap3A_843], %add3A_842 {strides = array<i32>} : memref<832xf32, #tpu.memory_space<vmem>>, vector<16xf32>,
            %get3A_845 = arith.index_cast %add3A_504 : i32 to index
            %get3A_846 = arith.constant 416 : index
            %get3A_847 = tpu.vector_load %arg7[%get3A_845, %get3A_846] {strides = array<i32>} : memref<16x832xf32, #tpu.memory_space<vmem>>, vector<16xf32>,
            %get3A_848 = arith.constant 416 : index
            %get3A_849 = tpu.vector_load %arg8[%get3A_848] {strides = array<i32>} : memref<832xf32, #tpu.memory_space<vmem>>, vector<16xf32>,
            %max3A_850 = arith.maximumf %get3A_849, %get3A_847 : vector<16xf32>
            %swap3A_851 = arith.constant 416 : index
            %swap3A_852 = tpu.vector_load %arg8[%swap3A_851] {strides = array<i32>} : memref<832xf32, #tpu.memory_space<vmem>>, vector<16xf32>,
            tpu.vector_store %arg8[%swap3A_851], %max3A_850 {strides = array<i32>} : memref<832xf32, #tpu.memory_space<vmem>>, vector<16xf32>,
            %get3A_853 = arith.constant 416 : index
            %get3A_854 = tpu.vector_load %arg9[%get3A_853] {strides = array<i32>} : memref<832xf32, #tpu.memory_space<vmem>>, vector<16xf32>,
            %add3A_855 = arith.addf %get3A_854, %get3A_847 : vector<16xf32>
            %swap3A_856 = arith.constant 416 : index
            %swap3A_857 = tpu.vector_load %arg9[%swap3A_856] {strides = array<i32>} : memref<832xf32, #tpu.memory_space<vmem>>, vector<16xf32>,
            tpu.vector_store %arg9[%swap3A_856], %add3A_855 {strides = array<i32>} : memref<832xf32, #tpu.memory_space<vmem>>, vector<16xf32>,
            %get3A_858 = arith.index_cast %add3A_504 : i32 to index
            %get3A_859 = arith.constant 432 : index
            %get3A_860 = tpu.vector_load %arg7[%get3A_858, %get3A_859] {strides = array<i32>} : memref<16x832xf32, #tpu.memory_space<vmem>>, vector<16xf32>,
            %get3A_861 = arith.constant 432 : index
            %get3A_862 = tpu.vector_load %arg8[%get3A_861] {strides = array<i32>} : memref<832xf32, #tpu.memory_space<vmem>>, vector<16xf32>,
            %max3A_863 = arith.maximumf %get3A_862, %get3A_860 : vector<16xf32>
            %swap3A_864 = arith.constant 432 : index
            %swap3A_865 = tpu.vector_load %arg8[%swap3A_864] {strides = array<i32>} : memref<832xf32, #tpu.memory_space<vmem>>, vector<16xf32>,
            tpu.vector_store %arg8[%swap3A_864], %max3A_863 {strides = array<i32>} : memref<832xf32, #tpu.memory_space<vmem>>, vector<16xf32>,
            %get3A_866 = arith.constant 432 : index
            %get3A_867 = tpu.vector_load %arg9[%get3A_866] {strides = array<i32>} : memref<832xf32, #tpu.memory_space<vmem>>, vector<16xf32>,
            %add3A_868 = arith.addf %get3A_867, %get3A_860 : vector<16xf32>
            %swap3A_869 = arith.constant 432 : index
            %swap3A_870 = tpu.vector_load %arg9[%swap3A_869] {strides = array<i32>} : memref<832xf32, #tpu.memory_space<vmem>>, vector<16xf32>,
            tpu.vector_store %arg9[%swap3A_869], %add3A_868 {strides = array<i32>} : memref<832xf32, #tpu.memory_space<vmem>>, vector<16xf32>,
            %get3A_871 = arith.index_cast %add3A_504 : i32 to index
            %get3A_872 = arith.constant 448 : index
            %get3A_873 = tpu.vector_load %arg7[%get3A_871, %get3A_872] {strides = array<i32>} : memref<16x832xf32, #tpu.memory_space<vmem>>, vector<16xf32>,
            %get3A_874 = arith.constant 448 : index
            %get3A_875 = tpu.vector_load %arg8[%get3A_874] {strides = array<i32>} : memref<832xf32, #tpu.memory_space<vmem>>, vector<16xf32>,
            %max3A_876 = arith.maximumf %get3A_875, %get3A_873 : vector<16xf32>
            %swap3A_877 = arith.constant 448 : index
            %swap3A_878 = tpu.vector_load %arg8[%swap3A_877] {strides = array<i32>} : memref<832xf32, #tpu.memory_space<vmem>>, vector<16xf32>,
            tpu.vector_store %arg8[%swap3A_877], %max3A_876 {strides = array<i32>} : memref<832xf32, #tpu.memory_space<vmem>>, vector<16xf32>,
            %get3A_879 = arith.constant 448 : index
            %get3A_880 = tpu.vector_load %arg9[%get3A_879] {strides = array<i32>} : memref<832xf32, #tpu.memory_space<vmem>>, vector<16xf32>,
            %add3A_881 = arith.addf %get3A_880, %get3A_873 : vector<16xf32>
            %swap3A_882 = arith.constant 448 : index
            %swap3A_883 = tpu.vector_load %arg9[%swap3A_882] {strides = array<i32>} : memref<832xf32, #tpu.memory_space<vmem>>, vector<16xf32>,
            tpu.vector_store %arg9[%swap3A_882], %add3A_881 {strides = array<i32>} : memref<832xf32, #tpu.memory_space<vmem>>, vector<16xf32>,
            %get3A_884 = arith.index_cast %add3A_504 : i32 to index
            %get3A_885 = arith.constant 464 : index
            %get3A_886 = tpu.vector_load %arg7[%get3A_884, %get3A_885] {strides = array<i32>} : memref<16x832xf32, #tpu.memory_space<vmem>>, vector<16xf32>,
            %get3A_887 = arith.constant 464 : index
            %get3A_888 = tpu.vector_load %arg8[%get3A_887] {strides = array<i32>} : memref<832xf32, #tpu.memory_space<vmem>>, vector<16xf32>,
            %max3A_889 = arith.maximumf %get3A_888, %get3A_886 : vector<16xf32>
            %swap3A_890 = arith.constant 464 : index
            %swap3A_891 = tpu.vector_load %arg8[%swap3A_890] {strides = array<i32>} : memref<832xf32, #tpu.memory_space<vmem>>, vector<16xf32>,
            tpu.vector_store %arg8[%swap3A_890], %max3A_889 {strides = array<i32>} : memref<832xf32, #tpu.memory_space<vmem>>, vector<16xf32>,
            %get3A_892 = arith.constant 464 : index
            %get3A_893 = tpu.vector_load %arg9[%get3A_892] {strides = array<i32>} : memref<832xf32, #tpu.memory_space<vmem>>, vector<16xf32>,
            %add3A_894 = arith.addf %get3A_893, %get3A_886 : vector<16xf32>
            %swap3A_895 = arith.constant 464 : index
            %swap3A_896 = tpu.vector_load %arg9[%swap3A_895] {strides = array<i32>} : memref<832xf32, #tpu.memory_space<vmem>>, vector<16xf32>,
            tpu.vector_store %arg9[%swap3A_895], %add3A_894 {strides = array<i32>} : memref<832xf32, #tpu.memory_space<vmem>>, vector<16xf32>,
            %get3A_897 = arith.index_cast %add3A_504 : i32 to index
            %get3A_898 = arith.constant 480 : index
            %get3A_899 = tpu.vector_load %arg7[%get3A_897, %get3A_898] {strides = array<i32>} : memref<16x832xf32, #tpu.memory_space<vmem>>, vector<16xf32>,
            %get3A_900 = arith.constant 480 : index
            %get3A_901 = tpu.vector_load %arg8[%get3A_900] {strides = array<i32>} : memref<832xf32, #tpu.memory_space<vmem>>, vector<16xf32>,
            %max3A_902 = arith.maximumf %get3A_901, %get3A_899 : vector<16xf32>
            %swap3A_903 = arith.constant 480 : index
            %swap3A_904 = tpu.vector_load %arg8[%swap3A_903] {strides = array<i32>} : memref<832xf32, #tpu.memory_space<vmem>>, vector<16xf32>,
            tpu.vector_store %arg8[%swap3A_903], %max3A_902 {strides = array<i32>} : memref<832xf32, #tpu.memory_space<vmem>>, vector<16xf32>,
            %get3A_905 = arith.constant 480 : index
            %get3A_906 = tpu.vector_load %arg9[%get3A_905] {strides = array<i32>} : memref<832xf32, #tpu.memory_space<vmem>>, vector<16xf32>,
            %add3A_907 = arith.addf %get3A_906, %get3A_899 : vector<16xf32>
            %swap3A_908 = arith.constant 480 : index
            %swap3A_909 = tpu.vector_load %arg9[%swap3A_908] {strides = array<i32>} : memref<832xf32, #tpu.memory_space<vmem>>, vector<16xf32>,
            tpu.vector_store %arg9[%swap3A_908], %add3A_907 {strides = array<i32>} : memref<832xf32, #tpu.memory_space<vmem>>, vector<16xf32>,
            %get3A_910 = arith.index_cast %add3A_504 : i32 to index
            %get3A_911 = arith.constant 496 : index
            %get3A_912 = tpu.vector_load %arg7[%get3A_910, %get3A_911] {strides = array<i32>} : memref<16x832xf32, #tpu.memory_space<vmem>>, vector<16xf32>,
            %get3A_913 = arith.constant 496 : index
            %get3A_914 = tpu.vector_load %arg8[%get3A_913] {strides = array<i32>} : memref<832xf32, #tpu.memory_space<vmem>>, vector<16xf32>,
            %max3A_915 = arith.maximumf %get3A_914, %get3A_912 : vector<16xf32>
            %swap3A_916 = arith.constant 496 : index
            %swap3A_917 = tpu.vector_load %arg8[%swap3A_916] {strides = array<i32>} : memref<832xf32, #tpu.memory_space<vmem>>, vector<16xf32>,
            tpu.vector_store %arg8[%swap3A_916], %max3A_915 {strides = array<i32>} : memref<832xf32, #tpu.memory_space<vmem>>, vector<16xf32>,
            %get3A_918 = arith.constant 496 : index
            %get3A_919 = tpu.vector_load %arg9[%get3A_918] {strides = array<i32>} : memref<832xf32, #tpu.memory_space<vmem>>, vector<16xf32>,
            %add3A_920 = arith.addf %get3A_919, %get3A_912 : vector<16xf32>
            %swap3A_921 = arith.constant 496 : index
            %swap3A_922 = tpu.vector_load %arg9[%swap3A_921] {strides = array<i32>} : memref<832xf32, #tpu.memory_space<vmem>>, vector<16xf32>,
            tpu.vector_store %arg9[%swap3A_921], %add3A_920 {strides = array<i32>} : memref<832xf32, #tpu.memory_space<vmem>>, vector<16xf32>,
            %get3A_923 = arith.index_cast %add3A_504 : i32 to index
            %get3A_924 = arith.constant 512 : index
            %get3A_925 = tpu.vector_load %arg7[%get3A_923, %get3A_924] {strides = array<i32>} : memref<16x832xf32, #tpu.memory_space<vmem>>, vector<16xf32>,
            %get3A_926 = arith.constant 512 : index
            %get3A_927 = tpu.vector_load %arg8[%get3A_926] {strides = array<i32>} : memref<832xf32, #tpu.memory_space<vmem>>, vector<16xf32>,
            %max3A_928 = arith.maximumf %get3A_927, %get3A_925 : vector<16xf32>
            %swap3A_929 = arith.constant 512 : index
            %swap3A_930 = tpu.vector_load %arg8[%swap3A_929] {strides = array<i32>} : memref<832xf32, #tpu.memory_space<vmem>>, vector<16xf32>,
            tpu.vector_store %arg8[%swap3A_929], %max3A_928 {strides = array<i32>} : memref<832xf32, #tpu.memory_space<vmem>>, vector<16xf32>,
            %get3A_931 = arith.constant 512 : index
            %get3A_932 = tpu.vector_load %arg9[%get3A_931] {strides = array<i32>} : memref<832xf32, #tpu.memory_space<vmem>>, vector<16xf32>,
            %add3A_933 = arith.addf %get3A_932, %get3A_925 : vector<16xf32>
            %swap3A_934 = arith.constant 512 : index
            %swap3A_935 = tpu.vector_load %arg9[%swap3A_934] {strides = array<i32>} : memref<832xf32, #tpu.memory_space<vmem>>, vector<16xf32>,
            tpu.vector_store %arg9[%swap3A_934], %add3A_933 {strides = array<i32>} : memref<832xf32, #tpu.memory_space<vmem>>, vector<16xf32>,
            %get3A_936 = arith.index_cast %add3A_504 : i32 to index
            %get3A_937 = arith.constant 528 : index
            %get3A_938 = tpu.vector_load %arg7[%get3A_936, %get3A_937] {strides = array<i32>} : memref<16x832xf32, #tpu.memory_space<vmem>>, vector<16xf32>,
            %get3A_939 = arith.constant 528 : index
            %get3A_940 = tpu.vector_load %arg8[%get3A_939] {strides = array<i32>} : memref<832xf32, #tpu.memory_space<vmem>>, vector<16xf32>,
            %max3A_941 = arith.maximumf %get3A_940, %get3A_938 : vector<16xf32>
            %swap3A_942 = arith.constant 528 : index
            %swap3A_943 = tpu.vector_load %arg8[%swap3A_942] {strides = array<i32>} : memref<832xf32, #tpu.memory_space<vmem>>, vector<16xf32>,
            tpu.vector_store %arg8[%swap3A_942], %max3A_941 {strides = array<i32>} : memref<832xf32, #tpu.memory_space<vmem>>, vector<16xf32>,
            %get3A_944 = arith.constant 528 : index
            %get3A_945 = tpu.vector_load %arg9[%get3A_944] {strides = array<i32>} : memref<832xf32, #tpu.memory_space<vmem>>, vector<16xf32>,
            %add3A_946 = arith.addf %get3A_945, %get3A_938 : vector<16xf32>
            %swap3A_947 = arith.constant 528 : index
            %swap3A_948 = tpu.vector_load %arg9[%swap3A_947] {strides = array<i32>} : memref<832xf32, #tpu.memory_space<vmem>>, vector<16xf32>,
            tpu.vector_store %arg9[%swap3A_947], %add3A_946 {strides = array<i32>} : memref<832xf32, #tpu.memory_space<vmem>>, vector<16xf32>,
            %get3A_949 = arith.index_cast %add3A_504 : i32 to index
            %get3A_950 = arith.constant 544 : index
            %get3A_951 = tpu.vector_load %arg7[%get3A_949, %get3A_950] {strides = array<i32>} : memref<16x832xf32, #tpu.memory_space<vmem>>, vector<16xf32>,
            %get3A_952 = arith.constant 544 : index
            %get3A_953 = tpu.vector_load %arg8[%get3A_952] {strides = array<i32>} : memref<832xf32, #tpu.memory_space<vmem>>, vector<16xf32>,
            %max3A_954 = arith.maximumf %get3A_953, %get3A_951 : vector<16xf32>
            %swap3A_955 = arith.constant 544 : index
            %swap3A_956 = tpu.vector_load %arg8[%swap3A_955] {strides = array<i32>} : memref<832xf32, #tpu.memory_space<vmem>>, vector<16xf32>,
            tpu.vector_store %arg8[%swap3A_955], %max3A_954 {strides = array<i32>} : memref<832xf32, #tpu.memory_space<vmem>>, vector<16xf32>,
            %get3A_957 = arith.constant 544 : index
            %get3A_958 = tpu.vector_load %arg9[%get3A_957] {strides = array<i32>} : memref<832xf32, #tpu.memory_space<vmem>>, vector<16xf32>,
            %add3A_959 = arith.addf %get3A_958, %get3A_951 : vector<16xf32>
            %swap3A_960 = arith.constant 544 : index
            %swap3A_961 = tpu.vector_load %arg9[%swap3A_960] {strides = array<i32>} : memref<832xf32, #tpu.memory_space<vmem>>, vector<16xf32>,
            tpu.vector_store %arg9[%swap3A_960], %add3A_959 {strides = array<i32>} : memref<832xf32, #tpu.memory_space<vmem>>, vector<16xf32>,
            %get3A_962 = arith.index_cast %add3A_504 : i32 to index
            %get3A_963 = arith.constant 560 : index
            %get3A_964 = tpu.vector_load %arg7[%get3A_962, %get3A_963] {strides = array<i32>} : memref<16x832xf32, #tpu.memory_space<vmem>>, vector<16xf32>,
            %get3A_965 = arith.constant 560 : index
            %get3A_966 = tpu.vector_load %arg8[%get3A_965] {strides = array<i32>} : memref<832xf32, #tpu.memory_space<vmem>>, vector<16xf32>,
            %max3A_967 = arith.maximumf %get3A_966, %get3A_964 : vector<16xf32>
            %swap3A_968 = arith.constant 560 : index
            %swap3A_969 = tpu.vector_load %arg8[%swap3A_968] {strides = array<i32>} : memref<832xf32, #tpu.memory_space<vmem>>, vector<16xf32>,
            tpu.vector_store %arg8[%swap3A_968], %max3A_967 {strides = array<i32>} : memref<832xf32, #tpu.memory_space<vmem>>, vector<16xf32>,
            %get3A_970 = arith.constant 560 : index
            %get3A_971 = tpu.vector_load %arg9[%get3A_970] {strides = array<i32>} : memref<832xf32, #tpu.memory_space<vmem>>, vector<16xf32>,
            %add3A_972 = arith.addf %get3A_971, %get3A_964 : vector<16xf32>
            %swap3A_973 = arith.constant 560 : index
            %swap3A_974 = tpu.vector_load %arg9[%swap3A_973] {strides = array<i32>} : memref<832xf32, #tpu.memory_space<vmem>>, vector<16xf32>,
            tpu.vector_store %arg9[%swap3A_973], %add3A_972 {strides = array<i32>} : memref<832xf32, #tpu.memory_space<vmem>>, vector<16xf32>,
            %get3A_975 = arith.index_cast %add3A_504 : i32 to index
            %get3A_976 = arith.constant 576 : index
            %get3A_977 = tpu.vector_load %arg7[%get3A_975, %get3A_976] {strides = array<i32>} : memref<16x832xf32, #tpu.memory_space<vmem>>, vector<16xf32>,
            %get3A_978 = arith.constant 576 : index
            %get3A_979 = tpu.vector_load %arg8[%get3A_978] {strides = array<i32>} : memref<832xf32, #tpu.memory_space<vmem>>, vector<16xf32>,
            %max3A_980 = arith.maximumf %get3A_979, %get3A_977 : vector<16xf32>
            %swap3A_981 = arith.constant 576 : index
            %swap3A_982 = tpu.vector_load %arg8[%swap3A_981] {strides = array<i32>} : memref<832xf32, #tpu.memory_space<vmem>>, vector<16xf32>,
            tpu.vector_store %arg8[%swap3A_981], %max3A_980 {strides = array<i32>} : memref<832xf32, #tpu.memory_space<vmem>>, vector<16xf32>,
            %get3A_983 = arith.constant 576 : index
            %get3A_984 = tpu.vector_load %arg9[%get3A_983] {strides = array<i32>} : memref<832xf32, #tpu.memory_space<vmem>>, vector<16xf32>,
            %add3A_985 = arith.addf %get3A_984, %get3A_977 : vector<16xf32>
            %swap3A_986 = arith.constant 576 : index
            %swap3A_987 = tpu.vector_load %arg9[%swap3A_986] {strides = array<i32>} : memref<832xf32, #tpu.memory_space<vmem>>, vector<16xf32>,
            tpu.vector_store %arg9[%swap3A_986], %add3A_985 {strides = array<i32>} : memref<832xf32, #tpu.memory_space<vmem>>, vector<16xf32>,
            %get3A_988 = arith.index_cast %add3A_504 : i32 to index
            %get3A_989 = arith.constant 592 : index
            %get3A_990 = tpu.vector_load %arg7[%get3A_988, %get3A_989] {strides = array<i32>} : memref<16x832xf32, #tpu.memory_space<vmem>>, vector<16xf32>,
            %get3A_991 = arith.constant 592 : index
            %get3A_992 = tpu.vector_load %arg8[%get3A_991] {strides = array<i32>} : memref<832xf32, #tpu.memory_space<vmem>>, vector<16xf32>,
            %max3A_993 = arith.maximumf %get3A_992, %get3A_990 : vector<16xf32>
            %swap3A_994 = arith.constant 592 : index
            %swap3A_995 = tpu.vector_load %arg8[%swap3A_994] {strides = array<i32>} : memref<832xf32, #tpu.memory_space<vmem>>, vector<16xf32>,
            tpu.vector_store %arg8[%swap3A_994], %max3A_993 {strides = array<i32>} : memref<832xf32, #tpu.memory_space<vmem>>, vector<16xf32>,
            %get3A_996 = arith.constant 592 : index
            %get3A_997 = tpu.vector_load %arg9[%get3A_996] {strides = array<i32>} : memref<832xf32, #tpu.memory_space<vmem>>, vector<16xf32>,
            %add3A_998 = arith.addf %get3A_997, %get3A_990 : vector<16xf32>
            %swap3A_999 = arith.constant 592 : index
            %swap3A_1000 = tpu.vector_load %arg9[%swap3A_999] {strides = array<i32>} : memref<832xf32, #tpu.memory_space<vmem>>, vector<16xf32>,
            tpu.vector_store %arg9[%swap3A_999], %add3A_998 {strides = array<i32>} : memref<832xf32, #tpu.memory_space<vmem>>, vector<16xf32>,
            %get3A_1001 = arith.index_cast %add3A_504 : i32 to index
            %get3A_1002 = arith.constant 608 : index
            %get3A_1003 = tpu.vector_load %arg7[%get3A_1001, %get3A_1002] {strides = array<i32>} : memref<16x832xf32, #tpu.memory_space<vmem>>, vector<16xf32>,
            %get3A_1004 = arith.constant 608 : index
            %get3A_1005 = tpu.vector_load %arg8[%get3A_1004] {strides = array<i32>} : memref<832xf32, #tpu.memory_space<vmem>>, vector<16xf32>,
            %max3A_1006 = arith.maximumf %get3A_1005, %get3A_1003 : vector<16xf32>
            %swap3A_1007 = arith.constant 608 : index
            %swap3A_1008 = tpu.vector_load %arg8[%swap3A_1007] {strides = array<i32>} : memref<832xf32, #tpu.memory_space<vmem>>, vector<16xf32>,
            tpu.vector_store %arg8[%swap3A_1007], %max3A_1006 {strides = array<i32>} : memref<832xf32, #tpu.memory_space<vmem>>, vector<16xf32>,
            %get3A_1009 = arith.constant 608 : index
            %get3A_1010 = tpu.vector_load %arg9[%get3A_1009] {strides = array<i32>} : memref<832xf32, #tpu.memory_space<vmem>>, vector<16xf32>,
            %add3A_1011 = arith.addf %get3A_1010, %get3A_1003 : vector<16xf32>
            %swap3A_1012 = arith.constant 608 : index
            %swap3A_1013 = tpu.vector_load %arg9[%swap3A_1012] {strides = array<i32>} : memref<832xf32, #tpu.memory_space<vmem>>, vector<16xf32>,
            tpu.vector_store %arg9[%swap3A_1012], %add3A_1011 {strides = array<i32>} : memref<832xf32, #tpu.memory_space<vmem>>, vector<16xf32>,
            %get3A_1014 = arith.index_cast %add3A_504 : i32 to index
            %get3A_1015 = arith.constant 624 : index
            %get3A_1016 = tpu.vector_load %arg7[%get3A_1014, %get3A_1015] {strides = array<i32>} : memref<16x832xf32, #tpu.memory_space<vmem>>, vector<16xf32>,
            %get3A_1017 = arith.constant 624 : index
            %get3A_1018 = tpu.vector_load %arg8[%get3A_1017] {strides = array<i32>} : memref<832xf32, #tpu.memory_space<vmem>>, vector<16xf32>,
            %max3A_1019 = arith.maximumf %get3A_1018, %get3A_1016 : vector<16xf32>
            %swap3A_1020 = arith.constant 624 : index
            %swap3A_1021 = tpu.vector_load %arg8[%swap3A_1020] {strides = array<i32>} : memref<832xf32, #tpu.memory_space<vmem>>, vector<16xf32>,
            tpu.vector_store %arg8[%swap3A_1020], %max3A_1019 {strides = array<i32>} : memref<832xf32, #tpu.memory_space<vmem>>, vector<16xf32>,
            %get3A_1022 = arith.constant 624 : index
            %get3A_1023 = tpu.vector_load %arg9[%get3A_1022] {strides = array<i32>} : memref<832xf32, #tpu.memory_space<vmem>>, vector<16xf32>,
            %add3A_1024 = arith.addf %get3A_1023, %get3A_1016 : vector<16xf32>
            %swap3A_1025 = arith.constant 624 : index
            %swap3A_1026 = tpu.vector_load %arg9[%swap3A_1025] {strides = array<i32>} : memref<832xf32, #tpu.memory_space<vmem>>, vector<16xf32>,
            tpu.vector_store %arg9[%swap3A_1025], %add3A_1024 {strides = array<i32>} : memref<832xf32, #tpu.memory_space<vmem>>, vector<16xf32>,
            %get3A_1027 = arith.index_cast %add3A_504 : i32 to index
            %get3A_1028 = arith.constant 640 : index
            %get3A_1029 = tpu.vector_load %arg7[%get3A_1027, %get3A_1028] {strides = array<i32>} : memref<16x832xf32, #tpu.memory_space<vmem>>, vector<16xf32>,
            %get3A_1030 = arith.constant 640 : index
            %get3A_1031 = tpu.vector_load %arg8[%get3A_1030] {strides = array<i32>} : memref<832xf32, #tpu.memory_space<vmem>>, vector<16xf32>,
            %max3A_1032 = arith.maximumf %get3A_1031, %get3A_1029 : vector<16xf32>
            %swap3A_1033 = arith.constant 640 : index
            %swap3A_1034 = tpu.vector_load %arg8[%swap3A_1033] {strides = array<i32>} : memref<832xf32, #tpu.memory_space<vmem>>, vector<16xf32>,
            tpu.vector_store %arg8[%swap3A_1033], %max3A_1032 {strides = array<i32>} : memref<832xf32, #tpu.memory_space<vmem>>, vector<16xf32>,
            %get3A_1035 = arith.constant 640 : index
            %get3A_1036 = tpu.vector_load %arg9[%get3A_1035] {strides = array<i32>} : memref<832xf32, #tpu.memory_space<vmem>>, vector<16xf32>,
            %add3A_1037 = arith.addf %get3A_1036, %get3A_1029 : vector<16xf32>
            %swap3A_1038 = arith.constant 640 : index
            %swap3A_1039 = tpu.vector_load %arg9[%swap3A_1038] {strides = array<i32>} : memref<832xf32, #tpu.memory_space<vmem>>, vector<16xf32>,
            tpu.vector_store %arg9[%swap3A_1038], %add3A_1037 {strides = array<i32>} : memref<832xf32, #tpu.memory_space<vmem>>, vector<16xf32>,
            %get3A_1040 = arith.index_cast %add3A_504 : i32 to index
            %get3A_1041 = arith.constant 656 : index
            %get3A_1042 = tpu.vector_load %arg7[%get3A_1040, %get3A_1041] {strides = array<i32>} : memref<16x832xf32, #tpu.memory_space<vmem>>, vector<16xf32>,
            %get3A_1043 = arith.constant 656 : index
            %get3A_1044 = tpu.vector_load %arg8[%get3A_1043] {strides = array<i32>} : memref<832xf32, #tpu.memory_space<vmem>>, vector<16xf32>,
            %max3A_1045 = arith.maximumf %get3A_1044, %get3A_1042 : vector<16xf32>
            %swap3A_1046 = arith.constant 656 : index
            %swap3A_1047 = tpu.vector_load %arg8[%swap3A_1046] {strides = array<i32>} : memref<832xf32, #tpu.memory_space<vmem>>, vector<16xf32>,
            tpu.vector_store %arg8[%swap3A_1046], %max3A_1045 {strides = array<i32>} : memref<832xf32, #tpu.memory_space<vmem>>, vector<16xf32>,
            %get3A_1048 = arith.constant 656 : index
            %get3A_1049 = tpu.vector_load %arg9[%get3A_1048] {strides = array<i32>} : memref<832xf32, #tpu.memory_space<vmem>>, vector<16xf32>,
            %add3A_1050 = arith.addf %get3A_1049, %get3A_1042 : vector<16xf32>
            %swap3A_1051 = arith.constant 656 : index
            %swap3A_1052 = tpu.vector_load %arg9[%swap3A_1051] {strides = array<i32>} : memref<832xf32, #tpu.memory_space<vmem>>, vector<16xf32>,
            tpu.vector_store %arg9[%swap3A_1051], %add3A_1050 {strides = array<i32>} : memref<832xf32, #tpu.memory_space<vmem>>, vector<16xf32>,
            %get3A_1053 = arith.index_cast %add3A_504 : i32 to index
            %get3A_1054 = arith.constant 672 : index
            %get3A_1055 = tpu.vector_load %arg7[%get3A_1053, %get3A_1054] {strides = array<i32>} : memref<16x832xf32, #tpu.memory_space<vmem>>, vector<16xf32>,
            %get3A_1056 = arith.constant 672 : index
            %get3A_1057 = tpu.vector_load %arg8[%get3A_1056] {strides = array<i32>} : memref<832xf32, #tpu.memory_space<vmem>>, vector<16xf32>,
            %max3A_1058 = arith.maximumf %get3A_1057, %get3A_1055 : vector<16xf32>
            %swap3A_1059 = arith.constant 672 : index
            %swap3A_1060 = tpu.vector_load %arg8[%swap3A_1059] {strides = array<i32>} : memref<832xf32, #tpu.memory_space<vmem>>, vector<16xf32>,
            tpu.vector_store %arg8[%swap3A_1059], %max3A_1058 {strides = array<i32>} : memref<832xf32, #tpu.memory_space<vmem>>, vector<16xf32>,
            %get3A_1061 = arith.constant 672 : index
            %get3A_1062 = tpu.vector_load %arg9[%get3A_1061] {strides = array<i32>} : memref<832xf32, #tpu.memory_space<vmem>>, vector<16xf32>,
            %add3A_1063 = arith.addf %get3A_1062, %get3A_1055 : vector<16xf32>
            %swap3A_1064 = arith.constant 672 : index
            %swap3A_1065 = tpu.vector_load %arg9[%swap3A_1064] {strides = array<i32>} : memref<832xf32, #tpu.memory_space<vmem>>, vector<16xf32>,
            tpu.vector_store %arg9[%swap3A_1064], %add3A_1063 {strides = array<i32>} : memref<832xf32, #tpu.memory_space<vmem>>, vector<16xf32>,
            %get3A_1066 = arith.index_cast %add3A_504 : i32 to index
            %get3A_1067 = arith.constant 688 : index
            %get3A_1068 = tpu.vector_load %arg7[%get3A_1066, %get3A_1067] {strides = array<i32>} : memref<16x832xf32, #tpu.memory_space<vmem>>, vector<16xf32>,
            %get3A_1069 = arith.constant 688 : index
            %get3A_1070 = tpu.vector_load %arg8[%get3A_1069] {strides = array<i32>} : memref<832xf32, #tpu.memory_space<vmem>>, vector<16xf32>,
            %max3A_1071 = arith.maximumf %get3A_1070, %get3A_1068 : vector<16xf32>
            %swap3A_1072 = arith.constant 688 : index
            %swap3A_1073 = tpu.vector_load %arg8[%swap3A_1072] {strides = array<i32>} : memref<832xf32, #tpu.memory_space<vmem>>, vector<16xf32>,
            tpu.vector_store %arg8[%swap3A_1072], %max3A_1071 {strides = array<i32>} : memref<832xf32, #tpu.memory_space<vmem>>, vector<16xf32>,
            %get3A_1074 = arith.constant 688 : index
            %get3A_1075 = tpu.vector_load %arg9[%get3A_1074] {strides = array<i32>} : memref<832xf32, #tpu.memory_space<vmem>>, vector<16xf32>,
            %add3A_1076 = arith.addf %get3A_1075, %get3A_1068 : vector<16xf32>
            %swap3A_1077 = arith.constant 688 : index
            %swap3A_1078 = tpu.vector_load %arg9[%swap3A_1077] {strides = array<i32>} : memref<832xf32, #tpu.memory_space<vmem>>, vector<16xf32>,
            tpu.vector_store %arg9[%swap3A_1077], %add3A_1076 {strides = array<i32>} : memref<832xf32, #tpu.memory_space<vmem>>, vector<16xf32>,
            %get3A_1079 = arith.index_cast %add3A_504 : i32 to index
            %get3A_1080 = arith.constant 704 : index
            %get3A_1081 = tpu.vector_load %arg7[%get3A_1079, %get3A_1080] {strides = array<i32>} : memref<16x832xf32, #tpu.memory_space<vmem>>, vector<16xf32>,
            %get3A_1082 = arith.constant 704 : index
            %get3A_1083 = tpu.vector_load %arg8[%get3A_1082] {strides = array<i32>} : memref<832xf32, #tpu.memory_space<vmem>>, vector<16xf32>,
            %max3A_1084 = arith.maximumf %get3A_1083, %get3A_1081 : vector<16xf32>
            %swap3A_1085 = arith.constant 704 : index
            %swap3A_1086 = tpu.vector_load %arg8[%swap3A_1085] {strides = array<i32>} : memref<832xf32, #tpu.memory_space<vmem>>, vector<16xf32>,
            tpu.vector_store %arg8[%swap3A_1085], %max3A_1084 {strides = array<i32>} : memref<832xf32, #tpu.memory_space<vmem>>, vector<16xf32>,
            %get3A_1087 = arith.constant 704 : index
            %get3A_1088 = tpu.vector_load %arg9[%get3A_1087] {strides = array<i32>} : memref<832xf32, #tpu.memory_space<vmem>>, vector<16xf32>,
            %add3A_1089 = arith.addf %get3A_1088, %get3A_1081 : vector<16xf32>
            %swap3A_1090 = arith.constant 704 : index
            %swap3A_1091 = tpu.vector_load %arg9[%swap3A_1090] {strides = array<i32>} : memref<832xf32, #tpu.memory_space<vmem>>, vector<16xf32>,
            tpu.vector_store %arg9[%swap3A_1090], %add3A_1089 {strides = array<i32>} : memref<832xf32, #tpu.memory_space<vmem>>, vector<16xf32>,
            %get3A_1092 = arith.index_cast %add3A_504 : i32 to index
            %get3A_1093 = arith.constant 720 : index
            %get3A_1094 = tpu.vector_load %arg7[%get3A_1092, %get3A_1093] {strides = array<i32>} : memref<16x832xf32, #tpu.memory_space<vmem>>, vector<16xf32>,
            %get3A_1095 = arith.constant 720 : index
            %get3A_1096 = tpu.vector_load %arg8[%get3A_1095] {strides = array<i32>} : memref<832xf32, #tpu.memory_space<vmem>>, vector<16xf32>,
            %max3A_1097 = arith.maximumf %get3A_1096, %get3A_1094 : vector<16xf32>
            %swap3A_1098 = arith.constant 720 : index
            %swap3A_1099 = tpu.vector_load %arg8[%swap3A_1098] {strides = array<i32>} : memref<832xf32, #tpu.memory_space<vmem>>, vector<16xf32>,
            tpu.vector_store %arg8[%swap3A_1098], %max3A_1097 {strides = array<i32>} : memref<832xf32, #tpu.memory_space<vmem>>, vector<16xf32>,
            %get3A_1100 = arith.constant 720 : index
            %get3A_1101 = tpu.vector_load %arg9[%get3A_1100] {strides = array<i32>} : memref<832xf32, #tpu.memory_space<vmem>>, vector<16xf32>,
            %add3A_1102 = arith.addf %get3A_1101, %get3A_1094 : vector<16xf32>
            %swap3A_1103 = arith.constant 720 : index
            %swap3A_1104 = tpu.vector_load %arg9[%swap3A_1103] {strides = array<i32>} : memref<832xf32, #tpu.memory_space<vmem>>, vector<16xf32>,
            tpu.vector_store %arg9[%swap3A_1103], %add3A_1102 {strides = array<i32>} : memref<832xf32, #tpu.memory_space<vmem>>, vector<16xf32>,
            %get3A_1105 = arith.index_cast %add3A_504 : i32 to index
            %get3A_1106 = arith.constant 736 : index
            %get3A_1107 = tpu.vector_load %arg7[%get3A_1105, %get3A_1106] {strides = array<i32>} : memref<16x832xf32, #tpu.memory_space<vmem>>, vector<16xf32>,
            %get3A_1108 = arith.constant 736 : index
            %get3A_1109 = tpu.vector_load %arg8[%get3A_1108] {strides = array<i32>} : memref<832xf32, #tpu.memory_space<vmem>>, vector<16xf32>,
            %max3A_1110 = arith.maximumf %get3A_1109, %get3A_1107 : vector<16xf32>
            %swap3A_1111 = arith.constant 736 : index
            %swap3A_1112 = tpu.vector_load %arg8[%swap3A_1111] {strides = array<i32>} : memref<832xf32, #tpu.memory_space<vmem>>, vector<16xf32>,
            tpu.vector_store %arg8[%swap3A_1111], %max3A_1110 {strides = array<i32>} : memref<832xf32, #tpu.memory_space<vmem>>, vector<16xf32>,
            %get3A_1113 = arith.constant 736 : index
            %get3A_1114 = tpu.vector_load %arg9[%get3A_1113] {strides = array<i32>} : memref<832xf32, #tpu.memory_space<vmem>>, vector<16xf32>,
            %add3A_1115 = arith.addf %get3A_1114, %get3A_1107 : vector<16xf32>
            %swap3A_1116 = arith.constant 736 : index
            %swap3A_1117 = tpu.vector_load %arg9[%swap3A_1116] {strides = array<i32>} : memref<832xf32, #tpu.memory_space<vmem>>, vector<16xf32>,
            tpu.vector_store %arg9[%swap3A_1116], %add3A_1115 {strides = array<i32>} : memref<832xf32, #tpu.memory_space<vmem>>, vector<16xf32>,
            %get3A_1118 = arith.index_cast %add3A_504 : i32 to index
            %get3A_1119 = arith.constant 752 : index
            %get3A_1120 = tpu.vector_load %arg7[%get3A_1118, %get3A_1119] {strides = array<i32>} : memref<16x832xf32, #tpu.memory_space<vmem>>, vector<16xf32>,
            %get3A_1121 = arith.constant 752 : index
            %get3A_1122 = tpu.vector_load %arg8[%get3A_1121] {strides = array<i32>} : memref<832xf32, #tpu.memory_space<vmem>>, vector<16xf32>,
            %max3A_1123 = arith.maximumf %get3A_1122, %get3A_1120 : vector<16xf32>
            %swap3A_1124 = arith.constant 752 : index
            %swap3A_1125 = tpu.vector_load %arg8[%swap3A_1124] {strides = array<i32>} : memref<832xf32, #tpu.memory_space<vmem>>, vector<16xf32>,
            tpu.vector_store %arg8[%swap3A_1124], %max3A_1123 {strides = array<i32>} : memref<832xf32, #tpu.memory_space<vmem>>, vector<16xf32>,
            %get3A_1126 = arith.constant 752 : index
            %get3A_1127 = tpu.vector_load %arg9[%get3A_1126] {strides = array<i32>} : memref<832xf32, #tpu.memory_space<vmem>>, vector<16xf32>,
            %add3A_1128 = arith.addf %get3A_1127, %get3A_1120 : vector<16xf32>
            %swap3A_1129 = arith.constant 752 : index
            %swap3A_1130 = tpu.vector_load %arg9[%swap3A_1129] {strides = array<i32>} : memref<832xf32, #tpu.memory_space<vmem>>, vector<16xf32>,
            tpu.vector_store %arg9[%swap3A_1129], %add3A_1128 {strides = array<i32>} : memref<832xf32, #tpu.memory_space<vmem>>, vector<16xf32>,
            %get3A_1131 = arith.index_cast %add3A_504 : i32 to index
            %get3A_1132 = arith.constant 768 : index
            %get3A_1133 = tpu.vector_load %arg7[%get3A_1131, %get3A_1132] {strides = array<i32>} : memref<16x832xf32, #tpu.memory_space<vmem>>, vector<16xf32>,
            %get3A_1134 = arith.constant 768 : index
            %get3A_1135 = tpu.vector_load %arg8[%get3A_1134] {strides = array<i32>} : memref<832xf32, #tpu.memory_space<vmem>>, vector<16xf32>,
            %max3A_1136 = arith.maximumf %get3A_1135, %get3A_1133 : vector<16xf32>
            %swap3A_1137 = arith.constant 768 : index
            %swap3A_1138 = tpu.vector_load %arg8[%swap3A_1137] {strides = array<i32>} : memref<832xf32, #tpu.memory_space<vmem>>, vector<16xf32>,
            tpu.vector_store %arg8[%swap3A_1137], %max3A_1136 {strides = array<i32>} : memref<832xf32, #tpu.memory_space<vmem>>, vector<16xf32>,
            %get3A_1139 = arith.constant 768 : index
            %get3A_1140 = tpu.vector_load %arg9[%get3A_1139] {strides = array<i32>} : memref<832xf32, #tpu.memory_space<vmem>>, vector<16xf32>,
            %add3A_1141 = arith.addf %get3A_1140, %get3A_1133 : vector<16xf32>
            %swap3A_1142 = arith.constant 768 : index
            %swap3A_1143 = tpu.vector_load %arg9[%swap3A_1142] {strides = array<i32>} : memref<832xf32, #tpu.memory_space<vmem>>, vector<16xf32>,
            tpu.vector_store %arg9[%swap3A_1142], %add3A_1141 {strides = array<i32>} : memref<832xf32, #tpu.memory_space<vmem>>, vector<16xf32>,
            %get3A_1144 = arith.index_cast %add3A_504 : i32 to index
            %get3A_1145 = arith.constant 784 : index
            %get3A_1146 = tpu.vector_load %arg7[%get3A_1144, %get3A_1145] {strides = array<i32>} : memref<16x832xf32, #tpu.memory_space<vmem>>, vector<16xf32>,
            %get3A_1147 = arith.constant 784 : index
            %get3A_1148 = tpu.vector_load %arg8[%get3A_1147] {strides = array<i32>} : memref<832xf32, #tpu.memory_space<vmem>>, vector<16xf32>,
            %max3A_1149 = arith.maximumf %get3A_1148, %get3A_1146 : vector<16xf32>
            %swap3A_1150 = arith.constant 784 : index
            %swap3A_1151 = tpu.vector_load %arg8[%swap3A_1150] {strides = array<i32>} : memref<832xf32, #tpu.memory_space<vmem>>, vector<16xf32>,
            tpu.vector_store %arg8[%swap3A_1150], %max3A_1149 {strides = array<i32>} : memref<832xf32, #tpu.memory_space<vmem>>, vector<16xf32>,
            %get3A_1152 = arith.constant 784 : index
            %get3A_1153 = tpu.vector_load %arg9[%get3A_1152] {strides = array<i32>} : memref<832xf32, #tpu.memory_space<vmem>>, vector<16xf32>,
            %add3A_1154 = arith.addf %get3A_1153, %get3A_1146 : vector<16xf32>
            %swap3A_1155 = arith.constant 784 : index
            %swap3A_1156 = tpu.vector_load %arg9[%swap3A_1155] {strides = array<i32>} : memref<832xf32, #tpu.memory_space<vmem>>, vector<16xf32>,
            tpu.vector_store %arg9[%swap3A_1155], %add3A_1154 {strides = array<i32>} : memref<832xf32, #tpu.memory_space<vmem>>, vector<16xf32>,
            %get3A_1157 = arith.index_cast %add3A_504 : i32 to index
            %get3A_1158 = arith.constant 800 : index
            %get3A_1159 = tpu.vector_load %arg7[%get3A_1157, %get3A_1158] {strides = array<i32>} : memref<16x832xf32, #tpu.memory_space<vmem>>, vector<16xf32>,
            %get3A_1160 = arith.constant 800 : index
            %get3A_1161 = tpu.vector_load %arg8[%get3A_1160] {strides = array<i32>} : memref<832xf32, #tpu.memory_space<vmem>>, vector<16xf32>,
            %max3A_1162 = arith.maximumf %get3A_1161, %get3A_1159 : vector<16xf32>
            %swap3A_1163 = arith.constant 800 : index
            %swap3A_1164 = tpu.vector_load %arg8[%swap3A_1163] {strides = array<i32>} : memref<832xf32, #tpu.memory_space<vmem>>, vector<16xf32>,
            tpu.vector_store %arg8[%swap3A_1163], %max3A_1162 {strides = array<i32>} : memref<832xf32, #tpu.memory_space<vmem>>, vector<16xf32>,
            %get3A_1165 = arith.constant 800 : index
            %get3A_1166 = tpu.vector_load %arg9[%get3A_1165] {strides = array<i32>} : memref<832xf32, #tpu.memory_space<vmem>>, vector<16xf32>,
            %add3A_1167 = arith.addf %get3A_1166, %get3A_1159 : vector<16xf32>
            %swap3A_1168 = arith.constant 800 : index
            %swap3A_1169 = tpu.vector_load %arg9[%swap3A_1168] {strides = array<i32>} : memref<832xf32, #tpu.memory_space<vmem>>, vector<16xf32>,
            tpu.vector_store %arg9[%swap3A_1168], %add3A_1167 {strides = array<i32>} : memref<832xf32, #tpu.memory_space<vmem>>, vector<16xf32>,
            %get3A_1170 = arith.index_cast %add3A_504 : i32 to index
            %get3A_1171 = arith.constant 816 : index
            %get3A_1172 = tpu.vector_load %arg7[%get3A_1170, %get3A_1171] {strides = array<i32>} : memref<16x832xf32, #tpu.memory_space<vmem>>, vector<16xf32>,
            %get3A_1173 = arith.constant 816 : index
            %get3A_1174 = tpu.vector_load %arg8[%get3A_1173] {strides = array<i32>} : memref<832xf32, #tpu.memory_space<vmem>>, vector<16xf32>,
            %max3A_1175 = arith.maximumf %get3A_1174, %get3A_1172 : vector<16xf32>
            %swap3A_1176 = arith.constant 816 : index
            %swap3A_1177 = tpu.vector_load %arg8[%swap3A_1176] {strides = array<i32>} : memref<832xf32, #tpu.memory_space<vmem>>, vector<16xf32>,
            tpu.vector_store %arg8[%swap3A_1176], %max3A_1175 {strides = array<i32>} : memref<832xf32, #tpu.memory_space<vmem>>, vector<16xf32>,
            %get3A_1178 = arith.constant 816 : index
            %get3A_1179 = tpu.vector_load %arg9[%get3A_1178] {strides = array<i32>} : memref<832xf32, #tpu.memory_space<vmem>>, vector<16xf32>,
            %add3A_1180 = arith.addf %get3A_1179, %get3A_1172 : vector<16xf32>
            %swap3A_1181 = arith.constant 816 : index
            %swap3A_1182 = tpu.vector_load %arg9[%swap3A_1181] {strides = array<i32>} : memref<832xf32, #tpu.memory_space<vmem>>, vector<16xf32>,
            tpu.vector_store %arg9[%swap3A_1181], %add3A_1180 {strides = array<i32>} : memref<832xf32, #tpu.memory_space<vmem>>, vector<16xf32>,
          } else {
          }
        }
        %scan3A_499 = arith.constant 16 : i32
      }
      "tpu.region"() ({
        %run_scoped3A = tpu.sem_alloc : memref<!tpu.dma_semaphore, #tpu.memory_space<semaphore_mem>>
        %dma_start3A = arith.constant 0 : i32
        %dma_start3A_489 = tpu.memref_slice %arg4[%add3A_12, %dma_start3A] : memref<256x832xf32, #tpu.memory_space<hbm>> -> memref<1x832xf32, #tpu.memory_space<hbm>>
        %dma_start3A_490 = tpu.memref_squeeze %dma_start3A_489 : memref<1x832xf32, #tpu.memory_space<hbm>> -> memref<832xf32, #tpu.memory_space<hbm>>
        %dma_start3A_491 = arith.constant 0 : i32
        %dma_start3A_492 = tpu.memref_slice %arg4[%add3A_12, %dma_start3A_491] : memref<256x832xf32, #tpu.memory_space<hbm>> -> memref<1x832xf32, #tpu.memory_space<hbm>>
        %dma_start3A_493 = tpu.memref_squeeze %dma_start3A_492 : memref<1x832xf32, #tpu.memory_space<hbm>> -> memref<832xf32, #tpu.memory_space<hbm>>
        tpu.enqueue_dma source(%arg8 : memref<832xf32, #tpu.memory_space<vmem>>) target(%dma_start3A_493 : memref<832xf32, #tpu.memory_space<hbm>>) target_semaphore(%run_scoped3A : memref<!tpu.dma_semaphore, #tpu.memory_space<semaphore_mem>>)
        %dma_wait3A = arith.constant 0 : i32
        %dma_wait3A_494 = tpu.memref_slice %arg4[%add3A_12, %dma_wait3A] : memref<256x832xf32, #tpu.memory_space<hbm>> -> memref<1x832xf32, #tpu.memory_space<hbm>>
        %dma_wait3A_495 = tpu.memref_squeeze %dma_wait3A_494 : memref<1x832xf32, #tpu.memory_space<hbm>> -> memref<832xf32, #tpu.memory_space<hbm>>
        %dma_wait3A_496 = arith.constant 0 : i32
        %dma_wait3A_497 = tpu.memref_slice %arg4[%add3A_12, %dma_wait3A_496] : memref<256x832xf32, #tpu.memory_space<hbm>> -> memref<1x832xf32, #tpu.memory_space<hbm>>
        %dma_wait3A_498 = tpu.memref_squeeze %dma_wait3A_497 : memref<1x832xf32, #tpu.memory_space<hbm>> -> memref<832xf32, #tpu.memory_space<hbm>>
        tpu.wait_dma2 semaphore(%run_scoped3A : memref<!tpu.dma_semaphore, #tpu.memory_space<semaphore_mem>>) src(%arg8 : memref<832xf32, #tpu.memory_space<vmem>>) dst(%dma_wait3A_498 : memref<832xf32, #tpu.memory_space<hbm>>)
        tpu.yield
      }) : () -> ()
      "tpu.region"() ({
        %run_scoped3A = tpu.sem_alloc : memref<!tpu.dma_semaphore, #tpu.memory_space<semaphore_mem>>
        %dma_start3A = arith.constant 0 : i32
        %dma_start3A_489 = tpu.memref_slice %arg5[%add3A_12, %dma_start3A] : memref<256x832xf32, #tpu.memory_space<hbm>> -> memref<1x832xf32, #tpu.memory_space<hbm>>
        %dma_start3A_490 = tpu.memref_squeeze %dma_start3A_489 : memref<1x832xf32, #tpu.memory_space<hbm>> -> memref<832xf32, #tpu.memory_space<hbm>>
        %dma_start3A_491 = arith.constant 0 : i32
        %dma_start3A_492 = tpu.memref_slice %arg5[%add3A_12, %dma_start3A_491] : memref<256x832xf32, #tpu.memory_space<hbm>> -> memref<1x832xf32, #tpu.memory_space<hbm>>
        %dma_start3A_493 = tpu.memref_squeeze %dma_start3A_492 : memref<1x832xf32, #tpu.memory_space<hbm>> -> memref<832xf32, #tpu.memory_space<hbm>>
        tpu.enqueue_dma source(%arg9 : memref<832xf32, #tpu.memory_space<vmem>>) target(%dma_start3A_493 : memref<832xf32, #tpu.memory_space<hbm>>) target_semaphore(%run_scoped3A : memref<!tpu.dma_semaphore, #tpu.memory_space<semaphore_mem>>)
        %dma_wait3A = arith.constant 0 : i32
        %dma_wait3A_494 = tpu.memref_slice %arg5[%add3A_12, %dma_wait3A] : memref<256x832xf32, #tpu.memory_space<hbm>> -> memref<1x832xf32, #tpu.memory_space<hbm>>
        %dma_wait3A_495 = tpu.memref_squeeze %dma_wait3A_494 : memref<1x832xf32, #tpu.memory_space<hbm>> -> memref<832xf32, #tpu.memory_space<hbm>>
        %dma_wait3A_496 = arith.constant 0 : i32
        %dma_wait3A_497 = tpu.memref_slice %arg5[%add3A_12, %dma_wait3A_496] : memref<256x832xf32, #tpu.memory_space<hbm>> -> memref<1x832xf32, #tpu.memory_space<hbm>>
        %dma_wait3A_498 = tpu.memref_squeeze %dma_wait3A_497 : memref<1x832xf32, #tpu.memory_space<hbm>> -> memref<832xf32, #tpu.memory_space<hbm>>
        tpu.wait_dma2 semaphore(%run_scoped3A : memref<!tpu.dma_semaphore, #tpu.memory_space<semaphore_mem>>) src(%arg9 : memref<832xf32, #tpu.memory_space<vmem>>) dst(%dma_wait3A_498 : memref<832xf32, #tpu.memory_space<hbm>>)
        tpu.yield
      }) : () -> ()
    }
    %scan3A_4 = arith.constant 8 : i32
    return
  }
}

#map = affine_map<(d0, d1) -> (0, 0, 0)>
#map1 = affine_map<(d0, d1) -> (0, 0)>
module attributes {stable_mosaic.version = 14 : i64} {
  func.func @_k2_body(%arg0: i32, %arg1: i32, %arg2: memref<32x42x128xi32, #tpu.memory_space<hbm>>, %arg3: memref<32x42x128xi32, #tpu.memory_space<hbm>>, %arg4: memref<10112x16xf32, #tpu.memory_space<hbm>>, %arg5: memref<10112x16xf32, #tpu.memory_space<hbm>>, %arg6: memref<172032x16xf32, #tpu.memory_space<hbm>>, %arg7: memref<42x128xi32, #tpu.memory_space<vmem>>, %arg8: memref<42x128xi32, #tpu.memory_space<vmem>>, %arg9: memref<128x16xf32, #tpu.memory_space<vmem>>, %arg10: memref<128x16xf32, #tpu.memory_space<vmem>>, %arg11: memref<128x16xf32, #tpu.memory_space<vmem>>) attributes {dimension_semantics = [#tpu.dimension_semantics<core_parallel>, #tpu.dimension_semantics<subcore_parallel>], iteration_bounds = array<i64: 2, 16>, scalar_prefetch = 0 : i64, scratch_operands = 5 : i64, tpu.core_type = #tpu.core_type<sc_vector_subcore>, window_params = [{transform_indices = #map}, {transform_indices = #map}, {transform_indices = #map1}, {transform_indices = #map1}, {transform_indices = #map1}]} {
    %mul3A = arith.constant 2 : i32
    %mul3A_0 = arith.muli %arg1, %mul3A : i32
    %add3A = arith.addi %mul3A_0, %arg0 : i32
    "tpu.region"() ({
      %run_scoped3A = tpu.sem_alloc : memref<!tpu.dma_semaphore, #tpu.memory_space<semaphore_mem>>
      %dma_start3A = arith.constant 0 : i32
      %dma_start3A_5 = arith.constant 0 : i32
      %dma_start3A_6 = tpu.memref_slice %arg2[%add3A, %dma_start3A, %dma_start3A_5] : memref<32x42x128xi32, #tpu.memory_space<hbm>> -> memref<1x42x128xi32, #tpu.memory_space<hbm>>
      %dma_start3A_7 = tpu.memref_squeeze %dma_start3A_6 : memref<1x42x128xi32, #tpu.memory_space<hbm>> -> memref<42x128xi32, #tpu.memory_space<hbm>>
      %dma_start3A_8 = arith.constant 0 : i32
      %dma_start3A_9 = arith.constant 0 : i32
      %dma_start3A_10 = tpu.memref_slice %arg2[%add3A, %dma_start3A_8, %dma_start3A_9] : memref<32x42x128xi32, #tpu.memory_space<hbm>> -> memref<1x42x128xi32, #tpu.memory_space<hbm>>
      %dma_start3A_11 = tpu.memref_squeeze %dma_start3A_10 : memref<1x42x128xi32, #tpu.memory_space<hbm>> -> memref<42x128xi32, #tpu.memory_space<hbm>>
      tpu.enqueue_dma source(%dma_start3A_11 : memref<42x128xi32, #tpu.memory_space<hbm>>) target(%arg7 : memref<42x128xi32, #tpu.memory_space<vmem>>) target_semaphore(%run_scoped3A : memref<!tpu.dma_semaphore, #tpu.memory_space<semaphore_mem>>)
      %dma_wait3A = arith.constant 0 : i32
      %dma_wait3A_12 = arith.constant 0 : i32
      %dma_wait3A_13 = tpu.memref_slice %arg2[%add3A, %dma_wait3A, %dma_wait3A_12] : memref<32x42x128xi32, #tpu.memory_space<hbm>> -> memref<1x42x128xi32, #tpu.memory_space<hbm>>
      %dma_wait3A_14 = tpu.memref_squeeze %dma_wait3A_13 : memref<1x42x128xi32, #tpu.memory_space<hbm>> -> memref<42x128xi32, #tpu.memory_space<hbm>>
      %dma_wait3A_15 = arith.constant 0 : i32
      %dma_wait3A_16 = arith.constant 0 : i32
      %dma_wait3A_17 = tpu.memref_slice %arg2[%add3A, %dma_wait3A_15, %dma_wait3A_16] : memref<32x42x128xi32, #tpu.memory_space<hbm>> -> memref<1x42x128xi32, #tpu.memory_space<hbm>>
      %dma_wait3A_18 = tpu.memref_squeeze %dma_wait3A_17 : memref<1x42x128xi32, #tpu.memory_space<hbm>> -> memref<42x128xi32, #tpu.memory_space<hbm>>
      tpu.wait_dma2 semaphore(%run_scoped3A : memref<!tpu.dma_semaphore, #tpu.memory_space<semaphore_mem>>) src(%dma_wait3A_18 : memref<42x128xi32, #tpu.memory_space<hbm>>) dst(%arg7 : memref<42x128xi32, #tpu.memory_space<vmem>>)
      tpu.yield
    }) : () -> ()
    "tpu.region"() ({
      %run_scoped3A = tpu.sem_alloc : memref<!tpu.dma_semaphore, #tpu.memory_space<semaphore_mem>>
      %dma_start3A = arith.constant 0 : i32
      %dma_start3A_5 = arith.constant 0 : i32
      %dma_start3A_6 = tpu.memref_slice %arg3[%add3A, %dma_start3A, %dma_start3A_5] : memref<32x42x128xi32, #tpu.memory_space<hbm>> -> memref<1x42x128xi32, #tpu.memory_space<hbm>>
      %dma_start3A_7 = tpu.memref_squeeze %dma_start3A_6 : memref<1x42x128xi32, #tpu.memory_space<hbm>> -> memref<42x128xi32, #tpu.memory_space<hbm>>
      %dma_start3A_8 = arith.constant 0 : i32
      %dma_start3A_9 = arith.constant 0 : i32
      %dma_start3A_10 = tpu.memref_slice %arg3[%add3A, %dma_start3A_8, %dma_start3A_9] : memref<32x42x128xi32, #tpu.memory_space<hbm>> -> memref<1x42x128xi32, #tpu.memory_space<hbm>>
      %dma_start3A_11 = tpu.memref_squeeze %dma_start3A_10 : memref<1x42x128xi32, #tpu.memory_space<hbm>> -> memref<42x128xi32, #tpu.memory_space<hbm>>
      tpu.enqueue_dma source(%dma_start3A_11 : memref<42x128xi32, #tpu.memory_space<hbm>>) target(%arg8 : memref<42x128xi32, #tpu.memory_space<vmem>>) target_semaphore(%run_scoped3A : memref<!tpu.dma_semaphore, #tpu.memory_space<semaphore_mem>>)
      %dma_wait3A = arith.constant 0 : i32
      %dma_wait3A_12 = arith.constant 0 : i32
      %dma_wait3A_13 = tpu.memref_slice %arg3[%add3A, %dma_wait3A, %dma_wait3A_12] : memref<32x42x128xi32, #tpu.memory_space<hbm>> -> memref<1x42x128xi32, #tpu.memory_space<hbm>>
      %dma_wait3A_14 = tpu.memref_squeeze %dma_wait3A_13 : memref<1x42x128xi32, #tpu.memory_space<hbm>> -> memref<42x128xi32, #tpu.memory_space<hbm>>
      %dma_wait3A_15 = arith.constant 0 : i32
      %dma_wait3A_16 = arith.constant 0 : i32
      %dma_wait3A_17 = tpu.memref_slice %arg3[%add3A, %dma_wait3A_15, %dma_wait3A_16] : memref<32x42x128xi32, #tpu.memory_space<hbm>> -> memref<1x42x128xi32, #tpu.memory_space<hbm>>
      %dma_wait3A_18 = tpu.memref_squeeze %dma_wait3A_17 : memref<1x42x128xi32, #tpu.memory_space<hbm>> -> memref<42x128xi32, #tpu.memory_space<hbm>>
      tpu.wait_dma2 semaphore(%run_scoped3A : memref<!tpu.dma_semaphore, #tpu.memory_space<semaphore_mem>>) src(%dma_wait3A_18 : memref<42x128xi32, #tpu.memory_space<hbm>>) dst(%arg8 : memref<42x128xi32, #tpu.memory_space<vmem>>)
      tpu.yield
    }) : () -> ()
    %iota3A = tpu.iota {dimensions = array<i32: 0>} : vector<16xi32>
    %scan3A = arith.constant 0 : i32
    %scan3A_1 = arith.constant 42 : i32
    %scan3A_2 = arith.addi %scan3A, %scan3A_1 : i32
    %scan3A_3 = arith.constant 1 : i32
    scf.for %scan3A_5 = %scan3A to %scan3A_2 step %scan3A_3  : i32 {
      %mul3A_6 = arith.constant 1 : i32
      %mul3A_7 = arith.muli %scan3A_5, %mul3A_6 : i32
      %add3A_8 = arith.constant 0 : i32
      %add3A_9 = arith.addi %add3A_8, %mul3A_7 : i32
      "tpu.region"() ({
        %run_scoped3A = tpu.sem_alloc : memref<!tpu.dma_semaphore, #tpu.memory_space<semaphore_mem>>
        %dma_start3A = arith.constant 0 : i32
        %dma_start3A_20 = tpu.memref_slice %arg7[%add3A_9, %dma_start3A] : memref<42x128xi32, #tpu.memory_space<vmem>> -> memref<1x128xi32, #tpu.memory_space<vmem>>
        %dma_start3A_21 = tpu.memref_squeeze %dma_start3A_20 : memref<1x128xi32, #tpu.memory_space<vmem>> -> memref<128xi32, #tpu.memory_space<vmem>>
        %dma_start3A_22 = arith.constant 0 : i32
        %dma_start3A_23 = arith.constant 0 : i32
        %dma_start3A_24 = tpu.memref_slice %arg4[%dma_start3A_22, %dma_start3A_23] : memref<10112x16xf32, #tpu.memory_space<hbm>> -> memref<10112x16xf32, #tpu.memory_space<hbm>>
        tpu.enqueue_indirect_dma source(%dma_start3A_24 : memref<10112x16xf32, #tpu.memory_space<hbm>>) target(%arg9 : memref<128x16xf32, #tpu.memory_space<vmem>>) offsets(%dma_start3A_21 : memref<128xi32, #tpu.memory_space<vmem>>) semaphore(%run_scoped3A : memref<!tpu.dma_semaphore, #tpu.memory_space<semaphore_mem>>)
        %dma_wait3A = arith.constant 0 : i32
        %dma_wait3A_25 = tpu.memref_slice %arg7[%add3A_9, %dma_wait3A] : memref<42x128xi32, #tpu.memory_space<vmem>> -> memref<1x128xi32, #tpu.memory_space<vmem>>
        %dma_wait3A_26 = tpu.memref_squeeze %dma_wait3A_25 : memref<1x128xi32, #tpu.memory_space<vmem>> -> memref<128xi32, #tpu.memory_space<vmem>>
        %dma_wait3A_27 = arith.constant 0 : i32
        %dma_wait3A_28 = arith.constant 0 : i32
        %dma_wait3A_29 = tpu.memref_slice %arg4[%dma_wait3A_27, %dma_wait3A_28] : memref<10112x16xf32, #tpu.memory_space<hbm>> -> memref<10112x16xf32, #tpu.memory_space<hbm>>
        tpu.wait_indirect_dma semaphore(%run_scoped3A : memref<!tpu.dma_semaphore, #tpu.memory_space<semaphore_mem>>) src(%dma_wait3A_29 : memref<10112x16xf32, #tpu.memory_space<hbm>>) dst(%arg9 : memref<128x16xf32, #tpu.memory_space<vmem>>)
        tpu.yield
      }) : () -> ()
      "tpu.region"() ({
        %run_scoped3A = tpu.sem_alloc : memref<!tpu.dma_semaphore, #tpu.memory_space<semaphore_mem>>
        %dma_start3A = arith.constant 0 : i32
        %dma_start3A_20 = tpu.memref_slice %arg8[%add3A_9, %dma_start3A] : memref<42x128xi32, #tpu.memory_space<vmem>> -> memref<1x128xi32, #tpu.memory_space<vmem>>
        %dma_start3A_21 = tpu.memref_squeeze %dma_start3A_20 : memref<1x128xi32, #tpu.memory_space<vmem>> -> memref<128xi32, #tpu.memory_space<vmem>>
        %dma_start3A_22 = arith.constant 0 : i32
        %dma_start3A_23 = arith.constant 0 : i32
        %dma_start3A_24 = tpu.memref_slice %arg5[%dma_start3A_22, %dma_start3A_23] : memref<10112x16xf32, #tpu.memory_space<hbm>> -> memref<10112x16xf32, #tpu.memory_space<hbm>>
        tpu.enqueue_indirect_dma source(%dma_start3A_24 : memref<10112x16xf32, #tpu.memory_space<hbm>>) target(%arg10 : memref<128x16xf32, #tpu.memory_space<vmem>>) offsets(%dma_start3A_21 : memref<128xi32, #tpu.memory_space<vmem>>) semaphore(%run_scoped3A : memref<!tpu.dma_semaphore, #tpu.memory_space<semaphore_mem>>)
        %dma_wait3A = arith.constant 0 : i32
        %dma_wait3A_25 = tpu.memref_slice %arg8[%add3A_9, %dma_wait3A] : memref<42x128xi32, #tpu.memory_space<vmem>> -> memref<1x128xi32, #tpu.memory_space<vmem>>
        %dma_wait3A_26 = tpu.memref_squeeze %dma_wait3A_25 : memref<1x128xi32, #tpu.memory_space<vmem>> -> memref<128xi32, #tpu.memory_space<vmem>>
        %dma_wait3A_27 = arith.constant 0 : i32
        %dma_wait3A_28 = arith.constant 0 : i32
        %dma_wait3A_29 = tpu.memref_slice %arg5[%dma_wait3A_27, %dma_wait3A_28] : memref<10112x16xf32, #tpu.memory_space<hbm>> -> memref<10112x16xf32, #tpu.memory_space<hbm>>
        tpu.wait_indirect_dma semaphore(%run_scoped3A : memref<!tpu.dma_semaphore, #tpu.memory_space<semaphore_mem>>) src(%dma_wait3A_29 : memref<10112x16xf32, #tpu.memory_space<hbm>>) dst(%arg10 : memref<128x16xf32, #tpu.memory_space<vmem>>)
        tpu.yield
      }) : () -> ()
      %scan3A_10 = arith.constant 0 : i32
      %scan3A_11 = arith.constant 128 : i32
      %scan3A_12 = arith.addi %scan3A_10, %scan3A_11 : i32
      %scan3A_13 = arith.constant 1 : i32
      scf.for %scan3A_20 = %scan3A_10 to %scan3A_12 step %scan3A_13  : i32 {
        %mul3A_21 = arith.constant 1 : i32
        %mul3A_22 = arith.muli %scan3A_20, %mul3A_21 : i32
        %add3A_23 = arith.constant 0 : i32
        %add3A_24 = arith.addi %add3A_23, %mul3A_22 : i32
        %get3A = arith.index_cast %add3A_24 : i32 to index
        %get3A_25 = arith.constant 0 : index
        %get3A_26 = tpu.vector_load %arg9[%get3A, %get3A_25] {strides = array<i32>} : memref<128x16xf32, #tpu.memory_space<vmem>>, vector<16xf32>,
        %get3A_27 = arith.index_cast %add3A_24 : i32 to index
        %get3A_28 = arith.constant 0 : index
        %get3A_29 = tpu.vector_load %arg10[%get3A_27, %get3A_28] {strides = array<i32>} : memref<128x16xf32, #tpu.memory_space<vmem>>, vector<16xf32>,
        %add3A_30 = arith.addf %get3A_26, %get3A_29 : vector<16xf32>
        %ge3A = arith.constant 0.000000e+00 : f32
        %ge3A_31 = vector.broadcast %ge3A : f32 to vector<16xf32>
        %ge3A_32 = arith.cmpf oge, %add3A_30, %ge3A_31 : vector<16xf32>
        %mul3A_33 = arith.constant 2.000000e-01 : f32
        %mul3A_34 = vector.broadcast %mul3A_33 : f32 to vector<16xf32>
        %mul3A_35 = arith.mulf %mul3A_34, %add3A_30 : vector<16xf32>
        %select_n3A = arith.select %ge3A_32, %add3A_30, %mul3A_35 : vector<16xi1>, vector<16xf32>
        %exp3A = math.exp %select_n3A : vector<16xf32>
        %lt3A = arith.constant 10 : i32
        %lt3A_36 = vector.broadcast %lt3A : i32 to vector<16xi32>
        %lt3A_37 = arith.cmpi slt, %iota3A, %lt3A_36 : vector<16xi32>
        %eq3A = arith.constant 10 : i32
        %eq3A_38 = vector.broadcast %eq3A : i32 to vector<16xi32>
        %eq3A_39 = arith.cmpi eq, %iota3A, %eq3A_38 : vector<16xi32>
        %jit3A = arith.constant 1.000000e+00 : f32
        %jit3A_40 = arith.constant 0.000000e+00 : f32
        %broadcast_in_dim3A = vector.broadcast %jit3A : f32 to vector<16xf32>
        %broadcast_in_dim3A_41 = vector.broadcast %jit3A_40 : f32 to vector<16xf32>
        %select_n3A_42 = arith.select %eq3A_39, %broadcast_in_dim3A, %broadcast_in_dim3A_41 : vector<16xi1>, vector<16xf32>
        %select_n3A_43 = arith.select %lt3A_37, %exp3A, %select_n3A_42 : vector<16xi1>, vector<16xf32>
        %swap3A = arith.index_cast %add3A_24 : i32 to index
        %swap3A_44 = arith.constant 0 : index
        %swap3A_45 = tpu.vector_load %arg11[%swap3A, %swap3A_44] {strides = array<i32>} : memref<128x16xf32, #tpu.memory_space<vmem>>, vector<16xf32>,
        tpu.vector_store %arg11[%swap3A, %swap3A_44], %select_n3A_43 {strides = array<i32>} : memref<128x16xf32, #tpu.memory_space<vmem>>, vector<16xf32>,
      }
      %scan3A_14 = arith.constant 128 : i32
      %mul3A_15 = arith.constant 5376 : i32
      %mul3A_16 = arith.muli %add3A, %mul3A_15 : i32
      %mul3A_17 = arith.constant 128 : i32
      %mul3A_18 = arith.muli %add3A_9, %mul3A_17 : i32
      %add3A_19 = arith.addi %mul3A_16, %mul3A_18 : i32
      "tpu.region"() ({
        %run_scoped3A = tpu.sem_alloc : memref<!tpu.dma_semaphore, #tpu.memory_space<semaphore_mem>>
        %dma_start3A = arith.constant 0 : i32
        %dma_start3A_20 = tpu.memref_slice %arg6[%add3A_19, %dma_start3A] : memref<172032x16xf32, #tpu.memory_space<hbm>> -> memref<128x16xf32, #tpu.memory_space<hbm>>
        %dma_start3A_21 = arith.constant 0 : i32
        %dma_start3A_22 = tpu.memref_slice %arg6[%add3A_19, %dma_start3A_21] : memref<172032x16xf32, #tpu.memory_space<hbm>> -> memref<128x16xf32, #tpu.memory_space<hbm>>
        tpu.enqueue_dma source(%arg11 : memref<128x16xf32, #tpu.memory_space<vmem>>) target(%dma_start3A_22 : memref<128x16xf32, #tpu.memory_space<hbm>>) target_semaphore(%run_scoped3A : memref<!tpu.dma_semaphore, #tpu.memory_space<semaphore_mem>>)
        %dma_wait3A = arith.constant 0 : i32
        %dma_wait3A_23 = tpu.memref_slice %arg6[%add3A_19, %dma_wait3A] : memref<172032x16xf32, #tpu.memory_space<hbm>> -> memref<128x16xf32, #tpu.memory_space<hbm>>
        %dma_wait3A_24 = arith.constant 0 : i32
        %dma_wait3A_25 = tpu.memref_slice %arg6[%add3A_19, %dma_wait3A_24] : memref<172032x16xf32, #tpu.memory_space<hbm>> -> memref<128x16xf32, #tpu.memory_space<hbm>>
        tpu.wait_dma2 semaphore(%run_scoped3A : memref<!tpu.dma_semaphore, #tpu.memory_space<semaphore_mem>>) src(%arg11 : memref<128x16xf32, #tpu.memory_space<vmem>>) dst(%dma_wait3A_25 : memref<128x16xf32, #tpu.memory_space<hbm>>)
        tpu.yield
      }) : () -> ()
    }
    %scan3A_4 = arith.constant 42 : i32
    return
  }
}

#map = affine_map<(d0, d1) -> (0, 0, 0)>
module attributes {stable_mosaic.version = 14 : i64} {
  func.func @_k6_body(%arg0: i32, %arg1: i32, %arg2: memref<13x10112x64xf32, #tpu.memory_space<hbm>>, %arg3: memref<16x84x128xi32, #tpu.memory_space<hbm>>, %arg4: memref<16x84x128xi32, #tpu.memory_space<hbm>>, %arg5: memref<13x10112x64xf32, #tpu.memory_space<hbm>>, %arg6: memref<84x128xi32, #tpu.memory_space<vmem>>, %arg7: memref<84x128xi32, #tpu.memory_space<vmem>>, %arg8: memref<2x128x64xf32, #tpu.memory_space<vmem>>, %arg9: memref<632x64xf32, #tpu.memory_space<vmem>>, %arg10: memref<10112x64xf32, #tpu.memory_space<vmem_shared>>, %arg11: memref<!tpu.dma_semaphore, #tpu.memory_space<semaphore_mem>>) attributes {dimension_semantics = [#tpu.dimension_semantics<core_parallel>, #tpu.dimension_semantics<subcore_parallel>], iteration_bounds = array<i64: 2, 16>, scalar_prefetch = 0 : i64, scratch_operands = 6 : i64, tpu.core_type = #tpu.core_type<sc_vector_subcore>, window_params = [{transform_indices = #map}, {transform_indices = #map}, {transform_indices = #map}, {transform_indices = #map}]} {
    %scan3A = arith.constant 0 : i32
    %scan3A_0 = arith.constant 632 : i32
    %scan3A_1 = arith.addi %scan3A, %scan3A_0 : i32
    %scan3A_2 = arith.constant 1 : i32
    scf.for %scan3A_9 = %scan3A to %scan3A_1 step %scan3A_2  : i32 {
      %mul3A = arith.constant 1 : i32
      %mul3A_10 = arith.muli %scan3A_9, %mul3A : i32
      %add3A = arith.constant 0 : i32
      %add3A_11 = arith.addi %add3A, %mul3A_10 : i32
      %broadcast_in_dim3A = arith.constant 0.000000e+00 : f32
      %broadcast_in_dim3A_12 = vector.broadcast %broadcast_in_dim3A : f32 to vector<16xf32>
      %swap3A = arith.index_cast %add3A_11 : i32 to index
      %swap3A_13 = arith.constant 0 : index
      %swap3A_14 = tpu.vector_load %arg9[%swap3A, %swap3A_13] {strides = array<i32>} : memref<632x64xf32, #tpu.memory_space<vmem>>, vector<16xf32>,
      tpu.vector_store %arg9[%swap3A, %swap3A_13], %broadcast_in_dim3A_12 {strides = array<i32>} : memref<632x64xf32, #tpu.memory_space<vmem>>, vector<16xf32>,
      %broadcast_in_dim3A_15 = arith.constant 0.000000e+00 : f32
      %broadcast_in_dim3A_16 = vector.broadcast %broadcast_in_dim3A_15 : f32 to vector<16xf32>
      %swap3A_17 = arith.index_cast %add3A_11 : i32 to index
      %swap3A_18 = arith.constant 16 : index
      %swap3A_19 = tpu.vector_load %arg9[%swap3A_17, %swap3A_18] {strides = array<i32>} : memref<632x64xf32, #tpu.memory_space<vmem>>, vector<16xf32>,
      tpu.vector_store %arg9[%swap3A_17, %swap3A_18], %broadcast_in_dim3A_16 {strides = array<i32>} : memref<632x64xf32, #tpu.memory_space<vmem>>, vector<16xf32>,
      %broadcast_in_dim3A_20 = arith.constant 0.000000e+00 : f32
      %broadcast_in_dim3A_21 = vector.broadcast %broadcast_in_dim3A_20 : f32 to vector<16xf32>
      %swap3A_22 = arith.index_cast %add3A_11 : i32 to index
      %swap3A_23 = arith.constant 32 : index
      %swap3A_24 = tpu.vector_load %arg9[%swap3A_22, %swap3A_23] {strides = array<i32>} : memref<632x64xf32, #tpu.memory_space<vmem>>, vector<16xf32>,
      tpu.vector_store %arg9[%swap3A_22, %swap3A_23], %broadcast_in_dim3A_21 {strides = array<i32>} : memref<632x64xf32, #tpu.memory_space<vmem>>, vector<16xf32>,
      %broadcast_in_dim3A_25 = arith.constant 0.000000e+00 : f32
      %broadcast_in_dim3A_26 = vector.broadcast %broadcast_in_dim3A_25 : f32 to vector<16xf32>
      %swap3A_27 = arith.index_cast %add3A_11 : i32 to index
      %swap3A_28 = arith.constant 48 : index
      %swap3A_29 = tpu.vector_load %arg9[%swap3A_27, %swap3A_28] {strides = array<i32>} : memref<632x64xf32, #tpu.memory_space<vmem>>, vector<16xf32>,
      tpu.vector_store %arg9[%swap3A_27, %swap3A_28], %broadcast_in_dim3A_26 {strides = array<i32>} : memref<632x64xf32, #tpu.memory_space<vmem>>, vector<16xf32>,
    }
    %scan3A_3 = arith.constant 632 : i32
    "tpu.region"() ({
      %run_scoped3A = tpu.sem_alloc : memref<!tpu.dma_semaphore, #tpu.memory_space<semaphore_mem>>
      %dma_start3A = arith.constant 0 : i32
      %dma_start3A_9 = arith.constant 0 : i32
      %dma_start3A_10 = tpu.memref_slice %arg3[%arg1, %dma_start3A, %dma_start3A_9] : memref<16x84x128xi32, #tpu.memory_space<hbm>> -> memref<1x84x128xi32, #tpu.memory_space<hbm>>
      %dma_start3A_11 = tpu.memref_squeeze %dma_start3A_10 : memref<1x84x128xi32, #tpu.memory_space<hbm>> -> memref<84x128xi32, #tpu.memory_space<hbm>>
      %dma_start3A_12 = arith.constant 0 : i32
      %dma_start3A_13 = arith.constant 0 : i32
      %dma_start3A_14 = tpu.memref_slice %arg3[%arg1, %dma_start3A_12, %dma_start3A_13] : memref<16x84x128xi32, #tpu.memory_space<hbm>> -> memref<1x84x128xi32, #tpu.memory_space<hbm>>
      %dma_start3A_15 = tpu.memref_squeeze %dma_start3A_14 : memref<1x84x128xi32, #tpu.memory_space<hbm>> -> memref<84x128xi32, #tpu.memory_space<hbm>>
      tpu.enqueue_dma source(%dma_start3A_15 : memref<84x128xi32, #tpu.memory_space<hbm>>) target(%arg6 : memref<84x128xi32, #tpu.memory_space<vmem>>) target_semaphore(%run_scoped3A : memref<!tpu.dma_semaphore, #tpu.memory_space<semaphore_mem>>)
      %dma_wait3A = arith.constant 0 : i32
      %dma_wait3A_16 = arith.constant 0 : i32
      %dma_wait3A_17 = tpu.memref_slice %arg3[%arg1, %dma_wait3A, %dma_wait3A_16] : memref<16x84x128xi32, #tpu.memory_space<hbm>> -> memref<1x84x128xi32, #tpu.memory_space<hbm>>
      %dma_wait3A_18 = tpu.memref_squeeze %dma_wait3A_17 : memref<1x84x128xi32, #tpu.memory_space<hbm>> -> memref<84x128xi32, #tpu.memory_space<hbm>>
      %dma_wait3A_19 = arith.constant 0 : i32
      %dma_wait3A_20 = arith.constant 0 : i32
      %dma_wait3A_21 = tpu.memref_slice %arg3[%arg1, %dma_wait3A_19, %dma_wait3A_20] : memref<16x84x128xi32, #tpu.memory_space<hbm>> -> memref<1x84x128xi32, #tpu.memory_space<hbm>>
      %dma_wait3A_22 = tpu.memref_squeeze %dma_wait3A_21 : memref<1x84x128xi32, #tpu.memory_space<hbm>> -> memref<84x128xi32, #tpu.memory_space<hbm>>
      tpu.wait_dma2 semaphore(%run_scoped3A : memref<!tpu.dma_semaphore, #tpu.memory_space<semaphore_mem>>) src(%dma_wait3A_22 : memref<84x128xi32, #tpu.memory_space<hbm>>) dst(%arg6 : memref<84x128xi32, #tpu.memory_space<vmem>>)
      tpu.yield
    }) : () -> ()
    "tpu.region"() ({
      %run_scoped3A = tpu.sem_alloc : memref<!tpu.dma_semaphore, #tpu.memory_space<semaphore_mem>>
      %dma_start3A = arith.constant 0 : i32
      %dma_start3A_9 = arith.constant 0 : i32
      %dma_start3A_10 = tpu.memref_slice %arg4[%arg1, %dma_start3A, %dma_start3A_9] : memref<16x84x128xi32, #tpu.memory_space<hbm>> -> memref<1x84x128xi32, #tpu.memory_space<hbm>>
      %dma_start3A_11 = tpu.memref_squeeze %dma_start3A_10 : memref<1x84x128xi32, #tpu.memory_space<hbm>> -> memref<84x128xi32, #tpu.memory_space<hbm>>
      %dma_start3A_12 = arith.constant 0 : i32
      %dma_start3A_13 = arith.constant 0 : i32
      %dma_start3A_14 = tpu.memref_slice %arg4[%arg1, %dma_start3A_12, %dma_start3A_13] : memref<16x84x128xi32, #tpu.memory_space<hbm>> -> memref<1x84x128xi32, #tpu.memory_space<hbm>>
      %dma_start3A_15 = tpu.memref_squeeze %dma_start3A_14 : memref<1x84x128xi32, #tpu.memory_space<hbm>> -> memref<84x128xi32, #tpu.memory_space<hbm>>
      tpu.enqueue_dma source(%dma_start3A_15 : memref<84x128xi32, #tpu.memory_space<hbm>>) target(%arg7 : memref<84x128xi32, #tpu.memory_space<vmem>>) target_semaphore(%run_scoped3A : memref<!tpu.dma_semaphore, #tpu.memory_space<semaphore_mem>>)
      %dma_wait3A = arith.constant 0 : i32
      %dma_wait3A_16 = arith.constant 0 : i32
      %dma_wait3A_17 = tpu.memref_slice %arg4[%arg1, %dma_wait3A, %dma_wait3A_16] : memref<16x84x128xi32, #tpu.memory_space<hbm>> -> memref<1x84x128xi32, #tpu.memory_space<hbm>>
      %dma_wait3A_18 = tpu.memref_squeeze %dma_wait3A_17 : memref<1x84x128xi32, #tpu.memory_space<hbm>> -> memref<84x128xi32, #tpu.memory_space<hbm>>
      %dma_wait3A_19 = arith.constant 0 : i32
      %dma_wait3A_20 = arith.constant 0 : i32
      %dma_wait3A_21 = tpu.memref_slice %arg4[%arg1, %dma_wait3A_19, %dma_wait3A_20] : memref<16x84x128xi32, #tpu.memory_space<hbm>> -> memref<1x84x128xi32, #tpu.memory_space<hbm>>
      %dma_wait3A_22 = tpu.memref_squeeze %dma_wait3A_21 : memref<1x84x128xi32, #tpu.memory_space<hbm>> -> memref<84x128xi32, #tpu.memory_space<hbm>>
      tpu.wait_dma2 semaphore(%run_scoped3A : memref<!tpu.dma_semaphore, #tpu.memory_space<semaphore_mem>>) src(%dma_wait3A_22 : memref<84x128xi32, #tpu.memory_space<hbm>>) dst(%arg7 : memref<84x128xi32, #tpu.memory_space<vmem>>)
      tpu.yield
    }) : () -> ()
    %scan3A_4 = arith.constant 0 : i32
    %scan3A_5 = arith.constant 7 : i32
    %scan3A_6 = arith.addi %scan3A_4, %scan3A_5 : i32
    %scan3A_7 = arith.constant 1 : i32
    scf.for %scan3A_9 = %scan3A_4 to %scan3A_6 step %scan3A_7  : i32 {
      %mul3A = arith.constant 1 : i32
      %mul3A_10 = arith.muli %scan3A_9, %mul3A : i32
      %add3A = arith.constant 0 : i32
      %add3A_11 = arith.addi %add3A, %mul3A_10 : i32
      %mul3A_12 = arith.constant 7 : i32
      %mul3A_13 = arith.muli %arg0, %mul3A_12 : i32
      %add3A_14 = arith.addi %mul3A_13, %add3A_11 : i32
      %lt3A = arith.constant 13 : i32
      %lt3A_15 = arith.cmpi slt, %add3A_14, %lt3A : i32
      %convert_element_type3A = arith.extui %lt3A_15 : i1 to i32
      %cond3A = arith.constant 0 : i32
      %cond3A_16 = arith.cmpi ne, %convert_element_type3A, %cond3A : i32
      scf.if %cond3A_16 {
        %mul3A_25 = arith.constant 632 : i32
        %mul3A_26 = arith.muli %arg1, %mul3A_25 : i32
        "tpu.region"() ({
          %run_scoped3A = tpu.sem_alloc : memref<!tpu.dma_semaphore, #tpu.memory_space<semaphore_mem>>
          %dma_start3A = arith.constant 0 : i32
          %dma_start3A_27 = tpu.memref_slice %arg10[%mul3A_26, %dma_start3A] : memref<10112x64xf32, #tpu.memory_space<vmem_shared>> -> memref<632x64xf32, #tpu.memory_space<vmem_shared>>
          %dma_start3A_28 = arith.constant 0 : i32
          %dma_start3A_29 = tpu.memref_slice %arg10[%mul3A_26, %dma_start3A_28] : memref<10112x64xf32, #tpu.memory_space<vmem_shared>> -> memref<632x64xf32, #tpu.memory_space<vmem_shared>>
          tpu.enqueue_dma source(%arg9 : memref<632x64xf32, #tpu.memory_space<vmem>>) target(%dma_start3A_29 : memref<632x64xf32, #tpu.memory_space<vmem_shared>>) target_semaphore(%run_scoped3A : memref<!tpu.dma_semaphore, #tpu.memory_space<semaphore_mem>>)
          %dma_wait3A = arith.constant 0 : i32
          %dma_wait3A_30 = tpu.memref_slice %arg10[%mul3A_26, %dma_wait3A] : memref<10112x64xf32, #tpu.memory_space<vmem_shared>> -> memref<632x64xf32, #tpu.memory_space<vmem_shared>>
          %dma_wait3A_31 = arith.constant 0 : i32
          %dma_wait3A_32 = tpu.memref_slice %arg10[%mul3A_26, %dma_wait3A_31] : memref<10112x64xf32, #tpu.memory_space<vmem_shared>> -> memref<632x64xf32, #tpu.memory_space<vmem_shared>>
          tpu.wait_dma2 semaphore(%run_scoped3A : memref<!tpu.dma_semaphore, #tpu.memory_space<semaphore_mem>>) src(%arg9 : memref<632x64xf32, #tpu.memory_space<vmem>>) dst(%dma_wait3A_32 : memref<632x64xf32, #tpu.memory_space<vmem_shared>>)
          tpu.yield
        }) : () -> ()
      } else {
      }
      %barrier3A = arith.constant 0 : index
      tpu.barrier barrier_id(%barrier3A)
      %convert_element_type3A_17 = arith.extui %lt3A_15 : i1 to i32
      %cond3A_18 = arith.constant 0 : i32
      %cond3A_19 = arith.cmpi ne, %convert_element_type3A_17, %cond3A_18 : i32
      scf.if %cond3A_19 {
        %scan3A_25 = arith.constant 0 : i32
        %scan3A_26 = arith.constant 42 : i32
        %scan3A_27 = arith.addi %scan3A_25, %scan3A_26 : i32
        %scan3A_28 = arith.constant 1 : i32
        scf.for %scan3A_30 = %scan3A_25 to %scan3A_27 step %scan3A_28  : i32 {
          %mul3A_31 = arith.constant 2 : i32
          %mul3A_32 = arith.muli %scan3A_30, %mul3A_31 : i32
          %add3A_33 = arith.constant 0 : i32
          %add3A_34 = arith.addi %add3A_33, %mul3A_32 : i32
          %add3A_35 = arith.constant 0 : i32
          %add3A_36 = arith.addi %add3A_34, %add3A_35 : i32
          %dma_start3A = arith.constant 0 : i32
          %dma_start3A_37 = arith.constant 0 : i32
          %dma_start3A_38 = arith.constant 0 : i32
          %dma_start3A_39 = tpu.memref_slice %arg8[%dma_start3A, %dma_start3A_37, %dma_start3A_38] : memref<2x128x64xf32, #tpu.memory_space<vmem>> -> memref<1x128x64xf32, #tpu.memory_space<vmem>>
          %dma_start3A_40 = tpu.memref_squeeze %dma_start3A_39 : memref<1x128x64xf32, #tpu.memory_space<vmem>> -> memref<128x64xf32, #tpu.memory_space<vmem>>
          %dma_start3A_41 = arith.constant 0 : i32
          %dma_start3A_42 = tpu.memref_slice %arg6[%add3A_36, %dma_start3A_41] : memref<84x128xi32, #tpu.memory_space<vmem>> -> memref<1x128xi32, #tpu.memory_space<vmem>>
          %dma_start3A_43 = tpu.memref_squeeze %dma_start3A_42 : memref<1x128xi32, #tpu.memory_space<vmem>> -> memref<128xi32, #tpu.memory_space<vmem>>
          %dma_start3A_44 = arith.constant 0 : i32
          %dma_start3A_45 = arith.constant 0 : i32
          %dma_start3A_46 = tpu.memref_slice %arg2[%add3A_14, %dma_start3A_44, %dma_start3A_45] : memref<13x10112x64xf32, #tpu.memory_space<hbm>> -> memref<1x10112x64xf32, #tpu.memory_space<hbm>>
          %dma_start3A_47 = tpu.memref_squeeze %dma_start3A_46 : memref<1x10112x64xf32, #tpu.memory_space<hbm>> -> memref<10112x64xf32, #tpu.memory_space<hbm>>
          %dma_start3A_48 = arith.constant 0 : i32
          %dma_start3A_49 = arith.constant 0 : i32
          %dma_start3A_50 = tpu.memref_slice %dma_start3A_47[%dma_start3A_48, %dma_start3A_49] : memref<10112x64xf32, #tpu.memory_space<hbm>> -> memref<10112x64xf32, #tpu.memory_space<hbm>>
          tpu.enqueue_indirect_dma source(%dma_start3A_50 : memref<10112x64xf32, #tpu.memory_space<hbm>>) target(%dma_start3A_40 : memref<128x64xf32, #tpu.memory_space<vmem>>) offsets(%dma_start3A_43 : memref<128xi32, #tpu.memory_space<vmem>>) semaphore(%arg11 : memref<!tpu.dma_semaphore, #tpu.memory_space<semaphore_mem>>)
          %add3A_51 = arith.constant 1 : i32
          %add3A_52 = arith.addi %add3A_34, %add3A_51 : i32
          %dma_start3A_53 = arith.constant 1 : i32
          %dma_start3A_54 = arith.constant 0 : i32
          %dma_start3A_55 = arith.constant 0 : i32
          %dma_start3A_56 = tpu.memref_slice %arg8[%dma_start3A_53, %dma_start3A_54, %dma_start3A_55] : memref<2x128x64xf32, #tpu.memory_space<vmem>> -> memref<1x128x64xf32, #tpu.memory_space<vmem>>
          %dma_start3A_57 = tpu.memref_squeeze %dma_start3A_56 : memref<1x128x64xf32, #tpu.memory_space<vmem>> -> memref<128x64xf32, #tpu.memory_space<vmem>>
          %dma_start3A_58 = arith.constant 0 : i32
          %dma_start3A_59 = tpu.memref_slice %arg6[%add3A_52, %dma_start3A_58] : memref<84x128xi32, #tpu.memory_space<vmem>> -> memref<1x128xi32, #tpu.memory_space<vmem>>
          %dma_start3A_60 = tpu.memref_squeeze %dma_start3A_59 : memref<1x128xi32, #tpu.memory_space<vmem>> -> memref<128xi32, #tpu.memory_space<vmem>>
          %dma_start3A_61 = arith.constant 0 : i32
          %dma_start3A_62 = arith.constant 0 : i32
          %dma_start3A_63 = tpu.memref_slice %arg2[%add3A_14, %dma_start3A_61, %dma_start3A_62] : memref<13x10112x64xf32, #tpu.memory_space<hbm>> -> memref<1x10112x64xf32, #tpu.memory_space<hbm>>
          %dma_start3A_64 = tpu.memref_squeeze %dma_start3A_63 : memref<1x10112x64xf32, #tpu.memory_space<hbm>> -> memref<10112x64xf32, #tpu.memory_space<hbm>>
          %dma_start3A_65 = arith.constant 0 : i32
          %dma_start3A_66 = arith.constant 0 : i32
          %dma_start3A_67 = tpu.memref_slice %dma_start3A_64[%dma_start3A_65, %dma_start3A_66] : memref<10112x64xf32, #tpu.memory_space<hbm>> -> memref<10112x64xf32, #tpu.memory_space<hbm>>
          tpu.enqueue_indirect_dma source(%dma_start3A_67 : memref<10112x64xf32, #tpu.memory_space<hbm>>) target(%dma_start3A_57 : memref<128x64xf32, #tpu.memory_space<vmem>>) offsets(%dma_start3A_60 : memref<128xi32, #tpu.memory_space<vmem>>) semaphore(%arg11 : memref<!tpu.dma_semaphore, #tpu.memory_space<semaphore_mem>>)
          %dma_wait3A = arith.constant 0 : i32
          %dma_wait3A_68 = arith.constant 0 : i32
          %dma_wait3A_69 = arith.constant 0 : i32
          %dma_wait3A_70 = tpu.memref_slice %arg8[%dma_wait3A, %dma_wait3A_68, %dma_wait3A_69] : memref<2x128x64xf32, #tpu.memory_space<vmem>> -> memref<1x128x64xf32, #tpu.memory_space<vmem>>
          %dma_wait3A_71 = tpu.memref_squeeze %dma_wait3A_70 : memref<1x128x64xf32, #tpu.memory_space<vmem>> -> memref<128x64xf32, #tpu.memory_space<vmem>>
          %dma_wait3A_72 = arith.constant 0 : i32
          %dma_wait3A_73 = tpu.memref_slice %arg6[%add3A_36, %dma_wait3A_72] : memref<84x128xi32, #tpu.memory_space<vmem>> -> memref<1x128xi32, #tpu.memory_space<vmem>>
          %dma_wait3A_74 = tpu.memref_squeeze %dma_wait3A_73 : memref<1x128xi32, #tpu.memory_space<vmem>> -> memref<128xi32, #tpu.memory_space<vmem>>
          %dma_wait3A_75 = arith.constant 0 : i32
          %dma_wait3A_76 = arith.constant 0 : i32
          %dma_wait3A_77 = tpu.memref_slice %arg2[%add3A_14, %dma_wait3A_75, %dma_wait3A_76] : memref<13x10112x64xf32, #tpu.memory_space<hbm>> -> memref<1x10112x64xf32, #tpu.memory_space<hbm>>
          %dma_wait3A_78 = tpu.memref_squeeze %dma_wait3A_77 : memref<1x10112x64xf32, #tpu.memory_space<hbm>> -> memref<10112x64xf32, #tpu.memory_space<hbm>>
          %dma_wait3A_79 = arith.constant 0 : i32
          %dma_wait3A_80 = arith.constant 0 : i32
          %dma_wait3A_81 = tpu.memref_slice %dma_wait3A_78[%dma_wait3A_79, %dma_wait3A_80] : memref<10112x64xf32, #tpu.memory_space<hbm>> -> memref<10112x64xf32, #tpu.memory_space<hbm>>
          tpu.wait_indirect_dma semaphore(%arg11 : memref<!tpu.dma_semaphore, #tpu.memory_space<semaphore_mem>>) src(%dma_wait3A_81 : memref<10112x64xf32, #tpu.memory_space<hbm>>) dst(%dma_wait3A_71 : memref<128x64xf32, #tpu.memory_space<vmem>>)
          %dma_wait3A_82 = arith.constant 1 : i32
          %dma_wait3A_83 = arith.constant 0 : i32
          %dma_wait3A_84 = arith.constant 0 : i32
          %dma_wait3A_85 = tpu.memref_slice %arg8[%dma_wait3A_82, %dma_wait3A_83, %dma_wait3A_84] : memref<2x128x64xf32, #tpu.memory_space<vmem>> -> memref<1x128x64xf32, #tpu.memory_space<vmem>>
          %dma_wait3A_86 = tpu.memref_squeeze %dma_wait3A_85 : memref<1x128x64xf32, #tpu.memory_space<vmem>> -> memref<128x64xf32, #tpu.memory_space<vmem>>
          %dma_wait3A_87 = arith.constant 0 : i32
          %dma_wait3A_88 = tpu.memref_slice %arg6[%add3A_52, %dma_wait3A_87] : memref<84x128xi32, #tpu.memory_space<vmem>> -> memref<1x128xi32, #tpu.memory_space<vmem>>
          %dma_wait3A_89 = tpu.memref_squeeze %dma_wait3A_88 : memref<1x128xi32, #tpu.memory_space<vmem>> -> memref<128xi32, #tpu.memory_space<vmem>>
          %dma_wait3A_90 = arith.constant 0 : i32
          %dma_wait3A_91 = arith.constant 0 : i32
          %dma_wait3A_92 = tpu.memref_slice %arg2[%add3A_14, %dma_wait3A_90, %dma_wait3A_91] : memref<13x10112x64xf32, #tpu.memory_space<hbm>> -> memref<1x10112x64xf32, #tpu.memory_space<hbm>>
          %dma_wait3A_93 = tpu.memref_squeeze %dma_wait3A_92 : memref<1x10112x64xf32, #tpu.memory_space<hbm>> -> memref<10112x64xf32, #tpu.memory_space<hbm>>
          %dma_wait3A_94 = arith.constant 0 : i32
          %dma_wait3A_95 = arith.constant 0 : i32
          %dma_wait3A_96 = tpu.memref_slice %dma_wait3A_93[%dma_wait3A_94, %dma_wait3A_95] : memref<10112x64xf32, #tpu.memory_space<hbm>> -> memref<10112x64xf32, #tpu.memory_space<hbm>>
          tpu.wait_indirect_dma semaphore(%arg11 : memref<!tpu.dma_semaphore, #tpu.memory_space<semaphore_mem>>) src(%dma_wait3A_96 : memref<10112x64xf32, #tpu.memory_space<hbm>>) dst(%dma_wait3A_86 : memref<128x64xf32, #tpu.memory_space<vmem>>)
          %add3A_97 = arith.constant 0 : i32
          %add3A_98 = arith.addi %add3A_34, %add3A_97 : i32
          %dma_start3A_99 = arith.constant 0 : i32
          %dma_start3A_100 = arith.constant 0 : i32
          %dma_start3A_101 = arith.constant 0 : i32
          %dma_start3A_102 = tpu.memref_slice %arg8[%dma_start3A_99, %dma_start3A_100, %dma_start3A_101] : memref<2x128x64xf32, #tpu.memory_space<vmem>> -> memref<1x128x64xf32, #tpu.memory_space<vmem>>
          %dma_start3A_103 = tpu.memref_squeeze %dma_start3A_102 : memref<1x128x64xf32, #tpu.memory_space<vmem>> -> memref<128x64xf32, #tpu.memory_space<vmem>>
          %dma_start3A_104 = arith.constant 0 : i32
          %dma_start3A_105 = tpu.memref_slice %arg7[%add3A_98, %dma_start3A_104] : memref<84x128xi32, #tpu.memory_space<vmem>> -> memref<1x128xi32, #tpu.memory_space<vmem>>
          %dma_start3A_106 = tpu.memref_squeeze %dma_start3A_105 : memref<1x128xi32, #tpu.memory_space<vmem>> -> memref<128xi32, #tpu.memory_space<vmem>>
          %dma_start3A_107 = arith.constant 0 : i32
          %dma_start3A_108 = arith.constant 0 : i32
          %dma_start3A_109 = tpu.memref_slice %arg10[%dma_start3A_107, %dma_start3A_108] : memref<10112x64xf32, #tpu.memory_space<vmem_shared>> -> memref<10112x64xf32, #tpu.memory_space<vmem_shared>>
          tpu.enqueue_indirect_dma source(%dma_start3A_103 : memref<128x64xf32, #tpu.memory_space<vmem>>) target(%dma_start3A_109 : memref<10112x64xf32, #tpu.memory_space<vmem_shared>>) offsets(%dma_start3A_106 : memref<128xi32, #tpu.memory_space<vmem>>) semaphore(%arg11 : memref<!tpu.dma_semaphore, #tpu.memory_space<semaphore_mem>>) {add = true}
          %add3A_110 = arith.constant 1 : i32
          %add3A_111 = arith.addi %add3A_34, %add3A_110 : i32
          %dma_start3A_112 = arith.constant 1 : i32
          %dma_start3A_113 = arith.constant 0 : i32
          %dma_start3A_114 = arith.constant 0 : i32
          %dma_start3A_115 = tpu.memref_slice %arg8[%dma_start3A_112, %dma_start3A_113, %dma_start3A_114] : memref<2x128x64xf32, #tpu.memory_space<vmem>> -> memref<1x128x64xf32, #tpu.memory_space<vmem>>
          %dma_start3A_116 = tpu.memref_squeeze %dma_start3A_115 : memref<1x128x64xf32, #tpu.memory_space<vmem>> -> memref<128x64xf32, #tpu.memory_space<vmem>>
          %dma_start3A_117 = arith.constant 0 : i32
          %dma_start3A_118 = tpu.memref_slice %arg7[%add3A_111, %dma_start3A_117] : memref<84x128xi32, #tpu.memory_space<vmem>> -> memref<1x128xi32, #tpu.memory_space<vmem>>
          %dma_start3A_119 = tpu.memref_squeeze %dma_start3A_118 : memref<1x128xi32, #tpu.memory_space<vmem>> -> memref<128xi32, #tpu.memory_space<vmem>>
          %dma_start3A_120 = arith.constant 0 : i32
          %dma_start3A_121 = arith.constant 0 : i32
          %dma_start3A_122 = tpu.memref_slice %arg10[%dma_start3A_120, %dma_start3A_121] : memref<10112x64xf32, #tpu.memory_space<vmem_shared>> -> memref<10112x64xf32, #tpu.memory_space<vmem_shared>>
          tpu.enqueue_indirect_dma source(%dma_start3A_116 : memref<128x64xf32, #tpu.memory_space<vmem>>) target(%dma_start3A_122 : memref<10112x64xf32, #tpu.memory_space<vmem_shared>>) offsets(%dma_start3A_119 : memref<128xi32, #tpu.memory_space<vmem>>) semaphore(%arg11 : memref<!tpu.dma_semaphore, #tpu.memory_space<semaphore_mem>>) {add = true}
          %dma_wait3A_123 = arith.constant 0 : i32
          %dma_wait3A_124 = arith.constant 0 : i32
          %dma_wait3A_125 = arith.constant 0 : i32
          %dma_wait3A_126 = tpu.memref_slice %arg8[%dma_wait3A_123, %dma_wait3A_124, %dma_wait3A_125] : memref<2x128x64xf32, #tpu.memory_space<vmem>> -> memref<1x128x64xf32, #tpu.memory_space<vmem>>
          %dma_wait3A_127 = tpu.memref_squeeze %dma_wait3A_126 : memref<1x128x64xf32, #tpu.memory_space<vmem>> -> memref<128x64xf32, #tpu.memory_space<vmem>>
          %dma_wait3A_128 = arith.constant 0 : i32
          %dma_wait3A_129 = tpu.memref_slice %arg7[%add3A_98, %dma_wait3A_128] : memref<84x128xi32, #tpu.memory_space<vmem>> -> memref<1x128xi32, #tpu.memory_space<vmem>>
          %dma_wait3A_130 = tpu.memref_squeeze %dma_wait3A_129 : memref<1x128xi32, #tpu.memory_space<vmem>> -> memref<128xi32, #tpu.memory_space<vmem>>
          %dma_wait3A_131 = arith.constant 0 : i32
          %dma_wait3A_132 = arith.constant 0 : i32
          %dma_wait3A_133 = tpu.memref_slice %arg10[%dma_wait3A_131, %dma_wait3A_132] : memref<10112x64xf32, #tpu.memory_space<vmem_shared>> -> memref<10112x64xf32, #tpu.memory_space<vmem_shared>>
          tpu.wait_indirect_dma semaphore(%arg11 : memref<!tpu.dma_semaphore, #tpu.memory_space<semaphore_mem>>) src(%dma_wait3A_127 : memref<128x64xf32, #tpu.memory_space<vmem>>) dst(%dma_wait3A_133 : memref<10112x64xf32, #tpu.memory_space<vmem_shared>>)
          %dma_wait3A_134 = arith.constant 1 : i32
          %dma_wait3A_135 = arith.constant 0 : i32
          %dma_wait3A_136 = arith.constant 0 : i32
          %dma_wait3A_137 = tpu.memref_slice %arg8[%dma_wait3A_134, %dma_wait3A_135, %dma_wait3A_136] : memref<2x128x64xf32, #tpu.memory_space<vmem>> -> memref<1x128x64xf32, #tpu.memory_space<vmem>>
          %dma_wait3A_138 = tpu.memref_squeeze %dma_wait3A_137 : memref<1x128x64xf32, #tpu.memory_space<vmem>> -> memref<128x64xf32, #tpu.memory_space<vmem>>
          %dma_wait3A_139 = arith.constant 0 : i32
          %dma_wait3A_140 = tpu.memref_slice %arg7[%add3A_111, %dma_wait3A_139] : memref<84x128xi32, #tpu.memory_space<vmem>> -> memref<1x128xi32, #tpu.memory_space<vmem>>
          %dma_wait3A_141 = tpu.memref_squeeze %dma_wait3A_140 : memref<1x128xi32, #tpu.memory_space<vmem>> -> memref<128xi32, #tpu.memory_space<vmem>>
          %dma_wait3A_142 = arith.constant 0 : i32
          %dma_wait3A_143 = arith.constant 0 : i32
          %dma_wait3A_144 = tpu.memref_slice %arg10[%dma_wait3A_142, %dma_wait3A_143] : memref<10112x64xf32, #tpu.memory_space<vmem_shared>> -> memref<10112x64xf32, #tpu.memory_space<vmem_shared>>
          tpu.wait_indirect_dma semaphore(%arg11 : memref<!tpu.dma_semaphore, #tpu.memory_space<semaphore_mem>>) src(%dma_wait3A_138 : memref<128x64xf32, #tpu.memory_space<vmem>>) dst(%dma_wait3A_144 : memref<10112x64xf32, #tpu.memory_space<vmem_shared>>)
        }
        %scan3A_29 = arith.constant 42 : i32
      } else {
      }
      %barrier3A_20 = arith.constant 0 : index
      tpu.barrier barrier_id(%barrier3A_20)
      %convert_element_type3A_21 = arith.extui %lt3A_15 : i1 to i32
      %cond3A_22 = arith.constant 0 : i32
      %cond3A_23 = arith.cmpi ne, %convert_element_type3A_21, %cond3A_22 : i32
      scf.if %cond3A_23 {
        %mul3A_25 = arith.constant 632 : i32
        %mul3A_26 = arith.muli %arg1, %mul3A_25 : i32
        %mul3A_27 = arith.constant 632 : i32
        %mul3A_28 = arith.muli %arg1, %mul3A_27 : i32
        "tpu.region"() ({
          %run_scoped3A = tpu.sem_alloc : memref<!tpu.dma_semaphore, #tpu.memory_space<semaphore_mem>>
          %dma_start3A = arith.constant 0 : i32
          %dma_start3A_29 = arith.constant 0 : i32
          %dma_start3A_30 = tpu.memref_slice %arg5[%add3A_14, %dma_start3A, %dma_start3A_29] : memref<13x10112x64xf32, #tpu.memory_space<hbm>> -> memref<1x10112x64xf32, #tpu.memory_space<hbm>>
          %dma_start3A_31 = tpu.memref_squeeze %dma_start3A_30 : memref<1x10112x64xf32, #tpu.memory_space<hbm>> -> memref<10112x64xf32, #tpu.memory_space<hbm>>
          %dma_start3A_32 = arith.constant 0 : i32
          %dma_start3A_33 = tpu.memref_slice %dma_start3A_31[%mul3A_28, %dma_start3A_32] : memref<10112x64xf32, #tpu.memory_space<hbm>> -> memref<632x64xf32, #tpu.memory_space<hbm>>
          %dma_start3A_34 = arith.constant 0 : i32
          %dma_start3A_35 = tpu.memref_slice %arg10[%mul3A_26, %dma_start3A_34] : memref<10112x64xf32, #tpu.memory_space<vmem_shared>> -> memref<632x64xf32, #tpu.memory_space<vmem_shared>>
          tpu.enqueue_dma source(%dma_start3A_35 : memref<632x64xf32, #tpu.memory_space<vmem_shared>>) target(%dma_start3A_33 : memref<632x64xf32, #tpu.memory_space<hbm>>) target_semaphore(%run_scoped3A : memref<!tpu.dma_semaphore, #tpu.memory_space<semaphore_mem>>)
          %dma_wait3A = arith.constant 0 : i32
          %dma_wait3A_36 = arith.constant 0 : i32
          %dma_wait3A_37 = tpu.memref_slice %arg5[%add3A_14, %dma_wait3A, %dma_wait3A_36] : memref<13x10112x64xf32, #tpu.memory_space<hbm>> -> memref<1x10112x64xf32, #tpu.memory_space<hbm>>
          %dma_wait3A_38 = tpu.memref_squeeze %dma_wait3A_37 : memref<1x10112x64xf32, #tpu.memory_space<hbm>> -> memref<10112x64xf32, #tpu.memory_space<hbm>>
          %dma_wait3A_39 = arith.constant 0 : i32
          %dma_wait3A_40 = tpu.memref_slice %dma_wait3A_38[%mul3A_28, %dma_wait3A_39] : memref<10112x64xf32, #tpu.memory_space<hbm>> -> memref<632x64xf32, #tpu.memory_space<hbm>>
          %dma_wait3A_41 = arith.constant 0 : i32
          %dma_wait3A_42 = tpu.memref_slice %arg10[%mul3A_26, %dma_wait3A_41] : memref<10112x64xf32, #tpu.memory_space<vmem_shared>> -> memref<632x64xf32, #tpu.memory_space<vmem_shared>>
          tpu.wait_dma2 semaphore(%run_scoped3A : memref<!tpu.dma_semaphore, #tpu.memory_space<semaphore_mem>>) src(%dma_wait3A_42 : memref<632x64xf32, #tpu.memory_space<vmem_shared>>) dst(%dma_wait3A_40 : memref<632x64xf32, #tpu.memory_space<hbm>>)
          tpu.yield
        }) : () -> ()
      } else {
      }
      %barrier3A_24 = arith.constant 0 : index
      tpu.barrier barrier_id(%barrier3A_24)
    }
    %scan3A_8 = arith.constant 7 : i32
    return
  }
}

#map = affine_map<(d0, d1) -> (0, 0, 0)>
#map1 = affine_map<(d0, d1) -> (0, 0)>
module attributes {stable_mosaic.version = 14 : i64} {
  func.func @_k4_body(%arg0: i32, %arg1: i32, %arg2: memref<25x10112x32xf32, #tpu.memory_space<hbm>>, %arg3: memref<16x84x128xi32, #tpu.memory_space<hbm>>, %arg4: memref<16x84x128xi32, #tpu.memory_space<hbm>>, %arg5: memref<172032x16xf32, #tpu.memory_space<hbm>>, %arg6: memref<25x10112x32xf32, #tpu.memory_space<hbm>>, %arg7: memref<10112x16xf32, #tpu.memory_space<hbm>>, %arg8: memref<84x128xi32, #tpu.memory_space<vmem>>, %arg9: memref<84x128xi32, #tpu.memory_space<vmem>>, %arg10: memref<2x128x32xf32, #tpu.memory_space<vmem>>, %arg11: memref<2x128x32xf32, #tpu.memory_space<vmem>>, %arg12: memref<256x16xf32, #tpu.memory_space<vmem>>, %arg13: memref<632x32xf32, #tpu.memory_space<vmem>>, %arg14: memref<632x16xf32, #tpu.memory_space<vmem>>, %arg15: memref<10112x32xf32, #tpu.memory_space<vmem_shared>>, %arg16: memref<10112x16xf32, #tpu.memory_space<vmem_shared>>, %arg17: memref<!tpu.dma_semaphore, #tpu.memory_space<semaphore_mem>>) attributes {dimension_semantics = [#tpu.dimension_semantics<core_parallel>, #tpu.dimension_semantics<subcore_parallel>], iteration_bounds = array<i64: 2, 16>, scalar_prefetch = 0 : i64, scratch_operands = 10 : i64, tpu.core_type = #tpu.core_type<sc_vector_subcore>, window_params = [{transform_indices = #map}, {transform_indices = #map}, {transform_indices = #map}, {transform_indices = #map1}, {transform_indices = #map}, {transform_indices = #map1}]} {
    %scan3A = arith.constant 0 : i32
    %scan3A_0 = arith.constant 632 : i32
    %scan3A_1 = arith.addi %scan3A, %scan3A_0 : i32
    %scan3A_2 = arith.constant 1 : i32
    scf.for %scan3A_10 = %scan3A to %scan3A_1 step %scan3A_2  : i32 {
      %mul3A_11 = arith.constant 1 : i32
      %mul3A_12 = arith.muli %scan3A_10, %mul3A_11 : i32
      %add3A = arith.constant 0 : i32
      %add3A_13 = arith.addi %add3A, %mul3A_12 : i32
      %broadcast_in_dim3A = arith.constant 0.000000e+00 : f32
      %broadcast_in_dim3A_14 = vector.broadcast %broadcast_in_dim3A : f32 to vector<16xf32>
      %swap3A = arith.index_cast %add3A_13 : i32 to index
      %swap3A_15 = arith.constant 0 : index
      %swap3A_16 = tpu.vector_load %arg13[%swap3A, %swap3A_15] {strides = array<i32>} : memref<632x32xf32, #tpu.memory_space<vmem>>, vector<16xf32>,
      tpu.vector_store %arg13[%swap3A, %swap3A_15], %broadcast_in_dim3A_14 {strides = array<i32>} : memref<632x32xf32, #tpu.memory_space<vmem>>, vector<16xf32>,
      %broadcast_in_dim3A_17 = arith.constant 0.000000e+00 : f32
      %broadcast_in_dim3A_18 = vector.broadcast %broadcast_in_dim3A_17 : f32 to vector<16xf32>
      %swap3A_19 = arith.index_cast %add3A_13 : i32 to index
      %swap3A_20 = arith.constant 16 : index
      %swap3A_21 = tpu.vector_load %arg13[%swap3A_19, %swap3A_20] {strides = array<i32>} : memref<632x32xf32, #tpu.memory_space<vmem>>, vector<16xf32>,
      tpu.vector_store %arg13[%swap3A_19, %swap3A_20], %broadcast_in_dim3A_18 {strides = array<i32>} : memref<632x32xf32, #tpu.memory_space<vmem>>, vector<16xf32>,
      %broadcast_in_dim3A_22 = arith.constant 0.000000e+00 : f32
      %broadcast_in_dim3A_23 = vector.broadcast %broadcast_in_dim3A_22 : f32 to vector<16xf32>
      %swap3A_24 = arith.index_cast %add3A_13 : i32 to index
      %swap3A_25 = arith.constant 0 : index
      %swap3A_26 = tpu.vector_load %arg14[%swap3A_24, %swap3A_25] {strides = array<i32>} : memref<632x16xf32, #tpu.memory_space<vmem>>, vector<16xf32>,
      tpu.vector_store %arg14[%swap3A_24, %swap3A_25], %broadcast_in_dim3A_23 {strides = array<i32>} : memref<632x16xf32, #tpu.memory_space<vmem>>, vector<16xf32>,
    }
    %scan3A_3 = arith.constant 632 : i32
    "tpu.region"() ({
      %run_scoped3A = tpu.sem_alloc : memref<!tpu.dma_semaphore, #tpu.memory_space<semaphore_mem>>
      %dma_start3A = arith.constant 0 : i32
      %dma_start3A_10 = arith.constant 0 : i32
      %dma_start3A_11 = tpu.memref_slice %arg3[%arg1, %dma_start3A, %dma_start3A_10] : memref<16x84x128xi32, #tpu.memory_space<hbm>> -> memref<1x84x128xi32, #tpu.memory_space<hbm>>
      %dma_start3A_12 = tpu.memref_squeeze %dma_start3A_11 : memref<1x84x128xi32, #tpu.memory_space<hbm>> -> memref<84x128xi32, #tpu.memory_space<hbm>>
      %dma_start3A_13 = arith.constant 0 : i32
      %dma_start3A_14 = arith.constant 0 : i32
      %dma_start3A_15 = tpu.memref_slice %arg3[%arg1, %dma_start3A_13, %dma_start3A_14] : memref<16x84x128xi32, #tpu.memory_space<hbm>> -> memref<1x84x128xi32, #tpu.memory_space<hbm>>
      %dma_start3A_16 = tpu.memref_squeeze %dma_start3A_15 : memref<1x84x128xi32, #tpu.memory_space<hbm>> -> memref<84x128xi32, #tpu.memory_space<hbm>>
      tpu.enqueue_dma source(%dma_start3A_16 : memref<84x128xi32, #tpu.memory_space<hbm>>) target(%arg8 : memref<84x128xi32, #tpu.memory_space<vmem>>) target_semaphore(%run_scoped3A : memref<!tpu.dma_semaphore, #tpu.memory_space<semaphore_mem>>)
      %dma_wait3A = arith.constant 0 : i32
      %dma_wait3A_17 = arith.constant 0 : i32
      %dma_wait3A_18 = tpu.memref_slice %arg3[%arg1, %dma_wait3A, %dma_wait3A_17] : memref<16x84x128xi32, #tpu.memory_space<hbm>> -> memref<1x84x128xi32, #tpu.memory_space<hbm>>
      %dma_wait3A_19 = tpu.memref_squeeze %dma_wait3A_18 : memref<1x84x128xi32, #tpu.memory_space<hbm>> -> memref<84x128xi32, #tpu.memory_space<hbm>>
      %dma_wait3A_20 = arith.constant 0 : i32
      %dma_wait3A_21 = arith.constant 0 : i32
      %dma_wait3A_22 = tpu.memref_slice %arg3[%arg1, %dma_wait3A_20, %dma_wait3A_21] : memref<16x84x128xi32, #tpu.memory_space<hbm>> -> memref<1x84x128xi32, #tpu.memory_space<hbm>>
      %dma_wait3A_23 = tpu.memref_squeeze %dma_wait3A_22 : memref<1x84x128xi32, #tpu.memory_space<hbm>> -> memref<84x128xi32, #tpu.memory_space<hbm>>
      tpu.wait_dma2 semaphore(%run_scoped3A : memref<!tpu.dma_semaphore, #tpu.memory_space<semaphore_mem>>) src(%dma_wait3A_23 : memref<84x128xi32, #tpu.memory_space<hbm>>) dst(%arg8 : memref<84x128xi32, #tpu.memory_space<vmem>>)
      tpu.yield
    }) : () -> ()
    "tpu.region"() ({
      %run_scoped3A = tpu.sem_alloc : memref<!tpu.dma_semaphore, #tpu.memory_space<semaphore_mem>>
      %dma_start3A = arith.constant 0 : i32
      %dma_start3A_10 = arith.constant 0 : i32
      %dma_start3A_11 = tpu.memref_slice %arg4[%arg1, %dma_start3A, %dma_start3A_10] : memref<16x84x128xi32, #tpu.memory_space<hbm>> -> memref<1x84x128xi32, #tpu.memory_space<hbm>>
      %dma_start3A_12 = tpu.memref_squeeze %dma_start3A_11 : memref<1x84x128xi32, #tpu.memory_space<hbm>> -> memref<84x128xi32, #tpu.memory_space<hbm>>
      %dma_start3A_13 = arith.constant 0 : i32
      %dma_start3A_14 = arith.constant 0 : i32
      %dma_start3A_15 = tpu.memref_slice %arg4[%arg1, %dma_start3A_13, %dma_start3A_14] : memref<16x84x128xi32, #tpu.memory_space<hbm>> -> memref<1x84x128xi32, #tpu.memory_space<hbm>>
      %dma_start3A_16 = tpu.memref_squeeze %dma_start3A_15 : memref<1x84x128xi32, #tpu.memory_space<hbm>> -> memref<84x128xi32, #tpu.memory_space<hbm>>
      tpu.enqueue_dma source(%dma_start3A_16 : memref<84x128xi32, #tpu.memory_space<hbm>>) target(%arg9 : memref<84x128xi32, #tpu.memory_space<vmem>>) target_semaphore(%run_scoped3A : memref<!tpu.dma_semaphore, #tpu.memory_space<semaphore_mem>>)
      %dma_wait3A = arith.constant 0 : i32
      %dma_wait3A_17 = arith.constant 0 : i32
      %dma_wait3A_18 = tpu.memref_slice %arg4[%arg1, %dma_wait3A, %dma_wait3A_17] : memref<16x84x128xi32, #tpu.memory_space<hbm>> -> memref<1x84x128xi32, #tpu.memory_space<hbm>>
      %dma_wait3A_19 = tpu.memref_squeeze %dma_wait3A_18 : memref<1x84x128xi32, #tpu.memory_space<hbm>> -> memref<84x128xi32, #tpu.memory_space<hbm>>
      %dma_wait3A_20 = arith.constant 0 : i32
      %dma_wait3A_21 = arith.constant 0 : i32
      %dma_wait3A_22 = tpu.memref_slice %arg4[%arg1, %dma_wait3A_20, %dma_wait3A_21] : memref<16x84x128xi32, #tpu.memory_space<hbm>> -> memref<1x84x128xi32, #tpu.memory_space<hbm>>
      %dma_wait3A_23 = tpu.memref_squeeze %dma_wait3A_22 : memref<1x84x128xi32, #tpu.memory_space<hbm>> -> memref<84x128xi32, #tpu.memory_space<hbm>>
      tpu.wait_dma2 semaphore(%run_scoped3A : memref<!tpu.dma_semaphore, #tpu.memory_space<semaphore_mem>>) src(%dma_wait3A_23 : memref<84x128xi32, #tpu.memory_space<hbm>>) dst(%arg9 : memref<84x128xi32, #tpu.memory_space<vmem>>)
      tpu.yield
    }) : () -> ()
    %mul3A = arith.constant 632 : i32
    %mul3A_4 = arith.muli %arg1, %mul3A : i32
    "tpu.region"() ({
      %run_scoped3A = tpu.sem_alloc : memref<!tpu.dma_semaphore, #tpu.memory_space<semaphore_mem>>
      %dma_start3A = arith.constant 0 : i32
      %dma_start3A_10 = tpu.memref_slice %arg16[%mul3A_4, %dma_start3A] : memref<10112x16xf32, #tpu.memory_space<vmem_shared>> -> memref<632x16xf32, #tpu.memory_space<vmem_shared>>
      %dma_start3A_11 = arith.constant 0 : i32
      %dma_start3A_12 = tpu.memref_slice %arg16[%mul3A_4, %dma_start3A_11] : memref<10112x16xf32, #tpu.memory_space<vmem_shared>> -> memref<632x16xf32, #tpu.memory_space<vmem_shared>>
      tpu.enqueue_dma source(%arg14 : memref<632x16xf32, #tpu.memory_space<vmem>>) target(%dma_start3A_12 : memref<632x16xf32, #tpu.memory_space<vmem_shared>>) target_semaphore(%run_scoped3A : memref<!tpu.dma_semaphore, #tpu.memory_space<semaphore_mem>>)
      %dma_wait3A = arith.constant 0 : i32
      %dma_wait3A_13 = tpu.memref_slice %arg16[%mul3A_4, %dma_wait3A] : memref<10112x16xf32, #tpu.memory_space<vmem_shared>> -> memref<632x16xf32, #tpu.memory_space<vmem_shared>>
      %dma_wait3A_14 = arith.constant 0 : i32
      %dma_wait3A_15 = tpu.memref_slice %arg16[%mul3A_4, %dma_wait3A_14] : memref<10112x16xf32, #tpu.memory_space<vmem_shared>> -> memref<632x16xf32, #tpu.memory_space<vmem_shared>>
      tpu.wait_dma2 semaphore(%run_scoped3A : memref<!tpu.dma_semaphore, #tpu.memory_space<semaphore_mem>>) src(%arg14 : memref<632x16xf32, #tpu.memory_space<vmem>>) dst(%dma_wait3A_15 : memref<632x16xf32, #tpu.memory_space<vmem_shared>>)
      tpu.yield
    }) : () -> ()
    %iota3A = tpu.iota {dimensions = array<i32: 0>} : vector<16xi32>
    %scan3A_5 = arith.constant 0 : i32
    %scan3A_6 = arith.constant 13 : i32
    %scan3A_7 = arith.addi %scan3A_5, %scan3A_6 : i32
    %scan3A_8 = arith.constant 1 : i32
    scf.for %scan3A_10 = %scan3A_5 to %scan3A_7 step %scan3A_8  : i32 {
      %mul3A_11 = arith.constant 1 : i32
      %mul3A_12 = arith.muli %scan3A_10, %mul3A_11 : i32
      %add3A = arith.constant 0 : i32
      %add3A_13 = arith.addi %add3A, %mul3A_12 : i32
      %mul3A_14 = arith.constant 13 : i32
      %mul3A_15 = arith.muli %arg0, %mul3A_14 : i32
      %add3A_16 = arith.addi %mul3A_15, %add3A_13 : i32
      %lt3A = arith.constant 25 : i32
      %lt3A_17 = arith.cmpi slt, %add3A_16, %lt3A : i32
      %mul3A_18 = arith.constant 32 : i32
      %mul3A_19 = arith.muli %add3A_16, %mul3A_18 : i32
      %add3A_20 = arith.constant 0 : i32
      %add3A_21 = arith.addi %mul3A_19, %add3A_20 : i32
      %add3A_22 = vector.broadcast %add3A_21 : i32 to vector<16xi32>
      %add3A_23 = arith.addi %add3A_22, %iota3A : vector<16xi32>
      %div3A = arith.constant 78 : i32
      %div3A_24 = vector.broadcast %div3A : i32 to vector<16xi32>
      %div3A_25 = arith.divsi %add3A_23, %div3A_24 : vector<16xi32>
      %mul3A_26 = arith.constant 32 : i32
      %mul3A_27 = arith.muli %add3A_16, %mul3A_26 : i32
      %add3A_28 = arith.constant 16 : i32
      %add3A_29 = arith.addi %mul3A_27, %add3A_28 : i32
      %add3A_30 = vector.broadcast %add3A_29 : i32 to vector<16xi32>
      %add3A_31 = arith.addi %add3A_30, %iota3A : vector<16xi32>
      %div3A_32 = arith.constant 78 : i32
      %div3A_33 = vector.broadcast %div3A_32 : i32 to vector<16xi32>
      %div3A_34 = arith.divsi %add3A_31, %div3A_33 : vector<16xi32>
      %convert_element_type3A = arith.extui %lt3A_17 : i1 to i32
      %cond3A = arith.constant 0 : i32
      %cond3A_35 = arith.cmpi ne, %convert_element_type3A, %cond3A : i32
      scf.if %cond3A_35 {
        %mul3A_50 = arith.constant 632 : i32
        %mul3A_51 = arith.muli %arg1, %mul3A_50 : i32
        "tpu.region"() ({
          %run_scoped3A = tpu.sem_alloc : memref<!tpu.dma_semaphore, #tpu.memory_space<semaphore_mem>>
          %dma_start3A = arith.constant 0 : i32
          %dma_start3A_52 = tpu.memref_slice %arg15[%mul3A_51, %dma_start3A] : memref<10112x32xf32, #tpu.memory_space<vmem_shared>> -> memref<632x32xf32, #tpu.memory_space<vmem_shared>>
          %dma_start3A_53 = arith.constant 0 : i32
          %dma_start3A_54 = tpu.memref_slice %arg15[%mul3A_51, %dma_start3A_53] : memref<10112x32xf32, #tpu.memory_space<vmem_shared>> -> memref<632x32xf32, #tpu.memory_space<vmem_shared>>
          tpu.enqueue_dma source(%arg13 : memref<632x32xf32, #tpu.memory_space<vmem>>) target(%dma_start3A_54 : memref<632x32xf32, #tpu.memory_space<vmem_shared>>) target_semaphore(%run_scoped3A : memref<!tpu.dma_semaphore, #tpu.memory_space<semaphore_mem>>)
          %dma_wait3A = arith.constant 0 : i32
          %dma_wait3A_55 = tpu.memref_slice %arg15[%mul3A_51, %dma_wait3A] : memref<10112x32xf32, #tpu.memory_space<vmem_shared>> -> memref<632x32xf32, #tpu.memory_space<vmem_shared>>
          %dma_wait3A_56 = arith.constant 0 : i32
          %dma_wait3A_57 = tpu.memref_slice %arg15[%mul3A_51, %dma_wait3A_56] : memref<10112x32xf32, #tpu.memory_space<vmem_shared>> -> memref<632x32xf32, #tpu.memory_space<vmem_shared>>
          tpu.wait_dma2 semaphore(%run_scoped3A : memref<!tpu.dma_semaphore, #tpu.memory_space<semaphore_mem>>) src(%arg13 : memref<632x32xf32, #tpu.memory_space<vmem>>) dst(%dma_wait3A_57 : memref<632x32xf32, #tpu.memory_space<vmem_shared>>)
          tpu.yield
        }) : () -> ()
      } else {
      }
      %barrier3A = arith.constant 0 : index
      tpu.barrier barrier_id(%barrier3A)
      %convert_element_type3A_36 = arith.extui %lt3A_17 : i1 to i32
      %cond3A_37 = arith.constant 0 : i32
      %cond3A_38 = arith.cmpi ne, %convert_element_type3A_36, %cond3A_37 : i32
      scf.if %cond3A_38 {
        %scan3A_50 = arith.constant 0 : i32
        %scan3A_51 = arith.constant 42 : i32
        %scan3A_52 = arith.addi %scan3A_50, %scan3A_51 : i32
        %scan3A_53 = arith.constant 1 : i32
        scf.for %scan3A_55 = %scan3A_50 to %scan3A_52 step %scan3A_53  : i32 {
          %mul3A_56 = arith.constant 2 : i32
          %mul3A_57 = arith.muli %scan3A_55, %mul3A_56 : i32
          %add3A_58 = arith.constant 0 : i32
          %add3A_59 = arith.addi %add3A_58, %mul3A_57 : i32
          %add3A_60 = arith.constant 0 : i32
          %add3A_61 = arith.addi %add3A_59, %add3A_60 : i32
          %dma_start3A = arith.constant 0 : i32
          %dma_start3A_62 = arith.constant 0 : i32
          %dma_start3A_63 = arith.constant 0 : i32
          %dma_start3A_64 = tpu.memref_slice %arg10[%dma_start3A, %dma_start3A_62, %dma_start3A_63] : memref<2x128x32xf32, #tpu.memory_space<vmem>> -> memref<1x128x32xf32, #tpu.memory_space<vmem>>
          %dma_start3A_65 = tpu.memref_squeeze %dma_start3A_64 : memref<1x128x32xf32, #tpu.memory_space<vmem>> -> memref<128x32xf32, #tpu.memory_space<vmem>>
          %dma_start3A_66 = arith.constant 0 : i32
          %dma_start3A_67 = tpu.memref_slice %arg8[%add3A_61, %dma_start3A_66] : memref<84x128xi32, #tpu.memory_space<vmem>> -> memref<1x128xi32, #tpu.memory_space<vmem>>
          %dma_start3A_68 = tpu.memref_squeeze %dma_start3A_67 : memref<1x128xi32, #tpu.memory_space<vmem>> -> memref<128xi32, #tpu.memory_space<vmem>>
          %dma_start3A_69 = arith.constant 0 : i32
          %dma_start3A_70 = arith.constant 0 : i32
          %dma_start3A_71 = tpu.memref_slice %arg2[%add3A_16, %dma_start3A_69, %dma_start3A_70] : memref<25x10112x32xf32, #tpu.memory_space<hbm>> -> memref<1x10112x32xf32, #tpu.memory_space<hbm>>
          %dma_start3A_72 = tpu.memref_squeeze %dma_start3A_71 : memref<1x10112x32xf32, #tpu.memory_space<hbm>> -> memref<10112x32xf32, #tpu.memory_space<hbm>>
          %dma_start3A_73 = arith.constant 0 : i32
          %dma_start3A_74 = arith.constant 0 : i32
          %dma_start3A_75 = tpu.memref_slice %dma_start3A_72[%dma_start3A_73, %dma_start3A_74] : memref<10112x32xf32, #tpu.memory_space<hbm>> -> memref<10112x32xf32, #tpu.memory_space<hbm>>
          tpu.enqueue_indirect_dma source(%dma_start3A_75 : memref<10112x32xf32, #tpu.memory_space<hbm>>) target(%dma_start3A_65 : memref<128x32xf32, #tpu.memory_space<vmem>>) offsets(%dma_start3A_68 : memref<128xi32, #tpu.memory_space<vmem>>) semaphore(%arg17 : memref<!tpu.dma_semaphore, #tpu.memory_space<semaphore_mem>>)
          %add3A_76 = arith.constant 1 : i32
          %add3A_77 = arith.addi %add3A_59, %add3A_76 : i32
          %dma_start3A_78 = arith.constant 1 : i32
          %dma_start3A_79 = arith.constant 0 : i32
          %dma_start3A_80 = arith.constant 0 : i32
          %dma_start3A_81 = tpu.memref_slice %arg10[%dma_start3A_78, %dma_start3A_79, %dma_start3A_80] : memref<2x128x32xf32, #tpu.memory_space<vmem>> -> memref<1x128x32xf32, #tpu.memory_space<vmem>>
          %dma_start3A_82 = tpu.memref_squeeze %dma_start3A_81 : memref<1x128x32xf32, #tpu.memory_space<vmem>> -> memref<128x32xf32, #tpu.memory_space<vmem>>
          %dma_start3A_83 = arith.constant 0 : i32
          %dma_start3A_84 = tpu.memref_slice %arg8[%add3A_77, %dma_start3A_83] : memref<84x128xi32, #tpu.memory_space<vmem>> -> memref<1x128xi32, #tpu.memory_space<vmem>>
          %dma_start3A_85 = tpu.memref_squeeze %dma_start3A_84 : memref<1x128xi32, #tpu.memory_space<vmem>> -> memref<128xi32, #tpu.memory_space<vmem>>
          %dma_start3A_86 = arith.constant 0 : i32
          %dma_start3A_87 = arith.constant 0 : i32
          %dma_start3A_88 = tpu.memref_slice %arg2[%add3A_16, %dma_start3A_86, %dma_start3A_87] : memref<25x10112x32xf32, #tpu.memory_space<hbm>> -> memref<1x10112x32xf32, #tpu.memory_space<hbm>>
          %dma_start3A_89 = tpu.memref_squeeze %dma_start3A_88 : memref<1x10112x32xf32, #tpu.memory_space<hbm>> -> memref<10112x32xf32, #tpu.memory_space<hbm>>
          %dma_start3A_90 = arith.constant 0 : i32
          %dma_start3A_91 = arith.constant 0 : i32
          %dma_start3A_92 = tpu.memref_slice %dma_start3A_89[%dma_start3A_90, %dma_start3A_91] : memref<10112x32xf32, #tpu.memory_space<hbm>> -> memref<10112x32xf32, #tpu.memory_space<hbm>>
          tpu.enqueue_indirect_dma source(%dma_start3A_92 : memref<10112x32xf32, #tpu.memory_space<hbm>>) target(%dma_start3A_82 : memref<128x32xf32, #tpu.memory_space<vmem>>) offsets(%dma_start3A_85 : memref<128xi32, #tpu.memory_space<vmem>>) semaphore(%arg17 : memref<!tpu.dma_semaphore, #tpu.memory_space<semaphore_mem>>)
          %mul3A_93 = arith.constant 10752 : i32
          %mul3A_94 = arith.muli %arg1, %mul3A_93 : i32
          %mul3A_95 = arith.constant 128 : i32
          %mul3A_96 = arith.muli %add3A_59, %mul3A_95 : i32
          %add3A_97 = arith.addi %mul3A_94, %mul3A_96 : i32
          "tpu.region"() ({
            %run_scoped3A = tpu.sem_alloc : memref<!tpu.dma_semaphore, #tpu.memory_space<semaphore_mem>>
            %dma_start3A_190 = arith.constant 0 : i32
            %dma_start3A_191 = tpu.memref_slice %arg5[%add3A_97, %dma_start3A_190] : memref<172032x16xf32, #tpu.memory_space<hbm>> -> memref<256x16xf32, #tpu.memory_space<hbm>>
            %dma_start3A_192 = arith.constant 0 : i32
            %dma_start3A_193 = tpu.memref_slice %arg5[%add3A_97, %dma_start3A_192] : memref<172032x16xf32, #tpu.memory_space<hbm>> -> memref<256x16xf32, #tpu.memory_space<hbm>>
            tpu.enqueue_dma source(%dma_start3A_193 : memref<256x16xf32, #tpu.memory_space<hbm>>) target(%arg12 : memref<256x16xf32, #tpu.memory_space<vmem>>) target_semaphore(%run_scoped3A : memref<!tpu.dma_semaphore, #tpu.memory_space<semaphore_mem>>)
            %dma_wait3A_194 = arith.constant 0 : i32
            %dma_wait3A_195 = tpu.memref_slice %arg5[%add3A_97, %dma_wait3A_194] : memref<172032x16xf32, #tpu.memory_space<hbm>> -> memref<256x16xf32, #tpu.memory_space<hbm>>
            %dma_wait3A_196 = arith.constant 0 : i32
            %dma_wait3A_197 = tpu.memref_slice %arg5[%add3A_97, %dma_wait3A_196] : memref<172032x16xf32, #tpu.memory_space<hbm>> -> memref<256x16xf32, #tpu.memory_space<hbm>>
            tpu.wait_dma2 semaphore(%run_scoped3A : memref<!tpu.dma_semaphore, #tpu.memory_space<semaphore_mem>>) src(%dma_wait3A_197 : memref<256x16xf32, #tpu.memory_space<hbm>>) dst(%arg12 : memref<256x16xf32, #tpu.memory_space<vmem>>)
            tpu.yield
          }) : () -> ()
          %dma_wait3A = arith.constant 0 : i32
          %dma_wait3A_98 = arith.constant 0 : i32
          %dma_wait3A_99 = arith.constant 0 : i32
          %dma_wait3A_100 = tpu.memref_slice %arg10[%dma_wait3A, %dma_wait3A_98, %dma_wait3A_99] : memref<2x128x32xf32, #tpu.memory_space<vmem>> -> memref<1x128x32xf32, #tpu.memory_space<vmem>>
          %dma_wait3A_101 = tpu.memref_squeeze %dma_wait3A_100 : memref<1x128x32xf32, #tpu.memory_space<vmem>> -> memref<128x32xf32, #tpu.memory_space<vmem>>
          %dma_wait3A_102 = arith.constant 0 : i32
          %dma_wait3A_103 = tpu.memref_slice %arg8[%add3A_61, %dma_wait3A_102] : memref<84x128xi32, #tpu.memory_space<vmem>> -> memref<1x128xi32, #tpu.memory_space<vmem>>
          %dma_wait3A_104 = tpu.memref_squeeze %dma_wait3A_103 : memref<1x128xi32, #tpu.memory_space<vmem>> -> memref<128xi32, #tpu.memory_space<vmem>>
          %dma_wait3A_105 = arith.constant 0 : i32
          %dma_wait3A_106 = arith.constant 0 : i32
          %dma_wait3A_107 = tpu.memref_slice %arg2[%add3A_16, %dma_wait3A_105, %dma_wait3A_106] : memref<25x10112x32xf32, #tpu.memory_space<hbm>> -> memref<1x10112x32xf32, #tpu.memory_space<hbm>>
          %dma_wait3A_108 = tpu.memref_squeeze %dma_wait3A_107 : memref<1x10112x32xf32, #tpu.memory_space<hbm>> -> memref<10112x32xf32, #tpu.memory_space<hbm>>
          %dma_wait3A_109 = arith.constant 0 : i32
          %dma_wait3A_110 = arith.constant 0 : i32
          %dma_wait3A_111 = tpu.memref_slice %dma_wait3A_108[%dma_wait3A_109, %dma_wait3A_110] : memref<10112x32xf32, #tpu.memory_space<hbm>> -> memref<10112x32xf32, #tpu.memory_space<hbm>>
          tpu.wait_indirect_dma semaphore(%arg17 : memref<!tpu.dma_semaphore, #tpu.memory_space<semaphore_mem>>) src(%dma_wait3A_111 : memref<10112x32xf32, #tpu.memory_space<hbm>>) dst(%dma_wait3A_101 : memref<128x32xf32, #tpu.memory_space<vmem>>)
          %dma_wait3A_112 = arith.constant 1 : i32
          %dma_wait3A_113 = arith.constant 0 : i32
          %dma_wait3A_114 = arith.constant 0 : i32
          %dma_wait3A_115 = tpu.memref_slice %arg10[%dma_wait3A_112, %dma_wait3A_113, %dma_wait3A_114] : memref<2x128x32xf32, #tpu.memory_space<vmem>> -> memref<1x128x32xf32, #tpu.memory_space<vmem>>
          %dma_wait3A_116 = tpu.memref_squeeze %dma_wait3A_115 : memref<1x128x32xf32, #tpu.memory_space<vmem>> -> memref<128x32xf32, #tpu.memory_space<vmem>>
          %dma_wait3A_117 = arith.constant 0 : i32
          %dma_wait3A_118 = tpu.memref_slice %arg8[%add3A_77, %dma_wait3A_117] : memref<84x128xi32, #tpu.memory_space<vmem>> -> memref<1x128xi32, #tpu.memory_space<vmem>>
          %dma_wait3A_119 = tpu.memref_squeeze %dma_wait3A_118 : memref<1x128xi32, #tpu.memory_space<vmem>> -> memref<128xi32, #tpu.memory_space<vmem>>
          %dma_wait3A_120 = arith.constant 0 : i32
          %dma_wait3A_121 = arith.constant 0 : i32
          %dma_wait3A_122 = tpu.memref_slice %arg2[%add3A_16, %dma_wait3A_120, %dma_wait3A_121] : memref<25x10112x32xf32, #tpu.memory_space<hbm>> -> memref<1x10112x32xf32, #tpu.memory_space<hbm>>
          %dma_wait3A_123 = tpu.memref_squeeze %dma_wait3A_122 : memref<1x10112x32xf32, #tpu.memory_space<hbm>> -> memref<10112x32xf32, #tpu.memory_space<hbm>>
          %dma_wait3A_124 = arith.constant 0 : i32
          %dma_wait3A_125 = arith.constant 0 : i32
          %dma_wait3A_126 = tpu.memref_slice %dma_wait3A_123[%dma_wait3A_124, %dma_wait3A_125] : memref<10112x32xf32, #tpu.memory_space<hbm>> -> memref<10112x32xf32, #tpu.memory_space<hbm>>
          tpu.wait_indirect_dma semaphore(%arg17 : memref<!tpu.dma_semaphore, #tpu.memory_space<semaphore_mem>>) src(%dma_wait3A_126 : memref<10112x32xf32, #tpu.memory_space<hbm>>) dst(%dma_wait3A_116 : memref<128x32xf32, #tpu.memory_space<vmem>>)
          %scan3A_127 = arith.constant 0 : i32
          %scan3A_128 = arith.constant 128 : i32
          %scan3A_129 = arith.addi %scan3A_127, %scan3A_128 : i32
          %scan3A_130 = arith.constant 1 : i32
          scf.for %scan3A_190 = %scan3A_127 to %scan3A_129 step %scan3A_130  : i32 {
            %mul3A_191 = arith.constant 1 : i32
            %mul3A_192 = arith.muli %scan3A_190, %mul3A_191 : i32
            %add3A_193 = arith.constant 0 : i32
            %add3A_194 = arith.addi %add3A_193, %mul3A_192 : i32
            %add3A_195 = arith.constant 0 : i32
            %add3A_196 = arith.addi %add3A_195, %add3A_194 : i32
            %get3A = arith.index_cast %add3A_196 : i32 to index
            %get3A_197 = arith.constant 0 : index
            %get3A_198 = tpu.vector_load %arg12[%get3A, %get3A_197] {strides = array<i32>} : memref<256x16xf32, #tpu.memory_space<vmem>>, vector<16xf32>,
            %broadcast_in_dim3A = vector.shape_cast %div3A_25 : vector<16xi32> to vector<16x1xi32>
            %gather3A = vector.shape_cast %broadcast_in_dim3A : vector<16x1xi32> to vector<16xi32>
            %gather3A_199 = tpu.dynamic_gather %get3A_198[%gather3A] in [0] : vector<16xf32>, vector<16xi32> -> vector<16xf32>
            %get3A_200 = arith.constant 0 : i32
            %get3A_201 = arith.index_cast %get3A_200 : i32 to index
            %get3A_202 = arith.index_cast %add3A_194 : i32 to index
            %get3A_203 = arith.constant 0 : index
            %get3A_204 = tpu.vector_load %arg10[%get3A_201, %get3A_202, %get3A_203] {strides = array<i32>} : memref<2x128x32xf32, #tpu.memory_space<vmem>>, vector<16xf32>,
            %mul3A_205 = arith.mulf %get3A_204, %gather3A_199 : vector<16xf32>
            %swap3A = arith.constant 0 : i32
            %swap3A_206 = arith.index_cast %swap3A : i32 to index
            %swap3A_207 = arith.index_cast %add3A_194 : i32 to index
            %swap3A_208 = arith.constant 0 : index
            %swap3A_209 = tpu.vector_load %arg11[%swap3A_206, %swap3A_207, %swap3A_208] {strides = array<i32>} : memref<2x128x32xf32, #tpu.memory_space<vmem>>, vector<16xf32>,
            tpu.vector_store %arg11[%swap3A_206, %swap3A_207, %swap3A_208], %mul3A_205 {strides = array<i32>} : memref<2x128x32xf32, #tpu.memory_space<vmem>>, vector<16xf32>,
            %broadcast_in_dim3A_210 = vector.shape_cast %div3A_34 : vector<16xi32> to vector<16x1xi32>
            %gather3A_211 = vector.shape_cast %broadcast_in_dim3A_210 : vector<16x1xi32> to vector<16xi32>
            %gather3A_212 = tpu.dynamic_gather %get3A_198[%gather3A_211] in [0] : vector<16xf32>, vector<16xi32> -> vector<16xf32>
            %get3A_213 = arith.constant 0 : i32
            %get3A_214 = arith.index_cast %get3A_213 : i32 to index
            %get3A_215 = arith.index_cast %add3A_194 : i32 to index
            %get3A_216 = arith.constant 16 : index
            %get3A_217 = tpu.vector_load %arg10[%get3A_214, %get3A_215, %get3A_216] {strides = array<i32>} : memref<2x128x32xf32, #tpu.memory_space<vmem>>, vector<16xf32>,
            %mul3A_218 = arith.mulf %get3A_217, %gather3A_212 : vector<16xf32>
            %swap3A_219 = arith.constant 0 : i32
            %swap3A_220 = arith.index_cast %swap3A_219 : i32 to index
            %swap3A_221 = arith.index_cast %add3A_194 : i32 to index
            %swap3A_222 = arith.constant 16 : index
            %swap3A_223 = tpu.vector_load %arg11[%swap3A_220, %swap3A_221, %swap3A_222] {strides = array<i32>} : memref<2x128x32xf32, #tpu.memory_space<vmem>>, vector<16xf32>,
            tpu.vector_store %arg11[%swap3A_220, %swap3A_221, %swap3A_222], %mul3A_218 {strides = array<i32>} : memref<2x128x32xf32, #tpu.memory_space<vmem>>, vector<16xf32>,
          }
          %scan3A_131 = arith.constant 128 : i32
          %add3A_132 = arith.constant 0 : i32
          %add3A_133 = arith.addi %add3A_59, %add3A_132 : i32
          %dma_start3A_134 = arith.constant 0 : i32
          %dma_start3A_135 = arith.constant 0 : i32
          %dma_start3A_136 = arith.constant 0 : i32
          %dma_start3A_137 = tpu.memref_slice %arg11[%dma_start3A_134, %dma_start3A_135, %dma_start3A_136] : memref<2x128x32xf32, #tpu.memory_space<vmem>> -> memref<1x128x32xf32, #tpu.memory_space<vmem>>
          %dma_start3A_138 = tpu.memref_squeeze %dma_start3A_137 : memref<1x128x32xf32, #tpu.memory_space<vmem>> -> memref<128x32xf32, #tpu.memory_space<vmem>>
          %dma_start3A_139 = arith.constant 0 : i32
          %dma_start3A_140 = tpu.memref_slice %arg9[%add3A_133, %dma_start3A_139] : memref<84x128xi32, #tpu.memory_space<vmem>> -> memref<1x128xi32, #tpu.memory_space<vmem>>
          %dma_start3A_141 = tpu.memref_squeeze %dma_start3A_140 : memref<1x128xi32, #tpu.memory_space<vmem>> -> memref<128xi32, #tpu.memory_space<vmem>>
          %dma_start3A_142 = arith.constant 0 : i32
          %dma_start3A_143 = arith.constant 0 : i32
          %dma_start3A_144 = tpu.memref_slice %arg15[%dma_start3A_142, %dma_start3A_143] : memref<10112x32xf32, #tpu.memory_space<vmem_shared>> -> memref<10112x32xf32, #tpu.memory_space<vmem_shared>>
          tpu.enqueue_indirect_dma source(%dma_start3A_138 : memref<128x32xf32, #tpu.memory_space<vmem>>) target(%dma_start3A_144 : memref<10112x32xf32, #tpu.memory_space<vmem_shared>>) offsets(%dma_start3A_141 : memref<128xi32, #tpu.memory_space<vmem>>) semaphore(%arg17 : memref<!tpu.dma_semaphore, #tpu.memory_space<semaphore_mem>>) {add = true}
          %scan3A_145 = arith.constant 0 : i32
          %scan3A_146 = arith.constant 128 : i32
          %scan3A_147 = arith.addi %scan3A_145, %scan3A_146 : i32
          %scan3A_148 = arith.constant 1 : i32
          scf.for %scan3A_190 = %scan3A_145 to %scan3A_147 step %scan3A_148  : i32 {
            %mul3A_191 = arith.constant 1 : i32
            %mul3A_192 = arith.muli %scan3A_190, %mul3A_191 : i32
            %add3A_193 = arith.constant 0 : i32
            %add3A_194 = arith.addi %add3A_193, %mul3A_192 : i32
            %add3A_195 = arith.constant 128 : i32
            %add3A_196 = arith.addi %add3A_195, %add3A_194 : i32
            %get3A = arith.index_cast %add3A_196 : i32 to index
            %get3A_197 = arith.constant 0 : index
            %get3A_198 = tpu.vector_load %arg12[%get3A, %get3A_197] {strides = array<i32>} : memref<256x16xf32, #tpu.memory_space<vmem>>, vector<16xf32>,
            %broadcast_in_dim3A = vector.shape_cast %div3A_25 : vector<16xi32> to vector<16x1xi32>
            %gather3A = vector.shape_cast %broadcast_in_dim3A : vector<16x1xi32> to vector<16xi32>
            %gather3A_199 = tpu.dynamic_gather %get3A_198[%gather3A] in [0] : vector<16xf32>, vector<16xi32> -> vector<16xf32>
            %get3A_200 = arith.constant 1 : i32
            %get3A_201 = arith.index_cast %get3A_200 : i32 to index
            %get3A_202 = arith.index_cast %add3A_194 : i32 to index
            %get3A_203 = arith.constant 0 : index
            %get3A_204 = tpu.vector_load %arg10[%get3A_201, %get3A_202, %get3A_203] {strides = array<i32>} : memref<2x128x32xf32, #tpu.memory_space<vmem>>, vector<16xf32>,
            %mul3A_205 = arith.mulf %get3A_204, %gather3A_199 : vector<16xf32>
            %swap3A = arith.constant 1 : i32
            %swap3A_206 = arith.index_cast %swap3A : i32 to index
            %swap3A_207 = arith.index_cast %add3A_194 : i32 to index
            %swap3A_208 = arith.constant 0 : index
            %swap3A_209 = tpu.vector_load %arg11[%swap3A_206, %swap3A_207, %swap3A_208] {strides = array<i32>} : memref<2x128x32xf32, #tpu.memory_space<vmem>>, vector<16xf32>,
            tpu.vector_store %arg11[%swap3A_206, %swap3A_207, %swap3A_208], %mul3A_205 {strides = array<i32>} : memref<2x128x32xf32, #tpu.memory_space<vmem>>, vector<16xf32>,
            %broadcast_in_dim3A_210 = vector.shape_cast %div3A_34 : vector<16xi32> to vector<16x1xi32>
            %gather3A_211 = vector.shape_cast %broadcast_in_dim3A_210 : vector<16x1xi32> to vector<16xi32>
            %gather3A_212 = tpu.dynamic_gather %get3A_198[%gather3A_211] in [0] : vector<16xf32>, vector<16xi32> -> vector<16xf32>
            %get3A_213 = arith.constant 1 : i32
            %get3A_214 = arith.index_cast %get3A_213 : i32 to index
            %get3A_215 = arith.index_cast %add3A_194 : i32 to index
            %get3A_216 = arith.constant 16 : index
            %get3A_217 = tpu.vector_load %arg10[%get3A_214, %get3A_215, %get3A_216] {strides = array<i32>} : memref<2x128x32xf32, #tpu.memory_space<vmem>>, vector<16xf32>,
            %mul3A_218 = arith.mulf %get3A_217, %gather3A_212 : vector<16xf32>
            %swap3A_219 = arith.constant 1 : i32
            %swap3A_220 = arith.index_cast %swap3A_219 : i32 to index
            %swap3A_221 = arith.index_cast %add3A_194 : i32 to index
            %swap3A_222 = arith.constant 16 : index
            %swap3A_223 = tpu.vector_load %arg11[%swap3A_220, %swap3A_221, %swap3A_222] {strides = array<i32>} : memref<2x128x32xf32, #tpu.memory_space<vmem>>, vector<16xf32>,
            tpu.vector_store %arg11[%swap3A_220, %swap3A_221, %swap3A_222], %mul3A_218 {strides = array<i32>} : memref<2x128x32xf32, #tpu.memory_space<vmem>>, vector<16xf32>,
          }
          %scan3A_149 = arith.constant 128 : i32
          %add3A_150 = arith.constant 1 : i32
          %add3A_151 = arith.addi %add3A_59, %add3A_150 : i32
          %dma_start3A_152 = arith.constant 1 : i32
          %dma_start3A_153 = arith.constant 0 : i32
          %dma_start3A_154 = arith.constant 0 : i32
          %dma_start3A_155 = tpu.memref_slice %arg11[%dma_start3A_152, %dma_start3A_153, %dma_start3A_154] : memref<2x128x32xf32, #tpu.memory_space<vmem>> -> memref<1x128x32xf32, #tpu.memory_space<vmem>>
          %dma_start3A_156 = tpu.memref_squeeze %dma_start3A_155 : memref<1x128x32xf32, #tpu.memory_space<vmem>> -> memref<128x32xf32, #tpu.memory_space<vmem>>
          %dma_start3A_157 = arith.constant 0 : i32
          %dma_start3A_158 = tpu.memref_slice %arg9[%add3A_151, %dma_start3A_157] : memref<84x128xi32, #tpu.memory_space<vmem>> -> memref<1x128xi32, #tpu.memory_space<vmem>>
          %dma_start3A_159 = tpu.memref_squeeze %dma_start3A_158 : memref<1x128xi32, #tpu.memory_space<vmem>> -> memref<128xi32, #tpu.memory_space<vmem>>
          %dma_start3A_160 = arith.constant 0 : i32
          %dma_start3A_161 = arith.constant 0 : i32
          %dma_start3A_162 = tpu.memref_slice %arg15[%dma_start3A_160, %dma_start3A_161] : memref<10112x32xf32, #tpu.memory_space<vmem_shared>> -> memref<10112x32xf32, #tpu.memory_space<vmem_shared>>
          tpu.enqueue_indirect_dma source(%dma_start3A_156 : memref<128x32xf32, #tpu.memory_space<vmem>>) target(%dma_start3A_162 : memref<10112x32xf32, #tpu.memory_space<vmem_shared>>) offsets(%dma_start3A_159 : memref<128xi32, #tpu.memory_space<vmem>>) semaphore(%arg17 : memref<!tpu.dma_semaphore, #tpu.memory_space<semaphore_mem>>) {add = true}
          %dma_wait3A_163 = arith.constant 0 : i32
          %dma_wait3A_164 = arith.constant 0 : i32
          %dma_wait3A_165 = arith.constant 0 : i32
          %dma_wait3A_166 = tpu.memref_slice %arg11[%dma_wait3A_163, %dma_wait3A_164, %dma_wait3A_165] : memref<2x128x32xf32, #tpu.memory_space<vmem>> -> memref<1x128x32xf32, #tpu.memory_space<vmem>>
          %dma_wait3A_167 = tpu.memref_squeeze %dma_wait3A_166 : memref<1x128x32xf32, #tpu.memory_space<vmem>> -> memref<128x32xf32, #tpu.memory_space<vmem>>
          %dma_wait3A_168 = arith.constant 0 : i32
          %dma_wait3A_169 = tpu.memref_slice %arg9[%add3A_133, %dma_wait3A_168] : memref<84x128xi32, #tpu.memory_space<vmem>> -> memref<1x128xi32, #tpu.memory_space<vmem>>
          %dma_wait3A_170 = tpu.memref_squeeze %dma_wait3A_169 : memref<1x128xi32, #tpu.memory_space<vmem>> -> memref<128xi32, #tpu.memory_space<vmem>>
          %dma_wait3A_171 = arith.constant 0 : i32
          %dma_wait3A_172 = arith.constant 0 : i32
          %dma_wait3A_173 = tpu.memref_slice %arg15[%dma_wait3A_171, %dma_wait3A_172] : memref<10112x32xf32, #tpu.memory_space<vmem_shared>> -> memref<10112x32xf32, #tpu.memory_space<vmem_shared>>
          tpu.wait_indirect_dma semaphore(%arg17 : memref<!tpu.dma_semaphore, #tpu.memory_space<semaphore_mem>>) src(%dma_wait3A_167 : memref<128x32xf32, #tpu.memory_space<vmem>>) dst(%dma_wait3A_173 : memref<10112x32xf32, #tpu.memory_space<vmem_shared>>)
          %dma_wait3A_174 = arith.constant 1 : i32
          %dma_wait3A_175 = arith.constant 0 : i32
          %dma_wait3A_176 = arith.constant 0 : i32
          %dma_wait3A_177 = tpu.memref_slice %arg11[%dma_wait3A_174, %dma_wait3A_175, %dma_wait3A_176] : memref<2x128x32xf32, #tpu.memory_space<vmem>> -> memref<1x128x32xf32, #tpu.memory_space<vmem>>
          %dma_wait3A_178 = tpu.memref_squeeze %dma_wait3A_177 : memref<1x128x32xf32, #tpu.memory_space<vmem>> -> memref<128x32xf32, #tpu.memory_space<vmem>>
          %dma_wait3A_179 = arith.constant 0 : i32
          %dma_wait3A_180 = tpu.memref_slice %arg9[%add3A_151, %dma_wait3A_179] : memref<84x128xi32, #tpu.memory_space<vmem>> -> memref<1x128xi32, #tpu.memory_space<vmem>>
          %dma_wait3A_181 = tpu.memref_squeeze %dma_wait3A_180 : memref<1x128xi32, #tpu.memory_space<vmem>> -> memref<128xi32, #tpu.memory_space<vmem>>
          %dma_wait3A_182 = arith.constant 0 : i32
          %dma_wait3A_183 = arith.constant 0 : i32
          %dma_wait3A_184 = tpu.memref_slice %arg15[%dma_wait3A_182, %dma_wait3A_183] : memref<10112x32xf32, #tpu.memory_space<vmem_shared>> -> memref<10112x32xf32, #tpu.memory_space<vmem_shared>>
          tpu.wait_indirect_dma semaphore(%arg17 : memref<!tpu.dma_semaphore, #tpu.memory_space<semaphore_mem>>) src(%dma_wait3A_178 : memref<128x32xf32, #tpu.memory_space<vmem>>) dst(%dma_wait3A_184 : memref<10112x32xf32, #tpu.memory_space<vmem_shared>>)
          %eq3A_185 = arith.constant 0 : i32
          %eq3A_186 = arith.cmpi eq, %add3A_13, %eq3A_185 : i32
          %convert_element_type3A_187 = arith.extui %eq3A_186 : i1 to i32
          %cond3A_188 = arith.constant 0 : i32
          %cond3A_189 = arith.cmpi ne, %convert_element_type3A_187, %cond3A_188 : i32
          scf.if %cond3A_189 {
            %add3A_190 = arith.constant 0 : i32
            %add3A_191 = arith.addi %add3A_59, %add3A_190 : i32
            "tpu.region"() ({
              %run_scoped3A = tpu.sem_alloc : memref<!tpu.dma_semaphore, #tpu.memory_space<semaphore_mem>>
              %dma_start3A_194 = arith.constant 0 : i32
              %dma_start3A_195 = arith.constant 0 : i32
              %dma_start3A_196 = tpu.memref_slice %arg12[%dma_start3A_194, %dma_start3A_195] : memref<256x16xf32, #tpu.memory_space<vmem>> -> memref<128x16xf32, #tpu.memory_space<vmem>>
              %dma_start3A_197 = arith.constant 0 : i32
              %dma_start3A_198 = tpu.memref_slice %arg9[%add3A_191, %dma_start3A_197] : memref<84x128xi32, #tpu.memory_space<vmem>> -> memref<1x128xi32, #tpu.memory_space<vmem>>
              %dma_start3A_199 = tpu.memref_squeeze %dma_start3A_198 : memref<1x128xi32, #tpu.memory_space<vmem>> -> memref<128xi32, #tpu.memory_space<vmem>>
              %dma_start3A_200 = arith.constant 0 : i32
              %dma_start3A_201 = arith.constant 0 : i32
              %dma_start3A_202 = tpu.memref_slice %arg16[%dma_start3A_200, %dma_start3A_201] : memref<10112x16xf32, #tpu.memory_space<vmem_shared>> -> memref<10112x16xf32, #tpu.memory_space<vmem_shared>>
              tpu.enqueue_indirect_dma source(%dma_start3A_196 : memref<128x16xf32, #tpu.memory_space<vmem>>) target(%dma_start3A_202 : memref<10112x16xf32, #tpu.memory_space<vmem_shared>>) offsets(%dma_start3A_199 : memref<128xi32, #tpu.memory_space<vmem>>) semaphore(%run_scoped3A : memref<!tpu.dma_semaphore, #tpu.memory_space<semaphore_mem>>) {add = true}
              %dma_wait3A_203 = arith.constant 0 : i32
              %dma_wait3A_204 = arith.constant 0 : i32
              %dma_wait3A_205 = tpu.memref_slice %arg12[%dma_wait3A_203, %dma_wait3A_204] : memref<256x16xf32, #tpu.memory_space<vmem>> -> memref<128x16xf32, #tpu.memory_space<vmem>>
              %dma_wait3A_206 = arith.constant 0 : i32
              %dma_wait3A_207 = tpu.memref_slice %arg9[%add3A_191, %dma_wait3A_206] : memref<84x128xi32, #tpu.memory_space<vmem>> -> memref<1x128xi32, #tpu.memory_space<vmem>>
              %dma_wait3A_208 = tpu.memref_squeeze %dma_wait3A_207 : memref<1x128xi32, #tpu.memory_space<vmem>> -> memref<128xi32, #tpu.memory_space<vmem>>
              %dma_wait3A_209 = arith.constant 0 : i32
              %dma_wait3A_210 = arith.constant 0 : i32
              %dma_wait3A_211 = tpu.memref_slice %arg16[%dma_wait3A_209, %dma_wait3A_210] : memref<10112x16xf32, #tpu.memory_space<vmem_shared>> -> memref<10112x16xf32, #tpu.memory_space<vmem_shared>>
              tpu.wait_indirect_dma semaphore(%run_scoped3A : memref<!tpu.dma_semaphore, #tpu.memory_space<semaphore_mem>>) src(%dma_wait3A_205 : memref<128x16xf32, #tpu.memory_space<vmem>>) dst(%dma_wait3A_211 : memref<10112x16xf32, #tpu.memory_space<vmem_shared>>)
              tpu.yield
            }) : () -> ()
            %add3A_192 = arith.constant 1 : i32
            %add3A_193 = arith.addi %add3A_59, %add3A_192 : i32
            "tpu.region"() ({
              %run_scoped3A = tpu.sem_alloc : memref<!tpu.dma_semaphore, #tpu.memory_space<semaphore_mem>>
              %dma_start3A_194 = arith.constant 128 : i32
              %dma_start3A_195 = arith.constant 0 : i32
              %dma_start3A_196 = tpu.memref_slice %arg12[%dma_start3A_194, %dma_start3A_195] : memref<256x16xf32, #tpu.memory_space<vmem>> -> memref<128x16xf32, #tpu.memory_space<vmem>>
              %dma_start3A_197 = arith.constant 0 : i32
              %dma_start3A_198 = tpu.memref_slice %arg9[%add3A_193, %dma_start3A_197] : memref<84x128xi32, #tpu.memory_space<vmem>> -> memref<1x128xi32, #tpu.memory_space<vmem>>
              %dma_start3A_199 = tpu.memref_squeeze %dma_start3A_198 : memref<1x128xi32, #tpu.memory_space<vmem>> -> memref<128xi32, #tpu.memory_space<vmem>>
              %dma_start3A_200 = arith.constant 0 : i32
              %dma_start3A_201 = arith.constant 0 : i32
              %dma_start3A_202 = tpu.memref_slice %arg16[%dma_start3A_200, %dma_start3A_201] : memref<10112x16xf32, #tpu.memory_space<vmem_shared>> -> memref<10112x16xf32, #tpu.memory_space<vmem_shared>>
              tpu.enqueue_indirect_dma source(%dma_start3A_196 : memref<128x16xf32, #tpu.memory_space<vmem>>) target(%dma_start3A_202 : memref<10112x16xf32, #tpu.memory_space<vmem_shared>>) offsets(%dma_start3A_199 : memref<128xi32, #tpu.memory_space<vmem>>) semaphore(%run_scoped3A : memref<!tpu.dma_semaphore, #tpu.memory_space<semaphore_mem>>) {add = true}
              %dma_wait3A_203 = arith.constant 128 : i32
              %dma_wait3A_204 = arith.constant 0 : i32
              %dma_wait3A_205 = tpu.memref_slice %arg12[%dma_wait3A_203, %dma_wait3A_204] : memref<256x16xf32, #tpu.memory_space<vmem>> -> memref<128x16xf32, #tpu.memory_space<vmem>>
              %dma_wait3A_206 = arith.constant 0 : i32
              %dma_wait3A_207 = tpu.memref_slice %arg9[%add3A_193, %dma_wait3A_206] : memref<84x128xi32, #tpu.memory_space<vmem>> -> memref<1x128xi32, #tpu.memory_space<vmem>>
              %dma_wait3A_208 = tpu.memref_squeeze %dma_wait3A_207 : memref<1x128xi32, #tpu.memory_space<vmem>> -> memref<128xi32, #tpu.memory_space<vmem>>
              %dma_wait3A_209 = arith.constant 0 : i32
              %dma_wait3A_210 = arith.constant 0 : i32
              %dma_wait3A_211 = tpu.memref_slice %arg16[%dma_wait3A_209, %dma_wait3A_210] : memref<10112x16xf32, #tpu.memory_space<vmem_shared>> -> memref<10112x16xf32, #tpu.memory_space<vmem_shared>>
              tpu.wait_indirect_dma semaphore(%run_scoped3A : memref<!tpu.dma_semaphore, #tpu.memory_space<semaphore_mem>>) src(%dma_wait3A_205 : memref<128x16xf32, #tpu.memory_space<vmem>>) dst(%dma_wait3A_211 : memref<10112x16xf32, #tpu.memory_space<vmem_shared>>)
              tpu.yield
            }) : () -> ()
          } else {
          }
        }
        %scan3A_54 = arith.constant 42 : i32
      } else {
      }
      %barrier3A_39 = arith.constant 0 : index
      tpu.barrier barrier_id(%barrier3A_39)
      %convert_element_type3A_40 = arith.extui %lt3A_17 : i1 to i32
      %cond3A_41 = arith.constant 0 : i32
      %cond3A_42 = arith.cmpi ne, %convert_element_type3A_40, %cond3A_41 : i32
      scf.if %cond3A_42 {
        %mul3A_50 = arith.constant 632 : i32
        %mul3A_51 = arith.muli %arg1, %mul3A_50 : i32
        %mul3A_52 = arith.constant 632 : i32
        %mul3A_53 = arith.muli %arg1, %mul3A_52 : i32
        "tpu.region"() ({
          %run_scoped3A = tpu.sem_alloc : memref<!tpu.dma_semaphore, #tpu.memory_space<semaphore_mem>>
          %dma_start3A = arith.constant 0 : i32
          %dma_start3A_54 = arith.constant 0 : i32
          %dma_start3A_55 = tpu.memref_slice %arg6[%add3A_16, %dma_start3A, %dma_start3A_54] : memref<25x10112x32xf32, #tpu.memory_space<hbm>> -> memref<1x10112x32xf32, #tpu.memory_space<hbm>>
          %dma_start3A_56 = tpu.memref_squeeze %dma_start3A_55 : memref<1x10112x32xf32, #tpu.memory_space<hbm>> -> memref<10112x32xf32, #tpu.memory_space<hbm>>
          %dma_start3A_57 = arith.constant 0 : i32
          %dma_start3A_58 = tpu.memref_slice %dma_start3A_56[%mul3A_53, %dma_start3A_57] : memref<10112x32xf32, #tpu.memory_space<hbm>> -> memref<632x32xf32, #tpu.memory_space<hbm>>
          %dma_start3A_59 = arith.constant 0 : i32
          %dma_start3A_60 = tpu.memref_slice %arg15[%mul3A_51, %dma_start3A_59] : memref<10112x32xf32, #tpu.memory_space<vmem_shared>> -> memref<632x32xf32, #tpu.memory_space<vmem_shared>>
          tpu.enqueue_dma source(%dma_start3A_60 : memref<632x32xf32, #tpu.memory_space<vmem_shared>>) target(%dma_start3A_58 : memref<632x32xf32, #tpu.memory_space<hbm>>) target_semaphore(%run_scoped3A : memref<!tpu.dma_semaphore, #tpu.memory_space<semaphore_mem>>)
          %dma_wait3A = arith.constant 0 : i32
          %dma_wait3A_61 = arith.constant 0 : i32
          %dma_wait3A_62 = tpu.memref_slice %arg6[%add3A_16, %dma_wait3A, %dma_wait3A_61] : memref<25x10112x32xf32, #tpu.memory_space<hbm>> -> memref<1x10112x32xf32, #tpu.memory_space<hbm>>
          %dma_wait3A_63 = tpu.memref_squeeze %dma_wait3A_62 : memref<1x10112x32xf32, #tpu.memory_space<hbm>> -> memref<10112x32xf32, #tpu.memory_space<hbm>>
          %dma_wait3A_64 = arith.constant 0 : i32
          %dma_wait3A_65 = tpu.memref_slice %dma_wait3A_63[%mul3A_53, %dma_wait3A_64] : memref<10112x32xf32, #tpu.memory_space<hbm>> -> memref<632x32xf32, #tpu.memory_space<hbm>>
          %dma_wait3A_66 = arith.constant 0 : i32
          %dma_wait3A_67 = tpu.memref_slice %arg15[%mul3A_51, %dma_wait3A_66] : memref<10112x32xf32, #tpu.memory_space<vmem_shared>> -> memref<632x32xf32, #tpu.memory_space<vmem_shared>>
          tpu.wait_dma2 semaphore(%run_scoped3A : memref<!tpu.dma_semaphore, #tpu.memory_space<semaphore_mem>>) src(%dma_wait3A_67 : memref<632x32xf32, #tpu.memory_space<vmem_shared>>) dst(%dma_wait3A_65 : memref<632x32xf32, #tpu.memory_space<hbm>>)
          tpu.yield
        }) : () -> ()
      } else {
      }
      %eq3A = arith.constant 0 : i32
      %eq3A_43 = arith.cmpi eq, %add3A_13, %eq3A : i32
      %eq3A_44 = arith.constant 0 : i32
      %eq3A_45 = arith.cmpi eq, %arg0, %eq3A_44 : i32
      %and3A = arith.andi %eq3A_43, %eq3A_45 : i1
      %convert_element_type3A_46 = arith.extui %and3A : i1 to i32
      %cond3A_47 = arith.constant 0 : i32
      %cond3A_48 = arith.cmpi ne, %convert_element_type3A_46, %cond3A_47 : i32
      scf.if %cond3A_48 {
        %mul3A_50 = arith.constant 632 : i32
        %mul3A_51 = arith.muli %arg1, %mul3A_50 : i32
        %mul3A_52 = arith.constant 632 : i32
        %mul3A_53 = arith.muli %arg1, %mul3A_52 : i32
        "tpu.region"() ({
          %run_scoped3A = tpu.sem_alloc : memref<!tpu.dma_semaphore, #tpu.memory_space<semaphore_mem>>
          %dma_start3A = arith.constant 0 : i32
          %dma_start3A_54 = tpu.memref_slice %arg7[%mul3A_53, %dma_start3A] : memref<10112x16xf32, #tpu.memory_space<hbm>> -> memref<632x16xf32, #tpu.memory_space<hbm>>
          %dma_start3A_55 = arith.constant 0 : i32
          %dma_start3A_56 = tpu.memref_slice %arg16[%mul3A_51, %dma_start3A_55] : memref<10112x16xf32, #tpu.memory_space<vmem_shared>> -> memref<632x16xf32, #tpu.memory_space<vmem_shared>>
          tpu.enqueue_dma source(%dma_start3A_56 : memref<632x16xf32, #tpu.memory_space<vmem_shared>>) target(%dma_start3A_54 : memref<632x16xf32, #tpu.memory_space<hbm>>) target_semaphore(%run_scoped3A : memref<!tpu.dma_semaphore, #tpu.memory_space<semaphore_mem>>)
          %dma_wait3A = arith.constant 0 : i32
          %dma_wait3A_57 = tpu.memref_slice %arg7[%mul3A_53, %dma_wait3A] : memref<10112x16xf32, #tpu.memory_space<hbm>> -> memref<632x16xf32, #tpu.memory_space<hbm>>
          %dma_wait3A_58 = arith.constant 0 : i32
          %dma_wait3A_59 = tpu.memref_slice %arg16[%mul3A_51, %dma_wait3A_58] : memref<10112x16xf32, #tpu.memory_space<vmem_shared>> -> memref<632x16xf32, #tpu.memory_space<vmem_shared>>
          tpu.wait_dma2 semaphore(%run_scoped3A : memref<!tpu.dma_semaphore, #tpu.memory_space<semaphore_mem>>) src(%dma_wait3A_59 : memref<632x16xf32, #tpu.memory_space<vmem_shared>>) dst(%dma_wait3A_57 : memref<632x16xf32, #tpu.memory_space<hbm>>)
          tpu.yield
        }) : () -> ()
      } else {
      }
      %barrier3A_49 = arith.constant 0 : index
      tpu.barrier barrier_id(%barrier3A_49)
    }
    %scan3A_9 = arith.constant 13 : i32
    return
  }
}

module attributes {stable_mosaic.version = 14 : i64} {
  func.func @_k1_body(%arg0: i32, %arg1: memref<632x78xf32, #tpu.memory_space<vmem>>, %arg2: memref<25x78x32xf32, #tpu.memory_space<vmem>>, %arg3: memref<78x16xf32, #tpu.memory_space<vmem>>, %arg4: memref<78x16xf32, #tpu.memory_space<vmem>>, %arg5: memref<25x632x32xf32, #tpu.memory_space<vmem>>, %arg6: memref<632x16xf32, #tpu.memory_space<vmem>>, %arg7: memref<632x16xf32, #tpu.memory_space<vmem>>) attributes {dimension_semantics = [#tpu.dimension_semantics<arbitrary>], iteration_bounds = array<i64: 16>, scalar_prefetch = 0 : i64, scratch_operands = 0 : i64, tpu.core_type = #tpu.core_type<tc>, window_params = [{transform_indices = @transform_0, window_bounds = array<i64: 632, 78>}, {pipeline_mode = #tpu.pipeline_mode<synchronous>, transform_indices = @transform_1, window_bounds = array<i64: 25, 78, 32>}, {pipeline_mode = #tpu.pipeline_mode<synchronous>, transform_indices = @transform_2, window_bounds = array<i64: 78, 16>}, {pipeline_mode = #tpu.pipeline_mode<synchronous>, transform_indices = @transform_3, window_bounds = array<i64: 78, 16>}, {transform_indices = @transform_4, window_bounds = array<i64: 25, 632, 32>}, {transform_indices = @transform_5, window_bounds = array<i64: 632, 16>}, {transform_indices = @transform_6, window_bounds = array<i64: 632, 16>}]} {
    %get3A = arith.constant 0 : index
    %get3A_0 = arith.constant 0 : index
    %get3A_1 = vector.load %arg1[%get3A, %get3A_0] : memref<632x78xf32, #tpu.memory_space<vmem>>, vector<632x78xf32>
    %get3A_2 = arith.constant 0 : index
    %get3A_3 = arith.constant 0 : index
    %get3A_4 = arith.constant 0 : index
    %get3A_5 = vector.load %arg2[%get3A_2, %get3A_3, %get3A_4] : memref<25x78x32xf32, #tpu.memory_space<vmem>>, vector<1x78x32xf32>
    %get3A_6 = vector.shape_cast %get3A_5 : vector<1x78x32xf32> to vector<78x32xf32>
    %dot_general3A = arith.constant dense<0.000000e+00> : vector<632x32xf32>
    %dot_general3A_7 = tpu.matmul %get3A_1, %get3A_6, %dot_general3A {dimension_numbers = #tpu.dot_dimension_numbers<[1], [0], [0], [1], [0, 0, 1, 1], [], []>, transpose_lhs_hint = false} : vector<632x78xf32>, vector<78x32xf32>, vector<632x32xf32> -> vector<632x32xf32>
    %swap3A = arith.constant 0 : index
    %swap3A_8 = arith.constant 0 : index
    %swap3A_9 = arith.constant 0 : index
    %swap3A_10 = vector.load %arg5[%swap3A, %swap3A_8, %swap3A_9] : memref<25x632x32xf32, #tpu.memory_space<vmem>>, vector<1x632x32xf32>
    %swap3A_11 = vector.shape_cast %swap3A_10 : vector<1x632x32xf32> to vector<632x32xf32>
    %swap3A_12 = vector.shape_cast %dot_general3A_7 : vector<632x32xf32> to vector<1x632x32xf32>
    tpu.vector_store %arg5[%swap3A, %swap3A_8, %swap3A_9], %swap3A_12 {strides = array<i32>} : memref<25x632x32xf32, #tpu.memory_space<vmem>>, vector<1x632x32xf32>,
    %get3A_13 = arith.constant 1 : index
    %get3A_14 = arith.constant 0 : index
    %get3A_15 = arith.constant 0 : index
    %get3A_16 = vector.load %arg2[%get3A_13, %get3A_14, %get3A_15] : memref<25x78x32xf32, #tpu.memory_space<vmem>>, vector<1x78x32xf32>
    %get3A_17 = vector.shape_cast %get3A_16 : vector<1x78x32xf32> to vector<78x32xf32>
    %dot_general3A_18 = arith.constant dense<0.000000e+00> : vector<632x32xf32>
    %dot_general3A_19 = tpu.matmul %get3A_1, %get3A_17, %dot_general3A_18 {dimension_numbers = #tpu.dot_dimension_numbers<[1], [0], [0], [1], [0, 0, 1, 1], [], []>, transpose_lhs_hint = false} : vector<632x78xf32>, vector<78x32xf32>, vector<632x32xf32> -> vector<632x32xf32>
    %swap3A_20 = arith.constant 1 : index
    %swap3A_21 = arith.constant 0 : index
    %swap3A_22 = arith.constant 0 : index
    %swap3A_23 = vector.load %arg5[%swap3A_20, %swap3A_21, %swap3A_22] : memref<25x632x32xf32, #tpu.memory_space<vmem>>, vector<1x632x32xf32>
    %swap3A_24 = vector.shape_cast %swap3A_23 : vector<1x632x32xf32> to vector<632x32xf32>
    %swap3A_25 = vector.shape_cast %dot_general3A_19 : vector<632x32xf32> to vector<1x632x32xf32>
    tpu.vector_store %arg5[%swap3A_20, %swap3A_21, %swap3A_22], %swap3A_25 {strides = array<i32>} : memref<25x632x32xf32, #tpu.memory_space<vmem>>, vector<1x632x32xf32>,
    %get3A_26 = arith.constant 2 : index
    %get3A_27 = arith.constant 0 : index
    %get3A_28 = arith.constant 0 : index
    %get3A_29 = vector.load %arg2[%get3A_26, %get3A_27, %get3A_28] : memref<25x78x32xf32, #tpu.memory_space<vmem>>, vector<1x78x32xf32>
    %get3A_30 = vector.shape_cast %get3A_29 : vector<1x78x32xf32> to vector<78x32xf32>
    %dot_general3A_31 = arith.constant dense<0.000000e+00> : vector<632x32xf32>
    %dot_general3A_32 = tpu.matmul %get3A_1, %get3A_30, %dot_general3A_31 {dimension_numbers = #tpu.dot_dimension_numbers<[1], [0], [0], [1], [0, 0, 1, 1], [], []>, transpose_lhs_hint = false} : vector<632x78xf32>, vector<78x32xf32>, vector<632x32xf32> -> vector<632x32xf32>
    %swap3A_33 = arith.constant 2 : index
    %swap3A_34 = arith.constant 0 : index
    %swap3A_35 = arith.constant 0 : index
    %swap3A_36 = vector.load %arg5[%swap3A_33, %swap3A_34, %swap3A_35] : memref<25x632x32xf32, #tpu.memory_space<vmem>>, vector<1x632x32xf32>
    %swap3A_37 = vector.shape_cast %swap3A_36 : vector<1x632x32xf32> to vector<632x32xf32>
    %swap3A_38 = vector.shape_cast %dot_general3A_32 : vector<632x32xf32> to vector<1x632x32xf32>
    tpu.vector_store %arg5[%swap3A_33, %swap3A_34, %swap3A_35], %swap3A_38 {strides = array<i32>} : memref<25x632x32xf32, #tpu.memory_space<vmem>>, vector<1x632x32xf32>,
    %get3A_39 = arith.constant 3 : index
    %get3A_40 = arith.constant 0 : index
    %get3A_41 = arith.constant 0 : index
    %get3A_42 = vector.load %arg2[%get3A_39, %get3A_40, %get3A_41] : memref<25x78x32xf32, #tpu.memory_space<vmem>>, vector<1x78x32xf32>
    %get3A_43 = vector.shape_cast %get3A_42 : vector<1x78x32xf32> to vector<78x32xf32>
    %dot_general3A_44 = arith.constant dense<0.000000e+00> : vector<632x32xf32>
    %dot_general3A_45 = tpu.matmul %get3A_1, %get3A_43, %dot_general3A_44 {dimension_numbers = #tpu.dot_dimension_numbers<[1], [0], [0], [1], [0, 0, 1, 1], [], []>, transpose_lhs_hint = false} : vector<632x78xf32>, vector<78x32xf32>, vector<632x32xf32> -> vector<632x32xf32>
    %swap3A_46 = arith.constant 3 : index
    %swap3A_47 = arith.constant 0 : index
    %swap3A_48 = arith.constant 0 : index
    %swap3A_49 = vector.load %arg5[%swap3A_46, %swap3A_47, %swap3A_48] : memref<25x632x32xf32, #tpu.memory_space<vmem>>, vector<1x632x32xf32>
    %swap3A_50 = vector.shape_cast %swap3A_49 : vector<1x632x32xf32> to vector<632x32xf32>
    %swap3A_51 = vector.shape_cast %dot_general3A_45 : vector<632x32xf32> to vector<1x632x32xf32>
    tpu.vector_store %arg5[%swap3A_46, %swap3A_47, %swap3A_48], %swap3A_51 {strides = array<i32>} : memref<25x632x32xf32, #tpu.memory_space<vmem>>, vector<1x632x32xf32>,
    %get3A_52 = arith.constant 4 : index
    %get3A_53 = arith.constant 0 : index
    %get3A_54 = arith.constant 0 : index
    %get3A_55 = vector.load %arg2[%get3A_52, %get3A_53, %get3A_54] : memref<25x78x32xf32, #tpu.memory_space<vmem>>, vector<1x78x32xf32>
    %get3A_56 = vector.shape_cast %get3A_55 : vector<1x78x32xf32> to vector<78x32xf32>
    %dot_general3A_57 = arith.constant dense<0.000000e+00> : vector<632x32xf32>
    %dot_general3A_58 = tpu.matmul %get3A_1, %get3A_56, %dot_general3A_57 {dimension_numbers = #tpu.dot_dimension_numbers<[1], [0], [0], [1], [0, 0, 1, 1], [], []>, transpose_lhs_hint = false} : vector<632x78xf32>, vector<78x32xf32>, vector<632x32xf32> -> vector<632x32xf32>
    %swap3A_59 = arith.constant 4 : index
    %swap3A_60 = arith.constant 0 : index
    %swap3A_61 = arith.constant 0 : index
    %swap3A_62 = vector.load %arg5[%swap3A_59, %swap3A_60, %swap3A_61] : memref<25x632x32xf32, #tpu.memory_space<vmem>>, vector<1x632x32xf32>
    %swap3A_63 = vector.shape_cast %swap3A_62 : vector<1x632x32xf32> to vector<632x32xf32>
    %swap3A_64 = vector.shape_cast %dot_general3A_58 : vector<632x32xf32> to vector<1x632x32xf32>
    tpu.vector_store %arg5[%swap3A_59, %swap3A_60, %swap3A_61], %swap3A_64 {strides = array<i32>} : memref<25x632x32xf32, #tpu.memory_space<vmem>>, vector<1x632x32xf32>,
    %get3A_65 = arith.constant 5 : index
    %get3A_66 = arith.constant 0 : index
    %get3A_67 = arith.constant 0 : index
    %get3A_68 = vector.load %arg2[%get3A_65, %get3A_66, %get3A_67] : memref<25x78x32xf32, #tpu.memory_space<vmem>>, vector<1x78x32xf32>
    %get3A_69 = vector.shape_cast %get3A_68 : vector<1x78x32xf32> to vector<78x32xf32>
    %dot_general3A_70 = arith.constant dense<0.000000e+00> : vector<632x32xf32>
    %dot_general3A_71 = tpu.matmul %get3A_1, %get3A_69, %dot_general3A_70 {dimension_numbers = #tpu.dot_dimension_numbers<[1], [0], [0], [1], [0, 0, 1, 1], [], []>, transpose_lhs_hint = false} : vector<632x78xf32>, vector<78x32xf32>, vector<632x32xf32> -> vector<632x32xf32>
    %swap3A_72 = arith.constant 5 : index
    %swap3A_73 = arith.constant 0 : index
    %swap3A_74 = arith.constant 0 : index
    %swap3A_75 = vector.load %arg5[%swap3A_72, %swap3A_73, %swap3A_74] : memref<25x632x32xf32, #tpu.memory_space<vmem>>, vector<1x632x32xf32>
    %swap3A_76 = vector.shape_cast %swap3A_75 : vector<1x632x32xf32> to vector<632x32xf32>
    %swap3A_77 = vector.shape_cast %dot_general3A_71 : vector<632x32xf32> to vector<1x632x32xf32>
    tpu.vector_store %arg5[%swap3A_72, %swap3A_73, %swap3A_74], %swap3A_77 {strides = array<i32>} : memref<25x632x32xf32, #tpu.memory_space<vmem>>, vector<1x632x32xf32>,
    %get3A_78 = arith.constant 6 : index
    %get3A_79 = arith.constant 0 : index
    %get3A_80 = arith.constant 0 : index
    %get3A_81 = vector.load %arg2[%get3A_78, %get3A_79, %get3A_80] : memref<25x78x32xf32, #tpu.memory_space<vmem>>, vector<1x78x32xf32>
    %get3A_82 = vector.shape_cast %get3A_81 : vector<1x78x32xf32> to vector<78x32xf32>
    %dot_general3A_83 = arith.constant dense<0.000000e+00> : vector<632x32xf32>
    %dot_general3A_84 = tpu.matmul %get3A_1, %get3A_82, %dot_general3A_83 {dimension_numbers = #tpu.dot_dimension_numbers<[1], [0], [0], [1], [0, 0, 1, 1], [], []>, transpose_lhs_hint = false} : vector<632x78xf32>, vector<78x32xf32>, vector<632x32xf32> -> vector<632x32xf32>
    %swap3A_85 = arith.constant 6 : index
    %swap3A_86 = arith.constant 0 : index
    %swap3A_87 = arith.constant 0 : index
    %swap3A_88 = vector.load %arg5[%swap3A_85, %swap3A_86, %swap3A_87] : memref<25x632x32xf32, #tpu.memory_space<vmem>>, vector<1x632x32xf32>
    %swap3A_89 = vector.shape_cast %swap3A_88 : vector<1x632x32xf32> to vector<632x32xf32>
    %swap3A_90 = vector.shape_cast %dot_general3A_84 : vector<632x32xf32> to vector<1x632x32xf32>
    tpu.vector_store %arg5[%swap3A_85, %swap3A_86, %swap3A_87], %swap3A_90 {strides = array<i32>} : memref<25x632x32xf32, #tpu.memory_space<vmem>>, vector<1x632x32xf32>,
    %get3A_91 = arith.constant 7 : index
    %get3A_92 = arith.constant 0 : index
    %get3A_93 = arith.constant 0 : index
    %get3A_94 = vector.load %arg2[%get3A_91, %get3A_92, %get3A_93] : memref<25x78x32xf32, #tpu.memory_space<vmem>>, vector<1x78x32xf32>
    %get3A_95 = vector.shape_cast %get3A_94 : vector<1x78x32xf32> to vector<78x32xf32>
    %dot_general3A_96 = arith.constant dense<0.000000e+00> : vector<632x32xf32>
    %dot_general3A_97 = tpu.matmul %get3A_1, %get3A_95, %dot_general3A_96 {dimension_numbers = #tpu.dot_dimension_numbers<[1], [0], [0], [1], [0, 0, 1, 1], [], []>, transpose_lhs_hint = false} : vector<632x78xf32>, vector<78x32xf32>, vector<632x32xf32> -> vector<632x32xf32>
    %swap3A_98 = arith.constant 7 : index
    %swap3A_99 = arith.constant 0 : index
    %swap3A_100 = arith.constant 0 : index
    %swap3A_101 = vector.load %arg5[%swap3A_98, %swap3A_99, %swap3A_100] : memref<25x632x32xf32, #tpu.memory_space<vmem>>, vector<1x632x32xf32>
    %swap3A_102 = vector.shape_cast %swap3A_101 : vector<1x632x32xf32> to vector<632x32xf32>
    %swap3A_103 = vector.shape_cast %dot_general3A_97 : vector<632x32xf32> to vector<1x632x32xf32>
    tpu.vector_store %arg5[%swap3A_98, %swap3A_99, %swap3A_100], %swap3A_103 {strides = array<i32>} : memref<25x632x32xf32, #tpu.memory_space<vmem>>, vector<1x632x32xf32>,
    %get3A_104 = arith.constant 8 : index
    %get3A_105 = arith.constant 0 : index
    %get3A_106 = arith.constant 0 : index
    %get3A_107 = vector.load %arg2[%get3A_104, %get3A_105, %get3A_106] : memref<25x78x32xf32, #tpu.memory_space<vmem>>, vector<1x78x32xf32>
    %get3A_108 = vector.shape_cast %get3A_107 : vector<1x78x32xf32> to vector<78x32xf32>
    %dot_general3A_109 = arith.constant dense<0.000000e+00> : vector<632x32xf32>
    %dot_general3A_110 = tpu.matmul %get3A_1, %get3A_108, %dot_general3A_109 {dimension_numbers = #tpu.dot_dimension_numbers<[1], [0], [0], [1], [0, 0, 1, 1], [], []>, transpose_lhs_hint = false} : vector<632x78xf32>, vector<78x32xf32>, vector<632x32xf32> -> vector<632x32xf32>
    %swap3A_111 = arith.constant 8 : index
    %swap3A_112 = arith.constant 0 : index
    %swap3A_113 = arith.constant 0 : index
    %swap3A_114 = vector.load %arg5[%swap3A_111, %swap3A_112, %swap3A_113] : memref<25x632x32xf32, #tpu.memory_space<vmem>>, vector<1x632x32xf32>
    %swap3A_115 = vector.shape_cast %swap3A_114 : vector<1x632x32xf32> to vector<632x32xf32>
    %swap3A_116 = vector.shape_cast %dot_general3A_110 : vector<632x32xf32> to vector<1x632x32xf32>
    tpu.vector_store %arg5[%swap3A_111, %swap3A_112, %swap3A_113], %swap3A_116 {strides = array<i32>} : memref<25x632x32xf32, #tpu.memory_space<vmem>>, vector<1x632x32xf32>,
    %get3A_117 = arith.constant 9 : index
    %get3A_118 = arith.constant 0 : index
    %get3A_119 = arith.constant 0 : index
    %get3A_120 = vector.load %arg2[%get3A_117, %get3A_118, %get3A_119] : memref<25x78x32xf32, #tpu.memory_space<vmem>>, vector<1x78x32xf32>
    %get3A_121 = vector.shape_cast %get3A_120 : vector<1x78x32xf32> to vector<78x32xf32>
    %dot_general3A_122 = arith.constant dense<0.000000e+00> : vector<632x32xf32>
    %dot_general3A_123 = tpu.matmul %get3A_1, %get3A_121, %dot_general3A_122 {dimension_numbers = #tpu.dot_dimension_numbers<[1], [0], [0], [1], [0, 0, 1, 1], [], []>, transpose_lhs_hint = false} : vector<632x78xf32>, vector<78x32xf32>, vector<632x32xf32> -> vector<632x32xf32>
    %swap3A_124 = arith.constant 9 : index
    %swap3A_125 = arith.constant 0 : index
    %swap3A_126 = arith.constant 0 : index
    %swap3A_127 = vector.load %arg5[%swap3A_124, %swap3A_125, %swap3A_126] : memref<25x632x32xf32, #tpu.memory_space<vmem>>, vector<1x632x32xf32>
    %swap3A_128 = vector.shape_cast %swap3A_127 : vector<1x632x32xf32> to vector<632x32xf32>
    %swap3A_129 = vector.shape_cast %dot_general3A_123 : vector<632x32xf32> to vector<1x632x32xf32>
    tpu.vector_store %arg5[%swap3A_124, %swap3A_125, %swap3A_126], %swap3A_129 {strides = array<i32>} : memref<25x632x32xf32, #tpu.memory_space<vmem>>, vector<1x632x32xf32>,
    %get3A_130 = arith.constant 10 : index
    %get3A_131 = arith.constant 0 : index
    %get3A_132 = arith.constant 0 : index
    %get3A_133 = vector.load %arg2[%get3A_130, %get3A_131, %get3A_132] : memref<25x78x32xf32, #tpu.memory_space<vmem>>, vector<1x78x32xf32>
    %get3A_134 = vector.shape_cast %get3A_133 : vector<1x78x32xf32> to vector<78x32xf32>
    %dot_general3A_135 = arith.constant dense<0.000000e+00> : vector<632x32xf32>
    %dot_general3A_136 = tpu.matmul %get3A_1, %get3A_134, %dot_general3A_135 {dimension_numbers = #tpu.dot_dimension_numbers<[1], [0], [0], [1], [0, 0, 1, 1], [], []>, transpose_lhs_hint = false} : vector<632x78xf32>, vector<78x32xf32>, vector<632x32xf32> -> vector<632x32xf32>
    %swap3A_137 = arith.constant 10 : index
    %swap3A_138 = arith.constant 0 : index
    %swap3A_139 = arith.constant 0 : index
    %swap3A_140 = vector.load %arg5[%swap3A_137, %swap3A_138, %swap3A_139] : memref<25x632x32xf32, #tpu.memory_space<vmem>>, vector<1x632x32xf32>
    %swap3A_141 = vector.shape_cast %swap3A_140 : vector<1x632x32xf32> to vector<632x32xf32>
    %swap3A_142 = vector.shape_cast %dot_general3A_136 : vector<632x32xf32> to vector<1x632x32xf32>
    tpu.vector_store %arg5[%swap3A_137, %swap3A_138, %swap3A_139], %swap3A_142 {strides = array<i32>} : memref<25x632x32xf32, #tpu.memory_space<vmem>>, vector<1x632x32xf32>,
    %get3A_143 = arith.constant 11 : index
    %get3A_144 = arith.constant 0 : index
    %get3A_145 = arith.constant 0 : index
    %get3A_146 = vector.load %arg2[%get3A_143, %get3A_144, %get3A_145] : memref<25x78x32xf32, #tpu.memory_space<vmem>>, vector<1x78x32xf32>
    %get3A_147 = vector.shape_cast %get3A_146 : vector<1x78x32xf32> to vector<78x32xf32>
    %dot_general3A_148 = arith.constant dense<0.000000e+00> : vector<632x32xf32>
    %dot_general3A_149 = tpu.matmul %get3A_1, %get3A_147, %dot_general3A_148 {dimension_numbers = #tpu.dot_dimension_numbers<[1], [0], [0], [1], [0, 0, 1, 1], [], []>, transpose_lhs_hint = false} : vector<632x78xf32>, vector<78x32xf32>, vector<632x32xf32> -> vector<632x32xf32>
    %swap3A_150 = arith.constant 11 : index
    %swap3A_151 = arith.constant 0 : index
    %swap3A_152 = arith.constant 0 : index
    %swap3A_153 = vector.load %arg5[%swap3A_150, %swap3A_151, %swap3A_152] : memref<25x632x32xf32, #tpu.memory_space<vmem>>, vector<1x632x32xf32>
    %swap3A_154 = vector.shape_cast %swap3A_153 : vector<1x632x32xf32> to vector<632x32xf32>
    %swap3A_155 = vector.shape_cast %dot_general3A_149 : vector<632x32xf32> to vector<1x632x32xf32>
    tpu.vector_store %arg5[%swap3A_150, %swap3A_151, %swap3A_152], %swap3A_155 {strides = array<i32>} : memref<25x632x32xf32, #tpu.memory_space<vmem>>, vector<1x632x32xf32>,
    %get3A_156 = arith.constant 12 : index
    %get3A_157 = arith.constant 0 : index
    %get3A_158 = arith.constant 0 : index
    %get3A_159 = vector.load %arg2[%get3A_156, %get3A_157, %get3A_158] : memref<25x78x32xf32, #tpu.memory_space<vmem>>, vector<1x78x32xf32>
    %get3A_160 = vector.shape_cast %get3A_159 : vector<1x78x32xf32> to vector<78x32xf32>
    %dot_general3A_161 = arith.constant dense<0.000000e+00> : vector<632x32xf32>
    %dot_general3A_162 = tpu.matmul %get3A_1, %get3A_160, %dot_general3A_161 {dimension_numbers = #tpu.dot_dimension_numbers<[1], [0], [0], [1], [0, 0, 1, 1], [], []>, transpose_lhs_hint = false} : vector<632x78xf32>, vector<78x32xf32>, vector<632x32xf32> -> vector<632x32xf32>
    %swap3A_163 = arith.constant 12 : index
    %swap3A_164 = arith.constant 0 : index
    %swap3A_165 = arith.constant 0 : index
    %swap3A_166 = vector.load %arg5[%swap3A_163, %swap3A_164, %swap3A_165] : memref<25x632x32xf32, #tpu.memory_space<vmem>>, vector<1x632x32xf32>
    %swap3A_167 = vector.shape_cast %swap3A_166 : vector<1x632x32xf32> to vector<632x32xf32>
    %swap3A_168 = vector.shape_cast %dot_general3A_162 : vector<632x32xf32> to vector<1x632x32xf32>
    tpu.vector_store %arg5[%swap3A_163, %swap3A_164, %swap3A_165], %swap3A_168 {strides = array<i32>} : memref<25x632x32xf32, #tpu.memory_space<vmem>>, vector<1x632x32xf32>,
    %get3A_169 = arith.constant 13 : index
    %get3A_170 = arith.constant 0 : index
    %get3A_171 = arith.constant 0 : index
    %get3A_172 = vector.load %arg2[%get3A_169, %get3A_170, %get3A_171] : memref<25x78x32xf32, #tpu.memory_space<vmem>>, vector<1x78x32xf32>
    %get3A_173 = vector.shape_cast %get3A_172 : vector<1x78x32xf32> to vector<78x32xf32>
    %dot_general3A_174 = arith.constant dense<0.000000e+00> : vector<632x32xf32>
    %dot_general3A_175 = tpu.matmul %get3A_1, %get3A_173, %dot_general3A_174 {dimension_numbers = #tpu.dot_dimension_numbers<[1], [0], [0], [1], [0, 0, 1, 1], [], []>, transpose_lhs_hint = false} : vector<632x78xf32>, vector<78x32xf32>, vector<632x32xf32> -> vector<632x32xf32>
    %swap3A_176 = arith.constant 13 : index
    %swap3A_177 = arith.constant 0 : index
    %swap3A_178 = arith.constant 0 : index
    %swap3A_179 = vector.load %arg5[%swap3A_176, %swap3A_177, %swap3A_178] : memref<25x632x32xf32, #tpu.memory_space<vmem>>, vector<1x632x32xf32>
    %swap3A_180 = vector.shape_cast %swap3A_179 : vector<1x632x32xf32> to vector<632x32xf32>
    %swap3A_181 = vector.shape_cast %dot_general3A_175 : vector<632x32xf32> to vector<1x632x32xf32>
    tpu.vector_store %arg5[%swap3A_176, %swap3A_177, %swap3A_178], %swap3A_181 {strides = array<i32>} : memref<25x632x32xf32, #tpu.memory_space<vmem>>, vector<1x632x32xf32>,
    %get3A_182 = arith.constant 14 : index
    %get3A_183 = arith.constant 0 : index
    %get3A_184 = arith.constant 0 : index
    %get3A_185 = vector.load %arg2[%get3A_182, %get3A_183, %get3A_184] : memref<25x78x32xf32, #tpu.memory_space<vmem>>, vector<1x78x32xf32>
    %get3A_186 = vector.shape_cast %get3A_185 : vector<1x78x32xf32> to vector<78x32xf32>
    %dot_general3A_187 = arith.constant dense<0.000000e+00> : vector<632x32xf32>
    %dot_general3A_188 = tpu.matmul %get3A_1, %get3A_186, %dot_general3A_187 {dimension_numbers = #tpu.dot_dimension_numbers<[1], [0], [0], [1], [0, 0, 1, 1], [], []>, transpose_lhs_hint = false} : vector<632x78xf32>, vector<78x32xf32>, vector<632x32xf32> -> vector<632x32xf32>
    %swap3A_189 = arith.constant 14 : index
    %swap3A_190 = arith.constant 0 : index
    %swap3A_191 = arith.constant 0 : index
    %swap3A_192 = vector.load %arg5[%swap3A_189, %swap3A_190, %swap3A_191] : memref<25x632x32xf32, #tpu.memory_space<vmem>>, vector<1x632x32xf32>
    %swap3A_193 = vector.shape_cast %swap3A_192 : vector<1x632x32xf32> to vector<632x32xf32>
    %swap3A_194 = vector.shape_cast %dot_general3A_188 : vector<632x32xf32> to vector<1x632x32xf32>
    tpu.vector_store %arg5[%swap3A_189, %swap3A_190, %swap3A_191], %swap3A_194 {strides = array<i32>} : memref<25x632x32xf32, #tpu.memory_space<vmem>>, vector<1x632x32xf32>,
    %get3A_195 = arith.constant 15 : index
    %get3A_196 = arith.constant 0 : index
    %get3A_197 = arith.constant 0 : index
    %get3A_198 = vector.load %arg2[%get3A_195, %get3A_196, %get3A_197] : memref<25x78x32xf32, #tpu.memory_space<vmem>>, vector<1x78x32xf32>
    %get3A_199 = vector.shape_cast %get3A_198 : vector<1x78x32xf32> to vector<78x32xf32>
    %dot_general3A_200 = arith.constant dense<0.000000e+00> : vector<632x32xf32>
    %dot_general3A_201 = tpu.matmul %get3A_1, %get3A_199, %dot_general3A_200 {dimension_numbers = #tpu.dot_dimension_numbers<[1], [0], [0], [1], [0, 0, 1, 1], [], []>, transpose_lhs_hint = false} : vector<632x78xf32>, vector<78x32xf32>, vector<632x32xf32> -> vector<632x32xf32>
    %swap3A_202 = arith.constant 15 : index
    %swap3A_203 = arith.constant 0 : index
    %swap3A_204 = arith.constant 0 : index
    %swap3A_205 = vector.load %arg5[%swap3A_202, %swap3A_203, %swap3A_204] : memref<25x632x32xf32, #tpu.memory_space<vmem>>, vector<1x632x32xf32>
    %swap3A_206 = vector.shape_cast %swap3A_205 : vector<1x632x32xf32> to vector<632x32xf32>
    %swap3A_207 = vector.shape_cast %dot_general3A_201 : vector<632x32xf32> to vector<1x632x32xf32>
    tpu.vector_store %arg5[%swap3A_202, %swap3A_203, %swap3A_204], %swap3A_207 {strides = array<i32>} : memref<25x632x32xf32, #tpu.memory_space<vmem>>, vector<1x632x32xf32>,
    %get3A_208 = arith.constant 16 : index
    %get3A_209 = arith.constant 0 : index
    %get3A_210 = arith.constant 0 : index
    %get3A_211 = vector.load %arg2[%get3A_208, %get3A_209, %get3A_210] : memref<25x78x32xf32, #tpu.memory_space<vmem>>, vector<1x78x32xf32>
    %get3A_212 = vector.shape_cast %get3A_211 : vector<1x78x32xf32> to vector<78x32xf32>
    %dot_general3A_213 = arith.constant dense<0.000000e+00> : vector<632x32xf32>
    %dot_general3A_214 = tpu.matmul %get3A_1, %get3A_212, %dot_general3A_213 {dimension_numbers = #tpu.dot_dimension_numbers<[1], [0], [0], [1], [0, 0, 1, 1], [], []>, transpose_lhs_hint = false} : vector<632x78xf32>, vector<78x32xf32>, vector<632x32xf32> -> vector<632x32xf32>
    %swap3A_215 = arith.constant 16 : index
    %swap3A_216 = arith.constant 0 : index
    %swap3A_217 = arith.constant 0 : index
    %swap3A_218 = vector.load %arg5[%swap3A_215, %swap3A_216, %swap3A_217] : memref<25x632x32xf32, #tpu.memory_space<vmem>>, vector<1x632x32xf32>
    %swap3A_219 = vector.shape_cast %swap3A_218 : vector<1x632x32xf32> to vector<632x32xf32>
    %swap3A_220 = vector.shape_cast %dot_general3A_214 : vector<632x32xf32> to vector<1x632x32xf32>
    tpu.vector_store %arg5[%swap3A_215, %swap3A_216, %swap3A_217], %swap3A_220 {strides = array<i32>} : memref<25x632x32xf32, #tpu.memory_space<vmem>>, vector<1x632x32xf32>,
    %get3A_221 = arith.constant 17 : index
    %get3A_222 = arith.constant 0 : index
    %get3A_223 = arith.constant 0 : index
    %get3A_224 = vector.load %arg2[%get3A_221, %get3A_222, %get3A_223] : memref<25x78x32xf32, #tpu.memory_space<vmem>>, vector<1x78x32xf32>
    %get3A_225 = vector.shape_cast %get3A_224 : vector<1x78x32xf32> to vector<78x32xf32>
    %dot_general3A_226 = arith.constant dense<0.000000e+00> : vector<632x32xf32>
    %dot_general3A_227 = tpu.matmul %get3A_1, %get3A_225, %dot_general3A_226 {dimension_numbers = #tpu.dot_dimension_numbers<[1], [0], [0], [1], [0, 0, 1, 1], [], []>, transpose_lhs_hint = false} : vector<632x78xf32>, vector<78x32xf32>, vector<632x32xf32> -> vector<632x32xf32>
    %swap3A_228 = arith.constant 17 : index
    %swap3A_229 = arith.constant 0 : index
    %swap3A_230 = arith.constant 0 : index
    %swap3A_231 = vector.load %arg5[%swap3A_228, %swap3A_229, %swap3A_230] : memref<25x632x32xf32, #tpu.memory_space<vmem>>, vector<1x632x32xf32>
    %swap3A_232 = vector.shape_cast %swap3A_231 : vector<1x632x32xf32> to vector<632x32xf32>
    %swap3A_233 = vector.shape_cast %dot_general3A_227 : vector<632x32xf32> to vector<1x632x32xf32>
    tpu.vector_store %arg5[%swap3A_228, %swap3A_229, %swap3A_230], %swap3A_233 {strides = array<i32>} : memref<25x632x32xf32, #tpu.memory_space<vmem>>, vector<1x632x32xf32>,
    %get3A_234 = arith.constant 18 : index
    %get3A_235 = arith.constant 0 : index
    %get3A_236 = arith.constant 0 : index
    %get3A_237 = vector.load %arg2[%get3A_234, %get3A_235, %get3A_236] : memref<25x78x32xf32, #tpu.memory_space<vmem>>, vector<1x78x32xf32>
    %get3A_238 = vector.shape_cast %get3A_237 : vector<1x78x32xf32> to vector<78x32xf32>
    %dot_general3A_239 = arith.constant dense<0.000000e+00> : vector<632x32xf32>
    %dot_general3A_240 = tpu.matmul %get3A_1, %get3A_238, %dot_general3A_239 {dimension_numbers = #tpu.dot_dimension_numbers<[1], [0], [0], [1], [0, 0, 1, 1], [], []>, transpose_lhs_hint = false} : vector<632x78xf32>, vector<78x32xf32>, vector<632x32xf32> -> vector<632x32xf32>
    %swap3A_241 = arith.constant 18 : index
    %swap3A_242 = arith.constant 0 : index
    %swap3A_243 = arith.constant 0 : index
    %swap3A_244 = vector.load %arg5[%swap3A_241, %swap3A_242, %swap3A_243] : memref<25x632x32xf32, #tpu.memory_space<vmem>>, vector<1x632x32xf32>
    %swap3A_245 = vector.shape_cast %swap3A_244 : vector<1x632x32xf32> to vector<632x32xf32>
    %swap3A_246 = vector.shape_cast %dot_general3A_240 : vector<632x32xf32> to vector<1x632x32xf32>
    tpu.vector_store %arg5[%swap3A_241, %swap3A_242, %swap3A_243], %swap3A_246 {strides = array<i32>} : memref<25x632x32xf32, #tpu.memory_space<vmem>>, vector<1x632x32xf32>,
    %get3A_247 = arith.constant 19 : index
    %get3A_248 = arith.constant 0 : index
    %get3A_249 = arith.constant 0 : index
    %get3A_250 = vector.load %arg2[%get3A_247, %get3A_248, %get3A_249] : memref<25x78x32xf32, #tpu.memory_space<vmem>>, vector<1x78x32xf32>
    %get3A_251 = vector.shape_cast %get3A_250 : vector<1x78x32xf32> to vector<78x32xf32>
    %dot_general3A_252 = arith.constant dense<0.000000e+00> : vector<632x32xf32>
    %dot_general3A_253 = tpu.matmul %get3A_1, %get3A_251, %dot_general3A_252 {dimension_numbers = #tpu.dot_dimension_numbers<[1], [0], [0], [1], [0, 0, 1, 1], [], []>, transpose_lhs_hint = false} : vector<632x78xf32>, vector<78x32xf32>, vector<632x32xf32> -> vector<632x32xf32>
    %swap3A_254 = arith.constant 19 : index
    %swap3A_255 = arith.constant 0 : index
    %swap3A_256 = arith.constant 0 : index
    %swap3A_257 = vector.load %arg5[%swap3A_254, %swap3A_255, %swap3A_256] : memref<25x632x32xf32, #tpu.memory_space<vmem>>, vector<1x632x32xf32>
    %swap3A_258 = vector.shape_cast %swap3A_257 : vector<1x632x32xf32> to vector<632x32xf32>
    %swap3A_259 = vector.shape_cast %dot_general3A_253 : vector<632x32xf32> to vector<1x632x32xf32>
    tpu.vector_store %arg5[%swap3A_254, %swap3A_255, %swap3A_256], %swap3A_259 {strides = array<i32>} : memref<25x632x32xf32, #tpu.memory_space<vmem>>, vector<1x632x32xf32>,
    %get3A_260 = arith.constant 20 : index
    %get3A_261 = arith.constant 0 : index
    %get3A_262 = arith.constant 0 : index
    %get3A_263 = vector.load %arg2[%get3A_260, %get3A_261, %get3A_262] : memref<25x78x32xf32, #tpu.memory_space<vmem>>, vector<1x78x32xf32>
    %get3A_264 = vector.shape_cast %get3A_263 : vector<1x78x32xf32> to vector<78x32xf32>
    %dot_general3A_265 = arith.constant dense<0.000000e+00> : vector<632x32xf32>
    %dot_general3A_266 = tpu.matmul %get3A_1, %get3A_264, %dot_general3A_265 {dimension_numbers = #tpu.dot_dimension_numbers<[1], [0], [0], [1], [0, 0, 1, 1], [], []>, transpose_lhs_hint = false} : vector<632x78xf32>, vector<78x32xf32>, vector<632x32xf32> -> vector<632x32xf32>
    %swap3A_267 = arith.constant 20 : index
    %swap3A_268 = arith.constant 0 : index
    %swap3A_269 = arith.constant 0 : index
    %swap3A_270 = vector.load %arg5[%swap3A_267, %swap3A_268, %swap3A_269] : memref<25x632x32xf32, #tpu.memory_space<vmem>>, vector<1x632x32xf32>
    %swap3A_271 = vector.shape_cast %swap3A_270 : vector<1x632x32xf32> to vector<632x32xf32>
    %swap3A_272 = vector.shape_cast %dot_general3A_266 : vector<632x32xf32> to vector<1x632x32xf32>
    tpu.vector_store %arg5[%swap3A_267, %swap3A_268, %swap3A_269], %swap3A_272 {strides = array<i32>} : memref<25x632x32xf32, #tpu.memory_space<vmem>>, vector<1x632x32xf32>,
    %get3A_273 = arith.constant 21 : index
    %get3A_274 = arith.constant 0 : index
    %get3A_275 = arith.constant 0 : index
    %get3A_276 = vector.load %arg2[%get3A_273, %get3A_274, %get3A_275] : memref<25x78x32xf32, #tpu.memory_space<vmem>>, vector<1x78x32xf32>
    %get3A_277 = vector.shape_cast %get3A_276 : vector<1x78x32xf32> to vector<78x32xf32>
    %dot_general3A_278 = arith.constant dense<0.000000e+00> : vector<632x32xf32>
    %dot_general3A_279 = tpu.matmul %get3A_1, %get3A_277, %dot_general3A_278 {dimension_numbers = #tpu.dot_dimension_numbers<[1], [0], [0], [1], [0, 0, 1, 1], [], []>, transpose_lhs_hint = false} : vector<632x78xf32>, vector<78x32xf32>, vector<632x32xf32> -> vector<632x32xf32>
    %swap3A_280 = arith.constant 21 : index
    %swap3A_281 = arith.constant 0 : index
    %swap3A_282 = arith.constant 0 : index
    %swap3A_283 = vector.load %arg5[%swap3A_280, %swap3A_281, %swap3A_282] : memref<25x632x32xf32, #tpu.memory_space<vmem>>, vector<1x632x32xf32>
    %swap3A_284 = vector.shape_cast %swap3A_283 : vector<1x632x32xf32> to vector<632x32xf32>
    %swap3A_285 = vector.shape_cast %dot_general3A_279 : vector<632x32xf32> to vector<1x632x32xf32>
    tpu.vector_store %arg5[%swap3A_280, %swap3A_281, %swap3A_282], %swap3A_285 {strides = array<i32>} : memref<25x632x32xf32, #tpu.memory_space<vmem>>, vector<1x632x32xf32>,
    %get3A_286 = arith.constant 22 : index
    %get3A_287 = arith.constant 0 : index
    %get3A_288 = arith.constant 0 : index
    %get3A_289 = vector.load %arg2[%get3A_286, %get3A_287, %get3A_288] : memref<25x78x32xf32, #tpu.memory_space<vmem>>, vector<1x78x32xf32>
    %get3A_290 = vector.shape_cast %get3A_289 : vector<1x78x32xf32> to vector<78x32xf32>
    %dot_general3A_291 = arith.constant dense<0.000000e+00> : vector<632x32xf32>
    %dot_general3A_292 = tpu.matmul %get3A_1, %get3A_290, %dot_general3A_291 {dimension_numbers = #tpu.dot_dimension_numbers<[1], [0], [0], [1], [0, 0, 1, 1], [], []>, transpose_lhs_hint = false} : vector<632x78xf32>, vector<78x32xf32>, vector<632x32xf32> -> vector<632x32xf32>
    %swap3A_293 = arith.constant 22 : index
    %swap3A_294 = arith.constant 0 : index
    %swap3A_295 = arith.constant 0 : index
    %swap3A_296 = vector.load %arg5[%swap3A_293, %swap3A_294, %swap3A_295] : memref<25x632x32xf32, #tpu.memory_space<vmem>>, vector<1x632x32xf32>
    %swap3A_297 = vector.shape_cast %swap3A_296 : vector<1x632x32xf32> to vector<632x32xf32>
    %swap3A_298 = vector.shape_cast %dot_general3A_292 : vector<632x32xf32> to vector<1x632x32xf32>
    tpu.vector_store %arg5[%swap3A_293, %swap3A_294, %swap3A_295], %swap3A_298 {strides = array<i32>} : memref<25x632x32xf32, #tpu.memory_space<vmem>>, vector<1x632x32xf32>,
    %get3A_299 = arith.constant 23 : index
    %get3A_300 = arith.constant 0 : index
    %get3A_301 = arith.constant 0 : index
    %get3A_302 = vector.load %arg2[%get3A_299, %get3A_300, %get3A_301] : memref<25x78x32xf32, #tpu.memory_space<vmem>>, vector<1x78x32xf32>
    %get3A_303 = vector.shape_cast %get3A_302 : vector<1x78x32xf32> to vector<78x32xf32>
    %dot_general3A_304 = arith.constant dense<0.000000e+00> : vector<632x32xf32>
    %dot_general3A_305 = tpu.matmul %get3A_1, %get3A_303, %dot_general3A_304 {dimension_numbers = #tpu.dot_dimension_numbers<[1], [0], [0], [1], [0, 0, 1, 1], [], []>, transpose_lhs_hint = false} : vector<632x78xf32>, vector<78x32xf32>, vector<632x32xf32> -> vector<632x32xf32>
    %swap3A_306 = arith.constant 23 : index
    %swap3A_307 = arith.constant 0 : index
    %swap3A_308 = arith.constant 0 : index
    %swap3A_309 = vector.load %arg5[%swap3A_306, %swap3A_307, %swap3A_308] : memref<25x632x32xf32, #tpu.memory_space<vmem>>, vector<1x632x32xf32>
    %swap3A_310 = vector.shape_cast %swap3A_309 : vector<1x632x32xf32> to vector<632x32xf32>
    %swap3A_311 = vector.shape_cast %dot_general3A_305 : vector<632x32xf32> to vector<1x632x32xf32>
    tpu.vector_store %arg5[%swap3A_306, %swap3A_307, %swap3A_308], %swap3A_311 {strides = array<i32>} : memref<25x632x32xf32, #tpu.memory_space<vmem>>, vector<1x632x32xf32>,
    %get3A_312 = arith.constant 24 : index
    %get3A_313 = arith.constant 0 : index
    %get3A_314 = arith.constant 0 : index
    %get3A_315 = vector.load %arg2[%get3A_312, %get3A_313, %get3A_314] : memref<25x78x32xf32, #tpu.memory_space<vmem>>, vector<1x78x32xf32>
    %get3A_316 = vector.shape_cast %get3A_315 : vector<1x78x32xf32> to vector<78x32xf32>
    %dot_general3A_317 = arith.constant dense<0.000000e+00> : vector<632x32xf32>
    %dot_general3A_318 = tpu.matmul %get3A_1, %get3A_316, %dot_general3A_317 {dimension_numbers = #tpu.dot_dimension_numbers<[1], [0], [0], [1], [0, 0, 1, 1], [], []>, transpose_lhs_hint = false} : vector<632x78xf32>, vector<78x32xf32>, vector<632x32xf32> -> vector<632x32xf32>
    %swap3A_319 = arith.constant 24 : index
    %swap3A_320 = arith.constant 0 : index
    %swap3A_321 = arith.constant 0 : index
    %swap3A_322 = vector.load %arg5[%swap3A_319, %swap3A_320, %swap3A_321] : memref<25x632x32xf32, #tpu.memory_space<vmem>>, vector<1x632x32xf32>
    %swap3A_323 = vector.shape_cast %swap3A_322 : vector<1x632x32xf32> to vector<632x32xf32>
    %swap3A_324 = vector.shape_cast %dot_general3A_318 : vector<632x32xf32> to vector<1x632x32xf32>
    tpu.vector_store %arg5[%swap3A_319, %swap3A_320, %swap3A_321], %swap3A_324 {strides = array<i32>} : memref<25x632x32xf32, #tpu.memory_space<vmem>>, vector<1x632x32xf32>,
    %get3A_325 = arith.constant 0 : index
    %get3A_326 = arith.constant 0 : index
    %get3A_327 = vector.load %arg3[%get3A_325, %get3A_326] : memref<78x16xf32, #tpu.memory_space<vmem>>, vector<78x16xf32>
    %dot_general3A_328 = arith.constant dense<0.000000e+00> : vector<632x16xf32>
    %dot_general3A_329 = tpu.matmul %get3A_1, %get3A_327, %dot_general3A_328 {dimension_numbers = #tpu.dot_dimension_numbers<[1], [0], [0], [1], [0, 0, 1, 1], [], []>, transpose_lhs_hint = false} : vector<632x78xf32>, vector<78x16xf32>, vector<632x16xf32> -> vector<632x16xf32>
    %swap3A_330 = arith.constant 0 : index
    %swap3A_331 = arith.constant 0 : index
    %swap3A_332 = vector.load %arg6[%swap3A_330, %swap3A_331] : memref<632x16xf32, #tpu.memory_space<vmem>>, vector<632x16xf32>
    tpu.vector_store %arg6[%swap3A_330, %swap3A_331], %dot_general3A_329 {strides = array<i32>} : memref<632x16xf32, #tpu.memory_space<vmem>>, vector<632x16xf32>,
    %get3A_333 = arith.constant 0 : index
    %get3A_334 = arith.constant 0 : index
    %get3A_335 = vector.load %arg4[%get3A_333, %get3A_334] : memref<78x16xf32, #tpu.memory_space<vmem>>, vector<78x16xf32>
    %dot_general3A_336 = arith.constant dense<0.000000e+00> : vector<632x16xf32>
    %dot_general3A_337 = tpu.matmul %get3A_1, %get3A_335, %dot_general3A_336 {dimension_numbers = #tpu.dot_dimension_numbers<[1], [0], [0], [1], [0, 0, 1, 1], [], []>, transpose_lhs_hint = false} : vector<632x78xf32>, vector<78x16xf32>, vector<632x16xf32> -> vector<632x16xf32>
    %swap3A_338 = arith.constant 0 : index
    %swap3A_339 = arith.constant 0 : index
    %swap3A_340 = vector.load %arg7[%swap3A_338, %swap3A_339] : memref<632x16xf32, #tpu.memory_space<vmem>>, vector<632x16xf32>
    tpu.vector_store %arg7[%swap3A_338, %swap3A_339], %dot_general3A_337 {strides = array<i32>} : memref<632x16xf32, #tpu.memory_space<vmem>>, vector<632x16xf32>,
    return
  }
  func.func @transform_0(%arg0: i32) -> (i32, i32) {
    %c0_i32 = arith.constant 0 : i32
    %c0_i32_0 = arith.constant 0 : i32
    return %arg0, %c0_i32 : i32, i32
  }
  func.func @transform_1(%arg0: i32) -> (i32, i32, i32) {
    %c0_i32 = arith.constant 0 : i32
    %c0_i32_0 = arith.constant 0 : i32
    %c0_i32_1 = arith.constant 0 : i32
    %c0_i32_2 = arith.constant 0 : i32
    return %c0_i32, %c0_i32_0, %c0_i32_1 : i32, i32, i32
  }
  func.func @transform_2(%arg0: i32) -> (i32, i32) {
    %c0_i32 = arith.constant 0 : i32
    %c0_i32_0 = arith.constant 0 : i32
    %c0_i32_1 = arith.constant 0 : i32
    return %c0_i32, %c0_i32_0 : i32, i32
  }
  func.func @transform_3(%arg0: i32) -> (i32, i32) {
    %c0_i32 = arith.constant 0 : i32
    %c0_i32_0 = arith.constant 0 : i32
    %c0_i32_1 = arith.constant 0 : i32
    return %c0_i32, %c0_i32_0 : i32, i32
  }
  func.func @transform_4(%arg0: i32) -> (i32, i32, i32) {
    %c0_i32 = arith.constant 0 : i32
    %c0_i32_0 = arith.constant 0 : i32
    %c0_i32_1 = arith.constant 0 : i32
    return %c0_i32, %arg0, %c0_i32_0 : i32, i32, i32
  }
  func.func @transform_5(%arg0: i32) -> (i32, i32) {
    %c0_i32 = arith.constant 0 : i32
    %c0_i32_0 = arith.constant 0 : i32
    return %arg0, %c0_i32 : i32, i32
  }
  func.func @transform_6(%arg0: i32) -> (i32, i32) {
    %c0_i32 = arith.constant 0 : i32
    %c0_i32_0 = arith.constant 0 : i32
    return %arg0, %c0_i32 : i32, i32
  }
}

module attributes {stable_mosaic.version = 14 : i64} {
  func.func @_k5_body(%arg0: i32, %arg1: memref<25x632x32xf32, #tpu.memory_space<vmem>>, %arg2: memref<632x16xf32, #tpu.memory_space<vmem>>, %arg3: memref<16x800xf32, #tpu.memory_space<vmem>>, %arg4: memref<25x32x832xf32, #tpu.memory_space<vmem>>, %arg5: memref<1x800xf32, #tpu.memory_space<vmem>>, %arg6: memref<13x632x64xf32, #tpu.memory_space<vmem>>, %arg7: memref<632x16xf32, #tpu.memory_space<vmem>>) attributes {dimension_semantics = [#tpu.dimension_semantics<arbitrary>], iteration_bounds = array<i64: 16>, scalar_prefetch = 0 : i64, scratch_operands = 0 : i64, tpu.core_type = #tpu.core_type<tc>, window_params = [{transform_indices = @transform_0, window_bounds = array<i64: 25, 632, 32>}, {transform_indices = @transform_1, window_bounds = array<i64: 632, 16>}, {pipeline_mode = #tpu.pipeline_mode<synchronous>, transform_indices = @transform_2, window_bounds = array<i64: 16, 800>}, {pipeline_mode = #tpu.pipeline_mode<synchronous>, transform_indices = @transform_3, window_bounds = array<i64: 25, 32, 832>}, {pipeline_mode = #tpu.pipeline_mode<synchronous>, transform_indices = @transform_4, window_bounds = array<i64: 1, 800>}, {transform_indices = @transform_5, window_bounds = array<i64: 13, 632, 64>}, {transform_indices = @transform_6, window_bounds = array<i64: 632, 16>}]} {
    %get3A = arith.constant 0 : index
    %get3A_0 = arith.constant 0 : index
    %get3A_1 = vector.load %arg2[%get3A, %get3A_0] : memref<632x16xf32, #tpu.memory_space<vmem>>, vector<632x16xf32>
    %add3A = arith.constant 1.000000e-16 : f32
    %add3A_2 = vector.broadcast %add3A : f32 to vector<632x16xf32>
    %add3A_3 = arith.addf %get3A_1, %add3A_2 : vector<632x16xf32>
    %div3A = arith.constant 1.000000e+00 : f32
    %div3A_4 = vector.broadcast %div3A : f32 to vector<632x16xf32>
    %div3A_5 = arith.divf %div3A_4, %add3A_3 : vector<632x16xf32>
    %slice3A = vector.extract_strided_slice %get3A_1 {offsets = [0, 10], sizes = [632, 1], strides = [1, 1]} : vector<632x16xf32> to vector<632x1xf32>
    %squeeze3A = vector.shape_cast %slice3A : vector<632x1xf32> to vector<632xf32>
    %gt3A = arith.constant 0.000000e+00 : f32
    %gt3A_6 = vector.broadcast %gt3A : f32 to vector<632xf32>
    %gt3A_7 = arith.cmpf ogt, %squeeze3A, %gt3A_6 : vector<632xf32>
    %rsqrt3A = math.rsqrt %squeeze3A : vector<632xf32>
    %jit3A = arith.constant 0.000000e+00 : f32
    %broadcast_in_dim3A = vector.broadcast %jit3A : f32 to vector<632xf32>
    %select_n3A = arith.select %gt3A_7, %rsqrt3A, %broadcast_in_dim3A : vector<632xi1>, vector<632xf32>
    %get3A_8 = arith.constant 0 : index
    %get3A_9 = arith.constant 0 : index
    %get3A_10 = vector.load %arg3[%get3A_8, %get3A_9] : memref<16x800xf32, #tpu.memory_space<vmem>>, vector<16x800xf32>
    %dot_general3A = arith.constant dense<0.000000e+00> : vector<632x800xf32>
    %dot_general3A_11 = tpu.matmul %div3A_5, %get3A_10, %dot_general3A {dimension_numbers = #tpu.dot_dimension_numbers<[1], [0], [0], [1], [0, 0, 1, 1], [], []>, transpose_lhs_hint = false} : vector<632x16xf32>, vector<16x800xf32>, vector<632x800xf32> -> vector<632x800xf32>
    %broadcast_in_dim3A_12 = arith.constant 0.000000e+00 : f32
    %broadcast_in_dim3A_13 = vector.broadcast %broadcast_in_dim3A_12 : f32 to vector<632x832xf32>
    %get3A_14 = arith.constant 0 : index
    %get3A_15 = arith.constant 0 : index
    %get3A_16 = arith.constant 0 : index
    %get3A_17 = vector.load %arg1[%get3A_14, %get3A_15, %get3A_16] : memref<25x632x32xf32, #tpu.memory_space<vmem>>, vector<1x632x32xf32>
    %get3A_18 = vector.shape_cast %get3A_17 : vector<1x632x32xf32> to vector<632x32xf32>
    %slice3A_19 = vector.extract_strided_slice %dot_general3A_11 {offsets = [0, 0], sizes = [632, 32], strides = [1, 1]} : vector<632x800xf32> to vector<632x32xf32>
    %mul3A = arith.mulf %get3A_18, %slice3A_19 : vector<632x32xf32>
    %get3A_20 = arith.constant 0 : index
    %get3A_21 = arith.constant 0 : index
    %get3A_22 = vector.load %arg5[%get3A_20, %get3A_21] : memref<1x800xf32, #tpu.memory_space<vmem>>, vector<1x800xf32>
    %slice3A_23 = vector.extract_strided_slice %get3A_22 {offsets = [0, 0], sizes = [1, 32], strides = [1, 1]} : vector<1x800xf32> to vector<1x32xf32>
    %add3A_24 = vector.broadcast %slice3A_23 : vector<1x32xf32> to vector<632x32xf32>
    %add3A_25 = arith.addf %mul3A, %add3A_24 : vector<632x32xf32>
    %max3A = arith.constant 0.000000e+00 : f32
    %max3A_26 = vector.broadcast %max3A : f32 to vector<632x32xf32>
    %max3A_27 = arith.maximumf %add3A_25, %max3A_26 : vector<632x32xf32>
    %get3A_28 = arith.constant 0 : index
    %get3A_29 = arith.constant 0 : index
    %get3A_30 = arith.constant 0 : index
    %get3A_31 = vector.load %arg4[%get3A_28, %get3A_29, %get3A_30] : memref<25x32x832xf32, #tpu.memory_space<vmem>>, vector<1x32x832xf32>
    %get3A_32 = vector.shape_cast %get3A_31 : vector<1x32x832xf32> to vector<32x832xf32>
    %dot_general3A_33 = arith.constant dense<0.000000e+00> : vector<632x832xf32>
    %dot_general3A_34 = tpu.matmul %max3A_27, %get3A_32, %dot_general3A_33 {dimension_numbers = #tpu.dot_dimension_numbers<[1], [0], [0], [1], [0, 0, 1, 1], [], []>, transpose_lhs_hint = false} : vector<632x32xf32>, vector<32x832xf32>, vector<632x832xf32> -> vector<632x832xf32>
    %add3A_35 = arith.addf %broadcast_in_dim3A_13, %dot_general3A_34 : vector<632x832xf32>
    %get3A_36 = arith.constant 1 : index
    %get3A_37 = arith.constant 0 : index
    %get3A_38 = arith.constant 0 : index
    %get3A_39 = vector.load %arg1[%get3A_36, %get3A_37, %get3A_38] : memref<25x632x32xf32, #tpu.memory_space<vmem>>, vector<1x632x32xf32>
    %get3A_40 = vector.shape_cast %get3A_39 : vector<1x632x32xf32> to vector<632x32xf32>
    %slice3A_41 = vector.extract_strided_slice %dot_general3A_11 {offsets = [0, 32], sizes = [632, 32], strides = [1, 1]} : vector<632x800xf32> to vector<632x32xf32>
    %mul3A_42 = arith.mulf %get3A_40, %slice3A_41 : vector<632x32xf32>
    %get3A_43 = arith.constant 0 : index
    %get3A_44 = arith.constant 0 : index
    %get3A_45 = vector.load %arg5[%get3A_43, %get3A_44] : memref<1x800xf32, #tpu.memory_space<vmem>>, vector<1x800xf32>
    %slice3A_46 = vector.extract_strided_slice %get3A_45 {offsets = [0, 32], sizes = [1, 32], strides = [1, 1]} : vector<1x800xf32> to vector<1x32xf32>
    %add3A_47 = vector.broadcast %slice3A_46 : vector<1x32xf32> to vector<632x32xf32>
    %add3A_48 = arith.addf %mul3A_42, %add3A_47 : vector<632x32xf32>
    %max3A_49 = arith.constant 0.000000e+00 : f32
    %max3A_50 = vector.broadcast %max3A_49 : f32 to vector<632x32xf32>
    %max3A_51 = arith.maximumf %add3A_48, %max3A_50 : vector<632x32xf32>
    %get3A_52 = arith.constant 1 : index
    %get3A_53 = arith.constant 0 : index
    %get3A_54 = arith.constant 0 : index
    %get3A_55 = vector.load %arg4[%get3A_52, %get3A_53, %get3A_54] : memref<25x32x832xf32, #tpu.memory_space<vmem>>, vector<1x32x832xf32>
    %get3A_56 = vector.shape_cast %get3A_55 : vector<1x32x832xf32> to vector<32x832xf32>
    %dot_general3A_57 = arith.constant dense<0.000000e+00> : vector<632x832xf32>
    %dot_general3A_58 = tpu.matmul %max3A_51, %get3A_56, %dot_general3A_57 {dimension_numbers = #tpu.dot_dimension_numbers<[1], [0], [0], [1], [0, 0, 1, 1], [], []>, transpose_lhs_hint = false} : vector<632x32xf32>, vector<32x832xf32>, vector<632x832xf32> -> vector<632x832xf32>
    %add3A_59 = arith.addf %add3A_35, %dot_general3A_58 : vector<632x832xf32>
    %get3A_60 = arith.constant 2 : index
    %get3A_61 = arith.constant 0 : index
    %get3A_62 = arith.constant 0 : index
    %get3A_63 = vector.load %arg1[%get3A_60, %get3A_61, %get3A_62] : memref<25x632x32xf32, #tpu.memory_space<vmem>>, vector<1x632x32xf32>
    %get3A_64 = vector.shape_cast %get3A_63 : vector<1x632x32xf32> to vector<632x32xf32>
    %slice3A_65 = vector.extract_strided_slice %dot_general3A_11 {offsets = [0, 64], sizes = [632, 32], strides = [1, 1]} : vector<632x800xf32> to vector<632x32xf32>
    %mul3A_66 = arith.mulf %get3A_64, %slice3A_65 : vector<632x32xf32>
    %get3A_67 = arith.constant 0 : index
    %get3A_68 = arith.constant 0 : index
    %get3A_69 = vector.load %arg5[%get3A_67, %get3A_68] : memref<1x800xf32, #tpu.memory_space<vmem>>, vector<1x800xf32>
    %slice3A_70 = vector.extract_strided_slice %get3A_69 {offsets = [0, 64], sizes = [1, 32], strides = [1, 1]} : vector<1x800xf32> to vector<1x32xf32>
    %add3A_71 = vector.broadcast %slice3A_70 : vector<1x32xf32> to vector<632x32xf32>
    %add3A_72 = arith.addf %mul3A_66, %add3A_71 : vector<632x32xf32>
    %max3A_73 = arith.constant 0.000000e+00 : f32
    %max3A_74 = vector.broadcast %max3A_73 : f32 to vector<632x32xf32>
    %max3A_75 = arith.maximumf %add3A_72, %max3A_74 : vector<632x32xf32>
    %get3A_76 = arith.constant 2 : index
    %get3A_77 = arith.constant 0 : index
    %get3A_78 = arith.constant 0 : index
    %get3A_79 = vector.load %arg4[%get3A_76, %get3A_77, %get3A_78] : memref<25x32x832xf32, #tpu.memory_space<vmem>>, vector<1x32x832xf32>
    %get3A_80 = vector.shape_cast %get3A_79 : vector<1x32x832xf32> to vector<32x832xf32>
    %dot_general3A_81 = arith.constant dense<0.000000e+00> : vector<632x832xf32>
    %dot_general3A_82 = tpu.matmul %max3A_75, %get3A_80, %dot_general3A_81 {dimension_numbers = #tpu.dot_dimension_numbers<[1], [0], [0], [1], [0, 0, 1, 1], [], []>, transpose_lhs_hint = false} : vector<632x32xf32>, vector<32x832xf32>, vector<632x832xf32> -> vector<632x832xf32>
    %add3A_83 = arith.addf %add3A_59, %dot_general3A_82 : vector<632x832xf32>
    %get3A_84 = arith.constant 3 : index
    %get3A_85 = arith.constant 0 : index
    %get3A_86 = arith.constant 0 : index
    %get3A_87 = vector.load %arg1[%get3A_84, %get3A_85, %get3A_86] : memref<25x632x32xf32, #tpu.memory_space<vmem>>, vector<1x632x32xf32>
    %get3A_88 = vector.shape_cast %get3A_87 : vector<1x632x32xf32> to vector<632x32xf32>
    %slice3A_89 = vector.extract_strided_slice %dot_general3A_11 {offsets = [0, 96], sizes = [632, 32], strides = [1, 1]} : vector<632x800xf32> to vector<632x32xf32>
    %mul3A_90 = arith.mulf %get3A_88, %slice3A_89 : vector<632x32xf32>
    %get3A_91 = arith.constant 0 : index
    %get3A_92 = arith.constant 0 : index
    %get3A_93 = vector.load %arg5[%get3A_91, %get3A_92] : memref<1x800xf32, #tpu.memory_space<vmem>>, vector<1x800xf32>
    %slice3A_94 = vector.extract_strided_slice %get3A_93 {offsets = [0, 96], sizes = [1, 32], strides = [1, 1]} : vector<1x800xf32> to vector<1x32xf32>
    %add3A_95 = vector.broadcast %slice3A_94 : vector<1x32xf32> to vector<632x32xf32>
    %add3A_96 = arith.addf %mul3A_90, %add3A_95 : vector<632x32xf32>
    %max3A_97 = arith.constant 0.000000e+00 : f32
    %max3A_98 = vector.broadcast %max3A_97 : f32 to vector<632x32xf32>
    %max3A_99 = arith.maximumf %add3A_96, %max3A_98 : vector<632x32xf32>
    %get3A_100 = arith.constant 3 : index
    %get3A_101 = arith.constant 0 : index
    %get3A_102 = arith.constant 0 : index
    %get3A_103 = vector.load %arg4[%get3A_100, %get3A_101, %get3A_102] : memref<25x32x832xf32, #tpu.memory_space<vmem>>, vector<1x32x832xf32>
    %get3A_104 = vector.shape_cast %get3A_103 : vector<1x32x832xf32> to vector<32x832xf32>
    %dot_general3A_105 = arith.constant dense<0.000000e+00> : vector<632x832xf32>
    %dot_general3A_106 = tpu.matmul %max3A_99, %get3A_104, %dot_general3A_105 {dimension_numbers = #tpu.dot_dimension_numbers<[1], [0], [0], [1], [0, 0, 1, 1], [], []>, transpose_lhs_hint = false} : vector<632x32xf32>, vector<32x832xf32>, vector<632x832xf32> -> vector<632x832xf32>
    %add3A_107 = arith.addf %add3A_83, %dot_general3A_106 : vector<632x832xf32>
    %get3A_108 = arith.constant 4 : index
    %get3A_109 = arith.constant 0 : index
    %get3A_110 = arith.constant 0 : index
    %get3A_111 = vector.load %arg1[%get3A_108, %get3A_109, %get3A_110] : memref<25x632x32xf32, #tpu.memory_space<vmem>>, vector<1x632x32xf32>
    %get3A_112 = vector.shape_cast %get3A_111 : vector<1x632x32xf32> to vector<632x32xf32>
    %slice3A_113 = vector.extract_strided_slice %dot_general3A_11 {offsets = [0, 128], sizes = [632, 32], strides = [1, 1]} : vector<632x800xf32> to vector<632x32xf32>
    %mul3A_114 = arith.mulf %get3A_112, %slice3A_113 : vector<632x32xf32>
    %get3A_115 = arith.constant 0 : index
    %get3A_116 = arith.constant 0 : index
    %get3A_117 = vector.load %arg5[%get3A_115, %get3A_116] : memref<1x800xf32, #tpu.memory_space<vmem>>, vector<1x800xf32>
    %slice3A_118 = vector.extract_strided_slice %get3A_117 {offsets = [0, 128], sizes = [1, 32], strides = [1, 1]} : vector<1x800xf32> to vector<1x32xf32>
    %add3A_119 = vector.broadcast %slice3A_118 : vector<1x32xf32> to vector<632x32xf32>
    %add3A_120 = arith.addf %mul3A_114, %add3A_119 : vector<632x32xf32>
    %max3A_121 = arith.constant 0.000000e+00 : f32
    %max3A_122 = vector.broadcast %max3A_121 : f32 to vector<632x32xf32>
    %max3A_123 = arith.maximumf %add3A_120, %max3A_122 : vector<632x32xf32>
    %get3A_124 = arith.constant 4 : index
    %get3A_125 = arith.constant 0 : index
    %get3A_126 = arith.constant 0 : index
    %get3A_127 = vector.load %arg4[%get3A_124, %get3A_125, %get3A_126] : memref<25x32x832xf32, #tpu.memory_space<vmem>>, vector<1x32x832xf32>
    %get3A_128 = vector.shape_cast %get3A_127 : vector<1x32x832xf32> to vector<32x832xf32>
    %dot_general3A_129 = arith.constant dense<0.000000e+00> : vector<632x832xf32>
    %dot_general3A_130 = tpu.matmul %max3A_123, %get3A_128, %dot_general3A_129 {dimension_numbers = #tpu.dot_dimension_numbers<[1], [0], [0], [1], [0, 0, 1, 1], [], []>, transpose_lhs_hint = false} : vector<632x32xf32>, vector<32x832xf32>, vector<632x832xf32> -> vector<632x832xf32>
    %add3A_131 = arith.addf %add3A_107, %dot_general3A_130 : vector<632x832xf32>
    %get3A_132 = arith.constant 5 : index
    %get3A_133 = arith.constant 0 : index
    %get3A_134 = arith.constant 0 : index
    %get3A_135 = vector.load %arg1[%get3A_132, %get3A_133, %get3A_134] : memref<25x632x32xf32, #tpu.memory_space<vmem>>, vector<1x632x32xf32>
    %get3A_136 = vector.shape_cast %get3A_135 : vector<1x632x32xf32> to vector<632x32xf32>
    %slice3A_137 = vector.extract_strided_slice %dot_general3A_11 {offsets = [0, 160], sizes = [632, 32], strides = [1, 1]} : vector<632x800xf32> to vector<632x32xf32>
    %mul3A_138 = arith.mulf %get3A_136, %slice3A_137 : vector<632x32xf32>
    %get3A_139 = arith.constant 0 : index
    %get3A_140 = arith.constant 0 : index
    %get3A_141 = vector.load %arg5[%get3A_139, %get3A_140] : memref<1x800xf32, #tpu.memory_space<vmem>>, vector<1x800xf32>
    %slice3A_142 = vector.extract_strided_slice %get3A_141 {offsets = [0, 160], sizes = [1, 32], strides = [1, 1]} : vector<1x800xf32> to vector<1x32xf32>
    %add3A_143 = vector.broadcast %slice3A_142 : vector<1x32xf32> to vector<632x32xf32>
    %add3A_144 = arith.addf %mul3A_138, %add3A_143 : vector<632x32xf32>
    %max3A_145 = arith.constant 0.000000e+00 : f32
    %max3A_146 = vector.broadcast %max3A_145 : f32 to vector<632x32xf32>
    %max3A_147 = arith.maximumf %add3A_144, %max3A_146 : vector<632x32xf32>
    %get3A_148 = arith.constant 5 : index
    %get3A_149 = arith.constant 0 : index
    %get3A_150 = arith.constant 0 : index
    %get3A_151 = vector.load %arg4[%get3A_148, %get3A_149, %get3A_150] : memref<25x32x832xf32, #tpu.memory_space<vmem>>, vector<1x32x832xf32>
    %get3A_152 = vector.shape_cast %get3A_151 : vector<1x32x832xf32> to vector<32x832xf32>
    %dot_general3A_153 = arith.constant dense<0.000000e+00> : vector<632x832xf32>
    %dot_general3A_154 = tpu.matmul %max3A_147, %get3A_152, %dot_general3A_153 {dimension_numbers = #tpu.dot_dimension_numbers<[1], [0], [0], [1], [0, 0, 1, 1], [], []>, transpose_lhs_hint = false} : vector<632x32xf32>, vector<32x832xf32>, vector<632x832xf32> -> vector<632x832xf32>
    %add3A_155 = arith.addf %add3A_131, %dot_general3A_154 : vector<632x832xf32>
    %get3A_156 = arith.constant 6 : index
    %get3A_157 = arith.constant 0 : index
    %get3A_158 = arith.constant 0 : index
    %get3A_159 = vector.load %arg1[%get3A_156, %get3A_157, %get3A_158] : memref<25x632x32xf32, #tpu.memory_space<vmem>>, vector<1x632x32xf32>
    %get3A_160 = vector.shape_cast %get3A_159 : vector<1x632x32xf32> to vector<632x32xf32>
    %slice3A_161 = vector.extract_strided_slice %dot_general3A_11 {offsets = [0, 192], sizes = [632, 32], strides = [1, 1]} : vector<632x800xf32> to vector<632x32xf32>
    %mul3A_162 = arith.mulf %get3A_160, %slice3A_161 : vector<632x32xf32>
    %get3A_163 = arith.constant 0 : index
    %get3A_164 = arith.constant 0 : index
    %get3A_165 = vector.load %arg5[%get3A_163, %get3A_164] : memref<1x800xf32, #tpu.memory_space<vmem>>, vector<1x800xf32>
    %slice3A_166 = vector.extract_strided_slice %get3A_165 {offsets = [0, 192], sizes = [1, 32], strides = [1, 1]} : vector<1x800xf32> to vector<1x32xf32>
    %add3A_167 = vector.broadcast %slice3A_166 : vector<1x32xf32> to vector<632x32xf32>
    %add3A_168 = arith.addf %mul3A_162, %add3A_167 : vector<632x32xf32>
    %max3A_169 = arith.constant 0.000000e+00 : f32
    %max3A_170 = vector.broadcast %max3A_169 : f32 to vector<632x32xf32>
    %max3A_171 = arith.maximumf %add3A_168, %max3A_170 : vector<632x32xf32>
    %get3A_172 = arith.constant 6 : index
    %get3A_173 = arith.constant 0 : index
    %get3A_174 = arith.constant 0 : index
    %get3A_175 = vector.load %arg4[%get3A_172, %get3A_173, %get3A_174] : memref<25x32x832xf32, #tpu.memory_space<vmem>>, vector<1x32x832xf32>
    %get3A_176 = vector.shape_cast %get3A_175 : vector<1x32x832xf32> to vector<32x832xf32>
    %dot_general3A_177 = arith.constant dense<0.000000e+00> : vector<632x832xf32>
    %dot_general3A_178 = tpu.matmul %max3A_171, %get3A_176, %dot_general3A_177 {dimension_numbers = #tpu.dot_dimension_numbers<[1], [0], [0], [1], [0, 0, 1, 1], [], []>, transpose_lhs_hint = false} : vector<632x32xf32>, vector<32x832xf32>, vector<632x832xf32> -> vector<632x832xf32>
    %add3A_179 = arith.addf %add3A_155, %dot_general3A_178 : vector<632x832xf32>
    %get3A_180 = arith.constant 7 : index
    %get3A_181 = arith.constant 0 : index
    %get3A_182 = arith.constant 0 : index
    %get3A_183 = vector.load %arg1[%get3A_180, %get3A_181, %get3A_182] : memref<25x632x32xf32, #tpu.memory_space<vmem>>, vector<1x632x32xf32>
    %get3A_184 = vector.shape_cast %get3A_183 : vector<1x632x32xf32> to vector<632x32xf32>
    %slice3A_185 = vector.extract_strided_slice %dot_general3A_11 {offsets = [0, 224], sizes = [632, 32], strides = [1, 1]} : vector<632x800xf32> to vector<632x32xf32>
    %mul3A_186 = arith.mulf %get3A_184, %slice3A_185 : vector<632x32xf32>
    %get3A_187 = arith.constant 0 : index
    %get3A_188 = arith.constant 0 : index
    %get3A_189 = vector.load %arg5[%get3A_187, %get3A_188] : memref<1x800xf32, #tpu.memory_space<vmem>>, vector<1x800xf32>
    %slice3A_190 = vector.extract_strided_slice %get3A_189 {offsets = [0, 224], sizes = [1, 32], strides = [1, 1]} : vector<1x800xf32> to vector<1x32xf32>
    %add3A_191 = vector.broadcast %slice3A_190 : vector<1x32xf32> to vector<632x32xf32>
    %add3A_192 = arith.addf %mul3A_186, %add3A_191 : vector<632x32xf32>
    %max3A_193 = arith.constant 0.000000e+00 : f32
    %max3A_194 = vector.broadcast %max3A_193 : f32 to vector<632x32xf32>
    %max3A_195 = arith.maximumf %add3A_192, %max3A_194 : vector<632x32xf32>
    %get3A_196 = arith.constant 7 : index
    %get3A_197 = arith.constant 0 : index
    %get3A_198 = arith.constant 0 : index
    %get3A_199 = vector.load %arg4[%get3A_196, %get3A_197, %get3A_198] : memref<25x32x832xf32, #tpu.memory_space<vmem>>, vector<1x32x832xf32>
    %get3A_200 = vector.shape_cast %get3A_199 : vector<1x32x832xf32> to vector<32x832xf32>
    %dot_general3A_201 = arith.constant dense<0.000000e+00> : vector<632x832xf32>
    %dot_general3A_202 = tpu.matmul %max3A_195, %get3A_200, %dot_general3A_201 {dimension_numbers = #tpu.dot_dimension_numbers<[1], [0], [0], [1], [0, 0, 1, 1], [], []>, transpose_lhs_hint = false} : vector<632x32xf32>, vector<32x832xf32>, vector<632x832xf32> -> vector<632x832xf32>
    %add3A_203 = arith.addf %add3A_179, %dot_general3A_202 : vector<632x832xf32>
    %get3A_204 = arith.constant 8 : index
    %get3A_205 = arith.constant 0 : index
    %get3A_206 = arith.constant 0 : index
    %get3A_207 = vector.load %arg1[%get3A_204, %get3A_205, %get3A_206] : memref<25x632x32xf32, #tpu.memory_space<vmem>>, vector<1x632x32xf32>
    %get3A_208 = vector.shape_cast %get3A_207 : vector<1x632x32xf32> to vector<632x32xf32>
    %slice3A_209 = vector.extract_strided_slice %dot_general3A_11 {offsets = [0, 256], sizes = [632, 32], strides = [1, 1]} : vector<632x800xf32> to vector<632x32xf32>
    %mul3A_210 = arith.mulf %get3A_208, %slice3A_209 : vector<632x32xf32>
    %get3A_211 = arith.constant 0 : index
    %get3A_212 = arith.constant 0 : index
    %get3A_213 = vector.load %arg5[%get3A_211, %get3A_212] : memref<1x800xf32, #tpu.memory_space<vmem>>, vector<1x800xf32>
    %slice3A_214 = vector.extract_strided_slice %get3A_213 {offsets = [0, 256], sizes = [1, 32], strides = [1, 1]} : vector<1x800xf32> to vector<1x32xf32>
    %add3A_215 = vector.broadcast %slice3A_214 : vector<1x32xf32> to vector<632x32xf32>
    %add3A_216 = arith.addf %mul3A_210, %add3A_215 : vector<632x32xf32>
    %max3A_217 = arith.constant 0.000000e+00 : f32
    %max3A_218 = vector.broadcast %max3A_217 : f32 to vector<632x32xf32>
    %max3A_219 = arith.maximumf %add3A_216, %max3A_218 : vector<632x32xf32>
    %get3A_220 = arith.constant 8 : index
    %get3A_221 = arith.constant 0 : index
    %get3A_222 = arith.constant 0 : index
    %get3A_223 = vector.load %arg4[%get3A_220, %get3A_221, %get3A_222] : memref<25x32x832xf32, #tpu.memory_space<vmem>>, vector<1x32x832xf32>
    %get3A_224 = vector.shape_cast %get3A_223 : vector<1x32x832xf32> to vector<32x832xf32>
    %dot_general3A_225 = arith.constant dense<0.000000e+00> : vector<632x832xf32>
    %dot_general3A_226 = tpu.matmul %max3A_219, %get3A_224, %dot_general3A_225 {dimension_numbers = #tpu.dot_dimension_numbers<[1], [0], [0], [1], [0, 0, 1, 1], [], []>, transpose_lhs_hint = false} : vector<632x32xf32>, vector<32x832xf32>, vector<632x832xf32> -> vector<632x832xf32>
    %add3A_227 = arith.addf %add3A_203, %dot_general3A_226 : vector<632x832xf32>
    %get3A_228 = arith.constant 9 : index
    %get3A_229 = arith.constant 0 : index
    %get3A_230 = arith.constant 0 : index
    %get3A_231 = vector.load %arg1[%get3A_228, %get3A_229, %get3A_230] : memref<25x632x32xf32, #tpu.memory_space<vmem>>, vector<1x632x32xf32>
    %get3A_232 = vector.shape_cast %get3A_231 : vector<1x632x32xf32> to vector<632x32xf32>
    %slice3A_233 = vector.extract_strided_slice %dot_general3A_11 {offsets = [0, 288], sizes = [632, 32], strides = [1, 1]} : vector<632x800xf32> to vector<632x32xf32>
    %mul3A_234 = arith.mulf %get3A_232, %slice3A_233 : vector<632x32xf32>
    %get3A_235 = arith.constant 0 : index
    %get3A_236 = arith.constant 0 : index
    %get3A_237 = vector.load %arg5[%get3A_235, %get3A_236] : memref<1x800xf32, #tpu.memory_space<vmem>>, vector<1x800xf32>
    %slice3A_238 = vector.extract_strided_slice %get3A_237 {offsets = [0, 288], sizes = [1, 32], strides = [1, 1]} : vector<1x800xf32> to vector<1x32xf32>
    %add3A_239 = vector.broadcast %slice3A_238 : vector<1x32xf32> to vector<632x32xf32>
    %add3A_240 = arith.addf %mul3A_234, %add3A_239 : vector<632x32xf32>
    %max3A_241 = arith.constant 0.000000e+00 : f32
    %max3A_242 = vector.broadcast %max3A_241 : f32 to vector<632x32xf32>
    %max3A_243 = arith.maximumf %add3A_240, %max3A_242 : vector<632x32xf32>
    %get3A_244 = arith.constant 9 : index
    %get3A_245 = arith.constant 0 : index
    %get3A_246 = arith.constant 0 : index
    %get3A_247 = vector.load %arg4[%get3A_244, %get3A_245, %get3A_246] : memref<25x32x832xf32, #tpu.memory_space<vmem>>, vector<1x32x832xf32>
    %get3A_248 = vector.shape_cast %get3A_247 : vector<1x32x832xf32> to vector<32x832xf32>
    %dot_general3A_249 = arith.constant dense<0.000000e+00> : vector<632x832xf32>
    %dot_general3A_250 = tpu.matmul %max3A_243, %get3A_248, %dot_general3A_249 {dimension_numbers = #tpu.dot_dimension_numbers<[1], [0], [0], [1], [0, 0, 1, 1], [], []>, transpose_lhs_hint = false} : vector<632x32xf32>, vector<32x832xf32>, vector<632x832xf32> -> vector<632x832xf32>
    %add3A_251 = arith.addf %add3A_227, %dot_general3A_250 : vector<632x832xf32>
    %get3A_252 = arith.constant 10 : index
    %get3A_253 = arith.constant 0 : index
    %get3A_254 = arith.constant 0 : index
    %get3A_255 = vector.load %arg1[%get3A_252, %get3A_253, %get3A_254] : memref<25x632x32xf32, #tpu.memory_space<vmem>>, vector<1x632x32xf32>
    %get3A_256 = vector.shape_cast %get3A_255 : vector<1x632x32xf32> to vector<632x32xf32>
    %slice3A_257 = vector.extract_strided_slice %dot_general3A_11 {offsets = [0, 320], sizes = [632, 32], strides = [1, 1]} : vector<632x800xf32> to vector<632x32xf32>
    %mul3A_258 = arith.mulf %get3A_256, %slice3A_257 : vector<632x32xf32>
    %get3A_259 = arith.constant 0 : index
    %get3A_260 = arith.constant 0 : index
    %get3A_261 = vector.load %arg5[%get3A_259, %get3A_260] : memref<1x800xf32, #tpu.memory_space<vmem>>, vector<1x800xf32>
    %slice3A_262 = vector.extract_strided_slice %get3A_261 {offsets = [0, 320], sizes = [1, 32], strides = [1, 1]} : vector<1x800xf32> to vector<1x32xf32>
    %add3A_263 = vector.broadcast %slice3A_262 : vector<1x32xf32> to vector<632x32xf32>
    %add3A_264 = arith.addf %mul3A_258, %add3A_263 : vector<632x32xf32>
    %max3A_265 = arith.constant 0.000000e+00 : f32
    %max3A_266 = vector.broadcast %max3A_265 : f32 to vector<632x32xf32>
    %max3A_267 = arith.maximumf %add3A_264, %max3A_266 : vector<632x32xf32>
    %get3A_268 = arith.constant 10 : index
    %get3A_269 = arith.constant 0 : index
    %get3A_270 = arith.constant 0 : index
    %get3A_271 = vector.load %arg4[%get3A_268, %get3A_269, %get3A_270] : memref<25x32x832xf32, #tpu.memory_space<vmem>>, vector<1x32x832xf32>
    %get3A_272 = vector.shape_cast %get3A_271 : vector<1x32x832xf32> to vector<32x832xf32>
    %dot_general3A_273 = arith.constant dense<0.000000e+00> : vector<632x832xf32>
    %dot_general3A_274 = tpu.matmul %max3A_267, %get3A_272, %dot_general3A_273 {dimension_numbers = #tpu.dot_dimension_numbers<[1], [0], [0], [1], [0, 0, 1, 1], [], []>, transpose_lhs_hint = false} : vector<632x32xf32>, vector<32x832xf32>, vector<632x832xf32> -> vector<632x832xf32>
    %add3A_275 = arith.addf %add3A_251, %dot_general3A_274 : vector<632x832xf32>
    %get3A_276 = arith.constant 11 : index
    %get3A_277 = arith.constant 0 : index
    %get3A_278 = arith.constant 0 : index
    %get3A_279 = vector.load %arg1[%get3A_276, %get3A_277, %get3A_278] : memref<25x632x32xf32, #tpu.memory_space<vmem>>, vector<1x632x32xf32>
    %get3A_280 = vector.shape_cast %get3A_279 : vector<1x632x32xf32> to vector<632x32xf32>
    %slice3A_281 = vector.extract_strided_slice %dot_general3A_11 {offsets = [0, 352], sizes = [632, 32], strides = [1, 1]} : vector<632x800xf32> to vector<632x32xf32>
    %mul3A_282 = arith.mulf %get3A_280, %slice3A_281 : vector<632x32xf32>
    %get3A_283 = arith.constant 0 : index
    %get3A_284 = arith.constant 0 : index
    %get3A_285 = vector.load %arg5[%get3A_283, %get3A_284] : memref<1x800xf32, #tpu.memory_space<vmem>>, vector<1x800xf32>
    %slice3A_286 = vector.extract_strided_slice %get3A_285 {offsets = [0, 352], sizes = [1, 32], strides = [1, 1]} : vector<1x800xf32> to vector<1x32xf32>
    %add3A_287 = vector.broadcast %slice3A_286 : vector<1x32xf32> to vector<632x32xf32>
    %add3A_288 = arith.addf %mul3A_282, %add3A_287 : vector<632x32xf32>
    %max3A_289 = arith.constant 0.000000e+00 : f32
    %max3A_290 = vector.broadcast %max3A_289 : f32 to vector<632x32xf32>
    %max3A_291 = arith.maximumf %add3A_288, %max3A_290 : vector<632x32xf32>
    %get3A_292 = arith.constant 11 : index
    %get3A_293 = arith.constant 0 : index
    %get3A_294 = arith.constant 0 : index
    %get3A_295 = vector.load %arg4[%get3A_292, %get3A_293, %get3A_294] : memref<25x32x832xf32, #tpu.memory_space<vmem>>, vector<1x32x832xf32>
    %get3A_296 = vector.shape_cast %get3A_295 : vector<1x32x832xf32> to vector<32x832xf32>
    %dot_general3A_297 = arith.constant dense<0.000000e+00> : vector<632x832xf32>
    %dot_general3A_298 = tpu.matmul %max3A_291, %get3A_296, %dot_general3A_297 {dimension_numbers = #tpu.dot_dimension_numbers<[1], [0], [0], [1], [0, 0, 1, 1], [], []>, transpose_lhs_hint = false} : vector<632x32xf32>, vector<32x832xf32>, vector<632x832xf32> -> vector<632x832xf32>
    %add3A_299 = arith.addf %add3A_275, %dot_general3A_298 : vector<632x832xf32>
    %get3A_300 = arith.constant 12 : index
    %get3A_301 = arith.constant 0 : index
    %get3A_302 = arith.constant 0 : index
    %get3A_303 = vector.load %arg1[%get3A_300, %get3A_301, %get3A_302] : memref<25x632x32xf32, #tpu.memory_space<vmem>>, vector<1x632x32xf32>
    %get3A_304 = vector.shape_cast %get3A_303 : vector<1x632x32xf32> to vector<632x32xf32>
    %slice3A_305 = vector.extract_strided_slice %dot_general3A_11 {offsets = [0, 384], sizes = [632, 32], strides = [1, 1]} : vector<632x800xf32> to vector<632x32xf32>
    %mul3A_306 = arith.mulf %get3A_304, %slice3A_305 : vector<632x32xf32>
    %get3A_307 = arith.constant 0 : index
    %get3A_308 = arith.constant 0 : index
    %get3A_309 = vector.load %arg5[%get3A_307, %get3A_308] : memref<1x800xf32, #tpu.memory_space<vmem>>, vector<1x800xf32>
    %slice3A_310 = vector.extract_strided_slice %get3A_309 {offsets = [0, 384], sizes = [1, 32], strides = [1, 1]} : vector<1x800xf32> to vector<1x32xf32>
    %add3A_311 = vector.broadcast %slice3A_310 : vector<1x32xf32> to vector<632x32xf32>
    %add3A_312 = arith.addf %mul3A_306, %add3A_311 : vector<632x32xf32>
    %max3A_313 = arith.constant 0.000000e+00 : f32
    %max3A_314 = vector.broadcast %max3A_313 : f32 to vector<632x32xf32>
    %max3A_315 = arith.maximumf %add3A_312, %max3A_314 : vector<632x32xf32>
    %get3A_316 = arith.constant 12 : index
    %get3A_317 = arith.constant 0 : index
    %get3A_318 = arith.constant 0 : index
    %get3A_319 = vector.load %arg4[%get3A_316, %get3A_317, %get3A_318] : memref<25x32x832xf32, #tpu.memory_space<vmem>>, vector<1x32x832xf32>
    %get3A_320 = vector.shape_cast %get3A_319 : vector<1x32x832xf32> to vector<32x832xf32>
    %dot_general3A_321 = arith.constant dense<0.000000e+00> : vector<632x832xf32>
    %dot_general3A_322 = tpu.matmul %max3A_315, %get3A_320, %dot_general3A_321 {dimension_numbers = #tpu.dot_dimension_numbers<[1], [0], [0], [1], [0, 0, 1, 1], [], []>, transpose_lhs_hint = false} : vector<632x32xf32>, vector<32x832xf32>, vector<632x832xf32> -> vector<632x832xf32>
    %add3A_323 = arith.addf %add3A_299, %dot_general3A_322 : vector<632x832xf32>
    %get3A_324 = arith.constant 13 : index
    %get3A_325 = arith.constant 0 : index
    %get3A_326 = arith.constant 0 : index
    %get3A_327 = vector.load %arg1[%get3A_324, %get3A_325, %get3A_326] : memref<25x632x32xf32, #tpu.memory_space<vmem>>, vector<1x632x32xf32>
    %get3A_328 = vector.shape_cast %get3A_327 : vector<1x632x32xf32> to vector<632x32xf32>
    %slice3A_329 = vector.extract_strided_slice %dot_general3A_11 {offsets = [0, 416], sizes = [632, 32], strides = [1, 1]} : vector<632x800xf32> to vector<632x32xf32>
    %mul3A_330 = arith.mulf %get3A_328, %slice3A_329 : vector<632x32xf32>
    %get3A_331 = arith.constant 0 : index
    %get3A_332 = arith.constant 0 : index
    %get3A_333 = vector.load %arg5[%get3A_331, %get3A_332] : memref<1x800xf32, #tpu.memory_space<vmem>>, vector<1x800xf32>
    %slice3A_334 = vector.extract_strided_slice %get3A_333 {offsets = [0, 416], sizes = [1, 32], strides = [1, 1]} : vector<1x800xf32> to vector<1x32xf32>
    %add3A_335 = vector.broadcast %slice3A_334 : vector<1x32xf32> to vector<632x32xf32>
    %add3A_336 = arith.addf %mul3A_330, %add3A_335 : vector<632x32xf32>
    %max3A_337 = arith.constant 0.000000e+00 : f32
    %max3A_338 = vector.broadcast %max3A_337 : f32 to vector<632x32xf32>
    %max3A_339 = arith.maximumf %add3A_336, %max3A_338 : vector<632x32xf32>
    %get3A_340 = arith.constant 13 : index
    %get3A_341 = arith.constant 0 : index
    %get3A_342 = arith.constant 0 : index
    %get3A_343 = vector.load %arg4[%get3A_340, %get3A_341, %get3A_342] : memref<25x32x832xf32, #tpu.memory_space<vmem>>, vector<1x32x832xf32>
    %get3A_344 = vector.shape_cast %get3A_343 : vector<1x32x832xf32> to vector<32x832xf32>
    %dot_general3A_345 = arith.constant dense<0.000000e+00> : vector<632x832xf32>
    %dot_general3A_346 = tpu.matmul %max3A_339, %get3A_344, %dot_general3A_345 {dimension_numbers = #tpu.dot_dimension_numbers<[1], [0], [0], [1], [0, 0, 1, 1], [], []>, transpose_lhs_hint = false} : vector<632x32xf32>, vector<32x832xf32>, vector<632x832xf32> -> vector<632x832xf32>
    %add3A_347 = arith.addf %add3A_323, %dot_general3A_346 : vector<632x832xf32>
    %get3A_348 = arith.constant 14 : index
    %get3A_349 = arith.constant 0 : index
    %get3A_350 = arith.constant 0 : index
    %get3A_351 = vector.load %arg1[%get3A_348, %get3A_349, %get3A_350] : memref<25x632x32xf32, #tpu.memory_space<vmem>>, vector<1x632x32xf32>
    %get3A_352 = vector.shape_cast %get3A_351 : vector<1x632x32xf32> to vector<632x32xf32>
    %slice3A_353 = vector.extract_strided_slice %dot_general3A_11 {offsets = [0, 448], sizes = [632, 32], strides = [1, 1]} : vector<632x800xf32> to vector<632x32xf32>
    %mul3A_354 = arith.mulf %get3A_352, %slice3A_353 : vector<632x32xf32>
    %get3A_355 = arith.constant 0 : index
    %get3A_356 = arith.constant 0 : index
    %get3A_357 = vector.load %arg5[%get3A_355, %get3A_356] : memref<1x800xf32, #tpu.memory_space<vmem>>, vector<1x800xf32>
    %slice3A_358 = vector.extract_strided_slice %get3A_357 {offsets = [0, 448], sizes = [1, 32], strides = [1, 1]} : vector<1x800xf32> to vector<1x32xf32>
    %add3A_359 = vector.broadcast %slice3A_358 : vector<1x32xf32> to vector<632x32xf32>
    %add3A_360 = arith.addf %mul3A_354, %add3A_359 : vector<632x32xf32>
    %max3A_361 = arith.constant 0.000000e+00 : f32
    %max3A_362 = vector.broadcast %max3A_361 : f32 to vector<632x32xf32>
    %max3A_363 = arith.maximumf %add3A_360, %max3A_362 : vector<632x32xf32>
    %get3A_364 = arith.constant 14 : index
    %get3A_365 = arith.constant 0 : index
    %get3A_366 = arith.constant 0 : index
    %get3A_367 = vector.load %arg4[%get3A_364, %get3A_365, %get3A_366] : memref<25x32x832xf32, #tpu.memory_space<vmem>>, vector<1x32x832xf32>
    %get3A_368 = vector.shape_cast %get3A_367 : vector<1x32x832xf32> to vector<32x832xf32>
    %dot_general3A_369 = arith.constant dense<0.000000e+00> : vector<632x832xf32>
    %dot_general3A_370 = tpu.matmul %max3A_363, %get3A_368, %dot_general3A_369 {dimension_numbers = #tpu.dot_dimension_numbers<[1], [0], [0], [1], [0, 0, 1, 1], [], []>, transpose_lhs_hint = false} : vector<632x32xf32>, vector<32x832xf32>, vector<632x832xf32> -> vector<632x832xf32>
    %add3A_371 = arith.addf %add3A_347, %dot_general3A_370 : vector<632x832xf32>
    %get3A_372 = arith.constant 15 : index
    %get3A_373 = arith.constant 0 : index
    %get3A_374 = arith.constant 0 : index
    %get3A_375 = vector.load %arg1[%get3A_372, %get3A_373, %get3A_374] : memref<25x632x32xf32, #tpu.memory_space<vmem>>, vector<1x632x32xf32>
    %get3A_376 = vector.shape_cast %get3A_375 : vector<1x632x32xf32> to vector<632x32xf32>
    %slice3A_377 = vector.extract_strided_slice %dot_general3A_11 {offsets = [0, 480], sizes = [632, 32], strides = [1, 1]} : vector<632x800xf32> to vector<632x32xf32>
    %mul3A_378 = arith.mulf %get3A_376, %slice3A_377 : vector<632x32xf32>
    %get3A_379 = arith.constant 0 : index
    %get3A_380 = arith.constant 0 : index
    %get3A_381 = vector.load %arg5[%get3A_379, %get3A_380] : memref<1x800xf32, #tpu.memory_space<vmem>>, vector<1x800xf32>
    %slice3A_382 = vector.extract_strided_slice %get3A_381 {offsets = [0, 480], sizes = [1, 32], strides = [1, 1]} : vector<1x800xf32> to vector<1x32xf32>
    %add3A_383 = vector.broadcast %slice3A_382 : vector<1x32xf32> to vector<632x32xf32>
    %add3A_384 = arith.addf %mul3A_378, %add3A_383 : vector<632x32xf32>
    %max3A_385 = arith.constant 0.000000e+00 : f32
    %max3A_386 = vector.broadcast %max3A_385 : f32 to vector<632x32xf32>
    %max3A_387 = arith.maximumf %add3A_384, %max3A_386 : vector<632x32xf32>
    %get3A_388 = arith.constant 15 : index
    %get3A_389 = arith.constant 0 : index
    %get3A_390 = arith.constant 0 : index
    %get3A_391 = vector.load %arg4[%get3A_388, %get3A_389, %get3A_390] : memref<25x32x832xf32, #tpu.memory_space<vmem>>, vector<1x32x832xf32>
    %get3A_392 = vector.shape_cast %get3A_391 : vector<1x32x832xf32> to vector<32x832xf32>
    %dot_general3A_393 = arith.constant dense<0.000000e+00> : vector<632x832xf32>
    %dot_general3A_394 = tpu.matmul %max3A_387, %get3A_392, %dot_general3A_393 {dimension_numbers = #tpu.dot_dimension_numbers<[1], [0], [0], [1], [0, 0, 1, 1], [], []>, transpose_lhs_hint = false} : vector<632x32xf32>, vector<32x832xf32>, vector<632x832xf32> -> vector<632x832xf32>
    %add3A_395 = arith.addf %add3A_371, %dot_general3A_394 : vector<632x832xf32>
    %get3A_396 = arith.constant 16 : index
    %get3A_397 = arith.constant 0 : index
    %get3A_398 = arith.constant 0 : index
    %get3A_399 = vector.load %arg1[%get3A_396, %get3A_397, %get3A_398] : memref<25x632x32xf32, #tpu.memory_space<vmem>>, vector<1x632x32xf32>
    %get3A_400 = vector.shape_cast %get3A_399 : vector<1x632x32xf32> to vector<632x32xf32>
    %slice3A_401 = vector.extract_strided_slice %dot_general3A_11 {offsets = [0, 512], sizes = [632, 32], strides = [1, 1]} : vector<632x800xf32> to vector<632x32xf32>
    %mul3A_402 = arith.mulf %get3A_400, %slice3A_401 : vector<632x32xf32>
    %get3A_403 = arith.constant 0 : index
    %get3A_404 = arith.constant 0 : index
    %get3A_405 = vector.load %arg5[%get3A_403, %get3A_404] : memref<1x800xf32, #tpu.memory_space<vmem>>, vector<1x800xf32>
    %slice3A_406 = vector.extract_strided_slice %get3A_405 {offsets = [0, 512], sizes = [1, 32], strides = [1, 1]} : vector<1x800xf32> to vector<1x32xf32>
    %add3A_407 = vector.broadcast %slice3A_406 : vector<1x32xf32> to vector<632x32xf32>
    %add3A_408 = arith.addf %mul3A_402, %add3A_407 : vector<632x32xf32>
    %max3A_409 = arith.constant 0.000000e+00 : f32
    %max3A_410 = vector.broadcast %max3A_409 : f32 to vector<632x32xf32>
    %max3A_411 = arith.maximumf %add3A_408, %max3A_410 : vector<632x32xf32>
    %get3A_412 = arith.constant 16 : index
    %get3A_413 = arith.constant 0 : index
    %get3A_414 = arith.constant 0 : index
    %get3A_415 = vector.load %arg4[%get3A_412, %get3A_413, %get3A_414] : memref<25x32x832xf32, #tpu.memory_space<vmem>>, vector<1x32x832xf32>
    %get3A_416 = vector.shape_cast %get3A_415 : vector<1x32x832xf32> to vector<32x832xf32>
    %dot_general3A_417 = arith.constant dense<0.000000e+00> : vector<632x832xf32>
    %dot_general3A_418 = tpu.matmul %max3A_411, %get3A_416, %dot_general3A_417 {dimension_numbers = #tpu.dot_dimension_numbers<[1], [0], [0], [1], [0, 0, 1, 1], [], []>, transpose_lhs_hint = false} : vector<632x32xf32>, vector<32x832xf32>, vector<632x832xf32> -> vector<632x832xf32>
    %add3A_419 = arith.addf %add3A_395, %dot_general3A_418 : vector<632x832xf32>
    %get3A_420 = arith.constant 17 : index
    %get3A_421 = arith.constant 0 : index
    %get3A_422 = arith.constant 0 : index
    %get3A_423 = vector.load %arg1[%get3A_420, %get3A_421, %get3A_422] : memref<25x632x32xf32, #tpu.memory_space<vmem>>, vector<1x632x32xf32>
    %get3A_424 = vector.shape_cast %get3A_423 : vector<1x632x32xf32> to vector<632x32xf32>
    %slice3A_425 = vector.extract_strided_slice %dot_general3A_11 {offsets = [0, 544], sizes = [632, 32], strides = [1, 1]} : vector<632x800xf32> to vector<632x32xf32>
    %mul3A_426 = arith.mulf %get3A_424, %slice3A_425 : vector<632x32xf32>
    %get3A_427 = arith.constant 0 : index
    %get3A_428 = arith.constant 0 : index
    %get3A_429 = vector.load %arg5[%get3A_427, %get3A_428] : memref<1x800xf32, #tpu.memory_space<vmem>>, vector<1x800xf32>
    %slice3A_430 = vector.extract_strided_slice %get3A_429 {offsets = [0, 544], sizes = [1, 32], strides = [1, 1]} : vector<1x800xf32> to vector<1x32xf32>
    %add3A_431 = vector.broadcast %slice3A_430 : vector<1x32xf32> to vector<632x32xf32>
    %add3A_432 = arith.addf %mul3A_426, %add3A_431 : vector<632x32xf32>
    %max3A_433 = arith.constant 0.000000e+00 : f32
    %max3A_434 = vector.broadcast %max3A_433 : f32 to vector<632x32xf32>
    %max3A_435 = arith.maximumf %add3A_432, %max3A_434 : vector<632x32xf32>
    %get3A_436 = arith.constant 17 : index
    %get3A_437 = arith.constant 0 : index
    %get3A_438 = arith.constant 0 : index
    %get3A_439 = vector.load %arg4[%get3A_436, %get3A_437, %get3A_438] : memref<25x32x832xf32, #tpu.memory_space<vmem>>, vector<1x32x832xf32>
    %get3A_440 = vector.shape_cast %get3A_439 : vector<1x32x832xf32> to vector<32x832xf32>
    %dot_general3A_441 = arith.constant dense<0.000000e+00> : vector<632x832xf32>
    %dot_general3A_442 = tpu.matmul %max3A_435, %get3A_440, %dot_general3A_441 {dimension_numbers = #tpu.dot_dimension_numbers<[1], [0], [0], [1], [0, 0, 1, 1], [], []>, transpose_lhs_hint = false} : vector<632x32xf32>, vector<32x832xf32>, vector<632x832xf32> -> vector<632x832xf32>
    %add3A_443 = arith.addf %add3A_419, %dot_general3A_442 : vector<632x832xf32>
    %get3A_444 = arith.constant 18 : index
    %get3A_445 = arith.constant 0 : index
    %get3A_446 = arith.constant 0 : index
    %get3A_447 = vector.load %arg1[%get3A_444, %get3A_445, %get3A_446] : memref<25x632x32xf32, #tpu.memory_space<vmem>>, vector<1x632x32xf32>
    %get3A_448 = vector.shape_cast %get3A_447 : vector<1x632x32xf32> to vector<632x32xf32>
    %slice3A_449 = vector.extract_strided_slice %dot_general3A_11 {offsets = [0, 576], sizes = [632, 32], strides = [1, 1]} : vector<632x800xf32> to vector<632x32xf32>
    %mul3A_450 = arith.mulf %get3A_448, %slice3A_449 : vector<632x32xf32>
    %get3A_451 = arith.constant 0 : index
    %get3A_452 = arith.constant 0 : index
    %get3A_453 = vector.load %arg5[%get3A_451, %get3A_452] : memref<1x800xf32, #tpu.memory_space<vmem>>, vector<1x800xf32>
    %slice3A_454 = vector.extract_strided_slice %get3A_453 {offsets = [0, 576], sizes = [1, 32], strides = [1, 1]} : vector<1x800xf32> to vector<1x32xf32>
    %add3A_455 = vector.broadcast %slice3A_454 : vector<1x32xf32> to vector<632x32xf32>
    %add3A_456 = arith.addf %mul3A_450, %add3A_455 : vector<632x32xf32>
    %max3A_457 = arith.constant 0.000000e+00 : f32
    %max3A_458 = vector.broadcast %max3A_457 : f32 to vector<632x32xf32>
    %max3A_459 = arith.maximumf %add3A_456, %max3A_458 : vector<632x32xf32>
    %get3A_460 = arith.constant 18 : index
    %get3A_461 = arith.constant 0 : index
    %get3A_462 = arith.constant 0 : index
    %get3A_463 = vector.load %arg4[%get3A_460, %get3A_461, %get3A_462] : memref<25x32x832xf32, #tpu.memory_space<vmem>>, vector<1x32x832xf32>
    %get3A_464 = vector.shape_cast %get3A_463 : vector<1x32x832xf32> to vector<32x832xf32>
    %dot_general3A_465 = arith.constant dense<0.000000e+00> : vector<632x832xf32>
    %dot_general3A_466 = tpu.matmul %max3A_459, %get3A_464, %dot_general3A_465 {dimension_numbers = #tpu.dot_dimension_numbers<[1], [0], [0], [1], [0, 0, 1, 1], [], []>, transpose_lhs_hint = false} : vector<632x32xf32>, vector<32x832xf32>, vector<632x832xf32> -> vector<632x832xf32>
    %add3A_467 = arith.addf %add3A_443, %dot_general3A_466 : vector<632x832xf32>
    %get3A_468 = arith.constant 19 : index
    %get3A_469 = arith.constant 0 : index
    %get3A_470 = arith.constant 0 : index
    %get3A_471 = vector.load %arg1[%get3A_468, %get3A_469, %get3A_470] : memref<25x632x32xf32, #tpu.memory_space<vmem>>, vector<1x632x32xf32>
    %get3A_472 = vector.shape_cast %get3A_471 : vector<1x632x32xf32> to vector<632x32xf32>
    %slice3A_473 = vector.extract_strided_slice %dot_general3A_11 {offsets = [0, 608], sizes = [632, 32], strides = [1, 1]} : vector<632x800xf32> to vector<632x32xf32>
    %mul3A_474 = arith.mulf %get3A_472, %slice3A_473 : vector<632x32xf32>
    %get3A_475 = arith.constant 0 : index
    %get3A_476 = arith.constant 0 : index
    %get3A_477 = vector.load %arg5[%get3A_475, %get3A_476] : memref<1x800xf32, #tpu.memory_space<vmem>>, vector<1x800xf32>
    %slice3A_478 = vector.extract_strided_slice %get3A_477 {offsets = [0, 608], sizes = [1, 32], strides = [1, 1]} : vector<1x800xf32> to vector<1x32xf32>
    %add3A_479 = vector.broadcast %slice3A_478 : vector<1x32xf32> to vector<632x32xf32>
    %add3A_480 = arith.addf %mul3A_474, %add3A_479 : vector<632x32xf32>
    %max3A_481 = arith.constant 0.000000e+00 : f32
    %max3A_482 = vector.broadcast %max3A_481 : f32 to vector<632x32xf32>
    %max3A_483 = arith.maximumf %add3A_480, %max3A_482 : vector<632x32xf32>
    %get3A_484 = arith.constant 19 : index
    %get3A_485 = arith.constant 0 : index
    %get3A_486 = arith.constant 0 : index
    %get3A_487 = vector.load %arg4[%get3A_484, %get3A_485, %get3A_486] : memref<25x32x832xf32, #tpu.memory_space<vmem>>, vector<1x32x832xf32>
    %get3A_488 = vector.shape_cast %get3A_487 : vector<1x32x832xf32> to vector<32x832xf32>
    %dot_general3A_489 = arith.constant dense<0.000000e+00> : vector<632x832xf32>
    %dot_general3A_490 = tpu.matmul %max3A_483, %get3A_488, %dot_general3A_489 {dimension_numbers = #tpu.dot_dimension_numbers<[1], [0], [0], [1], [0, 0, 1, 1], [], []>, transpose_lhs_hint = false} : vector<632x32xf32>, vector<32x832xf32>, vector<632x832xf32> -> vector<632x832xf32>
    %add3A_491 = arith.addf %add3A_467, %dot_general3A_490 : vector<632x832xf32>
    %get3A_492 = arith.constant 20 : index
    %get3A_493 = arith.constant 0 : index
    %get3A_494 = arith.constant 0 : index
    %get3A_495 = vector.load %arg1[%get3A_492, %get3A_493, %get3A_494] : memref<25x632x32xf32, #tpu.memory_space<vmem>>, vector<1x632x32xf32>
    %get3A_496 = vector.shape_cast %get3A_495 : vector<1x632x32xf32> to vector<632x32xf32>
    %slice3A_497 = vector.extract_strided_slice %dot_general3A_11 {offsets = [0, 640], sizes = [632, 32], strides = [1, 1]} : vector<632x800xf32> to vector<632x32xf32>
    %mul3A_498 = arith.mulf %get3A_496, %slice3A_497 : vector<632x32xf32>
    %get3A_499 = arith.constant 0 : index
    %get3A_500 = arith.constant 0 : index
    %get3A_501 = vector.load %arg5[%get3A_499, %get3A_500] : memref<1x800xf32, #tpu.memory_space<vmem>>, vector<1x800xf32>
    %slice3A_502 = vector.extract_strided_slice %get3A_501 {offsets = [0, 640], sizes = [1, 32], strides = [1, 1]} : vector<1x800xf32> to vector<1x32xf32>
    %add3A_503 = vector.broadcast %slice3A_502 : vector<1x32xf32> to vector<632x32xf32>
    %add3A_504 = arith.addf %mul3A_498, %add3A_503 : vector<632x32xf32>
    %max3A_505 = arith.constant 0.000000e+00 : f32
    %max3A_506 = vector.broadcast %max3A_505 : f32 to vector<632x32xf32>
    %max3A_507 = arith.maximumf %add3A_504, %max3A_506 : vector<632x32xf32>
    %get3A_508 = arith.constant 20 : index
    %get3A_509 = arith.constant 0 : index
    %get3A_510 = arith.constant 0 : index
    %get3A_511 = vector.load %arg4[%get3A_508, %get3A_509, %get3A_510] : memref<25x32x832xf32, #tpu.memory_space<vmem>>, vector<1x32x832xf32>
    %get3A_512 = vector.shape_cast %get3A_511 : vector<1x32x832xf32> to vector<32x832xf32>
    %dot_general3A_513 = arith.constant dense<0.000000e+00> : vector<632x832xf32>
    %dot_general3A_514 = tpu.matmul %max3A_507, %get3A_512, %dot_general3A_513 {dimension_numbers = #tpu.dot_dimension_numbers<[1], [0], [0], [1], [0, 0, 1, 1], [], []>, transpose_lhs_hint = false} : vector<632x32xf32>, vector<32x832xf32>, vector<632x832xf32> -> vector<632x832xf32>
    %add3A_515 = arith.addf %add3A_491, %dot_general3A_514 : vector<632x832xf32>
    %get3A_516 = arith.constant 21 : index
    %get3A_517 = arith.constant 0 : index
    %get3A_518 = arith.constant 0 : index
    %get3A_519 = vector.load %arg1[%get3A_516, %get3A_517, %get3A_518] : memref<25x632x32xf32, #tpu.memory_space<vmem>>, vector<1x632x32xf32>
    %get3A_520 = vector.shape_cast %get3A_519 : vector<1x632x32xf32> to vector<632x32xf32>
    %slice3A_521 = vector.extract_strided_slice %dot_general3A_11 {offsets = [0, 672], sizes = [632, 32], strides = [1, 1]} : vector<632x800xf32> to vector<632x32xf32>
    %mul3A_522 = arith.mulf %get3A_520, %slice3A_521 : vector<632x32xf32>
    %get3A_523 = arith.constant 0 : index
    %get3A_524 = arith.constant 0 : index
    %get3A_525 = vector.load %arg5[%get3A_523, %get3A_524] : memref<1x800xf32, #tpu.memory_space<vmem>>, vector<1x800xf32>
    %slice3A_526 = vector.extract_strided_slice %get3A_525 {offsets = [0, 672], sizes = [1, 32], strides = [1, 1]} : vector<1x800xf32> to vector<1x32xf32>
    %add3A_527 = vector.broadcast %slice3A_526 : vector<1x32xf32> to vector<632x32xf32>
    %add3A_528 = arith.addf %mul3A_522, %add3A_527 : vector<632x32xf32>
    %max3A_529 = arith.constant 0.000000e+00 : f32
    %max3A_530 = vector.broadcast %max3A_529 : f32 to vector<632x32xf32>
    %max3A_531 = arith.maximumf %add3A_528, %max3A_530 : vector<632x32xf32>
    %get3A_532 = arith.constant 21 : index
    %get3A_533 = arith.constant 0 : index
    %get3A_534 = arith.constant 0 : index
    %get3A_535 = vector.load %arg4[%get3A_532, %get3A_533, %get3A_534] : memref<25x32x832xf32, #tpu.memory_space<vmem>>, vector<1x32x832xf32>
    %get3A_536 = vector.shape_cast %get3A_535 : vector<1x32x832xf32> to vector<32x832xf32>
    %dot_general3A_537 = arith.constant dense<0.000000e+00> : vector<632x832xf32>
    %dot_general3A_538 = tpu.matmul %max3A_531, %get3A_536, %dot_general3A_537 {dimension_numbers = #tpu.dot_dimension_numbers<[1], [0], [0], [1], [0, 0, 1, 1], [], []>, transpose_lhs_hint = false} : vector<632x32xf32>, vector<32x832xf32>, vector<632x832xf32> -> vector<632x832xf32>
    %add3A_539 = arith.addf %add3A_515, %dot_general3A_538 : vector<632x832xf32>
    %get3A_540 = arith.constant 22 : index
    %get3A_541 = arith.constant 0 : index
    %get3A_542 = arith.constant 0 : index
    %get3A_543 = vector.load %arg1[%get3A_540, %get3A_541, %get3A_542] : memref<25x632x32xf32, #tpu.memory_space<vmem>>, vector<1x632x32xf32>
    %get3A_544 = vector.shape_cast %get3A_543 : vector<1x632x32xf32> to vector<632x32xf32>
    %slice3A_545 = vector.extract_strided_slice %dot_general3A_11 {offsets = [0, 704], sizes = [632, 32], strides = [1, 1]} : vector<632x800xf32> to vector<632x32xf32>
    %mul3A_546 = arith.mulf %get3A_544, %slice3A_545 : vector<632x32xf32>
    %get3A_547 = arith.constant 0 : index
    %get3A_548 = arith.constant 0 : index
    %get3A_549 = vector.load %arg5[%get3A_547, %get3A_548] : memref<1x800xf32, #tpu.memory_space<vmem>>, vector<1x800xf32>
    %slice3A_550 = vector.extract_strided_slice %get3A_549 {offsets = [0, 704], sizes = [1, 32], strides = [1, 1]} : vector<1x800xf32> to vector<1x32xf32>
    %add3A_551 = vector.broadcast %slice3A_550 : vector<1x32xf32> to vector<632x32xf32>
    %add3A_552 = arith.addf %mul3A_546, %add3A_551 : vector<632x32xf32>
    %max3A_553 = arith.constant 0.000000e+00 : f32
    %max3A_554 = vector.broadcast %max3A_553 : f32 to vector<632x32xf32>
    %max3A_555 = arith.maximumf %add3A_552, %max3A_554 : vector<632x32xf32>
    %get3A_556 = arith.constant 22 : index
    %get3A_557 = arith.constant 0 : index
    %get3A_558 = arith.constant 0 : index
    %get3A_559 = vector.load %arg4[%get3A_556, %get3A_557, %get3A_558] : memref<25x32x832xf32, #tpu.memory_space<vmem>>, vector<1x32x832xf32>
    %get3A_560 = vector.shape_cast %get3A_559 : vector<1x32x832xf32> to vector<32x832xf32>
    %dot_general3A_561 = arith.constant dense<0.000000e+00> : vector<632x832xf32>
    %dot_general3A_562 = tpu.matmul %max3A_555, %get3A_560, %dot_general3A_561 {dimension_numbers = #tpu.dot_dimension_numbers<[1], [0], [0], [1], [0, 0, 1, 1], [], []>, transpose_lhs_hint = false} : vector<632x32xf32>, vector<32x832xf32>, vector<632x832xf32> -> vector<632x832xf32>
    %add3A_563 = arith.addf %add3A_539, %dot_general3A_562 : vector<632x832xf32>
    %get3A_564 = arith.constant 23 : index
    %get3A_565 = arith.constant 0 : index
    %get3A_566 = arith.constant 0 : index
    %get3A_567 = vector.load %arg1[%get3A_564, %get3A_565, %get3A_566] : memref<25x632x32xf32, #tpu.memory_space<vmem>>, vector<1x632x32xf32>
    %get3A_568 = vector.shape_cast %get3A_567 : vector<1x632x32xf32> to vector<632x32xf32>
    %slice3A_569 = vector.extract_strided_slice %dot_general3A_11 {offsets = [0, 736], sizes = [632, 32], strides = [1, 1]} : vector<632x800xf32> to vector<632x32xf32>
    %mul3A_570 = arith.mulf %get3A_568, %slice3A_569 : vector<632x32xf32>
    %get3A_571 = arith.constant 0 : index
    %get3A_572 = arith.constant 0 : index
    %get3A_573 = vector.load %arg5[%get3A_571, %get3A_572] : memref<1x800xf32, #tpu.memory_space<vmem>>, vector<1x800xf32>
    %slice3A_574 = vector.extract_strided_slice %get3A_573 {offsets = [0, 736], sizes = [1, 32], strides = [1, 1]} : vector<1x800xf32> to vector<1x32xf32>
    %add3A_575 = vector.broadcast %slice3A_574 : vector<1x32xf32> to vector<632x32xf32>
    %add3A_576 = arith.addf %mul3A_570, %add3A_575 : vector<632x32xf32>
    %max3A_577 = arith.constant 0.000000e+00 : f32
    %max3A_578 = vector.broadcast %max3A_577 : f32 to vector<632x32xf32>
    %max3A_579 = arith.maximumf %add3A_576, %max3A_578 : vector<632x32xf32>
    %get3A_580 = arith.constant 23 : index
    %get3A_581 = arith.constant 0 : index
    %get3A_582 = arith.constant 0 : index
    %get3A_583 = vector.load %arg4[%get3A_580, %get3A_581, %get3A_582] : memref<25x32x832xf32, #tpu.memory_space<vmem>>, vector<1x32x832xf32>
    %get3A_584 = vector.shape_cast %get3A_583 : vector<1x32x832xf32> to vector<32x832xf32>
    %dot_general3A_585 = arith.constant dense<0.000000e+00> : vector<632x832xf32>
    %dot_general3A_586 = tpu.matmul %max3A_579, %get3A_584, %dot_general3A_585 {dimension_numbers = #tpu.dot_dimension_numbers<[1], [0], [0], [1], [0, 0, 1, 1], [], []>, transpose_lhs_hint = false} : vector<632x32xf32>, vector<32x832xf32>, vector<632x832xf32> -> vector<632x832xf32>
    %add3A_587 = arith.addf %add3A_563, %dot_general3A_586 : vector<632x832xf32>
    %get3A_588 = arith.constant 24 : index
    %get3A_589 = arith.constant 0 : index
    %get3A_590 = arith.constant 0 : index
    %get3A_591 = vector.load %arg1[%get3A_588, %get3A_589, %get3A_590] : memref<25x632x32xf32, #tpu.memory_space<vmem>>, vector<1x632x32xf32>
    %get3A_592 = vector.shape_cast %get3A_591 : vector<1x632x32xf32> to vector<632x32xf32>
    %slice3A_593 = vector.extract_strided_slice %dot_general3A_11 {offsets = [0, 768], sizes = [632, 32], strides = [1, 1]} : vector<632x800xf32> to vector<632x32xf32>
    %mul3A_594 = arith.mulf %get3A_592, %slice3A_593 : vector<632x32xf32>
    %get3A_595 = arith.constant 0 : index
    %get3A_596 = arith.constant 0 : index
    %get3A_597 = vector.load %arg5[%get3A_595, %get3A_596] : memref<1x800xf32, #tpu.memory_space<vmem>>, vector<1x800xf32>
    %slice3A_598 = vector.extract_strided_slice %get3A_597 {offsets = [0, 768], sizes = [1, 32], strides = [1, 1]} : vector<1x800xf32> to vector<1x32xf32>
    %add3A_599 = vector.broadcast %slice3A_598 : vector<1x32xf32> to vector<632x32xf32>
    %add3A_600 = arith.addf %mul3A_594, %add3A_599 : vector<632x32xf32>
    %max3A_601 = arith.constant 0.000000e+00 : f32
    %max3A_602 = vector.broadcast %max3A_601 : f32 to vector<632x32xf32>
    %max3A_603 = arith.maximumf %add3A_600, %max3A_602 : vector<632x32xf32>
    %get3A_604 = arith.constant 24 : index
    %get3A_605 = arith.constant 0 : index
    %get3A_606 = arith.constant 0 : index
    %get3A_607 = vector.load %arg4[%get3A_604, %get3A_605, %get3A_606] : memref<25x32x832xf32, #tpu.memory_space<vmem>>, vector<1x32x832xf32>
    %get3A_608 = vector.shape_cast %get3A_607 : vector<1x32x832xf32> to vector<32x832xf32>
    %dot_general3A_609 = arith.constant dense<0.000000e+00> : vector<632x832xf32>
    %dot_general3A_610 = tpu.matmul %max3A_603, %get3A_608, %dot_general3A_609 {dimension_numbers = #tpu.dot_dimension_numbers<[1], [0], [0], [1], [0, 0, 1, 1], [], []>, transpose_lhs_hint = false} : vector<632x32xf32>, vector<32x832xf32>, vector<632x832xf32> -> vector<632x832xf32>
    %add3A_611 = arith.addf %add3A_587, %dot_general3A_610 : vector<632x832xf32>
    %broadcast_in_dim3A_612 = vector.shape_cast %select_n3A : vector<632xf32> to vector<632x1xf32>
    %mul3A_613 = vector.broadcast %broadcast_in_dim3A_612 : vector<632x1xf32> to vector<632x832xf32>
    %mul3A_614 = arith.mulf %add3A_611, %mul3A_613 : vector<632x832xf32>
    %slice3A_615 = vector.extract_strided_slice %mul3A_614 {offsets = [0, 0], sizes = [632, 64], strides = [1, 1]} : vector<632x832xf32> to vector<632x64xf32>
    %swap3A = arith.constant 0 : index
    %swap3A_616 = arith.constant 0 : index
    %swap3A_617 = arith.constant 0 : index
    %swap3A_618 = vector.load %arg6[%swap3A, %swap3A_616, %swap3A_617] : memref<13x632x64xf32, #tpu.memory_space<vmem>>, vector<1x632x64xf32>
    %swap3A_619 = vector.shape_cast %swap3A_618 : vector<1x632x64xf32> to vector<632x64xf32>
    %swap3A_620 = vector.shape_cast %slice3A_615 : vector<632x64xf32> to vector<1x632x64xf32>
    tpu.vector_store %arg6[%swap3A, %swap3A_616, %swap3A_617], %swap3A_620 {strides = array<i32>} : memref<13x632x64xf32, #tpu.memory_space<vmem>>, vector<1x632x64xf32>,
    %slice3A_621 = vector.extract_strided_slice %mul3A_614 {offsets = [0, 64], sizes = [632, 64], strides = [1, 1]} : vector<632x832xf32> to vector<632x64xf32>
    %swap3A_622 = arith.constant 1 : index
    %swap3A_623 = arith.constant 0 : index
    %swap3A_624 = arith.constant 0 : index
    %swap3A_625 = vector.load %arg6[%swap3A_622, %swap3A_623, %swap3A_624] : memref<13x632x64xf32, #tpu.memory_space<vmem>>, vector<1x632x64xf32>
    %swap3A_626 = vector.shape_cast %swap3A_625 : vector<1x632x64xf32> to vector<632x64xf32>
    %swap3A_627 = vector.shape_cast %slice3A_621 : vector<632x64xf32> to vector<1x632x64xf32>
    tpu.vector_store %arg6[%swap3A_622, %swap3A_623, %swap3A_624], %swap3A_627 {strides = array<i32>} : memref<13x632x64xf32, #tpu.memory_space<vmem>>, vector<1x632x64xf32>,
    %slice3A_628 = vector.extract_strided_slice %mul3A_614 {offsets = [0, 128], sizes = [632, 64], strides = [1, 1]} : vector<632x832xf32> to vector<632x64xf32>
    %swap3A_629 = arith.constant 2 : index
    %swap3A_630 = arith.constant 0 : index
    %swap3A_631 = arith.constant 0 : index
    %swap3A_632 = vector.load %arg6[%swap3A_629, %swap3A_630, %swap3A_631] : memref<13x632x64xf32, #tpu.memory_space<vmem>>, vector<1x632x64xf32>
    %swap3A_633 = vector.shape_cast %swap3A_632 : vector<1x632x64xf32> to vector<632x64xf32>
    %swap3A_634 = vector.shape_cast %slice3A_628 : vector<632x64xf32> to vector<1x632x64xf32>
    tpu.vector_store %arg6[%swap3A_629, %swap3A_630, %swap3A_631], %swap3A_634 {strides = array<i32>} : memref<13x632x64xf32, #tpu.memory_space<vmem>>, vector<1x632x64xf32>,
    %slice3A_635 = vector.extract_strided_slice %mul3A_614 {offsets = [0, 192], sizes = [632, 64], strides = [1, 1]} : vector<632x832xf32> to vector<632x64xf32>
    %swap3A_636 = arith.constant 3 : index
    %swap3A_637 = arith.constant 0 : index
    %swap3A_638 = arith.constant 0 : index
    %swap3A_639 = vector.load %arg6[%swap3A_636, %swap3A_637, %swap3A_638] : memref<13x632x64xf32, #tpu.memory_space<vmem>>, vector<1x632x64xf32>
    %swap3A_640 = vector.shape_cast %swap3A_639 : vector<1x632x64xf32> to vector<632x64xf32>
    %swap3A_641 = vector.shape_cast %slice3A_635 : vector<632x64xf32> to vector<1x632x64xf32>
    tpu.vector_store %arg6[%swap3A_636, %swap3A_637, %swap3A_638], %swap3A_641 {strides = array<i32>} : memref<13x632x64xf32, #tpu.memory_space<vmem>>, vector<1x632x64xf32>,
    %slice3A_642 = vector.extract_strided_slice %mul3A_614 {offsets = [0, 256], sizes = [632, 64], strides = [1, 1]} : vector<632x832xf32> to vector<632x64xf32>
    %swap3A_643 = arith.constant 4 : index
    %swap3A_644 = arith.constant 0 : index
    %swap3A_645 = arith.constant 0 : index
    %swap3A_646 = vector.load %arg6[%swap3A_643, %swap3A_644, %swap3A_645] : memref<13x632x64xf32, #tpu.memory_space<vmem>>, vector<1x632x64xf32>
    %swap3A_647 = vector.shape_cast %swap3A_646 : vector<1x632x64xf32> to vector<632x64xf32>
    %swap3A_648 = vector.shape_cast %slice3A_642 : vector<632x64xf32> to vector<1x632x64xf32>
    tpu.vector_store %arg6[%swap3A_643, %swap3A_644, %swap3A_645], %swap3A_648 {strides = array<i32>} : memref<13x632x64xf32, #tpu.memory_space<vmem>>, vector<1x632x64xf32>,
    %slice3A_649 = vector.extract_strided_slice %mul3A_614 {offsets = [0, 320], sizes = [632, 64], strides = [1, 1]} : vector<632x832xf32> to vector<632x64xf32>
    %swap3A_650 = arith.constant 5 : index
    %swap3A_651 = arith.constant 0 : index
    %swap3A_652 = arith.constant 0 : index
    %swap3A_653 = vector.load %arg6[%swap3A_650, %swap3A_651, %swap3A_652] : memref<13x632x64xf32, #tpu.memory_space<vmem>>, vector<1x632x64xf32>
    %swap3A_654 = vector.shape_cast %swap3A_653 : vector<1x632x64xf32> to vector<632x64xf32>
    %swap3A_655 = vector.shape_cast %slice3A_649 : vector<632x64xf32> to vector<1x632x64xf32>
    tpu.vector_store %arg6[%swap3A_650, %swap3A_651, %swap3A_652], %swap3A_655 {strides = array<i32>} : memref<13x632x64xf32, #tpu.memory_space<vmem>>, vector<1x632x64xf32>,
    %slice3A_656 = vector.extract_strided_slice %mul3A_614 {offsets = [0, 384], sizes = [632, 64], strides = [1, 1]} : vector<632x832xf32> to vector<632x64xf32>
    %swap3A_657 = arith.constant 6 : index
    %swap3A_658 = arith.constant 0 : index
    %swap3A_659 = arith.constant 0 : index
    %swap3A_660 = vector.load %arg6[%swap3A_657, %swap3A_658, %swap3A_659] : memref<13x632x64xf32, #tpu.memory_space<vmem>>, vector<1x632x64xf32>
    %swap3A_661 = vector.shape_cast %swap3A_660 : vector<1x632x64xf32> to vector<632x64xf32>
    %swap3A_662 = vector.shape_cast %slice3A_656 : vector<632x64xf32> to vector<1x632x64xf32>
    tpu.vector_store %arg6[%swap3A_657, %swap3A_658, %swap3A_659], %swap3A_662 {strides = array<i32>} : memref<13x632x64xf32, #tpu.memory_space<vmem>>, vector<1x632x64xf32>,
    %slice3A_663 = vector.extract_strided_slice %mul3A_614 {offsets = [0, 448], sizes = [632, 64], strides = [1, 1]} : vector<632x832xf32> to vector<632x64xf32>
    %swap3A_664 = arith.constant 7 : index
    %swap3A_665 = arith.constant 0 : index
    %swap3A_666 = arith.constant 0 : index
    %swap3A_667 = vector.load %arg6[%swap3A_664, %swap3A_665, %swap3A_666] : memref<13x632x64xf32, #tpu.memory_space<vmem>>, vector<1x632x64xf32>
    %swap3A_668 = vector.shape_cast %swap3A_667 : vector<1x632x64xf32> to vector<632x64xf32>
    %swap3A_669 = vector.shape_cast %slice3A_663 : vector<632x64xf32> to vector<1x632x64xf32>
    tpu.vector_store %arg6[%swap3A_664, %swap3A_665, %swap3A_666], %swap3A_669 {strides = array<i32>} : memref<13x632x64xf32, #tpu.memory_space<vmem>>, vector<1x632x64xf32>,
    %slice3A_670 = vector.extract_strided_slice %mul3A_614 {offsets = [0, 512], sizes = [632, 64], strides = [1, 1]} : vector<632x832xf32> to vector<632x64xf32>
    %swap3A_671 = arith.constant 8 : index
    %swap3A_672 = arith.constant 0 : index
    %swap3A_673 = arith.constant 0 : index
    %swap3A_674 = vector.load %arg6[%swap3A_671, %swap3A_672, %swap3A_673] : memref<13x632x64xf32, #tpu.memory_space<vmem>>, vector<1x632x64xf32>
    %swap3A_675 = vector.shape_cast %swap3A_674 : vector<1x632x64xf32> to vector<632x64xf32>
    %swap3A_676 = vector.shape_cast %slice3A_670 : vector<632x64xf32> to vector<1x632x64xf32>
    tpu.vector_store %arg6[%swap3A_671, %swap3A_672, %swap3A_673], %swap3A_676 {strides = array<i32>} : memref<13x632x64xf32, #tpu.memory_space<vmem>>, vector<1x632x64xf32>,
    %slice3A_677 = vector.extract_strided_slice %mul3A_614 {offsets = [0, 576], sizes = [632, 64], strides = [1, 1]} : vector<632x832xf32> to vector<632x64xf32>
    %swap3A_678 = arith.constant 9 : index
    %swap3A_679 = arith.constant 0 : index
    %swap3A_680 = arith.constant 0 : index
    %swap3A_681 = vector.load %arg6[%swap3A_678, %swap3A_679, %swap3A_680] : memref<13x632x64xf32, #tpu.memory_space<vmem>>, vector<1x632x64xf32>
    %swap3A_682 = vector.shape_cast %swap3A_681 : vector<1x632x64xf32> to vector<632x64xf32>
    %swap3A_683 = vector.shape_cast %slice3A_677 : vector<632x64xf32> to vector<1x632x64xf32>
    tpu.vector_store %arg6[%swap3A_678, %swap3A_679, %swap3A_680], %swap3A_683 {strides = array<i32>} : memref<13x632x64xf32, #tpu.memory_space<vmem>>, vector<1x632x64xf32>,
    %slice3A_684 = vector.extract_strided_slice %mul3A_614 {offsets = [0, 640], sizes = [632, 64], strides = [1, 1]} : vector<632x832xf32> to vector<632x64xf32>
    %swap3A_685 = arith.constant 10 : index
    %swap3A_686 = arith.constant 0 : index
    %swap3A_687 = arith.constant 0 : index
    %swap3A_688 = vector.load %arg6[%swap3A_685, %swap3A_686, %swap3A_687] : memref<13x632x64xf32, #tpu.memory_space<vmem>>, vector<1x632x64xf32>
    %swap3A_689 = vector.shape_cast %swap3A_688 : vector<1x632x64xf32> to vector<632x64xf32>
    %swap3A_690 = vector.shape_cast %slice3A_684 : vector<632x64xf32> to vector<1x632x64xf32>
    tpu.vector_store %arg6[%swap3A_685, %swap3A_686, %swap3A_687], %swap3A_690 {strides = array<i32>} : memref<13x632x64xf32, #tpu.memory_space<vmem>>, vector<1x632x64xf32>,
    %slice3A_691 = vector.extract_strided_slice %mul3A_614 {offsets = [0, 704], sizes = [632, 64], strides = [1, 1]} : vector<632x832xf32> to vector<632x64xf32>
    %swap3A_692 = arith.constant 11 : index
    %swap3A_693 = arith.constant 0 : index
    %swap3A_694 = arith.constant 0 : index
    %swap3A_695 = vector.load %arg6[%swap3A_692, %swap3A_693, %swap3A_694] : memref<13x632x64xf32, #tpu.memory_space<vmem>>, vector<1x632x64xf32>
    %swap3A_696 = vector.shape_cast %swap3A_695 : vector<1x632x64xf32> to vector<632x64xf32>
    %swap3A_697 = vector.shape_cast %slice3A_691 : vector<632x64xf32> to vector<1x632x64xf32>
    tpu.vector_store %arg6[%swap3A_692, %swap3A_693, %swap3A_694], %swap3A_697 {strides = array<i32>} : memref<13x632x64xf32, #tpu.memory_space<vmem>>, vector<1x632x64xf32>,
    %slice3A_698 = vector.extract_strided_slice %mul3A_614 {offsets = [0, 768], sizes = [632, 64], strides = [1, 1]} : vector<632x832xf32> to vector<632x64xf32>
    %swap3A_699 = arith.constant 12 : index
    %swap3A_700 = arith.constant 0 : index
    %swap3A_701 = arith.constant 0 : index
    %swap3A_702 = vector.load %arg6[%swap3A_699, %swap3A_700, %swap3A_701] : memref<13x632x64xf32, #tpu.memory_space<vmem>>, vector<1x632x64xf32>
    %swap3A_703 = vector.shape_cast %swap3A_702 : vector<1x632x64xf32> to vector<632x64xf32>
    %swap3A_704 = vector.shape_cast %slice3A_698 : vector<632x64xf32> to vector<1x632x64xf32>
    tpu.vector_store %arg6[%swap3A_699, %swap3A_700, %swap3A_701], %swap3A_704 {strides = array<i32>} : memref<13x632x64xf32, #tpu.memory_space<vmem>>, vector<1x632x64xf32>,
    %broadcast_in_dim3A_705 = vector.shape_cast %select_n3A : vector<632xf32> to vector<632x1xf32>
    %broadcast_in_dim3A_706 = vector.shape_cast %broadcast_in_dim3A_705 : vector<632x1xf32> to vector<632x1xf32>
    %broadcast_in_dim3A_707 = vector.broadcast %broadcast_in_dim3A_706 : vector<632x1xf32> to vector<632x16xf32>
    %swap3A_708 = arith.constant 0 : index
    %swap3A_709 = arith.constant 0 : index
    %swap3A_710 = vector.load %arg7[%swap3A_708, %swap3A_709] : memref<632x16xf32, #tpu.memory_space<vmem>>, vector<632x16xf32>
    tpu.vector_store %arg7[%swap3A_708, %swap3A_709], %broadcast_in_dim3A_707 {strides = array<i32>} : memref<632x16xf32, #tpu.memory_space<vmem>>, vector<632x16xf32>,
    return
  }
  func.func @transform_0(%arg0: i32) -> (i32, i32, i32) {
    %c0_i32 = arith.constant 0 : i32
    %c0_i32_0 = arith.constant 0 : i32
    %c0_i32_1 = arith.constant 0 : i32
    return %c0_i32, %arg0, %c0_i32_0 : i32, i32, i32
  }
  func.func @transform_1(%arg0: i32) -> (i32, i32) {
    %c0_i32 = arith.constant 0 : i32
    %c0_i32_0 = arith.constant 0 : i32
    return %arg0, %c0_i32 : i32, i32
  }
  func.func @transform_2(%arg0: i32) -> (i32, i32) {
    %c0_i32 = arith.constant 0 : i32
    %c0_i32_0 = arith.constant 0 : i32
    %c0_i32_1 = arith.constant 0 : i32
    return %c0_i32, %c0_i32_0 : i32, i32
  }
  func.func @transform_3(%arg0: i32) -> (i32, i32, i32) {
    %c0_i32 = arith.constant 0 : i32
    %c0_i32_0 = arith.constant 0 : i32
    %c0_i32_1 = arith.constant 0 : i32
    %c0_i32_2 = arith.constant 0 : i32
    return %c0_i32, %c0_i32_0, %c0_i32_1 : i32, i32, i32
  }
  func.func @transform_4(%arg0: i32) -> (i32, i32) {
    %c0_i32 = arith.constant 0 : i32
    %c0_i32_0 = arith.constant 0 : i32
    %c0_i32_1 = arith.constant 0 : i32
    return %c0_i32, %c0_i32_0 : i32, i32
  }
  func.func @transform_5(%arg0: i32) -> (i32, i32, i32) {
    %c0_i32 = arith.constant 0 : i32
    %c0_i32_0 = arith.constant 0 : i32
    %c0_i32_1 = arith.constant 0 : i32
    return %c0_i32, %arg0, %c0_i32_0 : i32, i32, i32
  }
  func.func @transform_6(%arg0: i32) -> (i32, i32) {
    %c0_i32 = arith.constant 0 : i32
    %c0_i32_0 = arith.constant 0 : i32
    return %arg0, %c0_i32 : i32, i32
  }
}

module attributes {stable_mosaic.version = 14 : i64} {
  func.func @_k6b_body(%arg0: i32, %arg1: memref<13x632x64xf32, #tpu.memory_space<vmem>>, %arg2: memref<632x16xf32, #tpu.memory_space<vmem>>, %arg3: memref<1x832xf32, #tpu.memory_space<vmem>>, %arg4: memref<632x832xf32, #tpu.memory_space<vmem>>) attributes {dimension_semantics = [#tpu.dimension_semantics<arbitrary>], iteration_bounds = array<i64: 16>, scalar_prefetch = 0 : i64, scratch_operands = 0 : i64, tpu.core_type = #tpu.core_type<tc>, window_params = [{transform_indices = @transform_0, window_bounds = array<i64: 13, 632, 64>}, {transform_indices = @transform_1, window_bounds = array<i64: 632, 16>}, {pipeline_mode = #tpu.pipeline_mode<synchronous>, transform_indices = @transform_2, window_bounds = array<i64: 1, 832>}, {transform_indices = @transform_3, window_bounds = array<i64: 632, 832>}]} {
    %get3A = arith.constant 0 : index
    %get3A_0 = arith.constant 0 : index
    %get3A_1 = vector.load %arg2[%get3A, %get3A_0] : memref<632x16xf32, #tpu.memory_space<vmem>>, vector<632x16xf32>
    %slice3A = vector.extract_strided_slice %get3A_1 {offsets = [0, 0], sizes = [632, 1], strides = [1, 1]} : vector<632x16xf32> to vector<632x1xf32>
    %get3A_2 = arith.constant 0 : index
    %get3A_3 = arith.constant 0 : index
    %get3A_4 = arith.constant 0 : index
    %get3A_5 = vector.load %arg1[%get3A_2, %get3A_3, %get3A_4] : memref<13x632x64xf32, #tpu.memory_space<vmem>>, vector<1x632x64xf32>
    %get3A_6 = vector.shape_cast %get3A_5 : vector<1x632x64xf32> to vector<632x64xf32>
    %get3A_7 = arith.constant 1 : index
    %get3A_8 = arith.constant 0 : index
    %get3A_9 = arith.constant 0 : index
    %get3A_10 = vector.load %arg1[%get3A_7, %get3A_8, %get3A_9] : memref<13x632x64xf32, #tpu.memory_space<vmem>>, vector<1x632x64xf32>
    %get3A_11 = vector.shape_cast %get3A_10 : vector<1x632x64xf32> to vector<632x64xf32>
    %get3A_12 = arith.constant 2 : index
    %get3A_13 = arith.constant 0 : index
    %get3A_14 = arith.constant 0 : index
    %get3A_15 = vector.load %arg1[%get3A_12, %get3A_13, %get3A_14] : memref<13x632x64xf32, #tpu.memory_space<vmem>>, vector<1x632x64xf32>
    %get3A_16 = vector.shape_cast %get3A_15 : vector<1x632x64xf32> to vector<632x64xf32>
    %get3A_17 = arith.constant 3 : index
    %get3A_18 = arith.constant 0 : index
    %get3A_19 = arith.constant 0 : index
    %get3A_20 = vector.load %arg1[%get3A_17, %get3A_18, %get3A_19] : memref<13x632x64xf32, #tpu.memory_space<vmem>>, vector<1x632x64xf32>
    %get3A_21 = vector.shape_cast %get3A_20 : vector<1x632x64xf32> to vector<632x64xf32>
    %get3A_22 = arith.constant 4 : index
    %get3A_23 = arith.constant 0 : index
    %get3A_24 = arith.constant 0 : index
    %get3A_25 = vector.load %arg1[%get3A_22, %get3A_23, %get3A_24] : memref<13x632x64xf32, #tpu.memory_space<vmem>>, vector<1x632x64xf32>
    %get3A_26 = vector.shape_cast %get3A_25 : vector<1x632x64xf32> to vector<632x64xf32>
    %get3A_27 = arith.constant 5 : index
    %get3A_28 = arith.constant 0 : index
    %get3A_29 = arith.constant 0 : index
    %get3A_30 = vector.load %arg1[%get3A_27, %get3A_28, %get3A_29] : memref<13x632x64xf32, #tpu.memory_space<vmem>>, vector<1x632x64xf32>
    %get3A_31 = vector.shape_cast %get3A_30 : vector<1x632x64xf32> to vector<632x64xf32>
    %get3A_32 = arith.constant 6 : index
    %get3A_33 = arith.constant 0 : index
    %get3A_34 = arith.constant 0 : index
    %get3A_35 = vector.load %arg1[%get3A_32, %get3A_33, %get3A_34] : memref<13x632x64xf32, #tpu.memory_space<vmem>>, vector<1x632x64xf32>
    %get3A_36 = vector.shape_cast %get3A_35 : vector<1x632x64xf32> to vector<632x64xf32>
    %get3A_37 = arith.constant 7 : index
    %get3A_38 = arith.constant 0 : index
    %get3A_39 = arith.constant 0 : index
    %get3A_40 = vector.load %arg1[%get3A_37, %get3A_38, %get3A_39] : memref<13x632x64xf32, #tpu.memory_space<vmem>>, vector<1x632x64xf32>
    %get3A_41 = vector.shape_cast %get3A_40 : vector<1x632x64xf32> to vector<632x64xf32>
    %get3A_42 = arith.constant 8 : index
    %get3A_43 = arith.constant 0 : index
    %get3A_44 = arith.constant 0 : index
    %get3A_45 = vector.load %arg1[%get3A_42, %get3A_43, %get3A_44] : memref<13x632x64xf32, #tpu.memory_space<vmem>>, vector<1x632x64xf32>
    %get3A_46 = vector.shape_cast %get3A_45 : vector<1x632x64xf32> to vector<632x64xf32>
    %get3A_47 = arith.constant 9 : index
    %get3A_48 = arith.constant 0 : index
    %get3A_49 = arith.constant 0 : index
    %get3A_50 = vector.load %arg1[%get3A_47, %get3A_48, %get3A_49] : memref<13x632x64xf32, #tpu.memory_space<vmem>>, vector<1x632x64xf32>
    %get3A_51 = vector.shape_cast %get3A_50 : vector<1x632x64xf32> to vector<632x64xf32>
    %get3A_52 = arith.constant 10 : index
    %get3A_53 = arith.constant 0 : index
    %get3A_54 = arith.constant 0 : index
    %get3A_55 = vector.load %arg1[%get3A_52, %get3A_53, %get3A_54] : memref<13x632x64xf32, #tpu.memory_space<vmem>>, vector<1x632x64xf32>
    %get3A_56 = vector.shape_cast %get3A_55 : vector<1x632x64xf32> to vector<632x64xf32>
    %get3A_57 = arith.constant 11 : index
    %get3A_58 = arith.constant 0 : index
    %get3A_59 = arith.constant 0 : index
    %get3A_60 = vector.load %arg1[%get3A_57, %get3A_58, %get3A_59] : memref<13x632x64xf32, #tpu.memory_space<vmem>>, vector<1x632x64xf32>
    %get3A_61 = vector.shape_cast %get3A_60 : vector<1x632x64xf32> to vector<632x64xf32>
    %get3A_62 = arith.constant 12 : index
    %get3A_63 = arith.constant 0 : index
    %get3A_64 = arith.constant 0 : index
    %get3A_65 = vector.load %arg1[%get3A_62, %get3A_63, %get3A_64] : memref<13x632x64xf32, #tpu.memory_space<vmem>>, vector<1x632x64xf32>
    %get3A_66 = vector.shape_cast %get3A_65 : vector<1x632x64xf32> to vector<632x64xf32>
    %concatenate3A = tpu.concatenate %get3A_6, %get3A_11, %get3A_16, %get3A_21, %get3A_26, %get3A_31, %get3A_36, %get3A_41, %get3A_46, %get3A_51, %get3A_56, %get3A_61, %get3A_66 in 1 : vector<632x64xf32>, vector<632x64xf32>, vector<632x64xf32>, vector<632x64xf32>, vector<632x64xf32>, vector<632x64xf32>, vector<632x64xf32>, vector<632x64xf32>, vector<632x64xf32>, vector<632x64xf32>, vector<632x64xf32>, vector<632x64xf32>, vector<632x64xf32> -> vector<632x832xf32>
    %mul3A = vector.broadcast %slice3A : vector<632x1xf32> to vector<632x832xf32>
    %mul3A_67 = arith.mulf %concatenate3A, %mul3A : vector<632x832xf32>
    %get3A_68 = arith.constant 0 : index
    %get3A_69 = arith.constant 0 : index
    %get3A_70 = vector.load %arg3[%get3A_68, %get3A_69] : memref<1x832xf32, #tpu.memory_space<vmem>>, vector<1x832xf32>
    %add3A = vector.broadcast %get3A_70 : vector<1x832xf32> to vector<632x832xf32>
    %add3A_71 = arith.addf %mul3A_67, %add3A : vector<632x832xf32>
    %max3A = arith.constant 0.000000e+00 : f32
    %max3A_72 = vector.broadcast %max3A : f32 to vector<632x832xf32>
    %max3A_73 = arith.maximumf %add3A_71, %max3A_72 : vector<632x832xf32>
    %swap3A = arith.constant 0 : index
    %swap3A_74 = arith.constant 0 : index
    %swap3A_75 = vector.load %arg4[%swap3A, %swap3A_74] : memref<632x832xf32, #tpu.memory_space<vmem>>, vector<632x832xf32>
    tpu.vector_store %arg4[%swap3A, %swap3A_74], %max3A_73 {strides = array<i32>} : memref<632x832xf32, #tpu.memory_space<vmem>>, vector<632x832xf32>,
    return
  }
  func.func @transform_0(%arg0: i32) -> (i32, i32, i32) {
    %c0_i32 = arith.constant 0 : i32
    %c0_i32_0 = arith.constant 0 : i32
    %c0_i32_1 = arith.constant 0 : i32
    return %c0_i32, %arg0, %c0_i32_0 : i32, i32, i32
  }
  func.func @transform_1(%arg0: i32) -> (i32, i32) {
    %c0_i32 = arith.constant 0 : i32
    %c0_i32_0 = arith.constant 0 : i32
    return %arg0, %c0_i32 : i32, i32
  }
  func.func @transform_2(%arg0: i32) -> (i32, i32) {
    %c0_i32 = arith.constant 0 : i32
    %c0_i32_0 = arith.constant 0 : i32
    %c0_i32_1 = arith.constant 0 : i32
    return %c0_i32, %c0_i32_0 : i32, i32
  }
  func.func @transform_3(%arg0: i32) -> (i32, i32) {
    %c0_i32 = arith.constant 0 : i32
    %c0_i32_0 = arith.constant 0 : i32
    return %arg0, %c0_i32 : i32, i32
  }
}

module attributes {stable_mosaic.version = 14 : i64} {
  func.func @_tower_body(%arg0: memref<256x832xf32, #tpu.memory_space<vmem>>, %arg1: memref<256x832xf32, #tpu.memory_space<vmem>>, %arg2: memref<256xf32, #tpu.memory_space<vmem>>, %arg3: memref<256x320xf32, #tpu.memory_space<vmem>>, %arg4: memref<1560x1500xf32, #tpu.memory_space<vmem>>, %arg5: memref<1500xf32, #tpu.memory_space<vmem>>, %arg6: memref<1500x128xf32, #tpu.memory_space<vmem>>, %arg7: memref<128xf32, #tpu.memory_space<vmem>>, %arg8: memref<320x128xf32, #tpu.memory_space<vmem>>, %arg9: memref<128xf32, #tpu.memory_space<vmem>>, %arg10: memref<128xf32, #tpu.memory_space<vmem>>, %arg11: memref<128xf32, #tpu.memory_space<vmem>>, %arg12: memref<256x1024xf32, #tpu.memory_space<vmem>>, %arg13: memref<1024xf32, #tpu.memory_space<vmem>>, %arg14: memref<1024x256xf32, #tpu.memory_space<vmem>>, %arg15: memref<256xf32, #tpu.memory_space<vmem>>, %arg16: memref<256x1xf32, #tpu.memory_space<vmem>>, %arg17: memref<1xf32, #tpu.memory_space<vmem>>, %arg18: memref<256x1xf32, #tpu.memory_space<vmem>>) attributes {dimension_semantics = [], scalar_prefetch = 0 : i64, scratch_operands = 0 : i64, tpu.core_type = #tpu.core_type<tc>} {
    %get3A = arith.constant 0 : index
    %get3A_0 = arith.constant 0 : index
    %get3A_1 = vector.load %arg0[%get3A, %get3A_0] : memref<256x832xf32, #tpu.memory_space<vmem>>, vector<256x832xf32>
    %slice3A = vector.extract_strided_slice %get3A_1 {offsets = [0, 0], sizes = [256, 780], strides = [1, 1]} : vector<256x832xf32> to vector<256x780xf32>
    %get3A_2 = arith.constant 0 : index
    %get3A_3 = arith.constant 0 : index
    %get3A_4 = vector.load %arg1[%get3A_2, %get3A_3] : memref<256x832xf32, #tpu.memory_space<vmem>>, vector<256x832xf32>
    %slice3A_5 = vector.extract_strided_slice %get3A_4 {offsets = [0, 0], sizes = [256, 780], strides = [1, 1]} : vector<256x832xf32> to vector<256x780xf32>
    %get3A_6 = arith.constant 0 : index
    %get3A_7 = vector.load %arg2[%get3A_6] : memref<256xf32, #tpu.memory_space<vmem>>, vector<256xf32>
    %max3A = arith.constant 1.000000e+00 : f32
    %max3A_8 = vector.broadcast %max3A : f32 to vector<256xf32>
    %max3A_9 = arith.maximumf %get3A_7, %max3A_8 : vector<256xf32>
    %div3A = arith.constant 1.000000e+00 : f32
    %div3A_10 = vector.broadcast %div3A : f32 to vector<256xf32>
    %div3A_11 = arith.divf %div3A_10, %max3A_9 : vector<256xf32>
    %broadcast_in_dim3A = vector.shape_cast %div3A_11 : vector<256xf32> to vector<256x1xf32>
    %mul3A = vector.broadcast %broadcast_in_dim3A : vector<256x1xf32> to vector<256x780xf32>
    %mul3A_12 = arith.mulf %slice3A_5, %mul3A : vector<256x780xf32>
    %concatenate3A = tpu.concatenate %slice3A, %mul3A_12 in 1 : vector<256x780xf32>, vector<256x780xf32> -> vector<256x1560xf32>
    %get3A_13 = arith.constant 0 : index
    %get3A_14 = arith.constant 0 : index
    %get3A_15 = vector.load %arg4[%get3A_13, %get3A_14] : memref<1560x1500xf32, #tpu.memory_space<vmem>>, vector<1560x1500xf32>
    %dot_general3A = arith.constant dense<0.000000e+00> : vector<256x1500xf32>
    %dot_general3A_16 = tpu.matmul %concatenate3A, %get3A_15, %dot_general3A {dimension_numbers = #tpu.dot_dimension_numbers<[1], [0], [0], [1], [0, 0, 1, 1], [], []>, transpose_lhs_hint = false} : vector<256x1560xf32>, vector<1560x1500xf32>, vector<256x1500xf32> -> vector<256x1500xf32>
    %get3A_17 = arith.constant 0 : index
    %get3A_18 = vector.load %arg5[%get3A_17] : memref<1500xf32, #tpu.memory_space<vmem>>, vector<1500xf32>
    %broadcast_in_dim3A_19 = vector.shape_cast %get3A_18 : vector<1500xf32> to vector<1x1500xf32>
    %add3A = vector.broadcast %broadcast_in_dim3A_19 : vector<1x1500xf32> to vector<256x1500xf32>
    %add3A_20 = arith.addf %dot_general3A_16, %add3A : vector<256x1500xf32>
    %max3A_21 = arith.constant 0.000000e+00 : f32
    %max3A_22 = vector.broadcast %max3A_21 : f32 to vector<256x1500xf32>
    %max3A_23 = arith.maximumf %add3A_20, %max3A_22 : vector<256x1500xf32>
    %get3A_24 = arith.constant 0 : index
    %get3A_25 = arith.constant 0 : index
    %get3A_26 = vector.load %arg6[%get3A_24, %get3A_25] : memref<1500x128xf32, #tpu.memory_space<vmem>>, vector<1500x128xf32>
    %dot_general3A_27 = arith.constant dense<0.000000e+00> : vector<256x128xf32>
    %dot_general3A_28 = tpu.matmul %max3A_23, %get3A_26, %dot_general3A_27 {dimension_numbers = #tpu.dot_dimension_numbers<[1], [0], [0], [1], [0, 0, 1, 1], [], []>, transpose_lhs_hint = false} : vector<256x1500xf32>, vector<1500x128xf32>, vector<256x128xf32> -> vector<256x128xf32>
    %get3A_29 = arith.constant 0 : index
    %get3A_30 = vector.load %arg7[%get3A_29] : memref<128xf32, #tpu.memory_space<vmem>>, vector<128xf32>
    %broadcast_in_dim3A_31 = vector.shape_cast %get3A_30 : vector<128xf32> to vector<1x128xf32>
    %add3A_32 = vector.broadcast %broadcast_in_dim3A_31 : vector<1x128xf32> to vector<256x128xf32>
    %add3A_33 = arith.addf %dot_general3A_28, %add3A_32 : vector<256x128xf32>
    %get3A_34 = arith.constant 0 : index
    %get3A_35 = arith.constant 0 : index
    %get3A_36 = vector.load %arg3[%get3A_34, %get3A_35] : memref<256x320xf32, #tpu.memory_space<vmem>>, vector<256x320xf32>
    %get3A_37 = arith.constant 0 : index
    %get3A_38 = arith.constant 0 : index
    %get3A_39 = vector.load %arg8[%get3A_37, %get3A_38] : memref<320x128xf32, #tpu.memory_space<vmem>>, vector<320x128xf32>
    %dot_general3A_40 = arith.constant dense<0.000000e+00> : vector<256x128xf32>
    %dot_general3A_41 = tpu.matmul %get3A_36, %get3A_39, %dot_general3A_40 {dimension_numbers = #tpu.dot_dimension_numbers<[1], [0], [0], [1], [0, 0, 1, 1], [], []>, transpose_lhs_hint = false} : vector<256x320xf32>, vector<320x128xf32>, vector<256x128xf32> -> vector<256x128xf32>
    %get3A_42 = arith.constant 0 : index
    %get3A_43 = vector.load %arg9[%get3A_42] : memref<128xf32, #tpu.memory_space<vmem>>, vector<128xf32>
    %broadcast_in_dim3A_44 = vector.shape_cast %get3A_43 : vector<128xf32> to vector<1x128xf32>
    %add3A_45 = vector.broadcast %broadcast_in_dim3A_44 : vector<1x128xf32> to vector<256x128xf32>
    %add3A_46 = arith.addf %dot_general3A_41, %add3A_45 : vector<256x128xf32>
    %reduce_sum3A = arith.constant dense<0.000000e+00> : vector<128xf32>
    %reduce_sum3A_47 = vector.multi_reduction <add>, %add3A_46, %reduce_sum3A [0] : vector<256x128xf32> to vector<128xf32>
    %div3A_48 = arith.constant 2.560000e+02 : f32
    %div3A_49 = vector.broadcast %div3A_48 : f32 to vector<128xf32>
    %div3A_50 = arith.divf %reduce_sum3A_47, %div3A_49 : vector<128xf32>
    %jit3A = arith.constant 0 : i32
    %reduce_sum3A_51 = arith.constant dense<0.000000e+00> : vector<128xf32>
    %reduce_sum3A_52 = vector.multi_reduction <add>, %add3A_46, %reduce_sum3A_51 [0] : vector<256x128xf32> to vector<128xf32>
    %broadcast_in_dim3A_53 = vector.shape_cast %reduce_sum3A_52 : vector<128xf32> to vector<1x128xf32>
    %div3A_54 = arith.constant 2.560000e+02 : f32
    %div3A_55 = vector.broadcast %div3A_54 : f32 to vector<1x128xf32>
    %div3A_56 = arith.divf %broadcast_in_dim3A_53, %div3A_55 : vector<1x128xf32>
    %sub3A = vector.broadcast %div3A_56 : vector<1x128xf32> to vector<256x128xf32>
    %sub3A_57 = arith.subf %add3A_46, %sub3A : vector<256x128xf32>
    %square3A = arith.mulf %sub3A_57, %sub3A_57 : vector<256x128xf32>
    %convert_element_type3A = arith.sitofp %jit3A : i32 to f32
    %sub3A_58 = arith.constant 2.560000e+02 : f32
    %sub3A_59 = arith.subf %sub3A_58, %convert_element_type3A : f32
    %reduce_sum3A_60 = arith.constant dense<0.000000e+00> : vector<128xf32>
    %reduce_sum3A_61 = vector.multi_reduction <add>, %square3A, %reduce_sum3A_60 [0] : vector<256x128xf32> to vector<128xf32>
    %div3A_62 = vector.broadcast %sub3A_59 : f32 to vector<128xf32>
    %div3A_63 = arith.divf %reduce_sum3A_61, %div3A_62 : vector<128xf32>
    %gt3A = arith.constant 0.000000e+00 : f32
    %gt3A_64 = arith.cmpf ogt, %sub3A_59, %gt3A : f32
    %jit3A_65 = arith.constant 0x7FC00000 : f32
    %broadcast_in_dim3A_66 = vector.broadcast %jit3A_65 : f32 to vector<128xf32>
    %select_n3A = arith.select %gt3A_64, %div3A_63, %broadcast_in_dim3A_66 : vector<128xf32>
    %broadcast_in_dim3A_67 = vector.shape_cast %div3A_50 : vector<128xf32> to vector<1x128xf32>
    %sub3A_68 = vector.broadcast %broadcast_in_dim3A_67 : vector<1x128xf32> to vector<256x128xf32>
    %sub3A_69 = arith.subf %add3A_46, %sub3A_68 : vector<256x128xf32>
    %add3A_70 = arith.constant 9.99999974E-6 : f32
    %add3A_71 = vector.broadcast %add3A_70 : f32 to vector<128xf32>
    %add3A_72 = arith.addf %select_n3A, %add3A_71 : vector<128xf32>
    %sqrt3A = math.sqrt %add3A_72 : vector<128xf32>
    %broadcast_in_dim3A_73 = vector.shape_cast %sqrt3A : vector<128xf32> to vector<1x128xf32>
    %div3A_74 = vector.broadcast %broadcast_in_dim3A_73 : vector<1x128xf32> to vector<256x128xf32>
    %div3A_75 = arith.divf %sub3A_69, %div3A_74 : vector<256x128xf32>
    %get3A_76 = arith.constant 0 : index
    %get3A_77 = vector.load %arg10[%get3A_76] : memref<128xf32, #tpu.memory_space<vmem>>, vector<128xf32>
    %broadcast_in_dim3A_78 = vector.shape_cast %get3A_77 : vector<128xf32> to vector<1x128xf32>
    %mul3A_79 = vector.broadcast %broadcast_in_dim3A_78 : vector<1x128xf32> to vector<256x128xf32>
    %mul3A_80 = arith.mulf %div3A_75, %mul3A_79 : vector<256x128xf32>
    %get3A_81 = arith.constant 0 : index
    %get3A_82 = vector.load %arg11[%get3A_81] : memref<128xf32, #tpu.memory_space<vmem>>, vector<128xf32>
    %broadcast_in_dim3A_83 = vector.shape_cast %get3A_82 : vector<128xf32> to vector<1x128xf32>
    %add3A_84 = vector.broadcast %broadcast_in_dim3A_83 : vector<1x128xf32> to vector<256x128xf32>
    %add3A_85 = arith.addf %mul3A_80, %add3A_84 : vector<256x128xf32>
    %max3A_86 = arith.constant 0.000000e+00 : f32
    %max3A_87 = vector.broadcast %max3A_86 : f32 to vector<256x128xf32>
    %max3A_88 = arith.maximumf %add3A_85, %max3A_87 : vector<256x128xf32>
    %concatenate3A_89 = tpu.concatenate %add3A_33, %max3A_88 in 1 : vector<256x128xf32>, vector<256x128xf32> -> vector<256x256xf32>
    %get3A_90 = arith.constant 0 : index
    %get3A_91 = arith.constant 0 : index
    %get3A_92 = vector.load %arg12[%get3A_90, %get3A_91] : memref<256x1024xf32, #tpu.memory_space<vmem>>, vector<256x1024xf32>
    %dot_general3A_93 = arith.constant dense<0.000000e+00> : vector<256x1024xf32>
    %dot_general3A_94 = tpu.matmul %concatenate3A_89, %get3A_92, %dot_general3A_93 {dimension_numbers = #tpu.dot_dimension_numbers<[1], [0], [0], [1], [0, 0, 1, 1], [], []>, transpose_lhs_hint = false} : vector<256x256xf32>, vector<256x1024xf32>, vector<256x1024xf32> -> vector<256x1024xf32>
    %get3A_95 = arith.constant 0 : index
    %get3A_96 = vector.load %arg13[%get3A_95] : memref<1024xf32, #tpu.memory_space<vmem>>, vector<1024xf32>
    %broadcast_in_dim3A_97 = vector.shape_cast %get3A_96 : vector<1024xf32> to vector<1x1024xf32>
    %add3A_98 = vector.broadcast %broadcast_in_dim3A_97 : vector<1x1024xf32> to vector<256x1024xf32>
    %add3A_99 = arith.addf %dot_general3A_94, %add3A_98 : vector<256x1024xf32>
    %max3A_100 = arith.constant 0.000000e+00 : f32
    %max3A_101 = vector.broadcast %max3A_100 : f32 to vector<256x1024xf32>
    %max3A_102 = arith.maximumf %add3A_99, %max3A_101 : vector<256x1024xf32>
    %get3A_103 = arith.constant 0 : index
    %get3A_104 = arith.constant 0 : index
    %get3A_105 = vector.load %arg14[%get3A_103, %get3A_104] : memref<1024x256xf32, #tpu.memory_space<vmem>>, vector<1024x256xf32>
    %dot_general3A_106 = arith.constant dense<0.000000e+00> : vector<256x256xf32>
    %dot_general3A_107 = tpu.matmul %max3A_102, %get3A_105, %dot_general3A_106 {dimension_numbers = #tpu.dot_dimension_numbers<[1], [0], [0], [1], [0, 0, 1, 1], [], []>, transpose_lhs_hint = false} : vector<256x1024xf32>, vector<1024x256xf32>, vector<256x256xf32> -> vector<256x256xf32>
    %get3A_108 = arith.constant 0 : index
    %get3A_109 = vector.load %arg15[%get3A_108] : memref<256xf32, #tpu.memory_space<vmem>>, vector<256xf32>
    %broadcast_in_dim3A_110 = vector.shape_cast %get3A_109 : vector<256xf32> to vector<1x256xf32>
    %add3A_111 = vector.broadcast %broadcast_in_dim3A_110 : vector<1x256xf32> to vector<256x256xf32>
    %add3A_112 = arith.addf %dot_general3A_107, %add3A_111 : vector<256x256xf32>
    %max3A_113 = arith.constant 0.000000e+00 : f32
    %max3A_114 = vector.broadcast %max3A_113 : f32 to vector<256x256xf32>
    %max3A_115 = arith.maximumf %add3A_112, %max3A_114 : vector<256x256xf32>
    %get3A_116 = arith.constant 0 : index
    %get3A_117 = arith.constant 0 : index
    %get3A_118 = vector.load %arg16[%get3A_116, %get3A_117] : memref<256x1xf32, #tpu.memory_space<vmem>>, vector<256x1xf32>
    %dot_general3A_119 = arith.constant dense<0.000000e+00> : vector<256x1xf32>
    %dot_general3A_120 = tpu.matmul %max3A_115, %get3A_118, %dot_general3A_119 {dimension_numbers = #tpu.dot_dimension_numbers<[1], [0], [0], [1], [0, 0, 1, 1], [], []>, transpose_lhs_hint = false} : vector<256x256xf32>, vector<256x1xf32>, vector<256x1xf32> -> vector<256x1xf32>
    %get3A_121 = arith.constant 0 : index
    %get3A_122 = vector.load %arg17[%get3A_121] : memref<1xf32, #tpu.memory_space<vmem>>, vector<1xf32>
    %broadcast_in_dim3A_123 = vector.shape_cast %get3A_122 : vector<1xf32> to vector<1x1xf32>
    %add3A_124 = vector.broadcast %broadcast_in_dim3A_123 : vector<1x1xf32> to vector<256x1xf32>
    %add3A_125 = arith.addf %dot_general3A_120, %add3A_124 : vector<256x1xf32>
    %swap3A = arith.constant 0 : index
    %swap3A_126 = arith.constant 0 : index
    %swap3A_127 = vector.load %arg18[%swap3A, %swap3A_126] : memref<256x1xf32, #tpu.memory_space<vmem>>, vector<256x1xf32>
    tpu.vector_store %arg18[%swap3A, %swap3A_126], %add3A_125 {strides = array<i32>} : memref<256x1xf32, #tpu.memory_space<vmem>>, vector<256x1xf32>,
    return
  }
}

</mosaic_0001>

<sc_bundles>
// kernel: kernel.10.cloned.1.call-start
scs
__scs_entry_jumppad:
0x0: {  	(pc) =	sbr.rel $0x88, $3  }
0x1: {  	(tag) =	ssettag $0x0;
	lr =	simm.s32 $0x1  }
0x2: {  	[smem:$0x3F89] =	sst lr;
	_ =	strace $0xD0000000  }
0x3: {  	_ = 	snop  }
0x4: {  	_ = 	snop  }
0x5: {  	_ = 	snop  }
0x6: {  	_ = 	snop  }
0x7: {  	_ = 	snop  }
__scs_overlays_trampoline_lowered:
0x8: {  	[smem:$0x3F98] =	sst s0  }
0x9: {  	[smem:$0x3F99] =	sst s1  }
0xa: {  	[smem:$0x3F9A] =	sst s2  }
0xb: {  	[smem:$0x3F9B] =	sst s3  }
0xc: {  	[smem:$0x3F9C] =	sst s4  }
0xd: {  	[smem:$0x3F9D] =	sst s5  }
0xe: {  	[smem:$0x3F9E] =	sst s6  }
0xf: {  	[smem:$0x3F9F] =	sst s7  }
0x10: {  	[smem:$0x3FA0] =	sst s8  }
0x11: {  	[smem:$0x3FA1] =	sst s9;
	s0 =	simm.s32 @!p0 $0x0  }
0x12: {  	s1 =	sld [smem:$0x3F87];
	s0 =	simm.s32 @p0 $0x1  }
0x13: {  	[smem:$0x3FA2] =	sst s0;
	s0 =	simm.s32 @!p1 $0x0  }
0x14: {  	s2 =	sld [smem:$0x3F86];
	s0 =	simm.s32 @p1 $0x1  }
0x15: {  	[smem:$0x3FA3] =	sst s0;
	s0 =	simm.s32 @!p2 $0x0  }
0x16: {  	s3 =	sld [smem:$0x3FDB];
	s0 =	simm.s32 @p2 $0x1  }
0x17: {  	s4 =	simm.s32 $0x1BF5;
	[smem:$0x3FA5] =	sst s0  }
0x18: {  	s0 =	sld [smem:$0x3F88];
	_ =	swait.ge [sflag:s4], $0x0  }
0x19: {  	s7 =	sld [smem:$0x3F89]  }
0x1a: {  	s8 =	sadd.s32 $0xFFFFE003, lr  }
0x1b: {  	s9 =	sadd.s32 $0xFFFFFEF7, lr;
	s5 =	simm.s32 $0xFFFFFFFF;
	p2 =	slt.u32 s8, $0xFFFFF086  }
0x1c: {  	p1 =	slt.u32 s9, $0xF7A;
	s5 =	simm.s32 @!p2 $0x0  }
0x1d: {  	s5 =	simm.s32 @p1 $0x1;
	p0 =	seq.s32 s7, s2  }
0x1e: {  	s7 =	smul.u32 @!p0 $0xF7A, s2;
	p2 =	seq.s32 @!p0 s5, $0x0  }
0x1f: {  	s9 =	smul.u32 $0xF7A, s1;
	s8 =	simm.s32 @!p0 $0x1BF5;
	p2 =	por !p2, p0  }
0x20: {  	[sflag:s8] =	ssyncset.s32 @!p0 $0xFFFFF086;
	s6 =	sadd.s32 @!p0 s3, s7;
	s7 =	simm.s32 @!p0 $0x108  }
0x21: {  	s3 =	sadd.s32 s3, s9;
	s6 =	sadd.s32 @!p0 $0x88, s6;
	s7 =	simm.s32 @p2 $0x1082  }
0x22: {  	[simem:s7], [sflag:s8] =	dma.local @!p0 [hbm:s6], $0xF7A  }
0x23: {  	s9 =	sor.u32 $0xD0000000, s2;
	s6 =	simm.s32 $0x108;
	_ =	swait.ge @!p0 [sflag:s8], $0x0  }
0x24: {  	s3 =	sadd.s32 $0x88, s3;
	s6 =	simm.s32 @!p1 $0x1082;
	[sflag:s4] =	ssyncset.s32 $0xFFFFF086  }
0x25: {  	[simem:s6], [sflag:s4] =	dma.local [hbm:s3], $0xF7A  }
0x26: {  	[smem:$0x3F89] =	sst s1;
	(tag) =	ssettag s2;
	_ =	strace s9  }
0x27: {  	s1 =	sld [smem:$0x3F99]  }
0x28: {  	s2 =	sld [smem:$0x3F9A]  }
0x29: {  	s4 =	sld [smem:$0x3F9C]  }
0x2a: {  	p0 =	seq.s32 s5, $0x0;
	s5 =	sld [smem:$0x3F9D]  }
0x2b: {  	s6 =	sld [smem:$0x3F9E]  }
0x2c: {  	s7 =	sld [smem:$0x3F9F]  }
0x2d: {  	s3 =	simm.s32 $0x108;
	s8 =	sld [smem:$0x3FA0]  }
0x2e: {  	s3 =	simm.s32 @!p0 $0x1082;
	s9 =	sld [smem:$0x3FA1]  }
0x2f: {  	lr =	sadd.s32 s0, s3;
	s0 =	sld [smem:$0x3F98]  }
0x30: {  	s3 =	sld [smem:$0x3F9B]  }
0x31: {  	[smem:$0x3FA4] =	sst s10  }
0x32: {  	s10 =	sld [smem:$0x3FA2];
	_ =	sdelay $0x3  }
0x33: {  	p0 =	seq.s32 s10, $0x1;
	s10 =	sld [smem:$0x3FA4];
	_ =	sdelay $0x3  }
0x34: {  	[smem:$0x3FA4] =	sst s10  }
0x35: {  	s10 =	sld [smem:$0x3FA3];
	_ =	sdelay $0x3  }
0x36: {  	p1 =	seq.s32 s10, $0x1;
	s10 =	sld [smem:$0x3FA4];
	_ =	sdelay $0x3  }
0x37: {  	[smem:$0x3FA4] =	sst s10  }
0x38: {  	s10 =	sld [smem:$0x3FA5]  }
0x39: {  	_ = 	snop;
	(pc) =	sbr.ind lr, $3  }
0x3a: {  	_ = 	snop  }
0x3b: {  	_ = 	snop  }
0x3c: {  	p2 =	seq.s32 s10, $0x1;
	s10 =	sld [smem:$0x3FA4]  }
0x3d: {  	_ =	shalt  }
0x3e: {  	_ =	shalt  }
0x3f: {  	_ =	shalt  }
0x40: {  	_ =	shalt  }
0x41: {  	_ =	shalt  }
0x42: {  	_ =	shalt  }
0x43: {  	_ =	shalt  }
0x44: {  	_ =	shalt  }
0x45: {  	_ =	shalt  }
0x46: {  	_ =	shalt  }
0x47: {  	_ =	shalt  }
0x48: {  	_ =	shalt  }
0x49: {  	_ =	shalt  }
0x4a: {  	_ =	shalt  }
0x4b: {  	_ =	shalt  }
0x4c: {  	_ =	shalt  }
0x4d: {  	_ =	shalt  }
0x4e: {  	_ =	shalt  }
0x4f: {  	_ =	shalt  }
0x50: {  	_ =	shalt  }
0x51: {  	_ =	shalt  }
0x52: {  	_ =	shalt  }
0x53: {  	_ =	shalt  }
0x54: {  	_ =	shalt  }
0x55: {  	_ =	shalt  }
0x56: {  	_ =	shalt  }
0x57: {  	_ =	shalt  }
0x58: {  	_ =	shalt  }
0x59: {  	_ =	shalt  }
0x5a: {  	_ =	shalt  }
0x5b: {  	_ =	shalt  }
0x5c: {  	_ =	shalt  }
0x5d: {  	_ =	shalt  }
0x5e: {  	_ =	shalt  }
0x5f: {  	_ =	shalt  }
0x60: {  	_ =	shalt  }
0x61: {  	_ =	shalt  }
0x62: {  	_ =	shalt  }
0x63: {  	_ =	shalt  }
0x64: {  	_ =	shalt  }
0x65: {  	_ =	shalt  }
0x66: {  	_ =	shalt  }
0x67: {  	_ =	shalt  }
0x68: {  	_ =	shalt  }
0x69: {  	_ =	shalt  }
0x6a: {  	_ =	shalt  }
0x6b: {  	_ =	shalt  }
0x6c: {  	_ =	shalt  }
0x6d: {  	_ =	shalt  }
0x6e: {  	_ =	shalt  }
0x6f: {  	_ =	shalt  }
0x70: {  	_ =	shalt  }
0x71: {  	_ =	shalt  }
0x72: {  	_ =	shalt  }
0x73: {  	_ =	shalt  }
0x74: {  	_ =	shalt  }
0x75: {  	_ =	shalt  }
0x76: {  	_ =	shalt  }
0x77: {  	_ =	shalt  }
0x78: {  	_ =	shalt  }
0x79: {  	_ =	shalt  }
0x7a: {  	_ =	shalt  }
0x7b: {  	_ =	shalt  }
0x7c: {  	_ =	shalt  }
0x7d: {  	_ =	shalt  }
0x7e: {  	_ =	shalt  }
0x7f: {  	_ =	shalt  }
0x80: {  	_ =	shalt  }
0x81: {  	_ =	shalt  }
0x82: {  	_ =	shalt  }
0x83: {  	_ =	shalt  }
0x84: {  	_ =	shalt  }
0x85: {  	_ =	shalt  }
0x86: {  	_ =	shalt  }
0x87: {  	_ =	shalt  }
.Lfunc_end0:
.L_simem_size_0:
called_computation_lowered:
.L_overlay_start_0:
0x88: {  	s2 =	sld [smem:$0x3FD9]  }
0x89: {  	s3 =	sld [smem:$0x3FFE];
	_ =	sdelay $0x1  }
0x8a: {  	s1 =	srdreg.scid  }
0x8b: {  	s0 =	sand.u32 $0x1, s1  }
0x8c: {  	s16 =	sshll.u32 s0, $0xA;
	s2 =	sadd.s32 s3, s2  }
0x8d: {  	s2 =	sadd.s32 s2, s16  }
0x8e: {  	[smem:$0x3FB0] =	sst s2  }
0x8f: {  	_ = 	snop  }
0x90: {  	(tm) =	ssettm $0x1  }
0x91: {  	s17 =	sld [smem:$0x3FFB];
	_ =	sdelay $0x3  }
0x92: {  	_ =	strace s17  }
0x93: {  	s2 =	sld [smem:$0x3FFC];
	_ =	sdelay $0x3  }
0x94: {  	_ =	strace s2  }
0x95: {  	s2 =	sld [smem:$0x3FFD];
	_ =	sdelay $0x3  }
0x96: {  	_ =	strace s2  }
0x97: {  	_ =	strace $0x8FFFFFFF  }
0x98: {  	s18 =	sld [smem:$0x3FDB];
	_ =	sdelay $0x1  }
0x99: {  	s19 =	simm.s32 $_scs_section_size  }
0x9a: {  	s4 =	simm.s32 $_size__tile_overlayer_lowered;
	s5 =	simm.s32 $_tile_overlayer_lowered  }
0x9b: {  	s22 =	simm.s32 $0x1BFF;
	s21 =	sshll.u32 s5, $0x1;
	s2 =	sadd.s32 s19, s18  }
0x9c: {  	s6 =	simm.s32 $0x0;
	s20 =	sshll.u32 s4, $0x1;
	s4 =	sadd.s32 s21, s2  }
0x9d: {  	[timem:s6], [sflag:s22] =	dma.local [hbm:s4], s20  }
0x9e: {  	_ =	swait.ge [sflag:s22], s20  }
0x9f: {  	s3 =	ssub.s32 $0x0, s20;
	[sflag:s22] =	ssyncset.done $0x0  }
0xa0: {  	[sflag:s22] =	ssyncadd.s32 s3;
	_ =	sdelay $0x1  }
0xa1: {  	s23 =	simm.s32 $0x1B8B  }
0xa2: {  	_ =	swait.ge [sflag:s23], $0x1  }
0xa3: {  	[sflag:s23] =	ssyncset.done $0x0  }
0xa4: {  	s25 =	simm.s32 $0x1B8E;
	s24 =	sld [smem:$0x3FFE];
	[sflag:s23] =	ssyncadd.s32 $0xFFFFFFFF  }
0xa5: {  	s26 =	simm.s32 $execute0_lowered;
	[smem:$0x3FD2] =	sst s25  }
0xa6: {  	s4 =	sshll.u32 s26, $0x1;
	_ =	strace $0x80000046;
	[dreg:$0x1] =	wrdreg $0xFFFFFFFF  }
0xa7: {  	s28 =	simm.s32 $_size_execute0_lowered;
	s2 =	sadd.s32 s2, s4;
	[dreg:$0x0] =	wrdreg $0x0  }
0xa8: {  	s4 =	sshll.u32 s28, $0x1;
	[dreg:$0x2] =	wrdreg s2  }
0xa9: {  	[dreg:$0x3] =	wrdreg s4  }
0xaa: {  	[dreg:$0x4] =	wrdreg $0xC0  }
0xab: {  	_ =	task [dreg:s6], $0x5FFFF  }
0xac: {  	[dreg:$0x1] =	wrdreg $0xFFFFFFFF  }
0xad: {  	[dreg:$0x0] =	wrdreg $0x60  }
0xae: {  	[dreg:$0x2] =	wrdreg s24  }
0xaf: {  	[dreg:$0x3] =	wrdreg $0x9  }
0xb0: {  	_ =	task.clear_ibuf [dreg:s6], $0x4FFFF;
	_ =	strace $0x90000046  }
0xb1: {  	s29 =	simm.s32 $0x9;
	_ =	strace $0x80000048  }
0xb2: {  	_ =	swait.ge [sflag:s29], $0x1  }
0xb3: {  	[sflag:s29] =	ssyncadd.s32 $0xFFFFFFFF  }
0xb4: {  	_ =	strace $0x90000048  }
0xb5: {  	_ =	sfence  }
0xb6: {  	s30 =	sld [smem:$0x0];
	_ =	sdelay $0x2  }
0xb7: {  	s31 =	sshll.u32 s1, $0xD;
	s1 =	sshrl.u32 s1, $0x2  }
0xb8: {  	s3 =	sand.u32 $0x4000, s31;
	s1 =	sadd.s32 s1, s30  }
0xb9: {  	s0 =	sor.u32 s3, s0;
	s1 =	sshll.u32 s1, $0x11  }
0xba: {  	s0 =	sor.u32 s1, s0  }
0xbb: {  	s0 =	sadd.s32 $0x8F2B, s0  }
0xbc: {  	[sflag:s0] =	ssyncadd.remote.s32 $0x1  }
0xbd: {  	_ =	sfence.sel $0xFFFF  }
0xbe: {  	[dreg:$0x0] =	wrdreg $0xFFFFFFFF;
	(pc) =	sbr.abs _section_cstart, $3  }
0xbf: {  	[dreg:$0x1] =	wrdreg $0xFFFFFFFF  }
0xc0: {  	_ =	task.clear_ibuf [dreg:s6], $0x2FFFF;
	_ =	strace $0x9FFFFFFF  }
0xc1: {  	(tm) =	ssettm $0x7FFFFFFF  }
tec
execute0_lowered:
.L_overlay_start_1:
0x0: {  	(tag) =	ssettag $0x1  }
0x1: {  	s1 =	srdreg.scid;
	s0 =	stileid.u32  }
0x2: {  	s6 =	rddreg [dreg:$0x0];
	s3 =	simm.s32 $0x0;
	s10 =	simm.s32 $0x1  }
0x3: {  	s11 =	simm.s32 $0x1500;
	s12 =	simm.s32 $0x80;
	s13 =	simm.s32 $0x2A00  }
0x4: {  	s14 =	simm.s32 $0x3200;
	s4 =	sand.u32 $0x1, s1;
	s31 =	sshll.u32 s0, $0x1  }
0x5: {  	s15 =	simm.s32 $0x3A00;
	s16 =	simm.s32 $0x0;
	s1 =	sor.u32 s4, s31  }
0x6: {  	[smem:$0x7FF] =	sst s3;
	s7 =	ssub.s32 $0x2, s4;
	s2 =	smul.u32 $0x1500, s1  }
0x7: {  	s4 =	sadd.s32 $0x3E4800, s6;
	s1 =	rddreg [dreg:$0x1];
	s9 =	sshrl.u32 s7, $0x1  }
0x8: {  	_ =	strace $0x80000047;
	s9 =	ssub.s32 s7, s9;
	s5 =	sshrl.u32 s2, $0x3  }
0x9: {  	v0 =	vimm.f32 $0.0e+00;
	vm0 =	vcmask $0x2B28;
	s8 =	sadd.s32 s5, s6;
	s5 =	sadd.s32 $0x3DF800, s6;
	s6 =	sadd.s32 $0x3F4000, s6  }
0xa: {  	v0 =	vsel vm0, $0x3F800000, v0;
	vm0 =	vmmov $0x3ff;
	s9 =	smax.u32 s9, $0x1;
	s7 =	sadd.s32 $0x3EEC00, s8;
	s8 =	sadd.s32 $0x3E9800, s8  }
.LBB2_1:
0xb: {  	[tilespmem:s3], [sflag:$0x1] =	stream.linear.gather [hbm4b:s7+s3], $0x1500, $0x38;
	[tilespmem:$0x4200] =	vst v63  }
0xc: {  	_ =	swait.ge [sflag:s10], $0x1500  }
0xd: {  	[sflag:s10] =	ssyncset.done $0x0  }
0xe: {  	[sflag:s10] =	ssyncadd.s32 $0xFFFFEB00  }
0xf: {  	[tilespmem:s11], [sflag:$0x1] =	stream.linear.gather [hbm4b:s8+s3], $0x1500, $0x38;
	[tilespmem:$0x4200] =	vst v63  }
0x10: {  	_ =	swait.ge [sflag:s10], $0x1500  }
0x11: {  	[sflag:s10] =	ssyncset.done $0x0  }
0x12: {  	s17 =	simm.s32 $0x0;
	[sflag:s10] =	ssyncadd.s32 $0xFFFFEB00  }
.LBB2_2:
0x13: {  	s18 =	sshll.u32 s17, $0x7  }
0x14: {  	[tilespmem:s13], [sflag:$0x1] =	stream.indirect.gather [hbm4b:s4+s12], $0x10, s18, s12, $0xb8;
	[tilespmem:$0x4200] =	vst v63  }
0x15: {  	_ =	swait.ge [sflag:s10], $0x800  }
0x16: {  	[sflag:s10] =	ssyncset.done $0x0  }
0x17: {  	s19 =	sadd.s32 $0x1500, s18;
	[sflag:s10] =	ssyncadd.s32 $0xFFFFF800  }
0x18: {  	[tilespmem:s14], [sflag:$0x1] =	stream.indirect.gather [hbm4b:s5+s12], $0x10, s19, s12, $0xb8;
	[tilespmem:$0x4200] =	vst v63  }
0x19: {  	_ =	swait.ge [sflag:s10], $0x800  }
0x1a: {  	[sflag:s10] =	ssyncset.done $0x0  }
0x1b: {  	s20 =	simm.s32 $0x0;
	[sflag:s10] =	ssyncadd.s32 $0xFFFFF800  }
0x1c: {  	v1 =	vld [tilespmem:s20+$0x2A00]  }
0x1d: {  	v2 =	vld [tilespmem:s20+$0x3200];
	_ =	sdelay $0x4  }
0x1e: {  	v1 =	vadd.f32 v2, v1  }
0x1f: {  	s19 =	simm.s32 $0x10  }
0x20: {  	v3 =	vld [tilespmem:s19+$0x2A00];
	v2 =	vmul.f32 $2.000000030e-01, v1  }
0x21: {  	v4 =	vld [tilespmem:s19+$0x3200];
	vm1 =	vge.f32 v1, $0.0e+00  }
0x22: {  	v1 =	vsel vm1, v1, v2  }
0x23: {  	s21 =	simm.s32 $0x20;
	v1 =	vmul.f32 $1.442695020e+00, v1  }
0x24: {  	v2 =	vld [tilespmem:s21+$0x2A00]  }
0x25: {  	(erf) = vpow2.f32 v1;
	v1 =	vld [tilespmem:s21+$0x3200]  }
0x26: {  	v3 =	vadd.f32 v4, v3;
	_ =	sdelay $0x1  }
0x27: {  	v4 =	vmul.f32 $2.000000030e-01, v3  }
0x28: {  	vm1 =	vge.f32 v3, $0.0e+00  }
0x29: {  	v5 =	vadd.f32 v1, v2;
	v1 =	vsel vm1, v3, v4  }
0x2a: {  	s22 =	simm.s32 $0x30;
	v2 =	vmul.f32 $1.442695020e+00, v1  }
0x2b: {  	v1 =	vld [tilespmem:s22+$0x2A00];
	v3 =	vmul.f32 $2.000000030e-01, v5  }
0x2c: {  	(erf) = vpow2.f32 v2;
	v2 =	vld [tilespmem:s22+$0x3200];
	_ =	sdelay $0x1  }
0x2d: {  	vm1 =	vge.f32 v5, $0.0e+00  }
0x2e: {  	s23 =	simm.s32 $0x100;
	v4 =	vsel vm1, v5, v3;
	v3 =	vpop (erf)  }
.LBB2_3:
0x2f: {  	s24 =	sshra.s32 s23, $0x2;
	v4 =	vmul.f32 $1.442695020e+00, v4;
	v3 =	vsel vm0, v3, v0;
	p0 =	sne.s32 s23, $0x1FC0  }
.Ltmp0:
0x30: {  	s23 =	sadd.s32 $0x40, s23;
	v5 =	vadd.f32 v2, v1;
	v1 =	vld [tilespmem:s24+$0x2A00];
	[tilespmem:s20+$0x3A00] =	vst v3;
	(pc) =	sbr.rel @p0 .LBB2_3-.Ltmp0, $4  }
0x31: {  	s20 =	smov.u32 s19;
	s19 =	smov.u32 s21;
	s21 =	smov.u32 s22;
	v2 =	vld [tilespmem:s24+$0x3200];
	(erf) = vpow2.f32 v4  }
0x32: {  	s22 =	smov.u32 s24;
	v6 =	vmul.f32 $2.000000030e-01, v5  }
0x33: {  	vm1 =	vge.f32 v5, $0.0e+00  }
0x34: {  	v4 =	vsel vm1, v5, v6;
	v3 =	vpop (erf)  }
0x35: {  	_ = 	snop  }
0x36: {  	v1 =	vadd.f32 v2, v1;
	_ =	sdelay $0x1  }
0x37: {  	v2 =	vmul.f32 $2.000000030e-01, v1  }
0x38: {  	vm1 =	vge.f32 v1, $0.0e+00  }
0x39: {  	v1 =	vsel vm1, v1, v2;
	v2 =	vmul.f32 $1.442695020e+00, v4  }
0x3a: {  	v1 =	vmul.f32 $1.442695020e+00, v1  }
0x3b: {  	(erf) = vpow2.f32 v2  }
0x3c: {  	(erf) = vpow2.f32 v1;
	_ =	sdelay $0x4  }
0x3d: {  	v2 =	vsel vm0, v3, v0;
	_ =	sdelay $0x1  }
0x3e: {  	v1 =	vpop (erf)  }
0x3f: {  	[tilespmem:s20+$0x3A00] =	vst v2;
	v1 =	vsel vm0, v1, v0;
	v2 =	vpop (erf)  }
0x40: {  	s18 =	sadd.s32 s2, s18;
	s17 =	sadd.s32 $0x1, s17;
	[tilespmem:s19+$0x3A00] =	vst v1;
	v1 =	vsel vm0, v2, v0;
	v2 =	vpop (erf)  }
0x41: {  	s18 =	sshll.u32 s18, $0x1;
	p0 =	sne.s32 s17, $0x2A;
	[tilespmem:s21+$0x3A00] =	vst v1;
	v1 =	vsel vm0, v2, v0  }
.Ltmp1:
0x42: {  	s18 =	sadd.s32 s6, s18;
	[tilespmem:s22+$0x3A00] =	vst v1;
	(pc) =	sbr.rel @p0 .LBB2_2-.Ltmp1, $4  }
0x43: {  	[hbm4b:s18+s3] =	stream.linear.scatter [tilespmem:s15], [sflag:$0x1], $0x800, $0x38;
	[tilespmem:$0x4200] =	vst v63  }
0x44: {  	_ =	swait.ge [sflag:s10], $0x800  }
0x45: {  	[sflag:s10] =	ssyncset.done $0x0  }
0x46: {  	[sflag:s10] =	ssyncadd.s32 $0xFFFFF800  }
0x47: {  	s16 =	sadd.s32 $0x1, s16  }
0x48: {  	p0 =	sne.s32 s16, s9  }
.Ltmp2:
0x49: {  	_ = 	snop;
	(pc) =	sbr.rel @p0 .LBB2_1-.Ltmp2, $1  }
0x4a: {  	_ =	sdelay $0x3  }
0x4b: {  	_ =	sfence.sel $0x180000  }
0x4c: {  	[bflag:$0x0] =	sbarrier.arrive $0xFFFF  }
0x4d: {  	p0 =	sne.s32 s0, $0x0;
	_ =	strace $0x90000047  }
0x4e: {  	s0 =	sadd.s32 @!p0 $0x100000, s1;
	[bflag:$0x2] =	sbarrier.arrive $0xFFFF  }
0x4f: {  	[sflag:s0] =	ssyncadd.tile.s32 @!p0 $0x1;
	_ =	shalt  }
.Lfunc_end2:
_tile_overlayer_lowered:
.L_overlay_start_2:
0x50: {  	(tag) =	ssettag $0x2  }
0x51: {  	s0 =	rddreg [dreg:$0x0];
	s2 =	stileid.u32  }
0x52: {  	s1 =	rddreg [dreg:$0x1];
	p0 =	sne.s32 s2, $0x0  }
0x53: {  	s3 =	rddreg [dreg:$0x2];
	[bflag:$0x3] =	sbarrier.arrive $0xFFFF;
	s2 =	simm.s32 @!p0 $0x1C01  }
0x54: {  	[timem:s3], [sflag:s2] =	dma.local @!p0 [hbm:s0], s1  }
0x55: {  	s0 =	simm.s32 @!p0 $0x1  }
0x56: {  	_ =	swait.ge @!p0 [sflag:s0], s1  }
0x57: {  	s1 =	ssub.s32 @!p0 $0x0, s1;
	[sflag:s0] =	ssyncset.done @!p0 $0x0  }
0x58: {  	[sflag:s0] =	ssyncadd.s32 @!p0 s1  }
0x59: {  	[bflag:$0x3] =	sbarrier.arrive $0xFFFF  }
0x5a: {  	_ =	shalt  }

// kernel: kernel.13.cloned.1.call-start
scs
__scs_entry_jumppad:
0x0: {  	(pc) =	sbr.rel $0x88, $3  }
0x1: {  	(tag) =	ssettag $0x0;
	lr =	simm.s32 $0x1  }
0x2: {  	[smem:$0x3F89] =	sst lr;
	_ =	strace $0xD0000000  }
0x3: {  	_ = 	snop  }
0x4: {  	_ = 	snop  }
0x5: {  	_ = 	snop  }
0x6: {  	_ = 	snop  }
0x7: {  	_ = 	snop  }
__scs_overlays_trampoline_lowered:
0x8: {  	[smem:$0x3F98] =	sst s0  }
0x9: {  	[smem:$0x3F99] =	sst s1  }
0xa: {  	[smem:$0x3F9A] =	sst s2  }
0xb: {  	[smem:$0x3F9B] =	sst s3  }
0xc: {  	[smem:$0x3F9C] =	sst s4  }
0xd: {  	[smem:$0x3F9D] =	sst s5  }
0xe: {  	[smem:$0x3F9E] =	sst s6  }
0xf: {  	[smem:$0x3F9F] =	sst s7  }
0x10: {  	[smem:$0x3FA0] =	sst s8  }
0x11: {  	[smem:$0x3FA1] =	sst s9;
	s0 =	simm.s32 @!p0 $0x0  }
0x12: {  	s1 =	sld [smem:$0x3F87];
	s0 =	simm.s32 @p0 $0x1  }
0x13: {  	[smem:$0x3FA2] =	sst s0;
	s0 =	simm.s32 @!p1 $0x0  }
0x14: {  	s2 =	sld [smem:$0x3F86];
	s0 =	simm.s32 @p1 $0x1  }
0x15: {  	[smem:$0x3FA3] =	sst s0;
	s0 =	simm.s32 @!p2 $0x0  }
0x16: {  	s3 =	sld [smem:$0x3FDB];
	s0 =	simm.s32 @p2 $0x1  }
0x17: {  	s4 =	simm.s32 $0x1BF5;
	[smem:$0x3FA5] =	sst s0  }
0x18: {  	s0 =	sld [smem:$0x3F88];
	_ =	swait.ge [sflag:s4], $0x0  }
0x19: {  	s7 =	sld [smem:$0x3F89]  }
0x1a: {  	s8 =	sadd.s32 $0xFFFFE003, lr  }
0x1b: {  	s9 =	sadd.s32 $0xFFFFFEF7, lr;
	s5 =	simm.s32 $0xFFFFFFFF;
	p2 =	slt.u32 s8, $0xFFFFF086  }
0x1c: {  	p1 =	slt.u32 s9, $0xF7A;
	s5 =	simm.s32 @!p2 $0x0  }
0x1d: {  	s5 =	simm.s32 @p1 $0x1;
	p0 =	seq.s32 s7, s2  }
0x1e: {  	s7 =	smul.u32 @!p0 $0xF7A, s2;
	p2 =	seq.s32 @!p0 s5, $0x0  }
0x1f: {  	s9 =	smul.u32 $0xF7A, s1;
	s8 =	simm.s32 @!p0 $0x1BF5;
	p2 =	por !p2, p0  }
0x20: {  	[sflag:s8] =	ssyncset.s32 @!p0 $0xFFFFF086;
	s6 =	sadd.s32 @!p0 s3, s7;
	s7 =	simm.s32 @!p0 $0x108  }
0x21: {  	s3 =	sadd.s32 s3, s9;
	s6 =	sadd.s32 @!p0 $0x88, s6;
	s7 =	simm.s32 @p2 $0x1082  }
0x22: {  	[simem:s7], [sflag:s8] =	dma.local @!p0 [hbm:s6], $0xF7A  }
0x23: {  	s9 =	sor.u32 $0xD0000000, s2;
	s6 =	simm.s32 $0x108;
	_ =	swait.ge @!p0 [sflag:s8], $0x0  }
0x24: {  	s3 =	sadd.s32 $0x88, s3;
	s6 =	simm.s32 @!p1 $0x1082;
	[sflag:s4] =	ssyncset.s32 $0xFFFFF086  }
0x25: {  	[simem:s6], [sflag:s4] =	dma.local [hbm:s3], $0xF7A  }
0x26: {  	[smem:$0x3F89] =	sst s1;
	(tag) =	ssettag s2;
	_ =	strace s9  }
0x27: {  	s1 =	sld [smem:$0x3F99]  }
0x28: {  	s2 =	sld [smem:$0x3F9A]  }
0x29: {  	s4 =	sld [smem:$0x3F9C]  }
0x2a: {  	p0 =	seq.s32 s5, $0x0;
	s5 =	sld [smem:$0x3F9D]  }
0x2b: {  	s6 =	sld [smem:$0x3F9E]  }
0x2c: {  	s7 =	sld [smem:$0x3F9F]  }
0x2d: {  	s3 =	simm.s32 $0x108;
	s8 =	sld [smem:$0x3FA0]  }
0x2e: {  	s3 =	simm.s32 @!p0 $0x1082;
	s9 =	sld [smem:$0x3FA1]  }
0x2f: {  	lr =	sadd.s32 s0, s3;
	s0 =	sld [smem:$0x3F98]  }
0x30: {  	s3 =	sld [smem:$0x3F9B]  }
0x31: {  	[smem:$0x3FA4] =	sst s10  }
0x32: {  	s10 =	sld [smem:$0x3FA2];
	_ =	sdelay $0x3  }
0x33: {  	p0 =	seq.s32 s10, $0x1;
	s10 =	sld [smem:$0x3FA4];
	_ =	sdelay $0x3  }
0x34: {  	[smem:$0x3FA4] =	sst s10  }
0x35: {  	s10 =	sld [smem:$0x3FA3];
	_ =	sdelay $0x3  }
0x36: {  	p1 =	seq.s32 s10, $0x1;
	s10 =	sld [smem:$0x3FA4];
	_ =	sdelay $0x3  }
0x37: {  	[smem:$0x3FA4] =	sst s10  }
0x38: {  	s10 =	sld [smem:$0x3FA5]  }
0x39: {  	_ = 	snop;
	(pc) =	sbr.ind lr, $3  }
0x3a: {  	_ = 	snop  }
0x3b: {  	_ = 	snop  }
0x3c: {  	p2 =	seq.s32 s10, $0x1;
	s10 =	sld [smem:$0x3FA4]  }
0x3d: {  	_ =	shalt  }
0x3e: {  	_ =	shalt  }
0x3f: {  	_ =	shalt  }
0x40: {  	_ =	shalt  }
0x41: {  	_ =	shalt  }
0x42: {  	_ =	shalt  }
0x43: {  	_ =	shalt  }
0x44: {  	_ =	shalt  }
0x45: {  	_ =	shalt  }
0x46: {  	_ =	shalt  }
0x47: {  	_ =	shalt  }
0x48: {  	_ =	shalt  }
0x49: {  	_ =	shalt  }
0x4a: {  	_ =	shalt  }
0x4b: {  	_ =	shalt  }
0x4c: {  	_ =	shalt  }
0x4d: {  	_ =	shalt  }
0x4e: {  	_ =	shalt  }
0x4f: {  	_ =	shalt  }
0x50: {  	_ =	shalt  }
0x51: {  	_ =	shalt  }
0x52: {  	_ =	shalt  }
0x53: {  	_ =	shalt  }
0x54: {  	_ =	shalt  }
0x55: {  	_ =	shalt  }
0x56: {  	_ =	shalt  }
0x57: {  	_ =	shalt  }
0x58: {  	_ =	shalt  }
0x59: {  	_ =	shalt  }
0x5a: {  	_ =	shalt  }
0x5b: {  	_ =	shalt  }
0x5c: {  	_ =	shalt  }
0x5d: {  	_ =	shalt  }
0x5e: {  	_ =	shalt  }
0x5f: {  	_ =	shalt  }
0x60: {  	_ =	shalt  }
0x61: {  	_ =	shalt  }
0x62: {  	_ =	shalt  }
0x63: {  	_ =	shalt  }
0x64: {  	_ =	shalt  }
0x65: {  	_ =	shalt  }
0x66: {  	_ =	shalt  }
0x67: {  	_ =	shalt  }
0x68: {  	_ =	shalt  }
0x69: {  	_ =	shalt  }
0x6a: {  	_ =	shalt  }
0x6b: {  	_ =	shalt  }
0x6c: {  	_ =	shalt  }
0x6d: {  	_ =	shalt  }
0x6e: {  	_ =	shalt  }
0x6f: {  	_ =	shalt  }
0x70: {  	_ =	shalt  }
0x71: {  	_ =	shalt  }
0x72: {  	_ =	shalt  }
0x73: {  	_ =	shalt  }
0x74: {  	_ =	shalt  }
0x75: {  	_ =	shalt  }
0x76: {  	_ =	shalt  }
0x77: {  	_ =	shalt  }
0x78: {  	_ =	shalt  }
0x79: {  	_ =	shalt  }
0x7a: {  	_ =	shalt  }
0x7b: {  	_ =	shalt  }
0x7c: {  	_ =	shalt  }
0x7d: {  	_ =	shalt  }
0x7e: {  	_ =	shalt  }
0x7f: {  	_ =	shalt  }
0x80: {  	_ =	shalt  }
0x81: {  	_ =	shalt  }
0x82: {  	_ =	shalt  }
0x83: {  	_ =	shalt  }
0x84: {  	_ =	shalt  }
0x85: {  	_ =	shalt  }
0x86: {  	_ =	shalt  }
0x87: {  	_ =	shalt  }
.Lfunc_end0:
.L_simem_size_0:
called_computation.1_lowered:
.L_overlay_start_0:
0x88: {  	s2 =	sld [smem:$0x3FD9]  }
0x89: {  	s3 =	sld [smem:$0x3FFE];
	_ =	sdelay $0x1  }
0x8a: {  	s1 =	srdreg.scid  }
0x8b: {  	s0 =	sand.u32 $0x1, s1  }
0x8c: {  	s16 =	sshll.u32 s0, $0xA;
	s2 =	sadd.s32 s3, s2  }
0x8d: {  	s2 =	sadd.s32 s2, s16  }
0x8e: {  	[smem:$0x3FB0] =	sst s2  }
0x8f: {  	_ = 	snop  }
0x90: {  	(tm) =	ssettm $0x1  }
0x91: {  	s17 =	sld [smem:$0x3FFB];
	_ =	sdelay $0x3  }
0x92: {  	_ =	strace s17  }
0x93: {  	s2 =	sld [smem:$0x3FFC];
	_ =	sdelay $0x3  }
0x94: {  	_ =	strace s2  }
0x95: {  	s2 =	sld [smem:$0x3FFD];
	_ =	sdelay $0x3  }
0x96: {  	_ =	strace s2  }
0x97: {  	_ =	strace $0x8FFFFFFF  }
0x98: {  	s18 =	sld [smem:$0x3FDB];
	_ =	sdelay $0x1  }
0x99: {  	s19 =	simm.s32 $_scs_section_size  }
0x9a: {  	s4 =	simm.s32 $_size__tile_overlayer_lowered;
	s5 =	simm.s32 $_tile_overlayer_lowered  }
0x9b: {  	s22 =	simm.s32 $0x1BFF;
	s21 =	sshll.u32 s5, $0x1;
	s2 =	sadd.s32 s19, s18  }
0x9c: {  	s6 =	simm.s32 $0x0;
	s20 =	sshll.u32 s4, $0x1;
	s4 =	sadd.s32 s21, s2  }
0x9d: {  	[timem:s6], [sflag:s22] =	dma.local [hbm:s4], s20  }
0x9e: {  	_ =	swait.ge [sflag:s22], s20  }
0x9f: {  	s3 =	ssub.s32 $0x0, s20;
	[sflag:s22] =	ssyncset.done $0x0  }
0xa0: {  	[sflag:s22] =	ssyncadd.s32 s3;
	_ =	sdelay $0x1  }
0xa1: {  	s23 =	simm.s32 $0x1B8B  }
0xa2: {  	_ =	swait.ge [sflag:s23], $0x1  }
0xa3: {  	[sflag:s23] =	ssyncset.done $0x0  }
0xa4: {  	s25 =	simm.s32 $0x1B8E;
	s24 =	sld [smem:$0x3FFE];
	[sflag:s23] =	ssyncadd.s32 $0xFFFFFFFF  }
0xa5: {  	s26 =	simm.s32 $execute0_lowered;
	[smem:$0x3FD2] =	sst s25  }
0xa6: {  	s4 =	sshll.u32 s26, $0x1;
	_ =	strace $0x80000049;
	[dreg:$0x1] =	wrdreg $0xFFFFFFFF  }
0xa7: {  	s28 =	simm.s32 $_size_execute0_lowered;
	s2 =	sadd.s32 s2, s4;
	[dreg:$0x0] =	wrdreg $0x0  }
0xa8: {  	s4 =	sshll.u32 s28, $0x1;
	[dreg:$0x2] =	wrdreg s2  }
0xa9: {  	[dreg:$0x3] =	wrdreg s4  }
0xaa: {  	[dreg:$0x4] =	wrdreg $0xC0  }
0xab: {  	_ =	task [dreg:s6], $0x5FFFF  }
0xac: {  	[dreg:$0x1] =	wrdreg $0xFFFFFFFF  }
0xad: {  	[dreg:$0x0] =	wrdreg $0x60  }
0xae: {  	[dreg:$0x2] =	wrdreg s24  }
0xaf: {  	[dreg:$0x3] =	wrdreg $0x169800  }
0xb0: {  	[dreg:$0x4] =	wrdreg $0x11A800  }
0xb1: {  	[dreg:$0x5] =	wrdreg $0x9  }
0xb2: {  	_ =	task.clear_ibuf [dreg:s6], $0x6FFFF;
	_ =	strace $0x90000049  }
0xb3: {  	s29 =	simm.s32 $0x9;
	_ =	strace $0x8000004B  }
0xb4: {  	_ =	swait.ge [sflag:s29], $0x1  }
0xb5: {  	[sflag:s29] =	ssyncadd.s32 $0xFFFFFFFF  }
0xb6: {  	_ =	strace $0x9000004B  }
0xb7: {  	_ =	sfence  }
0xb8: {  	s30 =	sld [smem:$0x0];
	_ =	sdelay $0x2  }
0xb9: {  	s31 =	sshll.u32 s1, $0xD;
	s1 =	sshrl.u32 s1, $0x2  }
0xba: {  	s3 =	sand.u32 $0x4000, s31;
	s1 =	sadd.s32 s1, s30  }
0xbb: {  	s0 =	sor.u32 s3, s0;
	s1 =	sshll.u32 s1, $0x11  }
0xbc: {  	s0 =	sor.u32 s1, s0  }
0xbd: {  	s0 =	sadd.s32 $0x8F2B, s0  }
0xbe: {  	[sflag:s0] =	ssyncadd.remote.s32 $0x1  }
0xbf: {  	_ =	sfence.sel $0xFFFF  }
0xc0: {  	[dreg:$0x0] =	wrdreg $0xFFFFFFFF;
	(pc) =	sbr.abs _section_cstart, $3  }
0xc1: {  	[dreg:$0x1] =	wrdreg $0xFFFFFFFF  }
0xc2: {  	_ =	task.clear_ibuf [dreg:s6], $0x2FFFF;
	_ =	strace $0x9FFFFFFF  }
0xc3: {  	(tm) =	ssettm $0x7FFFFFFF  }
tec
execute0_lowered:
.L_overlay_start_1:
0x0: {  	(tag) =	ssettag $0x1  }
0x1: {  	s0 =	rddreg [dreg:$0x0]  }
0x2: {  	s2 =	rddreg [dreg:$0x1]  }
0x3: {  	s3 =	rddreg [dreg:$0x2]  }
0x4: {  	s17 =	simm.s32 $0x0;
	s1 =	stileid.u32;
	s7 =	srdreg.scid  }
0x5: {  	s18 =	simm.s32 $0x2;
	s22 =	simm.s32 $0x80;
	s23 =	simm.s32 $0x5400  }
0x6: {  	s28 =	simm.s32 $0x1;
	s29 =	simm.s32 $0x7400;
	s4 =	smul.u32 $0x540, s1  }
0x7: {  	s30 =	simm.s32 $0x8400;
	s20 =	simm.s32 $0x0;
	s5 =	smul.u32 $0x2780, s1  }
0x8: {  	[smem:$0x7FF] =	sst s17;
	s6 =	sadd.s32 $0x448000, s0;
	s13 =	smul.u32 $0x13C00, s1  }
0x9: {  	s7 =	sand.u32 $0x1, s7;
	s8 =	sadd.s32 $0x4000, s0;
	s25 =	smul.u32 $0x4F00, s1  }
0xa: {  	s14 =	smul.u32 $0x2A000, s1;
	_ =	strace $0x8000004A;
	[dreg:$0x5] =	wrdreg s6  }
0xb: {  	s6 =	sadd.s32 $0x3F4000, s0;
	s24 =	ssub.s32 $0x2, s7;
	s12 =	smul.u32 $0xD, s7  }
0xc: {  	s4 =	sadd.s32 s4, s0;
	s9 =	sshrl.u32 s5, $0x3;
	s10 =	sshrl.u32 s24, $0x1  }
0xd: {  	s26 =	sshrl.u32 s13, $0x2;
	s15 =	sshrl.u32 s25, $0x3;
	s0 =	sadd.s32 s9, s0  }
.Ltmp0:
0xe: {  	s11 =	sadd.s32 $0x3EEC00, s4;
	s9 =	ssub.s32 s24, s10;
	(pc) =	sbr.rel .LBB2_1-.Ltmp0, $4  }
0xf: {  	s4 =	sadd.s32 $0x3E9800, s4;
	s13 =	sadd.s32 s26, s3;
	[dreg:$0x6] =	wrdreg s11  }
0x10: {  	s24 =	simm.s32 $0x6400;
	s26 =	simm.s32 $0x3;
	[dreg:$0x7] =	wrdreg s4  }
0x11: {  	s11 =	sadd.s32 s5, s2;
	s4 =	sadd.s32 s25, s3;
	s31 =	smax.u32 s9, $0x1  }
0x12: {  	v0 =	vimm.f32 $0.0e+00;
	v1 =	vlaneseq.u32;
	s16 =	sadd.s32 $0xFAE00, s0;
	[dreg:$0x8] =	wrdreg s31;
	s25 =	sshrl.u32 s4, $0x3  }
.LBB2_13:
0x13: {  	s17 =	rddreg [dreg:$0x4]  }
0x14: {  	s0 =	rddreg [dreg:$0x8];
	s17 =	sadd.s32 $0x1, s17  }
0x15: {  	p0 =	sne.s32 s17, s0  }
.Ltmp1:
0x16: {  	_ = 	snop;
	(pc) =	sbr.rel @!p0 .LBB2_14-.Ltmp1, $1  }
0x17: {  	_ =	sdelay $0x3  }
.LBB2_1:
0x18: {  	s0 =	simm.s32 $0xA410  }
0x19: {  	[tilespmem:s0+$0xFFFFFFF0] =	vst v0  }
0x1a: {  	[dreg:$0x4] =	wrdreg s17;
	s4 =	simm.s32 $0x40;
	s5 =	simm.s32 $0x0;
	[tilespmem:s0+$0x0] =	vst v0  }
.LBB2_2:
0x1b: {  	p0 =	sne.s32 s4, $0x9DC0  }
0x1c: {  	[tilespmem:s5+$0xF300] =	vst v0;
	s0 =	sadd.s32 $0x20, s0;
	s5 =	smov.u32 s4;
	s4 =	sadd.s32 $0x40, s4  }
.Ltmp2:
0x1d: {  	[tilespmem:s0+$0xFFFFFFF0] =	vst v0;
	(pc) =	sbr.rel @p0 .LBB2_2-.Ltmp2, $2  }
0x1e: {  	_ =	sdelay $0x2  }
0x1f: {  	s5 =	sshra.s32 s5, $0x2;
	[tilespmem:s0+$0x0] =	vst v0  }
0x20: {  	[tilespmem:s5+$0xF300] =	vst v0;
	s31 =	simm.s32 $0x0;
	s0 =	rddreg [dreg:$0x6]  }
0x21: {  	[tilespmem:s31], [sflag:$0x2] =	stream.linear.gather [hbm4b:s0+s31], $0x2A00, $0x38;
	[tilespmem:$0x19100] =	vst v63  }
0x22: {  	_ =	swait.ge [sflag:s18], $0x2A00  }
0x23: {  	[sflag:s18] =	ssyncset.done $0x0  }
0x24: {  	s4 =	simm.s32 $0x2A00;
	s19 =	rddreg [dreg:$0x7];
	[sflag:s18] =	ssyncadd.s32 $0xFFFFD600  }
0x25: {  	[tilespmem:s4], [sflag:$0x2] =	stream.linear.gather [hbm4b:s19+s31], $0x2A00, $0x38;
	[tilespmem:$0x19100] =	vst v63  }
0x26: {  	_ =	swait.ge [sflag:s18], $0x2A00  }
0x27: {  	[sflag:s18] =	ssyncset.done $0x0  }
.Ltmp3:
0x28: {  	s21 =	simm.s32 $0xF300;
	[sflag:s18] =	ssyncadd.s32 $0xFFFFD600;
	(pc) =	sbr.rel .LBB2_4-.Ltmp3, $4  }
0x29: {  	[spmem:s11] =	stream.linear.scatter [tilespmem:s21], [sflag:$0x2], $0x2780, $0x38;
	[tilespmem:$0x19100] =	vst v63  }
0x2a: {  	_ =	swait.ge [sflag:s18], $0x2780  }
0x2b: {  	[sflag:s18] =	ssyncset.done $0x0  }
0x2c: {  	[sflag:s18] =	ssyncadd.s32 $0xFFFFD880  }
.LBB2_15:
0x2d: {  	[bflag:$0x0] =	sbarrier.arrive $0xFFFF  }
0x2e: {  	[bflag:$0x0] =	sbarrier.arrive $0xFFFF  }
.LBB2_12:
0x2f: {  	s0 =	sor.u32 s7, s31  }
0x30: {  	p0 =	sne.s32 s0, $0x0  }
0x31: {  	s0 =	sshll.u32 @!p0 s1, $0x6  }
0x32: {  	s4 =	sshrl.u32 @!p0 s11, $0x3;
	s0 =	sor.u32 @!p0 $0x1C02, s0  }
0x33: {  	[hbm:s16], [sflag:s0] =	dma.local @!p0 [spmem:s4], $0x4F0  }
0x34: {  	s0 =	simm.s32 @!p0 $0x2  }
0x35: {  	_ =	swait.ge @!p0 [sflag:s0], $0x4F0  }
0x36: {  	s31 =	sadd.s32 $0x1, s31;
	[sflag:s0] =	ssyncset.done @!p0 $0x0  }
0x37: {  	[sflag:s0] =	ssyncadd.s32 @!p0 $0xFFFFFB10;
	p0 =	sne.s32 s31, $0xD  }
.Ltmp4:
0x38: {  	_ = 	snop;
	(pc) =	sbr.rel @!p0 .LBB2_13-.Ltmp4, $2  }
0x39: {  	_ =	sdelay $0x1  }
0x3a: {  	[bflag:$0x0] =	sbarrier.arrive $0xFFFF;
	_ =	sdelay $0x1  }
.LBB2_4:
0x3b: {  	s0 =	sadd.s32 s12, s31  }
0x3c: {  	p0 =	sgt.u32 s0, $0x18  }
.Ltmp5:
0x3d: {  	_ = 	snop;
	(pc) =	sbr.rel @p0 .LBB2_15-.Ltmp5, $1  }
0x3e: {  	_ =	sdelay $0x3  }
0x3f: {  	s5 =	simm.s32 $0xA400  }
0x40: {  	[spmem:s13] =	stream.linear.scatter [tilespmem:s5], [sflag:$0x2], $0x4F00, $0x38;
	[tilespmem:$0x19100] =	vst v63  }
0x41: {  	s4 =	sshll.u32 s0, $0x5;
	_ =	swait.ge [sflag:s18], $0x4F00  }
0x42: {  	v2 =	vor.u32 s4, v1;
	s4 =	sor.u32 $0x10, s4;
	[sflag:s18] =	ssyncset.done $0x0  }
0x43: {  	v2 =	vmulhi.u32 $0xD20D20D3, v2;
	v3 =	vor.u32 s4, v1;
	[sflag:s18] =	ssyncadd.s32 $0xFFFFB100  }
0x44: {  	s0 =	smul.u32 $0x9E00, s0;
	v3 =	vmulhi.u32 $0xD20D20D3, v3;
	[bflag:$0x0] =	sbarrier.arrive $0xFFFF  }
0x45: {  	s21 =	rddreg [dreg:$0x5]  }
0x46: {  	p0 =	sne.s32 s31, $0x0;
	s9 =	simm.s32 $0x0;
	v2 =	vshrl.u32 v2, $0x6;
	v3 =	vshrl.u32 v3, $0x6;
	s19 =	sadd.s32 s21, s0  }
.LBB2_6:
0x47: {  	s17 =	sshll.u32 s9, $0x8;
	s4 =	sshll.u32 s9, $0xC  }
0x48: {  	[tilespmem:s23], [sflag:$0x1] =	stream.indirect.gather [hbm4b:s19+s22], $0x20, s17, s22, $0xb8;
	[tilespmem:$0x19100] =	vst v63  }
0x49: {  	s4 =	sadd.s32 s14, s4  }
0x4a: {  	s10 =	sor.u32 $0x80, s17;
	s4 =	sshrl.u32 s4, $0x3  }
0x4b: {  	[tilespmem:s24], [sflag:$0x1] =	stream.indirect.gather [hbm4b:s19+s22], $0x20, s10, s22, $0xb8;
	[tilespmem:$0x19100] =	vst v63  }
0x4c: {  	s5 =	sadd.s32 s6, s4;
	s4 =	simm.s32 $0x9400  }
0x4d: {  	[tilespmem:s4], [sflag:$0x3] =	stream.linear.gather [hbm4b:s5+s20], $0x1000, $0x38;
	[tilespmem:$0x19100] =	vst v63  }
0x4e: {  	_ =	swait.ge [sflag:s26], $0x1000  }
0x4f: {  	[sflag:s26] =	ssyncset.done $0x0  }
0x50: {  	[sflag:s26] =	ssyncadd.s32 $0xFFFFF000  }
0x51: {  	_ =	swait.ge [sflag:s28], $0x1000  }
0x52: {  	[sflag:s28] =	ssyncset.done $0x0  }
0x53: {  	[sflag:s28] =	ssyncadd.s32 $0xFFFFF000  }
0x54: {  	_ =	swait.ge [sflag:s28], $0x1000  }
0x55: {  	[sflag:s28] =	ssyncset.done $0x0  }
0x56: {  	[sflag:s28] =	ssyncadd.s32 $0xFFFFF000  }
0x57: {  	s21 =	simm.s32 $0x0;
	s5 =	simm.s32 $0x80;
	v4 =	vld [tilespmem:s4+$0x0]  }
.LBB2_7:
0x58: {  	p1 =	sne.s32 s5, $0x3F80;
	v5 =	vld [tilespmem:s21+$0x5400]  }
0x59: {  	v6 =	vld [tilespmem:s21+$0x5410];
	_ =	sdelay $0x2  }
0x5a: {  	v7 =	vperm.xlane v4, v2;
	v4 =	vperm.xlane v4, v3;
	_ =	sdelay $0x1  }
.Ltmp6:
0x5b: {  	v5 =	vmul.f32 v5, v7;
	v4 =	vmul.f32 v6, v4;
	(pc) =	sbr.rel @p1 .LBB2_7-.Ltmp6, $4  }
0x5c: {  	_ = 	snop  }
0x5d: {  	[tilespmem:s21+$0x7400] =	vst v5  }
0x5e: {  	s4 =	sadd.s32 $0x10, s4;
	[tilespmem:s21+$0x7410] =	vst v4  }
0x5f: {  	s21 =	sshra.s32 s5, $0x2;
	s5 =	sadd.s32 $0x80, s5;
	v4 =	vld [tilespmem:s4+$0x0]  }
0x60: {  	_ = 	snop  }
0x61: {  	v5 =	vld [tilespmem:s21+$0x5400]  }
0x62: {  	v6 =	vld [tilespmem:s21+$0x5410];
	_ =	sdelay $0x1  }
0x63: {  	v7 =	vperm.xlane v4, v2  }
0x64: {  	v4 =	vperm.xlane v4, v3  }
0x65: {  	v5 =	vmul.f32 v5, v7  }
0x66: {  	v4 =	vmul.f32 v6, v4  }
0x67: {  	[tilespmem:s21+$0x7400] =	vst v5  }
0x68: {  	s17 =	sadd.s32 $0x2A00, s17;
	[tilespmem:s21+$0x7410] =	vst v4;
	s21 =	simm.s32 $0x9C00  }
0x69: {  	[spmem:s3] =	stream.indirect.scatter.add.f32 [tilespmem:s29], [sflag:$0x1], $0x20, s17, s22, $0xb8;
	[tilespmem:$0x19100] =	vst v63  }
0x6a: {  	s4 =	simm.s32 $0x0;
	s5 =	simm.s32 $0x80;
	v4 =	vld [tilespmem:s21+$0x0]  }
.LBB2_9:
0x6b: {  	p1 =	sne.s32 s5, $0x3F80;
	v5 =	vld [tilespmem:s4+$0x6400]  }
0x6c: {  	v6 =	vld [tilespmem:s4+$0x6410];
	_ =	sdelay $0x2  }
0x6d: {  	v7 =	vperm.xlane v4, v2;
	v4 =	vperm.xlane v4, v3;
	_ =	sdelay $0x1  }
.Ltmp7:
0x6e: {  	v5 =	vmul.f32 v5, v7;
	v4 =	vmul.f32 v6, v4;
	(pc) =	sbr.rel @p1 .LBB2_9-.Ltmp7, $4  }
0x6f: {  	_ = 	snop  }
0x70: {  	[tilespmem:s4+$0x8400] =	vst v5  }
0x71: {  	s21 =	sadd.s32 $0x10, s21;
	[tilespmem:s4+$0x8410] =	vst v4  }
0x72: {  	s4 =	sshra.s32 s5, $0x2;
	s5 =	sadd.s32 $0x80, s5;
	v4 =	vld [tilespmem:s21+$0x0]  }
0x73: {  	_ = 	snop  }
0x74: {  	v5 =	vld [tilespmem:s4+$0x6400]  }
0x75: {  	v6 =	vld [tilespmem:s4+$0x6410];
	_ =	sdelay $0x1  }
0x76: {  	v7 =	vperm.xlane v4, v2  }
0x77: {  	v4 =	vperm.xlane v4, v3  }
0x78: {  	v5 =	vmul.f32 v5, v7  }
0x79: {  	v4 =	vmul.f32 v6, v4  }
0x7a: {  	[tilespmem:s4+$0x8400] =	vst v5  }
0x7b: {  	[tilespmem:s4+$0x8410] =	vst v4;
	s4 =	sadd.s32 $0x2A00, s10  }
0x7c: {  	[spmem:s3] =	stream.indirect.scatter.add.f32 [tilespmem:s30], [sflag:$0x1], $0x20, s4, s22, $0xb8;
	[tilespmem:$0x19100] =	vst v63  }
0x7d: {  	_ =	swait.ge [sflag:s28], $0x1000  }
0x7e: {  	[sflag:s28] =	ssyncset.done $0x0  }
0x7f: {  	[sflag:s28] =	ssyncadd.s32 $0xFFFFF000  }
0x80: {  	_ =	swait.ge [sflag:s28], $0x1000  }
0x81: {  	[sflag:s28] =	ssyncset.done $0x0  }
0x82: {  	s5 =	simm.s32 @!p0 $0x80;
	s10 =	simm.s32 @!p0 $0x9400;
	[sflag:s28] =	ssyncadd.s32 $0xFFFFF000  }
0x83: {  	[spmem:s2] =	stream.indirect.scatter.add.f32 @!p0 [tilespmem:s10], [sflag:$0x3], $0x10, s17, s5, $0xb8;
	[tilespmem:$0x19100] =	vst v63  }
0x84: {  	s10 =	simm.s32 @!p0 $0x3  }
0x85: {  	_ =	swait.ge @!p0 [sflag:s10], $0x800  }
0x86: {  	s9 =	sadd.s32 $0x1, s9;
	[sflag:s10] =	ssyncset.done @!p0 $0x0  }
0x87: {  	p1 =	seq.s32 s9, $0x2A;
	[sflag:s10] =	ssyncadd.s32 @!p0 $0xFFFFF800;
	s10 =	simm.s32 @!p0 $0x9C00  }
0x88: {  	[spmem:s2] =	stream.indirect.scatter.add.f32 @!p0 [tilespmem:s10], [sflag:$0x2], $0x10, s4, s5, $0xb8;
	[tilespmem:$0x19100] =	vst v63  }
.Ltmp8:
0x89: {  	_ = 	snop;
	(pc) =	sbr.rel @!p1 .LBB2_6-.Ltmp8, $4  }
0x8a: {  	s4 =	simm.s32 @!p0 $0x2  }
0x8b: {  	_ =	swait.ge @!p0 [sflag:s4], $0x800  }
0x8c: {  	[sflag:s4] =	ssyncset.done @!p0 $0x0  }
0x8d: {  	[sflag:s4] =	ssyncadd.s32 @!p0 $0xFFFFF800  }
0x8e: {  	s0 =	sadd.s32 s8, s0;
	s4 =	sshll.u32 s1, $0x6;
	[bflag:$0x0] =	sbarrier.arrive $0xFFFF  }
.Ltmp9:
0x8f: {  	s0 =	sadd.s32 s15, s0;
	s4 =	sor.u32 $0x1C02, s4;
	(pc) =	sbr.rel .LBB2_12-.Ltmp9, $4  }
0x90: {  	[hbm:s0], [sflag:s4] =	dma.local [spmem:s25], $0x9E0  }
0x91: {  	_ =	swait.ge [sflag:s18], $0x9E0  }
0x92: {  	[sflag:s18] =	ssyncset.done $0x0  }
0x93: {  	[sflag:s18] =	ssyncadd.s32 $0xFFFFF620  }
.LBB2_14:
0x94: {  	_ =	sfence.sel $0x180000  }
0x95: {  	[bflag:$0x0] =	sbarrier.arrive $0xFFFF  }
0x96: {  	_ =	strace $0x9000004A  }
0x97: {  	[bflag:$0x2] =	sbarrier.arrive $0xFFFF  }
0x98: {  	p0 =	sne.s32 s1, $0x0;
	s0 =	rddreg [dreg:$0x3]  }
0x99: {  	s0 =	sadd.s32 @!p0 $0x100000, s0  }
0x9a: {  	[sflag:s0] =	ssyncadd.tile.s32 @!p0 $0x1;
	_ =	shalt  }
.Lfunc_end2:
_tile_overlayer_lowered:
.L_overlay_start_2:
0x9b: {  	(tag) =	ssettag $0x2  }
0x9c: {  	s0 =	rddreg [dreg:$0x0];
	s2 =	stileid.u32  }
0x9d: {  	s1 =	rddreg [dreg:$0x1];
	p0 =	sne.s32 s2, $0x0  }
0x9e: {  	s3 =	rddreg [dreg:$0x2];
	[bflag:$0x3] =	sbarrier.arrive $0xFFFF;
	s2 =	simm.s32 @!p0 $0x1C02  }
0x9f: {  	[timem:s3], [sflag:s2] =	dma.local @!p0 [hbm:s0], s1  }
0xa0: {  	s0 =	simm.s32 @!p0 $0x2  }
0xa1: {  	_ =	swait.ge @!p0 [sflag:s0], s1  }
0xa2: {  	s1 =	ssub.s32 @!p0 $0x0, s1;
	[sflag:s0] =	ssyncset.done @!p0 $0x0  }
0xa3: {  	[sflag:s0] =	ssyncadd.s32 @!p0 s1  }
0xa4: {  	[bflag:$0x3] =	sbarrier.arrive $0xFFFF  }
0xa5: {  	_ =	shalt  }

// kernel: kernel.16.cloned.1.call-start
scs
__scs_entry_jumppad:
0x0: {  	(pc) =	sbr.rel $0x88, $3  }
0x1: {  	(tag) =	ssettag $0x0;
	lr =	simm.s32 $0x1  }
0x2: {  	[smem:$0x3F89] =	sst lr;
	_ =	strace $0xD0000000  }
0x3: {  	_ = 	snop  }
0x4: {  	_ = 	snop  }
0x5: {  	_ = 	snop  }
0x6: {  	_ = 	snop  }
0x7: {  	_ = 	snop  }
__scs_overlays_trampoline_lowered:
0x8: {  	[smem:$0x3F98] =	sst s0  }
0x9: {  	[smem:$0x3F99] =	sst s1  }
0xa: {  	[smem:$0x3F9A] =	sst s2  }
0xb: {  	[smem:$0x3F9B] =	sst s3  }
0xc: {  	[smem:$0x3F9C] =	sst s4  }
0xd: {  	[smem:$0x3F9D] =	sst s5  }
0xe: {  	[smem:$0x3F9E] =	sst s6  }
0xf: {  	[smem:$0x3F9F] =	sst s7  }
0x10: {  	[smem:$0x3FA0] =	sst s8  }
0x11: {  	[smem:$0x3FA1] =	sst s9;
	s0 =	simm.s32 @!p0 $0x0  }
0x12: {  	s1 =	sld [smem:$0x3F87];
	s0 =	simm.s32 @p0 $0x1  }
0x13: {  	[smem:$0x3FA2] =	sst s0;
	s0 =	simm.s32 @!p1 $0x0  }
0x14: {  	s2 =	sld [smem:$0x3F86];
	s0 =	simm.s32 @p1 $0x1  }
0x15: {  	[smem:$0x3FA3] =	sst s0;
	s0 =	simm.s32 @!p2 $0x0  }
0x16: {  	s3 =	sld [smem:$0x3FDB];
	s0 =	simm.s32 @p2 $0x1  }
0x17: {  	s4 =	simm.s32 $0x1BF5;
	[smem:$0x3FA5] =	sst s0  }
0x18: {  	s0 =	sld [smem:$0x3F88];
	_ =	swait.ge [sflag:s4], $0x0  }
0x19: {  	s7 =	sld [smem:$0x3F89]  }
0x1a: {  	s8 =	sadd.s32 $0xFFFFE003, lr  }
0x1b: {  	s9 =	sadd.s32 $0xFFFFFEF7, lr;
	s5 =	simm.s32 $0xFFFFFFFF;
	p2 =	slt.u32 s8, $0xFFFFF086  }
0x1c: {  	p1 =	slt.u32 s9, $0xF7A;
	s5 =	simm.s32 @!p2 $0x0  }
0x1d: {  	s5 =	simm.s32 @p1 $0x1;
	p0 =	seq.s32 s7, s2  }
0x1e: {  	s7 =	smul.u32 @!p0 $0xF7A, s2;
	p2 =	seq.s32 @!p0 s5, $0x0  }
0x1f: {  	s9 =	smul.u32 $0xF7A, s1;
	s8 =	simm.s32 @!p0 $0x1BF5;
	p2 =	por !p2, p0  }
0x20: {  	[sflag:s8] =	ssyncset.s32 @!p0 $0xFFFFF086;
	s6 =	sadd.s32 @!p0 s3, s7;
	s7 =	simm.s32 @!p0 $0x108  }
0x21: {  	s3 =	sadd.s32 s3, s9;
	s6 =	sadd.s32 @!p0 $0x88, s6;
	s7 =	simm.s32 @p2 $0x1082  }
0x22: {  	[simem:s7], [sflag:s8] =	dma.local @!p0 [hbm:s6], $0xF7A  }
0x23: {  	s9 =	sor.u32 $0xD0000000, s2;
	s6 =	simm.s32 $0x108;
	_ =	swait.ge @!p0 [sflag:s8], $0x0  }
0x24: {  	s3 =	sadd.s32 $0x88, s3;
	s6 =	simm.s32 @!p1 $0x1082;
	[sflag:s4] =	ssyncset.s32 $0xFFFFF086  }
0x25: {  	[simem:s6], [sflag:s4] =	dma.local [hbm:s3], $0xF7A  }
0x26: {  	[smem:$0x3F89] =	sst s1;
	(tag) =	ssettag s2;
	_ =	strace s9  }
0x27: {  	s1 =	sld [smem:$0x3F99]  }
0x28: {  	s2 =	sld [smem:$0x3F9A]  }
0x29: {  	s4 =	sld [smem:$0x3F9C]  }
0x2a: {  	p0 =	seq.s32 s5, $0x0;
	s5 =	sld [smem:$0x3F9D]  }
0x2b: {  	s6 =	sld [smem:$0x3F9E]  }
0x2c: {  	s7 =	sld [smem:$0x3F9F]  }
0x2d: {  	s3 =	simm.s32 $0x108;
	s8 =	sld [smem:$0x3FA0]  }
0x2e: {  	s3 =	simm.s32 @!p0 $0x1082;
	s9 =	sld [smem:$0x3FA1]  }
0x2f: {  	lr =	sadd.s32 s0, s3;
	s0 =	sld [smem:$0x3F98]  }
0x30: {  	s3 =	sld [smem:$0x3F9B]  }
0x31: {  	[smem:$0x3FA4] =	sst s10  }
0x32: {  	s10 =	sld [smem:$0x3FA2];
	_ =	sdelay $0x3  }
0x33: {  	p0 =	seq.s32 s10, $0x1;
	s10 =	sld [smem:$0x3FA4];
	_ =	sdelay $0x3  }
0x34: {  	[smem:$0x3FA4] =	sst s10  }
0x35: {  	s10 =	sld [smem:$0x3FA3];
	_ =	sdelay $0x3  }
0x36: {  	p1 =	seq.s32 s10, $0x1;
	s10 =	sld [smem:$0x3FA4];
	_ =	sdelay $0x3  }
0x37: {  	[smem:$0x3FA4] =	sst s10  }
0x38: {  	s10 =	sld [smem:$0x3FA5]  }
0x39: {  	_ = 	snop;
	(pc) =	sbr.ind lr, $3  }
0x3a: {  	_ = 	snop  }
0x3b: {  	_ = 	snop  }
0x3c: {  	p2 =	seq.s32 s10, $0x1;
	s10 =	sld [smem:$0x3FA4]  }
0x3d: {  	_ =	shalt  }
0x3e: {  	_ =	shalt  }
0x3f: {  	_ =	shalt  }
0x40: {  	_ =	shalt  }
0x41: {  	_ =	shalt  }
0x42: {  	_ =	shalt  }
0x43: {  	_ =	shalt  }
0x44: {  	_ =	shalt  }
0x45: {  	_ =	shalt  }
0x46: {  	_ =	shalt  }
0x47: {  	_ =	shalt  }
0x48: {  	_ =	shalt  }
0x49: {  	_ =	shalt  }
0x4a: {  	_ =	shalt  }
0x4b: {  	_ =	shalt  }
0x4c: {  	_ =	shalt  }
0x4d: {  	_ =	shalt  }
0x4e: {  	_ =	shalt  }
0x4f: {  	_ =	shalt  }
0x50: {  	_ =	shalt  }
0x51: {  	_ =	shalt  }
0x52: {  	_ =	shalt  }
0x53: {  	_ =	shalt  }
0x54: {  	_ =	shalt  }
0x55: {  	_ =	shalt  }
0x56: {  	_ =	shalt  }
0x57: {  	_ =	shalt  }
0x58: {  	_ =	shalt  }
0x59: {  	_ =	shalt  }
0x5a: {  	_ =	shalt  }
0x5b: {  	_ =	shalt  }
0x5c: {  	_ =	shalt  }
0x5d: {  	_ =	shalt  }
0x5e: {  	_ =	shalt  }
0x5f: {  	_ =	shalt  }
0x60: {  	_ =	shalt  }
0x61: {  	_ =	shalt  }
0x62: {  	_ =	shalt  }
0x63: {  	_ =	shalt  }
0x64: {  	_ =	shalt  }
0x65: {  	_ =	shalt  }
0x66: {  	_ =	shalt  }
0x67: {  	_ =	shalt  }
0x68: {  	_ =	shalt  }
0x69: {  	_ =	shalt  }
0x6a: {  	_ =	shalt  }
0x6b: {  	_ =	shalt  }
0x6c: {  	_ =	shalt  }
0x6d: {  	_ =	shalt  }
0x6e: {  	_ =	shalt  }
0x6f: {  	_ =	shalt  }
0x70: {  	_ =	shalt  }
0x71: {  	_ =	shalt  }
0x72: {  	_ =	shalt  }
0x73: {  	_ =	shalt  }
0x74: {  	_ =	shalt  }
0x75: {  	_ =	shalt  }
0x76: {  	_ =	shalt  }
0x77: {  	_ =	shalt  }
0x78: {  	_ =	shalt  }
0x79: {  	_ =	shalt  }
0x7a: {  	_ =	shalt  }
0x7b: {  	_ =	shalt  }
0x7c: {  	_ =	shalt  }
0x7d: {  	_ =	shalt  }
0x7e: {  	_ =	shalt  }
0x7f: {  	_ =	shalt  }
0x80: {  	_ =	shalt  }
0x81: {  	_ =	shalt  }
0x82: {  	_ =	shalt  }
0x83: {  	_ =	shalt  }
0x84: {  	_ =	shalt  }
0x85: {  	_ =	shalt  }
0x86: {  	_ =	shalt  }
0x87: {  	_ =	shalt  }
.Lfunc_end0:
.L_simem_size_0:
called_computation.2_lowered:
.L_overlay_start_0:
0x88: {  	s2 =	sld [smem:$0x3FD9]  }
0x89: {  	s3 =	sld [smem:$0x3FFE];
	_ =	sdelay $0x1  }
0x8a: {  	s1 =	srdreg.scid  }
0x8b: {  	s0 =	sand.u32 $0x1, s1  }
0x8c: {  	s16 =	sshll.u32 s0, $0xA;
	s2 =	sadd.s32 s3, s2  }
0x8d: {  	s2 =	sadd.s32 s2, s16  }
0x8e: {  	[smem:$0x3FB0] =	sst s2  }
0x8f: {  	_ = 	snop  }
0x90: {  	(tm) =	ssettm $0x1  }
0x91: {  	s17 =	sld [smem:$0x3FFB];
	_ =	sdelay $0x3  }
0x92: {  	_ =	strace s17  }
0x93: {  	s2 =	sld [smem:$0x3FFC];
	_ =	sdelay $0x3  }
0x94: {  	_ =	strace s2  }
0x95: {  	s2 =	sld [smem:$0x3FFD];
	_ =	sdelay $0x3  }
0x96: {  	_ =	strace s2  }
0x97: {  	_ =	strace $0x8FFFFFFF  }
0x98: {  	s18 =	sld [smem:$0x3FDB];
	_ =	sdelay $0x1  }
0x99: {  	s19 =	simm.s32 $_scs_section_size  }
0x9a: {  	s4 =	simm.s32 $_size__tile_overlayer_lowered;
	s5 =	simm.s32 $_tile_overlayer_lowered  }
0x9b: {  	s22 =	simm.s32 $0x1BFF;
	s21 =	sshll.u32 s5, $0x1;
	s2 =	sadd.s32 s19, s18  }
0x9c: {  	s6 =	simm.s32 $0x0;
	s20 =	sshll.u32 s4, $0x1;
	s4 =	sadd.s32 s21, s2  }
0x9d: {  	[timem:s6], [sflag:s22] =	dma.local [hbm:s4], s20  }
0x9e: {  	_ =	swait.ge [sflag:s22], s20  }
0x9f: {  	s3 =	ssub.s32 $0x0, s20;
	[sflag:s22] =	ssyncset.done $0x0  }
0xa0: {  	[sflag:s22] =	ssyncadd.s32 s3;
	_ =	sdelay $0x1  }
0xa1: {  	s23 =	simm.s32 $0x1B8B  }
0xa2: {  	_ =	swait.ge [sflag:s23], $0x1  }
0xa3: {  	[sflag:s23] =	ssyncset.done $0x0  }
0xa4: {  	s25 =	simm.s32 $0x1B8E;
	s24 =	sld [smem:$0x3FFE];
	[sflag:s23] =	ssyncadd.s32 $0xFFFFFFFF  }
0xa5: {  	s26 =	simm.s32 $execute0_lowered;
	[smem:$0x3FD2] =	sst s25  }
0xa6: {  	s4 =	sshll.u32 s26, $0x1;
	_ =	strace $0x8000004C;
	[dreg:$0x1] =	wrdreg $0xFFFFFFFF  }
0xa7: {  	s28 =	simm.s32 $_size_execute0_lowered;
	s2 =	sadd.s32 s2, s4;
	[dreg:$0x0] =	wrdreg $0x0  }
0xa8: {  	s4 =	sshll.u32 s28, $0x1;
	[dreg:$0x2] =	wrdreg s2  }
0xa9: {  	[dreg:$0x3] =	wrdreg s4  }
0xaa: {  	[dreg:$0x4] =	wrdreg $0xC0  }
0xab: {  	_ =	task [dreg:s6], $0x5FFFF  }
0xac: {  	[dreg:$0x1] =	wrdreg $0xFFFFFFFF  }
0xad: {  	[dreg:$0x0] =	wrdreg $0x60  }
0xae: {  	[dreg:$0x2] =	wrdreg s24  }
0xaf: {  	[dreg:$0x3] =	wrdreg $0x132000  }
0xb0: {  	[dreg:$0x4] =	wrdreg $0x9  }
0xb1: {  	_ =	task.clear_ibuf [dreg:s6], $0x5FFFF;
	_ =	strace $0x9000004C  }
0xb2: {  	s29 =	simm.s32 $0x9;
	_ =	strace $0x8000004E  }
0xb3: {  	_ =	swait.ge [sflag:s29], $0x1  }
0xb4: {  	[sflag:s29] =	ssyncadd.s32 $0xFFFFFFFF  }
0xb5: {  	_ =	strace $0x9000004E  }
0xb6: {  	_ =	sfence  }
0xb7: {  	s30 =	sld [smem:$0x0];
	_ =	sdelay $0x2  }
0xb8: {  	s31 =	sshll.u32 s1, $0xD;
	s1 =	sshrl.u32 s1, $0x2  }
0xb9: {  	s3 =	sand.u32 $0x4000, s31;
	s1 =	sadd.s32 s1, s30  }
0xba: {  	s0 =	sor.u32 s3, s0;
	s1 =	sshll.u32 s1, $0x11  }
0xbb: {  	s0 =	sor.u32 s1, s0  }
0xbc: {  	s0 =	sadd.s32 $0x8F2B, s0  }
0xbd: {  	[sflag:s0] =	ssyncadd.remote.s32 $0x1  }
0xbe: {  	_ =	sfence.sel $0xFFFF  }
0xbf: {  	[dreg:$0x0] =	wrdreg $0xFFFFFFFF;
	(pc) =	sbr.abs _section_cstart, $3  }
0xc0: {  	[dreg:$0x1] =	wrdreg $0xFFFFFFFF  }
0xc1: {  	_ =	task.clear_ibuf [dreg:s6], $0x2FFFF;
	_ =	strace $0x9FFFFFFF  }
0xc2: {  	(tm) =	ssettm $0x7FFFFFFF  }
0xc3: {  	_ =	shalt  }
tec
execute0_lowered:
.L_overlay_start_1:
0x0: {  	(tag) =	ssettag $0x1  }
0x1: {  	s5 =	rddreg [dreg:$0x0]  }
0x2: {  	s2 =	rddreg [dreg:$0x1]  }
0x3: {  	s0 =	rddreg [dreg:$0x2];
	s3 =	simm.s32 $0x0;
	s1 =	stileid.u32  }
0x4: {  	s4 =	srdreg.scid;
	s13 =	simm.s32 $0x2A00;
	s14 =	simm.s32 $0x9400  }
0x5: {  	s15 =	simm.s32 $0x80;
	s16 =	simm.s32 $0x5400;
	s6 =	smul.u32 $0x540, s1  }
0x6: {  	s17 =	simm.s32 $0x7400;
	s18 =	simm.s32 $0x1;
	s10 =	smul.u32 $0x27800, s1  }
0x7: {  	[smem:$0x7FF] =	sst s3;
	s8 =	sand.u32 $0x1, s4;
	s12 =	smul.u32 $0x9E00, s1  }
0x8: {  	s4 =	sadd.s32 $0x205800, s5;
	s30 =	ssub.s32 $0x2, s8;
	s8 =	smul.u32 $0x7, s8  }
.Ltmp0:
0x9: {  	_ =	strace $0x8000004D;
	s7 =	sadd.s32 s6, s5;
	(pc) =	sbr.rel .LBB2_1-.Ltmp0, $4  }
0xa: {  	s5 =	sadd.s32 $0x4000, s5;
	s9 =	sshrl.u32 s30, $0x1;
	s31 =	sshrl.u32 s10, $0x2  }
0xb: {  	s10 =	sshrl.u32 s12, $0x3;
	s19 =	sadd.s32 s12, s2;
	s12 =	simm.s32 $0x2  }
0xc: {  	s11 =	ssub.s32 s30, s9;
	s6 =	sadd.s32 $0x3EEC00, s7;
	s7 =	sadd.s32 $0x3E9800, s7  }
0xd: {  	v0 =	vimm.f32 $0.0e+00;
	s9 =	sadd.s32 s31, s2;
	s19 =	sshrl.u32 s19, $0x3;
	s11 =	smax.u32 s11, $0x1  }
.LBB2_9:
0xe: {  	s3 =	sadd.s32 $0x1, s3  }
0xf: {  	p0 =	sne.s32 s3, s11  }
.Ltmp1:
0x10: {  	_ = 	snop;
	(pc) =	sbr.rel @!p0 .LBB2_10-.Ltmp1, $1  }
0x11: {  	_ =	sdelay $0x3  }
.LBB2_1:
0x12: {  	s21 =	simm.s32 $0x100;
	s20 =	simm.s32 $0x0  }
.LBB2_2:
0x13: {  	p0 =	sne.s32 s21, $0x27700;
	[tilespmem:s20+$0x9430] =	vst v0;
	s22 =	smov.u32 s21;
	s21 =	sadd.s32 $0x100, s21  }
.Ltmp2:
0x14: {  	[tilespmem:s20+$0x9420] =	vst v0;
	(pc) =	sbr.rel @p0 .LBB2_2-.Ltmp2, $3  }
0x15: {  	[tilespmem:s20+$0x9400] =	vst v0  }
0x16: {  	[tilespmem:s20+$0x9410] =	vst v0;
	_ =	sdelay $0x1  }
0x17: {  	s20 =	sshra.s32 s22, $0x2  }
0x18: {  	[tilespmem:s20+$0x9430] =	vst v0  }
0x19: {  	[tilespmem:s20+$0x9420] =	vst v0  }
0x1a: {  	[tilespmem:s20+$0x9400] =	vst v0  }
0x1b: {  	[tilespmem:s20+$0x9410] =	vst v0;
	s20 =	simm.s32 $0x0  }
0x1c: {  	[tilespmem:s20], [sflag:$0x2] =	stream.linear.gather [hbm4b:s6+s20], $0x2A00, $0x38;
	[tilespmem:$0x1D000] =	vst v63  }
0x1d: {  	_ =	swait.ge [sflag:s12], $0x2A00  }
0x1e: {  	[sflag:s12] =	ssyncset.done $0x0  }
.Ltmp3:
0x1f: {  	[sflag:s12] =	ssyncadd.s32 $0xFFFFD600;
	(pc) =	sbr.rel .LBB2_4-.Ltmp3, $4  }
0x20: {  	[tilespmem:s13], [sflag:$0x2] =	stream.linear.gather [hbm4b:s7+s20], $0x2A00, $0x38;
	[tilespmem:$0x1D000] =	vst v63  }
0x21: {  	_ =	swait.ge [sflag:s12], $0x2A00  }
0x22: {  	[sflag:s12] =	ssyncset.done $0x0  }
0x23: {  	[sflag:s12] =	ssyncadd.s32 $0xFFFFD600  }
.LBB2_11:
0x24: {  	[bflag:$0x0] =	sbarrier.arrive $0xFFFF  }
0x25: {  	[bflag:$0x0] =	sbarrier.arrive $0xFFFF  }
.LBB2_8:
0x26: {  	s20 =	sadd.s32 $0x1, s20  }
0x27: {  	p0 =	sne.s32 s20, $0x7  }
.Ltmp4:
0x28: {  	_ = 	snop;
	(pc) =	sbr.rel @!p0 .LBB2_9-.Ltmp4, $2  }
0x29: {  	_ =	sdelay $0x1  }
0x2a: {  	[bflag:$0x0] =	sbarrier.arrive $0xFFFF;
	_ =	sdelay $0x1  }
.LBB2_4:
0x2b: {  	s21 =	sadd.s32 s8, s20  }
0x2c: {  	p0 =	sgt.u32 s21, $0xC  }
.Ltmp5:
0x2d: {  	_ = 	snop;
	(pc) =	sbr.rel @p0 .LBB2_11-.Ltmp5, $1  }
0x2e: {  	_ =	sdelay $0x3  }
0x2f: {  	[spmem:s9] =	stream.linear.scatter [tilespmem:s14], [sflag:$0x2], $0x9E00, $0x38;
	[tilespmem:$0x1D000] =	vst v63  }
0x30: {  	_ =	swait.ge [sflag:s12], $0x9E00  }
0x31: {  	s21 =	smul.u32 $0x13C00, s21;
	[sflag:s12] =	ssyncset.done $0x0  }
0x32: {  	[sflag:s12] =	ssyncadd.s32 $0xFFFF6200  }
0x33: {  	s23 =	simm.s32 $0x0;
	s22 =	sadd.s32 s4, s21;
	[bflag:$0x0] =	sbarrier.arrive $0xFFFF  }
0x34: {  	[tilespmem:s16], [sflag:$0x1] =	stream.indirect.gather [hbm4b:s22+s15], $0x40, s23, s15, $0xb8;
	[tilespmem:$0x1D000] =	vst v63  }
0x35: {  	s29 =	simm.s32 $0x80  }
0x36: {  	[tilespmem:s17], [sflag:$0x1] =	stream.indirect.gather [hbm4b:s22+s15], $0x40, s29, s15, $0xb8;
	[tilespmem:$0x1D000] =	vst v63  }
0x37: {  	_ =	swait.ge [sflag:s18], $0x2000  }
0x38: {  	[sflag:s18] =	ssyncset.done $0x0  }
0x39: {  	[sflag:s18] =	ssyncadd.s32 $0xFFFFE000  }
0x3a: {  	_ =	swait.ge [sflag:s18], $0x2000  }
0x3b: {  	[sflag:s18] =	ssyncset.done $0x0  }
0x3c: {  	s30 =	simm.s32 $0x2A00;
	[sflag:s18] =	ssyncadd.s32 $0xFFFFE000  }
0x3d: {  	[spmem:s2] =	stream.indirect.scatter.add.f32 [tilespmem:s16], [sflag:$0x1], $0x40, s30, s15, $0xb8;
	[tilespmem:$0x1D000] =	vst v63  }
0x3e: {  	s31 =	simm.s32 $0x2A80  }
0x3f: {  	[spmem:s2] =	stream.indirect.scatter.add.f32 [tilespmem:s17], [sflag:$0x1], $0x40, s31, s15, $0xb8;
	[tilespmem:$0x1D000] =	vst v63  }
0x40: {  	_ =	swait.ge [sflag:s18], $0x2000  }
0x41: {  	[sflag:s18] =	ssyncset.done $0x0  }
0x42: {  	[sflag:s18] =	ssyncadd.s32 $0xFFFFE000  }
0x43: {  	_ =	swait.ge [sflag:s18], $0x2000  }
0x44: {  	s24 =	simm.s32 $0x800;
	s23 =	simm.s32 $0x400;
	[sflag:s18] =	ssyncset.done $0x0  }
.LBB2_6:
0x45: {  	s25 =	sshra.s32 s23, $0x2  }
0x46: {  	[sflag:s18] =	ssyncadd.s32 $0xFFFFE000;
	s23 =	smov.u32 s24;
	s26 =	sadd.s32 $0x400, s24  }
0x47: {  	[tilespmem:s16], [sflag:$0x1] =	stream.indirect.gather [hbm4b:s22+s15], $0x40, s25, s15, $0xb8;
	[tilespmem:$0x1D000] =	vst v63  }
0x48: {  	p0 =	seq.s32 s24, $0xA400;
	s24 =	sadd.s32 $0x80, s25  }
0x49: {  	[tilespmem:s17], [sflag:$0x1] =	stream.indirect.gather [hbm4b:s22+s15], $0x40, s24, s15, $0xb8;
	[tilespmem:$0x1D000] =	vst v63  }
0x4a: {  	_ =	swait.ge [sflag:s18], $0x2000  }
0x4b: {  	[sflag:s18] =	ssyncset.done $0x0  }
0x4c: {  	[sflag:s18] =	ssyncadd.s32 $0xFFFFE000  }
0x4d: {  	_ =	swait.ge [sflag:s18], $0x2000  }
0x4e: {  	[sflag:s18] =	ssyncset.done $0x0  }
0x4f: {  	s24 =	sadd.s32 $0x2A00, s25;
	[sflag:s18] =	ssyncadd.s32 $0xFFFFE000  }
0x50: {  	[spmem:s2] =	stream.indirect.scatter.add.f32 [tilespmem:s16], [sflag:$0x1], $0x40, s24, s15, $0xb8;
	[tilespmem:$0x1D000] =	vst v63  }
0x51: {  	s24 =	sadd.s32 $0x2A80, s25  }
0x52: {  	[spmem:s2] =	stream.indirect.scatter.add.f32 [tilespmem:s17], [sflag:$0x1], $0x40, s24, s15, $0xb8;
	[tilespmem:$0x1D000] =	vst v63  }
.Ltmp6:
0x53: {  	_ =	swait.ge [sflag:s18], $0x2000;
	(pc) =	sbr.rel @!p0 .LBB2_6-.Ltmp6, $4  }
0x54: {  	[sflag:s18] =	ssyncset.done $0x0  }
0x55: {  	[sflag:s18] =	ssyncadd.s32 $0xFFFFE000  }
0x56: {  	_ =	swait.ge [sflag:s18], $0x2000  }
0x57: {  	s24 =	smov.u32 s26;
	[sflag:s18] =	ssyncset.done $0x0  }
0x58: {  	s23 =	sshra.s32 s23, $0x2;
	[sflag:s18] =	ssyncadd.s32 $0xFFFFE000  }
0x59: {  	[tilespmem:s16], [sflag:$0x1] =	stream.indirect.gather [hbm4b:s22+s15], $0x40, s23, s15, $0xb8;
	[tilespmem:$0x1D000] =	vst v63  }
0x5a: {  	s24 =	sadd.s32 $0x80, s23  }
0x5b: {  	[tilespmem:s17], [sflag:$0x1] =	stream.indirect.gather [hbm4b:s22+s15], $0x40, s24, s15, $0xb8;
	[tilespmem:$0x1D000] =	vst v63  }
0x5c: {  	_ =	swait.ge [sflag:s18], $0x2000  }
0x5d: {  	[sflag:s18] =	ssyncset.done $0x0  }
0x5e: {  	[sflag:s18] =	ssyncadd.s32 $0xFFFFE000  }
0x5f: {  	_ =	swait.ge [sflag:s18], $0x2000  }
0x60: {  	[sflag:s18] =	ssyncset.done $0x0  }
0x61: {  	s29 =	sadd.s32 $0x2A00, s23;
	[sflag:s18] =	ssyncadd.s32 $0xFFFFE000  }
0x62: {  	[spmem:s2] =	stream.indirect.scatter.add.f32 [tilespmem:s16], [sflag:$0x1], $0x40, s29, s15, $0xb8;
	[tilespmem:$0x1D000] =	vst v63  }
0x63: {  	s30 =	sadd.s32 $0x2A80, s23  }
0x64: {  	[spmem:s2] =	stream.indirect.scatter.add.f32 [tilespmem:s17], [sflag:$0x1], $0x40, s30, s15, $0xb8;
	[tilespmem:$0x1D000] =	vst v63  }
0x65: {  	_ =	swait.ge [sflag:s18], $0x2000  }
0x66: {  	[sflag:s18] =	ssyncset.done $0x0  }
0x67: {  	[sflag:s18] =	ssyncadd.s32 $0xFFFFE000  }
0x68: {  	_ =	swait.ge [sflag:s18], $0x2000  }
0x69: {  	s21 =	sadd.s32 s5, s21;
	[sflag:s18] =	ssyncset.done $0x0  }
0x6a: {  	s31 =	sshll.u32 s1, $0x6;
	s21 =	sadd.s32 s10, s21;
	[sflag:s18] =	ssyncadd.s32 $0xFFFFE000  }
.Ltmp7:
0x6b: {  	s22 =	sor.u32 $0x1C02, s31;
	[bflag:$0x0] =	sbarrier.arrive $0xFFFF;
	(pc) =	sbr.rel .LBB2_8-.Ltmp7, $4  }
0x6c: {  	[hbm:s21], [sflag:s22] =	dma.local [spmem:s19], $0x13C0  }
0x6d: {  	_ =	swait.ge [sflag:s12], $0x13C0  }
0x6e: {  	[sflag:s12] =	ssyncset.done $0x0  }
0x6f: {  	[sflag:s12] =	ssyncadd.s32 $0xFFFFEC40  }
.LBB2_10:
0x70: {  	_ =	sfence.sel $0x180000  }
0x71: {  	[bflag:$0x0] =	sbarrier.arrive $0xFFFF  }
0x72: {  	p0 =	sne.s32 s1, $0x0;
	_ =	strace $0x9000004D  }
0x73: {  	s0 =	sadd.s32 @!p0 $0x100000, s0;
	[bflag:$0x2] =	sbarrier.arrive $0xFFFF  }
0x74: {  	[sflag:s0] =	ssyncadd.tile.s32 @!p0 $0x1;
	_ =	shalt  }
.Lfunc_end2:
_tile_overlayer_lowered:
.L_overlay_start_2:
0x75: {  	(tag) =	ssettag $0x2  }
0x76: {  	s0 =	rddreg [dreg:$0x0];
	s2 =	stileid.u32  }
0x77: {  	s1 =	rddreg [dreg:$0x1];
	p0 =	sne.s32 s2, $0x0  }
0x78: {  	s3 =	rddreg [dreg:$0x2];
	[bflag:$0x3] =	sbarrier.arrive $0xFFFF;
	s2 =	simm.s32 @!p0 $0x1C02  }
0x79: {  	[timem:s3], [sflag:s2] =	dma.local @!p0 [hbm:s0], s1  }
0x7a: {  	s0 =	simm.s32 @!p0 $0x2  }
0x7b: {  	_ =	swait.ge @!p0 [sflag:s0], s1  }
0x7c: {  	s1 =	ssub.s32 @!p0 $0x0, s1;
	[sflag:s0] =	ssyncset.done @!p0 $0x0  }
0x7d: {  	[sflag:s0] =	ssyncadd.s32 @!p0 s1  }
0x7e: {  	[bflag:$0x3] =	sbarrier.arrive $0xFFFF  }
0x7f: {  	_ =	shalt  }

// kernel: kernel.19.cloned.1.call-start
scs
__scs_entry_jumppad:
0x0: {  	(pc) =	sbr.rel $0x88, $3  }
0x1: {  	(tag) =	ssettag $0x0;
	lr =	simm.s32 $0x1  }
0x2: {  	[smem:$0x3F89] =	sst lr;
	_ =	strace $0xD0000000  }
0x3: {  	_ = 	snop  }
0x4: {  	_ = 	snop  }
0x5: {  	_ = 	snop  }
0x6: {  	_ = 	snop  }
0x7: {  	_ = 	snop  }
__scs_overlays_trampoline_lowered:
0x8: {  	[smem:$0x3F98] =	sst s0  }
0x9: {  	[smem:$0x3F99] =	sst s1  }
0xa: {  	[smem:$0x3F9A] =	sst s2  }
0xb: {  	[smem:$0x3F9B] =	sst s3  }
0xc: {  	[smem:$0x3F9C] =	sst s4  }
0xd: {  	[smem:$0x3F9D] =	sst s5  }
0xe: {  	[smem:$0x3F9E] =	sst s6  }
0xf: {  	[smem:$0x3F9F] =	sst s7  }
0x10: {  	[smem:$0x3FA0] =	sst s8  }
0x11: {  	[smem:$0x3FA1] =	sst s9;
	s0 =	simm.s32 @!p0 $0x0  }
0x12: {  	s1 =	sld [smem:$0x3F87];
	s0 =	simm.s32 @p0 $0x1  }
0x13: {  	[smem:$0x3FA2] =	sst s0;
	s0 =	simm.s32 @!p1 $0x0  }
0x14: {  	s2 =	sld [smem:$0x3F86];
	s0 =	simm.s32 @p1 $0x1  }
0x15: {  	[smem:$0x3FA3] =	sst s0;
	s0 =	simm.s32 @!p2 $0x0  }
0x16: {  	s3 =	sld [smem:$0x3FDB];
	s0 =	simm.s32 @p2 $0x1  }
0x17: {  	s4 =	simm.s32 $0x1BF5;
	[smem:$0x3FA5] =	sst s0  }
0x18: {  	s0 =	sld [smem:$0x3F88];
	_ =	swait.ge [sflag:s4], $0x0  }
0x19: {  	s7 =	sld [smem:$0x3F89]  }
0x1a: {  	s8 =	sadd.s32 $0xFFFFE003, lr  }
0x1b: {  	s9 =	sadd.s32 $0xFFFFFEF7, lr;
	s5 =	simm.s32 $0xFFFFFFFF;
	p2 =	slt.u32 s8, $0xFFFFF086  }
0x1c: {  	p1 =	slt.u32 s9, $0xF7A;
	s5 =	simm.s32 @!p2 $0x0  }
0x1d: {  	s5 =	simm.s32 @p1 $0x1;
	p0 =	seq.s32 s7, s2  }
0x1e: {  	s7 =	smul.u32 @!p0 $0xF7A, s2;
	p2 =	seq.s32 @!p0 s5, $0x0  }
0x1f: {  	s9 =	smul.u32 $0xF7A, s1;
	s8 =	simm.s32 @!p0 $0x1BF5;
	p2 =	por !p2, p0  }
0x20: {  	[sflag:s8] =	ssyncset.s32 @!p0 $0xFFFFF086;
	s6 =	sadd.s32 @!p0 s3, s7;
	s7 =	simm.s32 @!p0 $0x108  }
0x21: {  	s3 =	sadd.s32 s3, s9;
	s6 =	sadd.s32 @!p0 $0x88, s6;
	s7 =	simm.s32 @p2 $0x1082  }
0x22: {  	[simem:s7], [sflag:s8] =	dma.local @!p0 [hbm:s6], $0xF7A  }
0x23: {  	s9 =	sor.u32 $0xD0000000, s2;
	s6 =	simm.s32 $0x108;
	_ =	swait.ge @!p0 [sflag:s8], $0x0  }
0x24: {  	s3 =	sadd.s32 $0x88, s3;
	s6 =	simm.s32 @!p1 $0x1082;
	[sflag:s4] =	ssyncset.s32 $0xFFFFF086  }
0x25: {  	[simem:s6], [sflag:s4] =	dma.local [hbm:s3], $0xF7A  }
0x26: {  	[smem:$0x3F89] =	sst s1;
	(tag) =	ssettag s2;
	_ =	strace s9  }
0x27: {  	s1 =	sld [smem:$0x3F99]  }
0x28: {  	s2 =	sld [smem:$0x3F9A]  }
0x29: {  	s4 =	sld [smem:$0x3F9C]  }
0x2a: {  	p0 =	seq.s32 s5, $0x0;
	s5 =	sld [smem:$0x3F9D]  }
0x2b: {  	s6 =	sld [smem:$0x3F9E]  }
0x2c: {  	s7 =	sld [smem:$0x3F9F]  }
0x2d: {  	s3 =	simm.s32 $0x108;
	s8 =	sld [smem:$0x3FA0]  }
0x2e: {  	s3 =	simm.s32 @!p0 $0x1082;
	s9 =	sld [smem:$0x3FA1]  }
0x2f: {  	lr =	sadd.s32 s0, s3;
	s0 =	sld [smem:$0x3F98]  }
0x30: {  	s3 =	sld [smem:$0x3F9B]  }
0x31: {  	[smem:$0x3FA4] =	sst s10  }
0x32: {  	s10 =	sld [smem:$0x3FA2];
	_ =	sdelay $0x3  }
0x33: {  	p0 =	seq.s32 s10, $0x1;
	s10 =	sld [smem:$0x3FA4];
	_ =	sdelay $0x3  }
0x34: {  	[smem:$0x3FA4] =	sst s10  }
0x35: {  	s10 =	sld [smem:$0x3FA3];
	_ =	sdelay $0x3  }
0x36: {  	p1 =	seq.s32 s10, $0x1;
	s10 =	sld [smem:$0x3FA4];
	_ =	sdelay $0x3  }
0x37: {  	[smem:$0x3FA4] =	sst s10  }
0x38: {  	s10 =	sld [smem:$0x3FA5]  }
0x39: {  	_ = 	snop;
	(pc) =	sbr.ind lr, $3  }
0x3a: {  	_ = 	snop  }
0x3b: {  	_ = 	snop  }
0x3c: {  	p2 =	seq.s32 s10, $0x1;
	s10 =	sld [smem:$0x3FA4]  }
0x3d: {  	_ =	shalt  }
0x3e: {  	_ =	shalt  }
0x3f: {  	_ =	shalt  }
0x40: {  	_ =	shalt  }
0x41: {  	_ =	shalt  }
0x42: {  	_ =	shalt  }
0x43: {  	_ =	shalt  }
0x44: {  	_ =	shalt  }
0x45: {  	_ =	shalt  }
0x46: {  	_ =	shalt  }
0x47: {  	_ =	shalt  }
0x48: {  	_ =	shalt  }
0x49: {  	_ =	shalt  }
0x4a: {  	_ =	shalt  }
0x4b: {  	_ =	shalt  }
0x4c: {  	_ =	shalt  }
0x4d: {  	_ =	shalt  }
0x4e: {  	_ =	shalt  }
0x4f: {  	_ =	shalt  }
0x50: {  	_ =	shalt  }
0x51: {  	_ =	shalt  }
0x52: {  	_ =	shalt  }
0x53: {  	_ =	shalt  }
0x54: {  	_ =	shalt  }
0x55: {  	_ =	shalt  }
0x56: {  	_ =	shalt  }
0x57: {  	_ =	shalt  }
0x58: {  	_ =	shalt  }
0x59: {  	_ =	shalt  }
0x5a: {  	_ =	shalt  }
0x5b: {  	_ =	shalt  }
0x5c: {  	_ =	shalt  }
0x5d: {  	_ =	shalt  }
0x5e: {  	_ =	shalt  }
0x5f: {  	_ =	shalt  }
0x60: {  	_ =	shalt  }
0x61: {  	_ =	shalt  }
0x62: {  	_ =	shalt  }
0x63: {  	_ =	shalt  }
0x64: {  	_ =	shalt  }
0x65: {  	_ =	shalt  }
0x66: {  	_ =	shalt  }
0x67: {  	_ =	shalt  }
0x68: {  	_ =	shalt  }
0x69: {  	_ =	shalt  }
0x6a: {  	_ =	shalt  }
0x6b: {  	_ =	shalt  }
0x6c: {  	_ =	shalt  }
0x6d: {  	_ =	shalt  }
0x6e: {  	_ =	shalt  }
0x6f: {  	_ =	shalt  }
0x70: {  	_ =	shalt  }
0x71: {  	_ =	shalt  }
0x72: {  	_ =	shalt  }
0x73: {  	_ =	shalt  }
0x74: {  	_ =	shalt  }
0x75: {  	_ =	shalt  }
0x76: {  	_ =	shalt  }
0x77: {  	_ =	shalt  }
0x78: {  	_ =	shalt  }
0x79: {  	_ =	shalt  }
0x7a: {  	_ =	shalt  }
0x7b: {  	_ =	shalt  }
0x7c: {  	_ =	shalt  }
0x7d: {  	_ =	shalt  }
0x7e: {  	_ =	shalt  }
0x7f: {  	_ =	shalt  }
0x80: {  	_ =	shalt  }
0x81: {  	_ =	shalt  }
0x82: {  	_ =	shalt  }
0x83: {  	_ =	shalt  }
0x84: {  	_ =	shalt  }
0x85: {  	_ =	shalt  }
0x86: {  	_ =	shalt  }
0x87: {  	_ =	shalt  }
.Lfunc_end0:
.L_simem_size_0:
called_computation.3_lowered:
.L_overlay_start_0:
0x88: {  	s2 =	sld [smem:$0x3FD9]  }
0x89: {  	s3 =	sld [smem:$0x3FFE];
	_ =	sdelay $0x1  }
0x8a: {  	s1 =	srdreg.scid  }
0x8b: {  	s0 =	sand.u32 $0x1, s1  }
0x8c: {  	s16 =	sshll.u32 s0, $0xA;
	s2 =	sadd.s32 s3, s2  }
0x8d: {  	s2 =	sadd.s32 s2, s16  }
0x8e: {  	[smem:$0x3FB0] =	sst s2  }
0x8f: {  	_ = 	snop  }
0x90: {  	(tm) =	ssettm $0x1  }
0x91: {  	s17 =	sld [smem:$0x3FFB];
	_ =	sdelay $0x3  }
0x92: {  	_ =	strace s17  }
0x93: {  	s2 =	sld [smem:$0x3FFC];
	_ =	sdelay $0x3  }
0x94: {  	_ =	strace s2  }
0x95: {  	s2 =	sld [smem:$0x3FFD];
	_ =	sdelay $0x3  }
0x96: {  	_ =	strace s2  }
0x97: {  	_ =	strace $0x8FFFFFFF  }
0x98: {  	s18 =	sld [smem:$0x3FDB];
	_ =	sdelay $0x1  }
0x99: {  	s19 =	simm.s32 $_scs_section_size  }
0x9a: {  	s4 =	simm.s32 $_size__tile_overlayer_lowered;
	s5 =	simm.s32 $_tile_overlayer_lowered  }
0x9b: {  	s22 =	simm.s32 $0x1BFF;
	s21 =	sshll.u32 s5, $0x1;
	s2 =	sadd.s32 s19, s18  }
0x9c: {  	s6 =	simm.s32 $0x0;
	s20 =	sshll.u32 s4, $0x1;
	s4 =	sadd.s32 s21, s2  }
0x9d: {  	[timem:s6], [sflag:s22] =	dma.local [hbm:s4], s20  }
0x9e: {  	_ =	swait.ge [sflag:s22], s20  }
0x9f: {  	s3 =	ssub.s32 $0x0, s20;
	[sflag:s22] =	ssyncset.done $0x0  }
0xa0: {  	[sflag:s22] =	ssyncadd.s32 s3;
	_ =	sdelay $0x1  }
0xa1: {  	s23 =	simm.s32 $0x1B8B  }
0xa2: {  	_ =	swait.ge [sflag:s23], $0x1  }
0xa3: {  	[sflag:s23] =	ssyncset.done $0x0  }
0xa4: {  	s25 =	simm.s32 $0x1B8E;
	s24 =	sld [smem:$0x3FFE];
	[sflag:s23] =	ssyncadd.s32 $0xFFFFFFFF  }
0xa5: {  	s26 =	simm.s32 $execute0_lowered;
	[smem:$0x3FD2] =	sst s25  }
0xa6: {  	s4 =	sshll.u32 s26, $0x1;
	_ =	strace $0x8000004F;
	[dreg:$0x1] =	wrdreg $0xFFFFFFFF  }
0xa7: {  	s28 =	simm.s32 $_size_execute0_lowered;
	s2 =	sadd.s32 s2, s4;
	[dreg:$0x0] =	wrdreg $0x0  }
0xa8: {  	s4 =	sshll.u32 s28, $0x1;
	[dreg:$0x2] =	wrdreg s2  }
0xa9: {  	[dreg:$0x3] =	wrdreg s4  }
0xaa: {  	[dreg:$0x4] =	wrdreg $0xC0  }
0xab: {  	_ =	task [dreg:s6], $0x5FFFF  }
0xac: {  	[dreg:$0x1] =	wrdreg $0xFFFFFFFF  }
0xad: {  	[dreg:$0x0] =	wrdreg $0x60  }
0xae: {  	[dreg:$0x2] =	wrdreg s24  }
0xaf: {  	[dreg:$0x3] =	wrdreg $0x9  }
0xb0: {  	_ =	task.clear_ibuf [dreg:s6], $0x4FFFF;
	_ =	strace $0x9000004F  }
0xb1: {  	s29 =	simm.s32 $0x9;
	_ =	strace $0x80000051  }
0xb2: {  	_ =	swait.ge [sflag:s29], $0x1  }
0xb3: {  	[sflag:s29] =	ssyncadd.s32 $0xFFFFFFFF  }
0xb4: {  	_ =	strace $0x90000051  }
0xb5: {  	_ =	sfence  }
0xb6: {  	s30 =	sld [smem:$0x0];
	_ =	sdelay $0x2  }
0xb7: {  	s31 =	sshll.u32 s1, $0xD;
	s1 =	sshrl.u32 s1, $0x2  }
0xb8: {  	s3 =	sand.u32 $0x4000, s31;
	s1 =	sadd.s32 s1, s30  }
0xb9: {  	s0 =	sor.u32 s3, s0;
	s1 =	sshll.u32 s1, $0x11  }
0xba: {  	s0 =	sor.u32 s1, s0  }
0xbb: {  	s0 =	sadd.s32 $0x8F2B, s0  }
0xbc: {  	[sflag:s0] =	ssyncadd.remote.s32 $0x1  }
0xbd: {  	_ =	sfence.sel $0xFFFF  }
0xbe: {  	[dreg:$0x0] =	wrdreg $0xFFFFFFFF;
	(pc) =	sbr.abs _section_cstart, $3  }
0xbf: {  	[dreg:$0x1] =	wrdreg $0xFFFFFFFF  }
0xc0: {  	_ =	task.clear_ibuf [dreg:s6], $0x2FFFF;
	_ =	strace $0x9FFFFFFF  }
0xc1: {  	(tm) =	ssettm $0x7FFFFFFF  }
tec
execute0_lowered:
.L_overlay_start_1:
0x0: {  	(tag) =	ssettag $0x1  }
0x1: {  	s6 =	rddreg [dreg:$0x0]  }
0x2: {  	s0 =	rddreg [dreg:$0x1];
	s1 =	simm.s32 $0x0;
	s2 =	srdreg.scid  }
0x3: {  	s11 =	simm.s32 $0x4480;
	s12 =	simm.s32 $0x47C0;
	s13 =	simm.s32 $0x0  }
0x4: {  	[smem:$0x7FF] =	sst s1;
	s3 =	sadd.s32 $0x4000, s6;
	s4 =	sadd.s32 $0x306400, s6  }
.Ltmp0:
0x5: {  	s7 =	sand.u32 $0x1, s2;
	s5 =	sadd.s32 $0x10B400, s6;
	(pc) =	sbr.rel .LBB2_1-.Ltmp0, $4  }
0x6: {  	s2 =	stileid.u32;
	s6 =	sadd.s32 $0x104C00, s6;
	s8 =	ssub.s32 $0x2, s7  }
0x7: {  	s10 =	sshll.u32 s2, $0x4;
	s7 =	sshll.u32 s7, $0x3;
	s9 =	sshrl.u32 s8, $0x1  }
0x8: {  	_ =	strace $0x80000050;
	s7 =	sor.u32 s7, s10;
	s8 =	ssub.s32 s8, s9  }
0x9: {  	v0 =	vimm.f32 $-Inf;
	v1 =	vimm.f32 $0.0e+00;
	s10 =	simm.s32 $0x1080;
	s9 =	simm.s32 $0x1;
	s8 =	smax.u32 s8, $0x1  }
.LBB2_9:
0xa: {  	s13 =	sadd.s32 $0x1, s13  }
0xb: {  	p0 =	sne.s32 s13, s8  }
.Ltmp1:
0xc: {  	_ = 	snop;
	(pc) =	sbr.rel @!p0 .LBB2_10-.Ltmp1, $1  }
0xd: {  	_ =	sdelay $0x3  }
.LBB2_1:
.Ltmp2:
0xe: {  	(pc) =	sbr.rel .LBB2_2-.Ltmp2, $4  }
0xf: {  	[tilespmem:s1], [sflag:$0x1] =	stream.linear.gather [hbm4b:s4+s1], $0x1080, $0x38;
	[tilespmem:$0x4B00] =	vst v63  }
0x10: {  	_ =	swait.ge [sflag:s9], $0x1080  }
0x11: {  	[sflag:s9] =	ssyncset.done $0x0  }
0x12: {  	s14 =	simm.s32 $0x0;
	[sflag:s9] =	ssyncadd.s32 $0xFFFFEF80  }
.LBB2_8:
0x13: {  	s15 =	smul.u32 $0x68, s15;
	_ =	sdelay $0x1  }
0x14: {  	s16 =	sadd.s32 s5, s15  }
0x15: {  	[hbm4b:s16+s1] =	stream.linear.scatter [tilespmem:s11], [sflag:$0x1], $0x340, $0x38;
	[tilespmem:$0x4B00] =	vst v63  }
0x16: {  	s14 =	sadd.s32 $0x1, s14;
	_ =	swait.ge [sflag:s9], $0x340  }
0x17: {  	p0 =	sne.s32 s14, $0x8;
	[sflag:s9] =	ssyncset.done $0x0  }
.Ltmp3:
0x18: {  	s15 =	sadd.s32 s6, s15;
	[sflag:s9] =	ssyncadd.s32 $0xFFFFFCC0;
	(pc) =	sbr.rel @!p0 .LBB2_9-.Ltmp3, $4  }
0x19: {  	[hbm4b:s15+s1] =	stream.linear.scatter [tilespmem:s12], [sflag:$0x1], $0x340, $0x38;
	[tilespmem:$0x4B00] =	vst v63  }
0x1a: {  	_ =	swait.ge [sflag:s9], $0x340  }
0x1b: {  	[sflag:s9] =	ssyncset.done $0x0  }
0x1c: {  	[sflag:s9] =	ssyncadd.s32 $0xFFFFFCC0  }
.LBB2_2:
0x1d: {  	s15 =	sadd.s32 s7, s14  }
0x1e: {  	s16 =	sshll.u32 s15, $0x4  }
0x1f: {  	s16 =	sand.u32 $0x3FFFFFF0, s16  }
0x20: {  	v2 =	vld [tilespmem:s16+$0x0]  }
0x21: {  	v3 =	vld [tilespmem:s16+$0x10];
	[tilespmem:$0x4480] =	vst v0  }
0x22: {  	[tilespmem:$0x47C0] =	vst v1  }
0x23: {  	[tilespmem:$0x4490] =	vst v0  }
0x24: {  	[tilespmem:$0x47D0] =	vst v1  }
0x25: {  	[tilespmem:$0x44A0] =	vst v0  }
0x26: {  	[tilespmem:$0x47E0] =	vst v1  }
0x27: {  	[tilespmem:$0x44B0] =	vst v0  }
0x28: {  	[tilespmem:$0x47F0] =	vst v1  }
0x29: {  	[tilespmem:$0x44C0] =	vst v0  }
0x2a: {  	[tilespmem:$0x4800] =	vst v1  }
0x2b: {  	[tilespmem:$0x44D0] =	vst v0  }
0x2c: {  	[tilespmem:$0x4810] =	vst v1  }
0x2d: {  	[tilespmem:$0x44E0] =	vst v0  }
0x2e: {  	[tilespmem:$0x4820] =	vst v1  }
0x2f: {  	[tilespmem:$0x44F0] =	vst v0  }
0x30: {  	[tilespmem:$0x4830] =	vst v1  }
0x31: {  	[tilespmem:$0x4500] =	vst v0  }
0x32: {  	[tilespmem:$0x4840] =	vst v1  }
0x33: {  	[tilespmem:$0x4510] =	vst v0  }
0x34: {  	[tilespmem:$0x4850] =	vst v1  }
0x35: {  	[tilespmem:$0x4520] =	vst v0  }
0x36: {  	[tilespmem:$0x4860] =	vst v1  }
0x37: {  	[tilespmem:$0x4530] =	vst v0  }
0x38: {  	[tilespmem:$0x4870] =	vst v1  }
0x39: {  	[tilespmem:$0x4540] =	vst v0  }
0x3a: {  	[tilespmem:$0x4880] =	vst v1  }
0x3b: {  	[tilespmem:$0x4550] =	vst v0  }
0x3c: {  	[tilespmem:$0x4890] =	vst v1  }
0x3d: {  	[tilespmem:$0x4560] =	vst v0  }
0x3e: {  	[tilespmem:$0x48A0] =	vst v1  }
0x3f: {  	[tilespmem:$0x4570] =	vst v0  }
0x40: {  	[tilespmem:$0x48B0] =	vst v1  }
0x41: {  	[tilespmem:$0x4580] =	vst v0  }
0x42: {  	[tilespmem:$0x48C0] =	vst v1  }
0x43: {  	[tilespmem:$0x4590] =	vst v0  }
0x44: {  	[tilespmem:$0x48D0] =	vst v1  }
0x45: {  	[tilespmem:$0x45A0] =	vst v0  }
0x46: {  	[tilespmem:$0x48E0] =	vst v1  }
0x47: {  	[tilespmem:$0x45B0] =	vst v0  }
0x48: {  	[tilespmem:$0x48F0] =	vst v1  }
0x49: {  	[tilespmem:$0x45C0] =	vst v0  }
0x4a: {  	[tilespmem:$0x4900] =	vst v1  }
0x4b: {  	[tilespmem:$0x45D0] =	vst v0  }
0x4c: {  	[tilespmem:$0x4910] =	vst v1  }
0x4d: {  	[tilespmem:$0x45E0] =	vst v0  }
0x4e: {  	[tilespmem:$0x4920] =	vst v1  }
0x4f: {  	[tilespmem:$0x45F0] =	vst v0  }
0x50: {  	[tilespmem:$0x4930] =	vst v1  }
0x51: {  	[tilespmem:$0x4600] =	vst v0  }
0x52: {  	[tilespmem:$0x4940] =	vst v1  }
0x53: {  	[tilespmem:$0x4610] =	vst v0  }
0x54: {  	[tilespmem:$0x4950] =	vst v1  }
0x55: {  	[tilespmem:$0x4620] =	vst v0  }
0x56: {  	[tilespmem:$0x4960] =	vst v1  }
0x57: {  	[tilespmem:$0x4630] =	vst v0  }
0x58: {  	[tilespmem:$0x4970] =	vst v1  }
0x59: {  	[tilespmem:$0x4640] =	vst v0  }
0x5a: {  	[tilespmem:$0x4980] =	vst v1  }
0x5b: {  	[tilespmem:$0x4650] =	vst v0  }
0x5c: {  	[tilespmem:$0x4990] =	vst v1  }
0x5d: {  	[tilespmem:$0x4660] =	vst v0  }
0x5e: {  	[tilespmem:$0x49A0] =	vst v1;
	v2 =	vxor.u32 $0x80000000, v2  }
0x5f: {  	[tilespmem:$0x4670] =	vst v0;
	(xrf0) =	vmax.scan.msk.u32 $0xffff, v2  }
0x60: {  	[tilespmem:$0x49B0] =	vst v1  }
0x61: {  	[tilespmem:$0x4680] =	vst v0  }
0x62: {  	[tilespmem:$0x49C0] =	vst v1;
	v2 =	vxor.u32 $0x80000000, v3  }
0x63: {  	[tilespmem:$0x4690] =	vst v0;
	(xrf0) =	vmax.scan.msk.u32 $0xffff, v2  }
0x64: {  	[tilespmem:$0x49D0] =	vst v1  }
0x65: {  	[tilespmem:$0x46A0] =	vst v0;
	v2, _, _ =	vpop (xrf0)  }
0x66: {  	[tilespmem:$0x49E0] =	vst v1;
	(v2sf) =	vpush v2, $0xF  }
0x67: {  	[tilespmem:$0x46B0] =	vst v0  }
0x68: {  	[tilespmem:$0x49F0] =	vst v1  }
0x69: {  	[tilespmem:$0x46C0] =	vst v0;
	v2, _, _ =	vpop (xrf0)  }
0x6a: {  	[tilespmem:$0x4A00] =	vst v1;
	(v2sf) =	vpush v2, $0xF  }
0x6b: {  	[tilespmem:$0x46D0] =	vst v0  }
0x6c: {  	[tilespmem:$0x4A10] =	vst v1  }
0x6d: {  	[tilespmem:$0x46E0] =	vst v0  }
0x6e: {  	[tilespmem:$0x4A20] =	vst v1  }
0x6f: {  	[tilespmem:$0x46F0] =	vst v0  }
0x70: {  	[tilespmem:$0x4A30] =	vst v1  }
0x71: {  	[tilespmem:$0x4700] =	vst v0  }
0x72: {  	[tilespmem:$0x4A40] =	vst v1  }
0x73: {  	[tilespmem:$0x4710] =	vst v0  }
0x74: {  	[tilespmem:$0x4A50] =	vst v1  }
0x75: {  	[tilespmem:$0x4720] =	vst v0;
	s30 =	spop (v2sf)  }
0x76: {  	[tilespmem:$0x4A60] =	vst v1;
	s16 =	sxor.u32 $0x80000000, s30  }
0x77: {  	[tilespmem:$0x4730] =	vst v0;
	s17 =	sshra.s32 s16, $0x1F  }
0x78: {  	[tilespmem:$0x4A70] =	vst v1;
	s17 =	sshrl.u32 s17, $0x1D  }
0x79: {  	[tilespmem:$0x4740] =	vst v0;
	s18 =	spop (v2sf);
	s19 =	sadd.s32 s17, s16  }
0x7a: {  	[tilespmem:$0x4A80] =	vst v1;
	s17 =	sxor.u32 $0x80000000, s18;
	s18 =	sand.u32 $0xFFFFFFF8, s19  }
0x7b: {  	[tilespmem:$0x4750] =	vst v0;
	s19 =	ssub.s32 s17, s18  }
0x7c: {  	[tilespmem:$0x4A90] =	vst v1;
	s19 =	sadd.s32 $0xF, s19  }
0x7d: {  	[tilespmem:$0x4760] =	vst v0;
	s20 =	sand.u32 $0xF, s19  }
0x7e: {  	[tilespmem:$0x4AA0] =	vst v1;
	s21 =	sshra.s32 s19, $0x1F;
	p0 =	slt.s32 s19, $0x1;
	p1 =	sne.s32 s20, $0x0  }
0x7f: {  	[tilespmem:$0x4770] =	vst v0;
	s31 =	sshrl.u32 s21, $0x1C;
	p0 =	por !p0, !p1  }
0x80: {  	[tilespmem:$0x4AB0] =	vst v1;
	s20 =	simm.s32 $0x1;
	s19 =	sadd.s32 s31, s19;
	p0 =	por !p0, !p0  }
0x81: {  	[tilespmem:$0x4780] =	vst v0;
	s19 =	sshra.s32 s19, $0x4;
	s20 =	simm.s32 @!p0 $0x0  }
0x82: {  	[tilespmem:$0x4AC0] =	vst v1;
	s19 =	ssub.s32 s19, s20  }
0x83: {  	[tilespmem:$0x4790] =	vst v0;
	p0 =	slt.s32 s19, $0x1  }
.Ltmp4:
0x84: {  	[tilespmem:$0x4AD0] =	vst v1;
	(pc) =	sbr.rel @!p0 .LBB2_3-.Ltmp4, $4  }
.Ltmp5:
0x85: {  	[tilespmem:$0x47A0] =	vst v0;
	(pc) =	sbr.rel @p0 .LBB2_8-.Ltmp5, $4  }
0x86: {  	[tilespmem:$0x4AE0] =	vst v1  }
0x87: {  	[tilespmem:$0x47B0] =	vst v0  }
0x88: {  	s22 =	simm.s32 $0x0;
	[tilespmem:$0x4AF0] =	vst v1;
	s21 =	smov.u32 s18;
	s20 =	simm.s32 $0x0  }
0x89: {  	_ = 	snop  }
.LBB2_7:
0x8a: {  	s22 =	sadd.s32 $0x1, s22  }
0x8b: {  	p0 =	sne.s32 s22, s19  }
.Ltmp6:
0x8c: {  	_ = 	snop;
	(pc) =	sbr.rel @!p0 .LBB2_8-.Ltmp6, $2  }
0x8d: {  	_ =	sdelay $0x2  }
0x8e: {  	s21 =	sadd.s32 $0x10, s21  }
.LBB2_3:
0x8f: {  	s23 =	sshll.u32 s22, $0x4  }
0x90: {  	s23 =	sadd.s32 s18, s23  }
0x91: {  	s23 =	smul.u32 $0x340, s23;
	_ =	sdelay $0x1  }
0x92: {  	s23 =	sshrl.u32 s23, $0x3  }
.Ltmp7:
0x93: {  	s23 =	sadd.s32 s3, s23;
	(pc) =	sbr.rel .LBB2_4-.Ltmp7, $4  }
0x94: {  	[tilespmem:s10], [sflag:$0x1] =	stream.linear.gather [hbm4b:s23+s20], $0x3400, $0x38;
	[tilespmem:$0x4B00] =	vst v63  }
0x95: {  	_ =	swait.ge [sflag:s9], $0x3400  }
0x96: {  	[sflag:s9] =	ssyncset.done $0x0  }
0x97: {  	s24 =	simm.s32 $0x0;
	s23 =	simm.s32 $0x1220;
	[sflag:s9] =	ssyncadd.s32 $0xFFFFCC00  }
.LBB2_6:
0x98: {  	s24 =	sadd.s32 $0x1, s24  }
0x99: {  	p0 =	sne.s32 s24, $0x10  }
.Ltmp8:
0x9a: {  	_ = 	snop;
	(pc) =	sbr.rel @!p0 .LBB2_7-.Ltmp8, $2  }
0x9b: {  	_ =	sdelay $0x2  }
0x9c: {  	s23 =	sadd.s32 $0x340, s23  }
.LBB2_4:
0x9d: {  	s25 =	sadd.s32 s24, s21  }
0x9e: {  	p0 =	slt.s32 s25, s16  }
0x9f: {  	p1 =	sge.s32 @!p0 s25, s17  }
0xa0: {  	p0 =	por p0, p1  }
.Ltmp9:
0xa1: {  	_ = 	snop;
	(pc) =	sbr.rel @p0 .LBB2_6-.Ltmp9, $1  }
0xa2: {  	_ =	sdelay $0x3  }
0xa3: {  	v2 =	vld [tilespmem:s23+$0xFFFFFE60]  }
0xa4: {  	v3 =	vld [tilespmem:$0x4480]  }
0xa5: {  	v4 =	vld [tilespmem:$0x47C0];
	_ =	sdelay $0x4  }
0xa6: {  	v3 =	vmax.f32 v3, v2;
	v2 =	vadd.f32 v4, v2  }
0xa7: {  	v13 =	vld [tilespmem:$0x47D0];
	[tilespmem:$0x4480] =	vst v3  }
0xa8: {  	v3 =	vld [tilespmem:$0x4490];
	[tilespmem:$0x47C0] =	vst v2  }
0xa9: {  	v2 =	vld [tilespmem:s23+$0xFFFFFE70];
	_ =	sdelay $0x4  }
0xaa: {  	v3 =	vmax.f32 v3, v2;
	v2 =	vadd.f32 v13, v2  }
0xab: {  	v14 =	vld [tilespmem:$0x47E0];
	[tilespmem:$0x4490] =	vst v3  }
0xac: {  	v3 =	vld [tilespmem:$0x44A0];
	[tilespmem:$0x47D0] =	vst v2  }
0xad: {  	v2 =	vld [tilespmem:s23+$0xFFFFFE80];
	_ =	sdelay $0x4  }
0xae: {  	v3 =	vmax.f32 v3, v2;
	v2 =	vadd.f32 v14, v2  }
0xaf: {  	v15 =	vld [tilespmem:$0x47F0];
	[tilespmem:$0x44A0] =	vst v3  }
0xb0: {  	v3 =	vld [tilespmem:$0x44B0];
	[tilespmem:$0x47E0] =	vst v2  }
0xb1: {  	v2 =	vld [tilespmem:s23+$0xFFFFFE90];
	_ =	sdelay $0x4  }
0xb2: {  	v3 =	vmax.f32 v3, v2;
	v2 =	vadd.f32 v15, v2  }
0xb3: {  	v16 =	vld [tilespmem:$0x4800];
	[tilespmem:$0x44B0] =	vst v3  }
0xb4: {  	v3 =	vld [tilespmem:$0x44C0];
	[tilespmem:$0x47F0] =	vst v2  }
0xb5: {  	v2 =	vld [tilespmem:s23+$0xFFFFFEA0];
	_ =	sdelay $0x4  }
0xb6: {  	v3 =	vmax.f32 v3, v2;
	v2 =	vadd.f32 v16, v2  }
0xb7: {  	v17 =	vld [tilespmem:$0x4810];
	[tilespmem:$0x44C0] =	vst v3  }
0xb8: {  	v3 =	vld [tilespmem:$0x44D0];
	[tilespmem:$0x4800] =	vst v2  }
0xb9: {  	v2 =	vld [tilespmem:s23+$0xFFFFFEB0];
	_ =	sdelay $0x4  }
0xba: {  	v3 =	vmax.f32 v3, v2;
	v2 =	vadd.f32 v17, v2  }
0xbb: {  	v18 =	vld [tilespmem:$0x4820];
	[tilespmem:$0x44D0] =	vst v3  }
0xbc: {  	v3 =	vld [tilespmem:$0x44E0];
	[tilespmem:$0x4810] =	vst v2  }
0xbd: {  	v2 =	vld [tilespmem:s23+$0xFFFFFEC0];
	_ =	sdelay $0x4  }
0xbe: {  	v3 =	vmax.f32 v3, v2;
	v2 =	vadd.f32 v18, v2  }
0xbf: {  	v19 =	vld [tilespmem:$0x4830];
	[tilespmem:$0x44E0] =	vst v3  }
0xc0: {  	v3 =	vld [tilespmem:$0x44F0];
	[tilespmem:$0x4820] =	vst v2  }
0xc1: {  	v2 =	vld [tilespmem:s23+$0xFFFFFED0];
	_ =	sdelay $0x4  }
0xc2: {  	v3 =	vmax.f32 v3, v2;
	v2 =	vadd.f32 v19, v2  }
0xc3: {  	v20 =	vld [tilespmem:$0x4840];
	[tilespmem:$0x44F0] =	vst v3  }
0xc4: {  	v3 =	vld [tilespmem:$0x4500];
	[tilespmem:$0x4830] =	vst v2  }
0xc5: {  	v2 =	vld [tilespmem:s23+$0xFFFFFEE0];
	_ =	sdelay $0x4  }
0xc6: {  	v3 =	vmax.f32 v3, v2;
	v2 =	vadd.f32 v20, v2  }
0xc7: {  	v21 =	vld [tilespmem:$0x4850];
	[tilespmem:$0x4500] =	vst v3  }
0xc8: {  	v3 =	vld [tilespmem:$0x4510];
	[tilespmem:$0x4840] =	vst v2  }
0xc9: {  	v2 =	vld [tilespmem:s23+$0xFFFFFEF0];
	_ =	sdelay $0x4  }
0xca: {  	v3 =	vmax.f32 v3, v2;
	v2 =	vadd.f32 v21, v2  }
0xcb: {  	v22 =	vld [tilespmem:$0x4860];
	[tilespmem:$0x4510] =	vst v3  }
0xcc: {  	v3 =	vld [tilespmem:$0x4520];
	[tilespmem:$0x4850] =	vst v2  }
0xcd: {  	v2 =	vld [tilespmem:s23+$0xFFFFFF00];
	_ =	sdelay $0x4  }
0xce: {  	v3 =	vmax.f32 v3, v2;
	v2 =	vadd.f32 v22, v2  }
0xcf: {  	v23 =	vld [tilespmem:$0x4870];
	[tilespmem:$0x4520] =	vst v3  }
0xd0: {  	v3 =	vld [tilespmem:$0x4530];
	[tilespmem:$0x4860] =	vst v2  }
0xd1: {  	v2 =	vld [tilespmem:s23+$0xFFFFFF10];
	_ =	sdelay $0x4  }
0xd2: {  	v3 =	vmax.f32 v3, v2;
	v2 =	vadd.f32 v23, v2  }
0xd3: {  	v24 =	vld [tilespmem:$0x4880];
	[tilespmem:$0x4530] =	vst v3  }
0xd4: {  	v3 =	vld [tilespmem:$0x4540];
	[tilespmem:$0x4870] =	vst v2  }
0xd5: {  	v2 =	vld [tilespmem:s23+$0xFFFFFF20];
	_ =	sdelay $0x4  }
0xd6: {  	v3 =	vmax.f32 v3, v2;
	v2 =	vadd.f32 v24, v2  }
0xd7: {  	v25 =	vld [tilespmem:$0x4890];
	[tilespmem:$0x4540] =	vst v3  }
0xd8: {  	v3 =	vld [tilespmem:$0x4550];
	[tilespmem:$0x4880] =	vst v2  }
0xd9: {  	v2 =	vld [tilespmem:s23+$0xFFFFFF30];
	_ =	sdelay $0x4  }
0xda: {  	v3 =	vmax.f32 v3, v2;
	v2 =	vadd.f32 v25, v2  }
0xdb: {  	v26 =	vld [tilespmem:$0x48A0];
	[tilespmem:$0x4550] =	vst v3  }
0xdc: {  	v3 =	vld [tilespmem:$0x4560];
	[tilespmem:$0x4890] =	vst v2  }
0xdd: {  	v2 =	vld [tilespmem:s23+$0xFFFFFF40];
	_ =	sdelay $0x4  }
0xde: {  	v3 =	vmax.f32 v3, v2;
	v2 =	vadd.f32 v26, v2  }
0xdf: {  	v27 =	vld [tilespmem:$0x48B0];
	[tilespmem:$0x4560] =	vst v3  }
0xe0: {  	v3 =	vld [tilespmem:$0x4570];
	[tilespmem:$0x48A0] =	vst v2  }
0xe1: {  	v2 =	vld [tilespmem:s23+$0xFFFFFF50];
	_ =	sdelay $0x4  }
0xe2: {  	v3 =	vmax.f32 v3, v2;
	v2 =	vadd.f32 v27, v2  }
0xe3: {  	v28 =	vld [tilespmem:$0x48C0];
	[tilespmem:$0x4570] =	vst v3  }
0xe4: {  	v3 =	vld [tilespmem:$0x4580];
	[tilespmem:$0x48B0] =	vst v2  }
0xe5: {  	v2 =	vld [tilespmem:s23+$0xFFFFFF60];
	_ =	sdelay $0x4  }
0xe6: {  	v3 =	vmax.f32 v3, v2;
	v2 =	vadd.f32 v28, v2  }
0xe7: {  	v29 =	vld [tilespmem:$0x48D0];
	[tilespmem:$0x4580] =	vst v3  }
0xe8: {  	v3 =	vld [tilespmem:$0x4590];
	[tilespmem:$0x48C0] =	vst v2  }
0xe9: {  	v2 =	vld [tilespmem:s23+$0xFFFFFF70];
	_ =	sdelay $0x4  }
0xea: {  	v3 =	vmax.f32 v3, v2;
	v2 =	vadd.f32 v29, v2  }
0xeb: {  	v30 =	vld [tilespmem:$0x48E0];
	[tilespmem:$0x4590] =	vst v3  }
0xec: {  	v3 =	vld [tilespmem:$0x45A0];
	[tilespmem:$0x48D0] =	vst v2  }
0xed: {  	v2 =	vld [tilespmem:s23+$0xFFFFFF80];
	_ =	sdelay $0x4  }
0xee: {  	v3 =	vmax.f32 v3, v2;
	v2 =	vadd.f32 v30, v2  }
0xef: {  	v31 =	vld [tilespmem:$0x48F0];
	[tilespmem:$0x45A0] =	vst v3  }
0xf0: {  	v3 =	vld [tilespmem:$0x45B0];
	[tilespmem:$0x48E0] =	vst v2  }
0xf1: {  	v2 =	vld [tilespmem:s23+$0xFFFFFF90];
	_ =	sdelay $0x4  }
0xf2: {  	v3 =	vmax.f32 v3, v2;
	v2 =	vadd.f32 v31, v2  }
0xf3: {  	v32 =	vld [tilespmem:$0x4900];
	[tilespmem:$0x45B0] =	vst v3  }
0xf4: {  	v3 =	vld [tilespmem:$0x45C0];
	[tilespmem:$0x48F0] =	vst v2  }
0xf5: {  	v2 =	vld [tilespmem:s23+$0xFFFFFFA0];
	_ =	sdelay $0x4  }
0xf6: {  	v3 =	vmax.f32 v3, v2;
	v2 =	vadd.f32 v32, v2  }
0xf7: {  	v33 =	vld [tilespmem:$0x4910];
	[tilespmem:$0x45C0] =	vst v3  }
0xf8: {  	v3 =	vld [tilespmem:$0x45D0];
	[tilespmem:$0x4900] =	vst v2  }
0xf9: {  	v2 =	vld [tilespmem:s23+$0xFFFFFFB0];
	_ =	sdelay $0x4  }
0xfa: {  	v3 =	vmax.f32 v3, v2;
	v2 =	vadd.f32 v33, v2  }
0xfb: {  	v34 =	vld [tilespmem:$0x4920];
	[tilespmem:$0x45D0] =	vst v3  }
0xfc: {  	v3 =	vld [tilespmem:$0x45E0];
	[tilespmem:$0x4910] =	vst v2  }
0xfd: {  	v2 =	vld [tilespmem:s23+$0xFFFFFFC0];
	_ =	sdelay $0x4  }
0xfe: {  	v3 =	vmax.f32 v3, v2;
	v2 =	vadd.f32 v34, v2  }
0xff: {  	v35 =	vld [tilespmem:$0x4930];
	[tilespmem:$0x45E0] =	vst v3  }
0x100: {  	v3 =	vld [tilespmem:$0x45F0];
	[tilespmem:$0x4920] =	vst v2  }
0x101: {  	v2 =	vld [tilespmem:s23+$0xFFFFFFD0];
	_ =	sdelay $0x4  }
0x102: {  	v3 =	vmax.f32 v3, v2;
	v2 =	vadd.f32 v35, v2  }
0x103: {  	v36 =	vld [tilespmem:$0x4940];
	[tilespmem:$0x45F0] =	vst v3  }
0x104: {  	v3 =	vld [tilespmem:$0x4600];
	[tilespmem:$0x4930] =	vst v2  }
0x105: {  	v2 =	vld [tilespmem:s23+$0xFFFFFFE0];
	_ =	sdelay $0x4  }
0x106: {  	v3 =	vmax.f32 v3, v2;
	v2 =	vadd.f32 v36, v2  }
0x107: {  	v37 =	vld [tilespmem:$0x4950];
	[tilespmem:$0x4600] =	vst v3  }
0x108: {  	v3 =	vld [tilespmem:$0x4610];
	[tilespmem:$0x4940] =	vst v2  }
0x109: {  	v2 =	vld [tilespmem:s23+$0xFFFFFFF0];
	_ =	sdelay $0x4  }
0x10a: {  	v3 =	vmax.f32 v3, v2;
	v2 =	vadd.f32 v37, v2  }
0x10b: {  	v38 =	vld [tilespmem:$0x4960];
	[tilespmem:$0x4610] =	vst v3  }
0x10c: {  	v3 =	vld [tilespmem:$0x4620];
	[tilespmem:$0x4950] =	vst v2  }
0x10d: {  	v2 =	vld [tilespmem:s23+$0x0];
	_ =	sdelay $0x4  }
0x10e: {  	v3 =	vmax.f32 v3, v2;
	v2 =	vadd.f32 v38, v2  }
0x10f: {  	v39 =	vld [tilespmem:$0x4970];
	[tilespmem:$0x4620] =	vst v3  }
0x110: {  	v3 =	vld [tilespmem:$0x4630];
	[tilespmem:$0x4960] =	vst v2  }
0x111: {  	v2 =	vld [tilespmem:s23+$0x10];
	_ =	sdelay $0x4  }
0x112: {  	v3 =	vmax.f32 v3, v2;
	v2 =	vadd.f32 v39, v2  }
0x113: {  	v40 =	vld [tilespmem:$0x4980];
	[tilespmem:$0x4630] =	vst v3  }
0x114: {  	v3 =	vld [tilespmem:$0x4640];
	[tilespmem:$0x4970] =	vst v2  }
0x115: {  	v2 =	vld [tilespmem:s23+$0x20];
	_ =	sdelay $0x4  }
0x116: {  	v3 =	vmax.f32 v3, v2;
	v2 =	vadd.f32 v40, v2  }
0x117: {  	v41 =	vld [tilespmem:$0x4990];
	[tilespmem:$0x4640] =	vst v3  }
0x118: {  	v3 =	vld [tilespmem:$0x4650];
	[tilespmem:$0x4980] =	vst v2  }
0x119: {  	v2 =	vld [tilespmem:s23+$0x30];
	_ =	sdelay $0x4  }
0x11a: {  	v3 =	vmax.f32 v3, v2;
	v2 =	vadd.f32 v41, v2  }
0x11b: {  	v42 =	vld [tilespmem:$0x49A0];
	[tilespmem:$0x4650] =	vst v3  }
0x11c: {  	v3 =	vld [tilespmem:$0x4660];
	[tilespmem:$0x4990] =	vst v2  }
0x11d: {  	v2 =	vld [tilespmem:s23+$0x40];
	_ =	sdelay $0x4  }
0x11e: {  	v3 =	vmax.f32 v3, v2;
	v2 =	vadd.f32 v42, v2  }
0x11f: {  	v43 =	vld [tilespmem:$0x49B0];
	[tilespmem:$0x4660] =	vst v3  }
0x120: {  	v3 =	vld [tilespmem:$0x4670];
	[tilespmem:$0x49A0] =	vst v2  }
0x121: {  	v2 =	vld [tilespmem:s23+$0x50];
	_ =	sdelay $0x4  }
0x122: {  	v3 =	vmax.f32 v3, v2;
	v2 =	vadd.f32 v43, v2  }
0x123: {  	v44 =	vld [tilespmem:$0x49C0];
	[tilespmem:$0x4670] =	vst v3  }
0x124: {  	v3 =	vld [tilespmem:$0x4680];
	[tilespmem:$0x49B0] =	vst v2  }
0x125: {  	v2 =	vld [tilespmem:s23+$0x60];
	_ =	sdelay $0x4  }
0x126: {  	v3 =	vmax.f32 v3, v2;
	v2 =	vadd.f32 v44, v2  }
0x127: {  	v45 =	vld [tilespmem:$0x49D0];
	[tilespmem:$0x4680] =	vst v3  }
0x128: {  	v3 =	vld [tilespmem:$0x4690];
	[tilespmem:$0x49C0] =	vst v2  }
0x129: {  	v2 =	vld [tilespmem:s23+$0x70];
	_ =	sdelay $0x4  }
0x12a: {  	v3 =	vmax.f32 v3, v2;
	v2 =	vadd.f32 v45, v2  }
0x12b: {  	v46 =	vld [tilespmem:$0x49E0];
	[tilespmem:$0x4690] =	vst v3  }
0x12c: {  	v3 =	vld [tilespmem:$0x46A0];
	[tilespmem:$0x49D0] =	vst v2  }
0x12d: {  	v2 =	vld [tilespmem:s23+$0x80];
	_ =	sdelay $0x4  }
0x12e: {  	v3 =	vmax.f32 v3, v2;
	v2 =	vadd.f32 v46, v2  }
0x12f: {  	v47 =	vld [tilespmem:$0x49F0];
	[tilespmem:$0x46A0] =	vst v3  }
0x130: {  	v3 =	vld [tilespmem:$0x46B0];
	[tilespmem:$0x49E0] =	vst v2  }
0x131: {  	v2 =	vld [tilespmem:s23+$0x90];
	_ =	sdelay $0x4  }
0x132: {  	v3 =	vmax.f32 v3, v2;
	v2 =	vadd.f32 v47, v2  }
0x133: {  	v48 =	vld [tilespmem:$0x4A00];
	[tilespmem:$0x46B0] =	vst v3  }
0x134: {  	v3 =	vld [tilespmem:$0x46C0];
	[tilespmem:$0x49F0] =	vst v2  }
0x135: {  	v2 =	vld [tilespmem:s23+$0xA0];
	_ =	sdelay $0x4  }
0x136: {  	v3 =	vmax.f32 v3, v2;
	v2 =	vadd.f32 v48, v2  }
0x137: {  	v49 =	vld [tilespmem:$0x4A10];
	[tilespmem:$0x46C0] =	vst v3  }
0x138: {  	v3 =	vld [tilespmem:$0x46D0];
	[tilespmem:$0x4A00] =	vst v2  }
0x139: {  	v2 =	vld [tilespmem:s23+$0xB0];
	_ =	sdelay $0x4  }
0x13a: {  	v3 =	vmax.f32 v3, v2;
	v2 =	vadd.f32 v49, v2  }
0x13b: {  	v50 =	vld [tilespmem:$0x4A20];
	[tilespmem:$0x46D0] =	vst v3  }
0x13c: {  	v3 =	vld [tilespmem:$0x46E0];
	[tilespmem:$0x4A10] =	vst v2  }
0x13d: {  	v2 =	vld [tilespmem:s23+$0xC0];
	_ =	sdelay $0x4  }
0x13e: {  	v3 =	vmax.f32 v3, v2;
	v2 =	vadd.f32 v50, v2  }
0x13f: {  	v51 =	vld [tilespmem:$0x4A30];
	[tilespmem:$0x46E0] =	vst v3  }
0x140: {  	v3 =	vld [tilespmem:$0x46F0];
	[tilespmem:$0x4A20] =	vst v2  }
0x141: {  	v2 =	vld [tilespmem:s23+$0xD0];
	_ =	sdelay $0x4  }
0x142: {  	v3 =	vmax.f32 v3, v2;
	v2 =	vadd.f32 v51, v2  }
0x143: {  	v52 =	vld [tilespmem:$0x4A40];
	[tilespmem:$0x46F0] =	vst v3  }
0x144: {  	v3 =	vld [tilespmem:$0x4700];
	[tilespmem:$0x4A30] =	vst v2  }
0x145: {  	v2 =	vld [tilespmem:s23+$0xE0];
	_ =	sdelay $0x4  }
0x146: {  	v3 =	vmax.f32 v3, v2;
	v2 =	vadd.f32 v52, v2  }
0x147: {  	v53 =	vld [tilespmem:$0x4A50];
	[tilespmem:$0x4700] =	vst v3  }
0x148: {  	v3 =	vld [tilespmem:$0x4710];
	[tilespmem:$0x4A40] =	vst v2  }
0x149: {  	v2 =	vld [tilespmem:s23+$0xF0];
	_ =	sdelay $0x4  }
0x14a: {  	v3 =	vmax.f32 v3, v2;
	v2 =	vadd.f32 v53, v2  }
0x14b: {  	v54 =	vld [tilespmem:$0x4A60];
	[tilespmem:$0x4710] =	vst v3  }
0x14c: {  	v3 =	vld [tilespmem:$0x4720];
	[tilespmem:$0x4A50] =	vst v2  }
0x14d: {  	v2 =	vld [tilespmem:s23+$0x100];
	_ =	sdelay $0x4  }
0x14e: {  	v3 =	vmax.f32 v3, v2;
	v2 =	vadd.f32 v54, v2  }
0x14f: {  	v55 =	vld [tilespmem:$0x4A70];
	[tilespmem:$0x4720] =	vst v3  }
0x150: {  	v3 =	vld [tilespmem:$0x4730];
	[tilespmem:$0x4A60] =	vst v2  }
0x151: {  	v2 =	vld [tilespmem:s23+$0x110];
	_ =	sdelay $0x4  }
0x152: {  	v3 =	vmax.f32 v3, v2;
	v2 =	vadd.f32 v55, v2  }
0x153: {  	v56 =	vld [tilespmem:$0x4A80];
	[tilespmem:$0x4730] =	vst v3  }
0x154: {  	v3 =	vld [tilespmem:$0x4740];
	[tilespmem:$0x4A70] =	vst v2  }
0x155: {  	v2 =	vld [tilespmem:s23+$0x120];
	_ =	sdelay $0x4  }
0x156: {  	v3 =	vmax.f32 v3, v2;
	v2 =	vadd.f32 v56, v2  }
0x157: {  	v57 =	vld [tilespmem:$0x4A90];
	[tilespmem:$0x4740] =	vst v3  }
0x158: {  	v3 =	vld [tilespmem:$0x4750];
	[tilespmem:$0x4A80] =	vst v2  }
0x159: {  	v2 =	vld [tilespmem:s23+$0x130];
	_ =	sdelay $0x4  }
0x15a: {  	v3 =	vmax.f32 v3, v2;
	v2 =	vadd.f32 v57, v2  }
0x15b: {  	v58 =	vld [tilespmem:$0x4AA0];
	[tilespmem:$0x4750] =	vst v3  }
0x15c: {  	v3 =	vld [tilespmem:$0x4760];
	[tilespmem:$0x4A90] =	vst v2  }
0x15d: {  	v2 =	vld [tilespmem:s23+$0x140];
	_ =	sdelay $0x4  }
0x15e: {  	v3 =	vmax.f32 v3, v2;
	v2 =	vadd.f32 v58, v2  }
0x15f: {  	v59 =	vld [tilespmem:$0x4AB0];
	[tilespmem:$0x4760] =	vst v3  }
0x160: {  	v3 =	vld [tilespmem:$0x4770];
	[tilespmem:$0x4AA0] =	vst v2  }
0x161: {  	v2 =	vld [tilespmem:s23+$0x150];
	_ =	sdelay $0x4  }
0x162: {  	v3 =	vmax.f32 v3, v2;
	v2 =	vadd.f32 v59, v2  }
0x163: {  	v60 =	vld [tilespmem:$0x4AC0];
	[tilespmem:$0x4770] =	vst v3  }
0x164: {  	v3 =	vld [tilespmem:$0x4780];
	[tilespmem:$0x4AB0] =	vst v2  }
0x165: {  	v2 =	vld [tilespmem:s23+$0x160];
	_ =	sdelay $0x4  }
0x166: {  	v3 =	vmax.f32 v3, v2;
	v2 =	vadd.f32 v60, v2  }
0x167: {  	v61 =	vld [tilespmem:$0x4AD0];
	[tilespmem:$0x4780] =	vst v3  }
0x168: {  	v3 =	vld [tilespmem:$0x4790];
	[tilespmem:$0x4AC0] =	vst v2  }
0x169: {  	v2 =	vld [tilespmem:s23+$0x170];
	_ =	sdelay $0x4  }
0x16a: {  	v3 =	vmax.f32 v3, v2;
	v2 =	vadd.f32 v61, v2  }
0x16b: {  	v62 =	vld [tilespmem:$0x4AE0];
	[tilespmem:$0x4790] =	vst v3  }
0x16c: {  	v3 =	vld [tilespmem:$0x47A0];
	[tilespmem:$0x4AD0] =	vst v2  }
0x16d: {  	v2 =	vld [tilespmem:s23+$0x180];
	_ =	sdelay $0x4  }
0x16e: {  	v3 =	vmax.f32 v3, v2;
	v2 =	vadd.f32 v62, v2  }
0x16f: {  	v63 =	vld [tilespmem:$0x4AF0];
	[tilespmem:$0x47A0] =	vst v3  }
0x170: {  	v3 =	vld [tilespmem:$0x47B0];
	[tilespmem:$0x4AE0] =	vst v2  }
0x171: {  	v2 =	vld [tilespmem:s23+$0x190];
	_ =	sdelay $0x2  }
.Ltmp10:
0x172: {  	_ = 	snop;
	(pc) =	sbr.rel .LBB2_6-.Ltmp10, $4  }
0x173: {  	_ = 	snop  }
0x174: {  	v3 =	vmax.f32 v3, v2;
	v2 =	vadd.f32 v63, v2  }
0x175: {  	[tilespmem:$0x47B0] =	vst v3  }
0x176: {  	[tilespmem:$0x4AF0] =	vst v2  }
.LBB2_10:
0x177: {  	_ =	sfence.sel $0x180000  }
0x178: {  	[bflag:$0x0] =	sbarrier.arrive $0xFFFF  }
0x179: {  	p0 =	sne.s32 s2, $0x0;
	_ =	strace $0x90000050  }
0x17a: {  	s0 =	sadd.s32 @!p0 $0x100000, s0;
	[bflag:$0x2] =	sbarrier.arrive $0xFFFF  }
0x17b: {  	[sflag:s0] =	ssyncadd.tile.s32 @!p0 $0x1;
	_ =	shalt  }
.Lfunc_end2:
_tile_overlayer_lowered:
.L_overlay_start_2:
0x17c: {  	(tag) =	ssettag $0x2  }
0x17d: {  	s0 =	rddreg [dreg:$0x0];
	s2 =	stileid.u32  }
0x17e: {  	s1 =	rddreg [dreg:$0x1];
	p0 =	sne.s32 s2, $0x0  }
0x17f: {  	s3 =	rddreg [dreg:$0x2];
	[bflag:$0x3] =	sbarrier.arrive $0xFFFF;
	s2 =	simm.s32 @!p0 $0x1C01  }
0x180: {  	[timem:s3], [sflag:s2] =	dma.local @!p0 [hbm:s0], s1  }
0x181: {  	s0 =	simm.s32 @!p0 $0x1  }
0x182: {  	_ =	swait.ge @!p0 [sflag:s0], s1  }
0x183: {  	s1 =	ssub.s32 @!p0 $0x0, s1;
	[sflag:s0] =	ssyncset.done @!p0 $0x0  }
0x184: {  	[sflag:s0] =	ssyncadd.s32 @!p0 s1  }
0x185: {  	[bflag:$0x3] =	sbarrier.arrive $0xFFFF  }
0x186: {  	_ =	shalt  }

</sc_bundles>
